<compile_context>
chip_gen: v7x
topology: tpu7x:2x2x1
jax: 0.10.2.dev20260603
libtpu: 0.0.44.dev20260713+nightly
codegen_flags: <defaults>
</compile_context>

<pallas_src>
import functools

import jax
import jax.numpy as jnp
from jax import lax
from jax.experimental import pallas as pl
from jax.experimental.pallas import tpu as pltpu
from jax.experimental.pallas import tpu_sc as plsc

N = 10000
E = 320000
D = 128
NOUT = 64
NGRAPH = 128

NC = 2
NS = 16
NW = NC * NS

NP = 10240
RPT = NP // NS
EPW = E // NW
CH = 80
NITER = EPW // CH
G = 5

_HIGH = jax.lax.Precision.DEFAULT


def _dot(a, b):
    return jax.lax.dot(a, b, precision=_HIGH, preferred_element_type=jnp.float32)



def _layer1_body(x_ref, w11, b11, w12, b12, w13, b13, wc, lin_ref, y_ref):
    xb = x_ref[...]
    a = _dot(xb, w11[...]) + b11[...]
    m2 = _dot(xb, w12[...]) + b12[...]
    m3 = _dot(xb, w13[...]) + b13[...]
    lin_ref[...] = a + m2 * m3
    y_ref[...] = _dot(xb, wc[...])


def _mid_body(lin_ref, agg_ref, w1, b1, w2, b2, w3, b3, wc, lin_o, y_o):
    h = jnp.tanh(lin_ref[...] + agg_ref[0] + agg_ref[1])
    a = _dot(h, w1[...]) + b1[...]
    m2 = _dot(h, w2[...]) + b2[...]
    m3 = _dot(h, w3[...]) + b3[...]
    lin_o[...] = a + m2 * m3
    y_o[...] = _dot(h, wc[...])


def _pool_body(lin_ref, agg_ref, batch_ref, wf, bf, out_ref, pooled):
    i = pl.program_id(0)
    h = jnp.tanh(lin_ref[...] + agg_ref[0] + agg_ref[1])
    b = batch_ref[...]
    gids = jax.lax.broadcasted_iota(jnp.int32, (1, NGRAPH), 1)
    onehot = (b == gids).astype(jnp.float32)
    part = jax.lax.dot_general(
        onehot, h, (((0,), (0,)), ((), ())),
        precision=_HIGH, preferred_element_type=jnp.float32)

    @pl.when(i == 0)
    def _():
        pooled[...] = part

    @pl.when(i > 0)
    def _():
        pooled[...] = pooled[...] + part

    @pl.when(i == pl.num_programs(0) - 1)
    def _():
        out_ref[...] = _dot(pooled[...], wf[...]) + bf[...]


_BN = 2048


def _full(shape):
    return pl.BlockSpec(shape, lambda i: (0,) * len(shape))


def _layer1(xp, w11, b11, w12, b12, w13, b13, wc):
    grid = NP // _BN
    return pl.pallas_call(
        _layer1_body,
        grid=(grid,),
        in_specs=[
            pl.BlockSpec((_BN, D), lambda i: (i, 0)),
            _full((D, NOUT)), _full((1, NOUT)),
            _full((D, NOUT)), _full((1, NOUT)),
            _full((D, NOUT)), _full((1, NOUT)),
            _full((D, NOUT)),
        ],
        out_specs=[
            pl.BlockSpec((_BN, NOUT), lambda i: (i, 0)),
            pl.BlockSpec((_BN, NOUT), lambda i: (i, 0)),
        ],
        out_shape=[
            jax.ShapeDtypeStruct((NP, NOUT), jnp.float32),
            jax.ShapeDtypeStruct((NP, NOUT), jnp.float32),
        ],
    )(xp, w11, b11, w12, b12, w13, b13, wc)


def _mid(lin, agg, w1, b1, w2, b2, w3, b3, wc):
    grid = NP // _BN
    return pl.pallas_call(
        _mid_body,
        grid=(grid,),
        in_specs=[
            pl.BlockSpec((_BN, NOUT), lambda i: (i, 0)),
            pl.BlockSpec((NC, _BN, NOUT), lambda i: (0, i, 0)),
            _full((NOUT, NOUT)), _full((1, NOUT)),
            _full((NOUT, NOUT)), _full((1, NOUT)),
            _full((NOUT, NOUT)), _full((1, NOUT)),
            _full((NOUT, NOUT)),
        ],
        out_specs=[
            pl.BlockSpec((_BN, NOUT), lambda i: (i, 0)),
            pl.BlockSpec((_BN, NOUT), lambda i: (i, 0)),
        ],
        out_shape=[
            jax.ShapeDtypeStruct((NP, NOUT), jnp.float32),
            jax.ShapeDtypeStruct((NP, NOUT), jnp.float32),
        ],
    )(lin, agg, w1, b1, w2, b2, w3, b3, wc)


_BP = 2000


def _pool(lin, agg, batch2d, wf, bf):
    grid = N // _BP
    return pl.pallas_call(
        _pool_body,
        grid=(grid,),
        in_specs=[
            pl.BlockSpec((_BP, NOUT), lambda i: (i, 0)),
            pl.BlockSpec((NC, _BP, NOUT), lambda i: (0, i, 0)),
            pl.BlockSpec((_BP, 1), lambda i: (i, 0)),
            _full((NOUT, 10)), _full((1, 10)),
        ],
        out_specs=pl.BlockSpec((NGRAPH, 10), lambda i: (0, 0)),
        out_shape=jax.ShapeDtypeStruct((NGRAPH, 10), jnp.float32),
        scratch_shapes=[pltpu.VMEM((NGRAPH, NOUT), jnp.float32)],
    )(lin, agg, batch2d, wf, bf)



_sc_mesh = plsc.VectorSubcoreMesh(core_axis_name="c", subcore_axis_name="s")


@functools.partial(
    pl.kernel,
    out_type=jax.ShapeDtypeStruct((NC, NP, NOUT), jnp.float32),
    mesh=_sc_mesh,
    compiler_params=pltpu.CompilerParams(use_tc_tiling_on_sc=False),
    scratch_types=[
        pltpu.VMEM((NITER, CH), jnp.int32),
        pltpu.VMEM((NITER, CH), jnp.int32),
        pltpu.VMEM((2 * G, CH, NOUT), jnp.float32),
        pltpu.VMEM((CH, NOUT), jnp.float32),
        pltpu.VMEM_SHARED((NP, NOUT), jnp.float32),
        pltpu.SemaphoreType.DMA,
        pltpu.SemaphoreType.DMA,
    ],
)
def _edge_scatter(y_hbm, src_hbm, dst_hbm, zeros_hbm, out_hbm,
                  sidx, didx, rows, stage, acc, gsem, ssem):
    c = lax.axis_index("c")
    s = lax.axis_index("s")
    wid = s * NC + c

    i1 = pltpu.async_copy(src_hbm.at[wid], sidx, ssem)
    i2 = pltpu.async_copy(dst_hbm.at[wid], didx, ssem)
    pltpu.sync_copy(zeros_hbm, stage)
    zs = [
        pltpu.async_copy(stage, acc.at[pl.ds(s * RPT + k * CH, CH)], gsem)
        for k in range(RPT // CH)
    ]
    i1.wait()
    i2.wait()
    for z in zs:
        z.wait()

    plsc.subcore_barrier()

    R = 2 * G

    def wait_gather():
        pltpu.make_async_copy(y_hbm.at[sidx.at[0]], rows.at[0],
                              gsem).wait()

    def drain_scatter():
        pltpu.make_async_copy(rows.at[0], acc.at[didx.at[0]], ssem).wait()

    for i in range(G):
        pltpu.async_copy(y_hbm.at[sidx.at[i]], rows.at[i], gsem)

    def body(i, _):
        @pl.when(i >= G)
        def _():
            drain_scatter()

        wait_gather()
        pltpu.async_copy(rows.at[lax.rem(i, R)], acc.at[didx.at[i]],
                         ssem, add=True)

        @pl.when(i + G < NITER)
        def _():
            pltpu.async_copy(y_hbm.at[sidx.at[i + G]],
                             rows.at[lax.rem(i + G, R)], gsem)
        return ()

    lax.fori_loop(0, NITER, body, (), unroll=False)
    for _ in range(G):
        drain_scatter()

    plsc.subcore_barrier()

    nk = RPT // CH
    gets = [
        pltpu.async_copy(acc.at[pl.ds(s * RPT + k * CH, CH)],
                         rows.at[k], gsem)
        for k in range(nk)
    ]
    puts = []
    for k in range(nk):
        gets[k].wait()
        puts.append(
            pltpu.async_copy(rows.at[k],
                             out_hbm.at[c, pl.ds(s * RPT + k * CH, CH)],
                             ssem))
    for put in puts:
        put.wait()



def kernel(x, edge_index, batch, Wc1, Wc2, Wc3, W11, b11, W12, b12, W13, b13,
           W21, b21, W22, b22, W23, b23, W31, b31, W32, b32, W33, b33, Wf, bf):
    xp = jnp.pad(x, ((0, NP - N), (0, 0)))
    src = edge_index[0].reshape(NW, NITER, CH)
    dst = edge_index[1].reshape(NW, NITER, CH)
    zeros = jnp.zeros((CH, NOUT), jnp.float32)

    r = lambda b: b.reshape(1, -1)

    lin1, y1 = _layer1(xp, W11, r(b11), W12, r(b12), W13, r(b13), Wc1)
    agg1 = _edge_scatter(y1, src, dst, zeros)
    lin2, y2 = _mid(lin1, agg1, W21, r(b21), W22, r(b22), W23, r(b23), Wc2)
    agg2 = _edge_scatter(y2, src, dst, zeros)
    lin3, y3 = _mid(lin2, agg2, W31, r(b31), W32, r(b32), W33, r(b33), Wc3)
    agg3 = _edge_scatter(y3, src, dst, zeros)
    return _pool(lin3, agg3, batch.reshape(N, 1), Wf, r(bf))

# --- scband reference (transcript-rebuilt; emitter-appended) ---
"""Pipeline reference for scband-gnnml1-64991445123402 (READ-ONLY COPY).

The authoritative reference and input builder live on the scoring server;
editing this copy changes nothing except your own understanding.
"""

import jax, jax.numpy as jnp
import numpy as np

N = 10000
E = 320000
D = 128
NOUT = 64
NGRAPH = 128


def _lin(k, fan_in, fan_out):
    kw, kb = jax.random.split(k)
    W = jax.random.normal(kw, (fan_in, fan_out), dtype=jnp.float32) / np.sqrt(fan_in)
    b = jax.random.normal(kb, (fan_out,), dtype=jnp.float32) * 0.01
    return W, b


def setup_inputs(seed: int = 0) -> dict:
    key = jax.random.key(seed)
    ks = jax.random.split(key, 20)
    inp = {}
    inp["x"] = jax.random.normal(ks[0], (N, D), dtype=jnp.float32)
    inp["edge_index"] = jax.random.randint(ks[1], (2, E), 0, N, dtype=jnp.int32)
    inp["batch"] = jnp.sort(jax.random.randint(ks[2], (N,), 0, NGRAPH, dtype=jnp.int32))
    # SpectConv weights (K=1, selfconn=False -> single [in, out] weight per conv)
    inp["Wc1"] = jax.random.normal(ks[3], (D, NOUT), dtype=jnp.float32) / np.sqrt(D)
    inp["Wc2"] = jax.random.normal(ks[4], (NOUT, NOUT), dtype=jnp.float32) / np.sqrt(NOUT)
    inp["Wc3"] = jax.random.normal(ks[5], (NOUT, NOUT), dtype=jnp.float32) / np.sqrt(NOUT)
    inp["W11"], inp["b11"] = _lin(ks[6], D, NOUT)
    inp["W12"], inp["b12"] = _lin(ks[7], D, NOUT)
    inp["W13"], inp["b13"] = _lin(ks[8], D, NOUT)
    inp["W21"], inp["b21"] = _lin(ks[9], NOUT, NOUT)
    inp["W22"], inp["b22"] = _lin(ks[10], NOUT, NOUT)
    inp["W23"], inp["b23"] = _lin(ks[11], NOUT, NOUT)
    inp["W31"], inp["b31"] = _lin(ks[12], NOUT, NOUT)
    inp["W32"], inp["b32"] = _lin(ks[13], NOUT, NOUT)
    inp["W33"], inp["b33"] = _lin(ks[14], NOUT, NOUT)
    inp["Wf"], inp["bf"] = _lin(ks[15], NOUT, 10)
    return inp


def _conv(x, src, dst, W):
    # SpectConv with K=1 frequency, edge_attr = ones, selfconn=False:
    # message = edge_attr[:,0:1] * x[src] = x[src]; scatter-add to dst; then linear
    msg = jnp.take(x, src, axis=0)
    agg = jax.ops.segment_sum(msg, dst, num_segments=N)
    return agg @ W


def reference(x, edge_index, batch, Wc1, Wc2, Wc3, W11, b11, W12, b12, W13, b13, W21, b21, W22, b22, W23, b23, W31, b31, W32, b32, W33, b33, Wf, bf):
    src = edge_index[0]
    dst = edge_index[1]
    h = jnp.tanh((x @ W11 + b11) + _conv(x, src, dst, Wc1) + (x @ W12 + b12) * (x @ W13 + b13))
    h = jnp.tanh((h @ W21 + b21) + _conv(h, src, dst, Wc2) + (h @ W22 + b22) * (h @ W23 + b23))
    h = jnp.tanh((h @ W31 + b31) + _conv(h, src, dst, Wc3) + (h @ W32 + b32) * (h @ W33 + b33))
    pooled = jax.ops.segment_sum(h, batch, num_segments=NGRAPH)  # global_add_pool
    return pooled @ Wf + bf

if __name__ == "__main__":
    import jax
    _d = setup_inputs()
    print(jax.jit(kernel)(*tuple(_d.values())))

</pallas_src>

<mosaic_0001>
#map = affine_map<(d0, d1) -> (0, 0)>
#map1 = affine_map<(d0, d1) -> (0, 0, 0)>
module attributes {stable_mosaic.version = 14 : i64} {
  func.func @_edge_scatter(%arg0: i32, %arg1: i32, %arg2: memref<10240x64xf32, #tpu.memory_space<hbm>>, %arg3: memref<32x125x80xi32, #tpu.memory_space<hbm>>, %arg4: memref<32x125x80xi32, #tpu.memory_space<hbm>>, %arg5: memref<80x64xf32, #tpu.memory_space<hbm>>, %arg6: memref<2x10240x64xf32, #tpu.memory_space<hbm>>, %arg7: memref<125x80xi32, #tpu.memory_space<vmem>>, %arg8: memref<125x80xi32, #tpu.memory_space<vmem>>, %arg9: memref<10x80x64xf32, #tpu.memory_space<vmem>>, %arg10: memref<80x64xf32, #tpu.memory_space<vmem>>, %arg11: memref<10240x64xf32, #tpu.memory_space<vmem_shared>>, %arg12: memref<!tpu.dma_semaphore, #tpu.memory_space<semaphore_mem>>, %arg13: memref<!tpu.dma_semaphore, #tpu.memory_space<semaphore_mem>>) attributes {dimension_semantics = [#tpu.dimension_semantics<core_parallel>, #tpu.dimension_semantics<subcore_parallel>], iteration_bounds = array<i64: 2, 16>, scalar_prefetch = 0 : i64, scratch_operands = 7 : i64, tpu.core_type = #tpu.core_type<sc_vector_subcore>, window_params = [{transform_indices = #map}, {transform_indices = #map1}, {transform_indices = #map1}, {transform_indices = #map}, {transform_indices = #map1}]} {
    %mul3A = arith.constant 2 : i32
    %mul3A_0 = arith.muli %arg1, %mul3A : i32
    %add3A = arith.addi %mul3A_0, %arg0 : i32
    %dma_start3A = arith.constant 0 : i32
    %dma_start3A_1 = arith.constant 0 : i32
    %dma_start3A_2 = tpu.memref_slice %arg3[%add3A, %dma_start3A, %dma_start3A_1] : memref<32x125x80xi32, #tpu.memory_space<hbm>> -> memref<1x125x80xi32, #tpu.memory_space<hbm>>
    %dma_start3A_3 = tpu.memref_squeeze %dma_start3A_2 : memref<1x125x80xi32, #tpu.memory_space<hbm>> -> memref<125x80xi32, #tpu.memory_space<hbm>>
    %dma_start3A_4 = arith.constant 0 : i32
    %dma_start3A_5 = arith.constant 0 : i32
    %dma_start3A_6 = tpu.memref_slice %arg3[%add3A, %dma_start3A_4, %dma_start3A_5] : memref<32x125x80xi32, #tpu.memory_space<hbm>> -> memref<1x125x80xi32, #tpu.memory_space<hbm>>
    %dma_start3A_7 = tpu.memref_squeeze %dma_start3A_6 : memref<1x125x80xi32, #tpu.memory_space<hbm>> -> memref<125x80xi32, #tpu.memory_space<hbm>>
    tpu.enqueue_dma source(%dma_start3A_7 : memref<125x80xi32, #tpu.memory_space<hbm>>) target(%arg7 : memref<125x80xi32, #tpu.memory_space<vmem>>) target_semaphore(%arg13 : memref<!tpu.dma_semaphore, #tpu.memory_space<semaphore_mem>>)
    %dma_start3A_8 = arith.constant 0 : i32
    %dma_start3A_9 = arith.constant 0 : i32
    %dma_start3A_10 = tpu.memref_slice %arg4[%add3A, %dma_start3A_8, %dma_start3A_9] : memref<32x125x80xi32, #tpu.memory_space<hbm>> -> memref<1x125x80xi32, #tpu.memory_space<hbm>>
    %dma_start3A_11 = tpu.memref_squeeze %dma_start3A_10 : memref<1x125x80xi32, #tpu.memory_space<hbm>> -> memref<125x80xi32, #tpu.memory_space<hbm>>
    %dma_start3A_12 = arith.constant 0 : i32
    %dma_start3A_13 = arith.constant 0 : i32
    %dma_start3A_14 = tpu.memref_slice %arg4[%add3A, %dma_start3A_12, %dma_start3A_13] : memref<32x125x80xi32, #tpu.memory_space<hbm>> -> memref<1x125x80xi32, #tpu.memory_space<hbm>>
    %dma_start3A_15 = tpu.memref_squeeze %dma_start3A_14 : memref<1x125x80xi32, #tpu.memory_space<hbm>> -> memref<125x80xi32, #tpu.memory_space<hbm>>
    tpu.enqueue_dma source(%dma_start3A_15 : memref<125x80xi32, #tpu.memory_space<hbm>>) target(%arg8 : memref<125x80xi32, #tpu.memory_space<vmem>>) target_semaphore(%arg13 : memref<!tpu.dma_semaphore, #tpu.memory_space<semaphore_mem>>)
    "tpu.region"() ({
      %run_scoped3A = tpu.sem_alloc : memref<!tpu.dma_semaphore, #tpu.memory_space<semaphore_mem>>
      tpu.enqueue_dma source(%arg5 : memref<80x64xf32, #tpu.memory_space<hbm>>) target(%arg10 : memref<80x64xf32, #tpu.memory_space<vmem>>) target_semaphore(%run_scoped3A : memref<!tpu.dma_semaphore, #tpu.memory_space<semaphore_mem>>)
      tpu.wait_dma2 semaphore(%run_scoped3A : memref<!tpu.dma_semaphore, #tpu.memory_space<semaphore_mem>>) src(%arg5 : memref<80x64xf32, #tpu.memory_space<hbm>>) dst(%arg10 : memref<80x64xf32, #tpu.memory_space<vmem>>)
      tpu.yield
    }) : () -> ()
    %mul3A_16 = arith.constant 640 : i32
    %mul3A_17 = arith.muli %arg1, %mul3A_16 : i32
    %add3A_18 = arith.constant 0 : i32
    %add3A_19 = arith.addi %mul3A_17, %add3A_18 : i32
    %dma_start3A_20 = arith.constant 0 : i32
    %dma_start3A_21 = tpu.memref_slice %arg11[%add3A_19, %dma_start3A_20] : memref<10240x64xf32, #tpu.memory_space<vmem_shared>> -> memref<80x64xf32, #tpu.memory_space<vmem_shared>>
    %dma_start3A_22 = arith.constant 0 : i32
    %dma_start3A_23 = tpu.memref_slice %arg11[%add3A_19, %dma_start3A_22] : memref<10240x64xf32, #tpu.memory_space<vmem_shared>> -> memref<80x64xf32, #tpu.memory_space<vmem_shared>>
    tpu.enqueue_dma source(%arg10 : memref<80x64xf32, #tpu.memory_space<vmem>>) target(%dma_start3A_23 : memref<80x64xf32, #tpu.memory_space<vmem_shared>>) target_semaphore(%arg12 : memref<!tpu.dma_semaphore, #tpu.memory_space<semaphore_mem>>)
    %mul3A_24 = arith.constant 640 : i32
    %mul3A_25 = arith.muli %arg1, %mul3A_24 : i32
    %add3A_26 = arith.constant 80 : i32
    %add3A_27 = arith.addi %mul3A_25, %add3A_26 : i32
    %dma_start3A_28 = arith.constant 0 : i32
    %dma_start3A_29 = tpu.memref_slice %arg11[%add3A_27, %dma_start3A_28] : memref<10240x64xf32, #tpu.memory_space<vmem_shared>> -> memref<80x64xf32, #tpu.memory_space<vmem_shared>>
    %dma_start3A_30 = arith.constant 0 : i32
    %dma_start3A_31 = tpu.memref_slice %arg11[%add3A_27, %dma_start3A_30] : memref<10240x64xf32, #tpu.memory_space<vmem_shared>> -> memref<80x64xf32, #tpu.memory_space<vmem_shared>>
    tpu.enqueue_dma source(%arg10 : memref<80x64xf32, #tpu.memory_space<vmem>>) target(%dma_start3A_31 : memref<80x64xf32, #tpu.memory_space<vmem_shared>>) target_semaphore(%arg12 : memref<!tpu.dma_semaphore, #tpu.memory_space<semaphore_mem>>)
    %mul3A_32 = arith.constant 640 : i32
    %mul3A_33 = arith.muli %arg1, %mul3A_32 : i32
    %add3A_34 = arith.constant 160 : i32
    %add3A_35 = arith.addi %mul3A_33, %add3A_34 : i32
    %dma_start3A_36 = arith.constant 0 : i32
    %dma_start3A_37 = tpu.memref_slice %arg11[%add3A_35, %dma_start3A_36] : memref<10240x64xf32, #tpu.memory_space<vmem_shared>> -> memref<80x64xf32, #tpu.memory_space<vmem_shared>>
    %dma_start3A_38 = arith.constant 0 : i32
    %dma_start3A_39 = tpu.memref_slice %arg11[%add3A_35, %dma_start3A_38] : memref<10240x64xf32, #tpu.memory_space<vmem_shared>> -> memref<80x64xf32, #tpu.memory_space<vmem_shared>>
    tpu.enqueue_dma source(%arg10 : memref<80x64xf32, #tpu.memory_space<vmem>>) target(%dma_start3A_39 : memref<80x64xf32, #tpu.memory_space<vmem_shared>>) target_semaphore(%arg12 : memref<!tpu.dma_semaphore, #tpu.memory_space<semaphore_mem>>)
    %mul3A_40 = arith.constant 640 : i32
    %mul3A_41 = arith.muli %arg1, %mul3A_40 : i32
    %add3A_42 = arith.constant 240 : i32
    %add3A_43 = arith.addi %mul3A_41, %add3A_42 : i32
    %dma_start3A_44 = arith.constant 0 : i32
    %dma_start3A_45 = tpu.memref_slice %arg11[%add3A_43, %dma_start3A_44] : memref<10240x64xf32, #tpu.memory_space<vmem_shared>> -> memref<80x64xf32, #tpu.memory_space<vmem_shared>>
    %dma_start3A_46 = arith.constant 0 : i32
    %dma_start3A_47 = tpu.memref_slice %arg11[%add3A_43, %dma_start3A_46] : memref<10240x64xf32, #tpu.memory_space<vmem_shared>> -> memref<80x64xf32, #tpu.memory_space<vmem_shared>>
    tpu.enqueue_dma source(%arg10 : memref<80x64xf32, #tpu.memory_space<vmem>>) target(%dma_start3A_47 : memref<80x64xf32, #tpu.memory_space<vmem_shared>>) target_semaphore(%arg12 : memref<!tpu.dma_semaphore, #tpu.memory_space<semaphore_mem>>)
    %mul3A_48 = arith.constant 640 : i32
    %mul3A_49 = arith.muli %arg1, %mul3A_48 : i32
    %add3A_50 = arith.constant 320 : i32
    %add3A_51 = arith.addi %mul3A_49, %add3A_50 : i32
    %dma_start3A_52 = arith.constant 0 : i32
    %dma_start3A_53 = tpu.memref_slice %arg11[%add3A_51, %dma_start3A_52] : memref<10240x64xf32, #tpu.memory_space<vmem_shared>> -> memref<80x64xf32, #tpu.memory_space<vmem_shared>>
    %dma_start3A_54 = arith.constant 0 : i32
    %dma_start3A_55 = tpu.memref_slice %arg11[%add3A_51, %dma_start3A_54] : memref<10240x64xf32, #tpu.memory_space<vmem_shared>> -> memref<80x64xf32, #tpu.memory_space<vmem_shared>>
    tpu.enqueue_dma source(%arg10 : memref<80x64xf32, #tpu.memory_space<vmem>>) target(%dma_start3A_55 : memref<80x64xf32, #tpu.memory_space<vmem_shared>>) target_semaphore(%arg12 : memref<!tpu.dma_semaphore, #tpu.memory_space<semaphore_mem>>)
    %mul3A_56 = arith.constant 640 : i32
    %mul3A_57 = arith.muli %arg1, %mul3A_56 : i32
    %add3A_58 = arith.constant 400 : i32
    %add3A_59 = arith.addi %mul3A_57, %add3A_58 : i32
    %dma_start3A_60 = arith.constant 0 : i32
    %dma_start3A_61 = tpu.memref_slice %arg11[%add3A_59, %dma_start3A_60] : memref<10240x64xf32, #tpu.memory_space<vmem_shared>> -> memref<80x64xf32, #tpu.memory_space<vmem_shared>>
    %dma_start3A_62 = arith.constant 0 : i32
    %dma_start3A_63 = tpu.memref_slice %arg11[%add3A_59, %dma_start3A_62] : memref<10240x64xf32, #tpu.memory_space<vmem_shared>> -> memref<80x64xf32, #tpu.memory_space<vmem_shared>>
    tpu.enqueue_dma source(%arg10 : memref<80x64xf32, #tpu.memory_space<vmem>>) target(%dma_start3A_63 : memref<80x64xf32, #tpu.memory_space<vmem_shared>>) target_semaphore(%arg12 : memref<!tpu.dma_semaphore, #tpu.memory_space<semaphore_mem>>)
    %mul3A_64 = arith.constant 640 : i32
    %mul3A_65 = arith.muli %arg1, %mul3A_64 : i32
    %add3A_66 = arith.constant 480 : i32
    %add3A_67 = arith.addi %mul3A_65, %add3A_66 : i32
    %dma_start3A_68 = arith.constant 0 : i32
    %dma_start3A_69 = tpu.memref_slice %arg11[%add3A_67, %dma_start3A_68] : memref<10240x64xf32, #tpu.memory_space<vmem_shared>> -> memref<80x64xf32, #tpu.memory_space<vmem_shared>>
    %dma_start3A_70 = arith.constant 0 : i32
    %dma_start3A_71 = tpu.memref_slice %arg11[%add3A_67, %dma_start3A_70] : memref<10240x64xf32, #tpu.memory_space<vmem_shared>> -> memref<80x64xf32, #tpu.memory_space<vmem_shared>>
    tpu.enqueue_dma source(%arg10 : memref<80x64xf32, #tpu.memory_space<vmem>>) target(%dma_start3A_71 : memref<80x64xf32, #tpu.memory_space<vmem_shared>>) target_semaphore(%arg12 : memref<!tpu.dma_semaphore, #tpu.memory_space<semaphore_mem>>)
    %mul3A_72 = arith.constant 640 : i32
    %mul3A_73 = arith.muli %arg1, %mul3A_72 : i32
    %add3A_74 = arith.constant 560 : i32
    %add3A_75 = arith.addi %mul3A_73, %add3A_74 : i32
    %dma_start3A_76 = arith.constant 0 : i32
    %dma_start3A_77 = tpu.memref_slice %arg11[%add3A_75, %dma_start3A_76] : memref<10240x64xf32, #tpu.memory_space<vmem_shared>> -> memref<80x64xf32, #tpu.memory_space<vmem_shared>>
    %dma_start3A_78 = arith.constant 0 : i32
    %dma_start3A_79 = tpu.memref_slice %arg11[%add3A_75, %dma_start3A_78] : memref<10240x64xf32, #tpu.memory_space<vmem_shared>> -> memref<80x64xf32, #tpu.memory_space<vmem_shared>>
    tpu.enqueue_dma source(%arg10 : memref<80x64xf32, #tpu.memory_space<vmem>>) target(%dma_start3A_79 : memref<80x64xf32, #tpu.memory_space<vmem_shared>>) target_semaphore(%arg12 : memref<!tpu.dma_semaphore, #tpu.memory_space<semaphore_mem>>)
    %dma_wait3A = arith.constant 0 : i32
    %dma_wait3A_80 = arith.constant 0 : i32
    %dma_wait3A_81 = tpu.memref_slice %arg3[%add3A, %dma_wait3A, %dma_wait3A_80] : memref<32x125x80xi32, #tpu.memory_space<hbm>> -> memref<1x125x80xi32, #tpu.memory_space<hbm>>
    %dma_wait3A_82 = tpu.memref_squeeze %dma_wait3A_81 : memref<1x125x80xi32, #tpu.memory_space<hbm>> -> memref<125x80xi32, #tpu.memory_space<hbm>>
    %dma_wait3A_83 = arith.constant 0 : i32
    %dma_wait3A_84 = arith.constant 0 : i32
    %dma_wait3A_85 = tpu.memref_slice %arg3[%add3A, %dma_wait3A_83, %dma_wait3A_84] : memref<32x125x80xi32, #tpu.memory_space<hbm>> -> memref<1x125x80xi32, #tpu.memory_space<hbm>>
    %dma_wait3A_86 = tpu.memref_squeeze %dma_wait3A_85 : memref<1x125x80xi32, #tpu.memory_space<hbm>> -> memref<125x80xi32, #tpu.memory_space<hbm>>
    tpu.wait_dma2 semaphore(%arg13 : memref<!tpu.dma_semaphore, #tpu.memory_space<semaphore_mem>>) src(%dma_wait3A_86 : memref<125x80xi32, #tpu.memory_space<hbm>>) dst(%arg7 : memref<125x80xi32, #tpu.memory_space<vmem>>)
    %dma_wait3A_87 = arith.constant 0 : i32
    %dma_wait3A_88 = arith.constant 0 : i32
    %dma_wait3A_89 = tpu.memref_slice %arg4[%add3A, %dma_wait3A_87, %dma_wait3A_88] : memref<32x125x80xi32, #tpu.memory_space<hbm>> -> memref<1x125x80xi32, #tpu.memory_space<hbm>>
    %dma_wait3A_90 = tpu.memref_squeeze %dma_wait3A_89 : memref<1x125x80xi32, #tpu.memory_space<hbm>> -> memref<125x80xi32, #tpu.memory_space<hbm>>
    %dma_wait3A_91 = arith.constant 0 : i32
    %dma_wait3A_92 = arith.constant 0 : i32
    %dma_wait3A_93 = tpu.memref_slice %arg4[%add3A, %dma_wait3A_91, %dma_wait3A_92] : memref<32x125x80xi32, #tpu.memory_space<hbm>> -> memref<1x125x80xi32, #tpu.memory_space<hbm>>
    %dma_wait3A_94 = tpu.memref_squeeze %dma_wait3A_93 : memref<1x125x80xi32, #tpu.memory_space<hbm>> -> memref<125x80xi32, #tpu.memory_space<hbm>>
    tpu.wait_dma2 semaphore(%arg13 : memref<!tpu.dma_semaphore, #tpu.memory_space<semaphore_mem>>) src(%dma_wait3A_94 : memref<125x80xi32, #tpu.memory_space<hbm>>) dst(%arg8 : memref<125x80xi32, #tpu.memory_space<vmem>>)
    %dma_wait3A_95 = arith.constant 0 : i32
    %dma_wait3A_96 = tpu.memref_slice %arg11[%add3A_19, %dma_wait3A_95] : memref<10240x64xf32, #tpu.memory_space<vmem_shared>> -> memref<80x64xf32, #tpu.memory_space<vmem_shared>>
    %dma_wait3A_97 = arith.constant 0 : i32
    %dma_wait3A_98 = tpu.memref_slice %arg11[%add3A_19, %dma_wait3A_97] : memref<10240x64xf32, #tpu.memory_space<vmem_shared>> -> memref<80x64xf32, #tpu.memory_space<vmem_shared>>
    tpu.wait_dma2 semaphore(%arg12 : memref<!tpu.dma_semaphore, #tpu.memory_space<semaphore_mem>>) src(%arg10 : memref<80x64xf32, #tpu.memory_space<vmem>>) dst(%dma_wait3A_98 : memref<80x64xf32, #tpu.memory_space<vmem_shared>>)
    %dma_wait3A_99 = arith.constant 0 : i32
    %dma_wait3A_100 = tpu.memref_slice %arg11[%add3A_27, %dma_wait3A_99] : memref<10240x64xf32, #tpu.memory_space<vmem_shared>> -> memref<80x64xf32, #tpu.memory_space<vmem_shared>>
    %dma_wait3A_101 = arith.constant 0 : i32
    %dma_wait3A_102 = tpu.memref_slice %arg11[%add3A_27, %dma_wait3A_101] : memref<10240x64xf32, #tpu.memory_space<vmem_shared>> -> memref<80x64xf32, #tpu.memory_space<vmem_shared>>
    tpu.wait_dma2 semaphore(%arg12 : memref<!tpu.dma_semaphore, #tpu.memory_space<semaphore_mem>>) src(%arg10 : memref<80x64xf32, #tpu.memory_space<vmem>>) dst(%dma_wait3A_102 : memref<80x64xf32, #tpu.memory_space<vmem_shared>>)
    %dma_wait3A_103 = arith.constant 0 : i32
    %dma_wait3A_104 = tpu.memref_slice %arg11[%add3A_35, %dma_wait3A_103] : memref<10240x64xf32, #tpu.memory_space<vmem_shared>> -> memref<80x64xf32, #tpu.memory_space<vmem_shared>>
    %dma_wait3A_105 = arith.constant 0 : i32
    %dma_wait3A_106 = tpu.memref_slice %arg11[%add3A_35, %dma_wait3A_105] : memref<10240x64xf32, #tpu.memory_space<vmem_shared>> -> memref<80x64xf32, #tpu.memory_space<vmem_shared>>
    tpu.wait_dma2 semaphore(%arg12 : memref<!tpu.dma_semaphore, #tpu.memory_space<semaphore_mem>>) src(%arg10 : memref<80x64xf32, #tpu.memory_space<vmem>>) dst(%dma_wait3A_106 : memref<80x64xf32, #tpu.memory_space<vmem_shared>>)
    %dma_wait3A_107 = arith.constant 0 : i32
    %dma_wait3A_108 = tpu.memref_slice %arg11[%add3A_43, %dma_wait3A_107] : memref<10240x64xf32, #tpu.memory_space<vmem_shared>> -> memref<80x64xf32, #tpu.memory_space<vmem_shared>>
    %dma_wait3A_109 = arith.constant 0 : i32
    %dma_wait3A_110 = tpu.memref_slice %arg11[%add3A_43, %dma_wait3A_109] : memref<10240x64xf32, #tpu.memory_space<vmem_shared>> -> memref<80x64xf32, #tpu.memory_space<vmem_shared>>
    tpu.wait_dma2 semaphore(%arg12 : memref<!tpu.dma_semaphore, #tpu.memory_space<semaphore_mem>>) src(%arg10 : memref<80x64xf32, #tpu.memory_space<vmem>>) dst(%dma_wait3A_110 : memref<80x64xf32, #tpu.memory_space<vmem_shared>>)
    %dma_wait3A_111 = arith.constant 0 : i32
    %dma_wait3A_112 = tpu.memref_slice %arg11[%add3A_51, %dma_wait3A_111] : memref<10240x64xf32, #tpu.memory_space<vmem_shared>> -> memref<80x64xf32, #tpu.memory_space<vmem_shared>>
    %dma_wait3A_113 = arith.constant 0 : i32
    %dma_wait3A_114 = tpu.memref_slice %arg11[%add3A_51, %dma_wait3A_113] : memref<10240x64xf32, #tpu.memory_space<vmem_shared>> -> memref<80x64xf32, #tpu.memory_space<vmem_shared>>
    tpu.wait_dma2 semaphore(%arg12 : memref<!tpu.dma_semaphore, #tpu.memory_space<semaphore_mem>>) src(%arg10 : memref<80x64xf32, #tpu.memory_space<vmem>>) dst(%dma_wait3A_114 : memref<80x64xf32, #tpu.memory_space<vmem_shared>>)
    %dma_wait3A_115 = arith.constant 0 : i32
    %dma_wait3A_116 = tpu.memref_slice %arg11[%add3A_59, %dma_wait3A_115] : memref<10240x64xf32, #tpu.memory_space<vmem_shared>> -> memref<80x64xf32, #tpu.memory_space<vmem_shared>>
    %dma_wait3A_117 = arith.constant 0 : i32
    %dma_wait3A_118 = tpu.memref_slice %arg11[%add3A_59, %dma_wait3A_117] : memref<10240x64xf32, #tpu.memory_space<vmem_shared>> -> memref<80x64xf32, #tpu.memory_space<vmem_shared>>
    tpu.wait_dma2 semaphore(%arg12 : memref<!tpu.dma_semaphore, #tpu.memory_space<semaphore_mem>>) src(%arg10 : memref<80x64xf32, #tpu.memory_space<vmem>>) dst(%dma_wait3A_118 : memref<80x64xf32, #tpu.memory_space<vmem_shared>>)
    %dma_wait3A_119 = arith.constant 0 : i32
    %dma_wait3A_120 = tpu.memref_slice %arg11[%add3A_67, %dma_wait3A_119] : memref<10240x64xf32, #tpu.memory_space<vmem_shared>> -> memref<80x64xf32, #tpu.memory_space<vmem_shared>>
    %dma_wait3A_121 = arith.constant 0 : i32
    %dma_wait3A_122 = tpu.memref_slice %arg11[%add3A_67, %dma_wait3A_121] : memref<10240x64xf32, #tpu.memory_space<vmem_shared>> -> memref<80x64xf32, #tpu.memory_space<vmem_shared>>
    tpu.wait_dma2 semaphore(%arg12 : memref<!tpu.dma_semaphore, #tpu.memory_space<semaphore_mem>>) src(%arg10 : memref<80x64xf32, #tpu.memory_space<vmem>>) dst(%dma_wait3A_122 : memref<80x64xf32, #tpu.memory_space<vmem_shared>>)
    %dma_wait3A_123 = arith.constant 0 : i32
    %dma_wait3A_124 = tpu.memref_slice %arg11[%add3A_75, %dma_wait3A_123] : memref<10240x64xf32, #tpu.memory_space<vmem_shared>> -> memref<80x64xf32, #tpu.memory_space<vmem_shared>>
    %dma_wait3A_125 = arith.constant 0 : i32
    %dma_wait3A_126 = tpu.memref_slice %arg11[%add3A_75, %dma_wait3A_125] : memref<10240x64xf32, #tpu.memory_space<vmem_shared>> -> memref<80x64xf32, #tpu.memory_space<vmem_shared>>
    tpu.wait_dma2 semaphore(%arg12 : memref<!tpu.dma_semaphore, #tpu.memory_space<semaphore_mem>>) src(%arg10 : memref<80x64xf32, #tpu.memory_space<vmem>>) dst(%dma_wait3A_126 : memref<80x64xf32, #tpu.memory_space<vmem_shared>>)
    %barrier3A = arith.constant 0 : index
    tpu.barrier barrier_id(%barrier3A)
    %dma_start3A_127 = arith.constant 0 : i32
    %dma_start3A_128 = arith.constant 0 : i32
    %dma_start3A_129 = arith.constant 0 : i32
    %dma_start3A_130 = arith.constant 0 : i32
    %dma_start3A_131 = tpu.memref_slice %arg9[%dma_start3A_128, %dma_start3A_129, %dma_start3A_130] : memref<10x80x64xf32, #tpu.memory_space<vmem>> -> memref<1x80x64xf32, #tpu.memory_space<vmem>>
    %dma_start3A_132 = tpu.memref_squeeze %dma_start3A_131 : memref<1x80x64xf32, #tpu.memory_space<vmem>> -> memref<80x64xf32, #tpu.memory_space<vmem>>
    %dma_start3A_133 = arith.constant 0 : i32
    %dma_start3A_134 = tpu.memref_slice %arg7[%dma_start3A_127, %dma_start3A_133] : memref<125x80xi32, #tpu.memory_space<vmem>> -> memref<1x80xi32, #tpu.memory_space<vmem>>
    %dma_start3A_135 = tpu.memref_squeeze %dma_start3A_134 : memref<1x80xi32, #tpu.memory_space<vmem>> -> memref<80xi32, #tpu.memory_space<vmem>>
    %dma_start3A_136 = arith.constant 0 : i32
    %dma_start3A_137 = arith.constant 0 : i32
    %dma_start3A_138 = tpu.memref_slice %arg2[%dma_start3A_136, %dma_start3A_137] : memref<10240x64xf32, #tpu.memory_space<hbm>> -> memref<10240x64xf32, #tpu.memory_space<hbm>>
    tpu.enqueue_indirect_dma source(%dma_start3A_138 : memref<10240x64xf32, #tpu.memory_space<hbm>>) target(%dma_start3A_132 : memref<80x64xf32, #tpu.memory_space<vmem>>) offsets(%dma_start3A_135 : memref<80xi32, #tpu.memory_space<vmem>>) semaphore(%arg12 : memref<!tpu.dma_semaphore, #tpu.memory_space<semaphore_mem>>)
    %dma_start3A_139 = arith.constant 1 : i32
    %dma_start3A_140 = arith.constant 1 : i32
    %dma_start3A_141 = arith.constant 0 : i32
    %dma_start3A_142 = arith.constant 0 : i32
    %dma_start3A_143 = tpu.memref_slice %arg9[%dma_start3A_140, %dma_start3A_141, %dma_start3A_142] : memref<10x80x64xf32, #tpu.memory_space<vmem>> -> memref<1x80x64xf32, #tpu.memory_space<vmem>>
    %dma_start3A_144 = tpu.memref_squeeze %dma_start3A_143 : memref<1x80x64xf32, #tpu.memory_space<vmem>> -> memref<80x64xf32, #tpu.memory_space<vmem>>
    %dma_start3A_145 = arith.constant 0 : i32
    %dma_start3A_146 = tpu.memref_slice %arg7[%dma_start3A_139, %dma_start3A_145] : memref<125x80xi32, #tpu.memory_space<vmem>> -> memref<1x80xi32, #tpu.memory_space<vmem>>
    %dma_start3A_147 = tpu.memref_squeeze %dma_start3A_146 : memref<1x80xi32, #tpu.memory_space<vmem>> -> memref<80xi32, #tpu.memory_space<vmem>>
    %dma_start3A_148 = arith.constant 0 : i32
    %dma_start3A_149 = arith.constant 0 : i32
    %dma_start3A_150 = tpu.memref_slice %arg2[%dma_start3A_148, %dma_start3A_149] : memref<10240x64xf32, #tpu.memory_space<hbm>> -> memref<10240x64xf32, #tpu.memory_space<hbm>>
    tpu.enqueue_indirect_dma source(%dma_start3A_150 : memref<10240x64xf32, #tpu.memory_space<hbm>>) target(%dma_start3A_144 : memref<80x64xf32, #tpu.memory_space<vmem>>) offsets(%dma_start3A_147 : memref<80xi32, #tpu.memory_space<vmem>>) semaphore(%arg12 : memref<!tpu.dma_semaphore, #tpu.memory_space<semaphore_mem>>)
    %dma_start3A_151 = arith.constant 2 : i32
    %dma_start3A_152 = arith.constant 2 : i32
    %dma_start3A_153 = arith.constant 0 : i32
    %dma_start3A_154 = arith.constant 0 : i32
    %dma_start3A_155 = tpu.memref_slice %arg9[%dma_start3A_152, %dma_start3A_153, %dma_start3A_154] : memref<10x80x64xf32, #tpu.memory_space<vmem>> -> memref<1x80x64xf32, #tpu.memory_space<vmem>>
    %dma_start3A_156 = tpu.memref_squeeze %dma_start3A_155 : memref<1x80x64xf32, #tpu.memory_space<vmem>> -> memref<80x64xf32, #tpu.memory_space<vmem>>
    %dma_start3A_157 = arith.constant 0 : i32
    %dma_start3A_158 = tpu.memref_slice %arg7[%dma_start3A_151, %dma_start3A_157] : memref<125x80xi32, #tpu.memory_space<vmem>> -> memref<1x80xi32, #tpu.memory_space<vmem>>
    %dma_start3A_159 = tpu.memref_squeeze %dma_start3A_158 : memref<1x80xi32, #tpu.memory_space<vmem>> -> memref<80xi32, #tpu.memory_space<vmem>>
    %dma_start3A_160 = arith.constant 0 : i32
    %dma_start3A_161 = arith.constant 0 : i32
    %dma_start3A_162 = tpu.memref_slice %arg2[%dma_start3A_160, %dma_start3A_161] : memref<10240x64xf32, #tpu.memory_space<hbm>> -> memref<10240x64xf32, #tpu.memory_space<hbm>>
    tpu.enqueue_indirect_dma source(%dma_start3A_162 : memref<10240x64xf32, #tpu.memory_space<hbm>>) target(%dma_start3A_156 : memref<80x64xf32, #tpu.memory_space<vmem>>) offsets(%dma_start3A_159 : memref<80xi32, #tpu.memory_space<vmem>>) semaphore(%arg12 : memref<!tpu.dma_semaphore, #tpu.memory_space<semaphore_mem>>)
    %dma_start3A_163 = arith.constant 3 : i32
    %dma_start3A_164 = arith.constant 3 : i32
    %dma_start3A_165 = arith.constant 0 : i32
    %dma_start3A_166 = arith.constant 0 : i32
    %dma_start3A_167 = tpu.memref_slice %arg9[%dma_start3A_164, %dma_start3A_165, %dma_start3A_166] : memref<10x80x64xf32, #tpu.memory_space<vmem>> -> memref<1x80x64xf32, #tpu.memory_space<vmem>>
    %dma_start3A_168 = tpu.memref_squeeze %dma_start3A_167 : memref<1x80x64xf32, #tpu.memory_space<vmem>> -> memref<80x64xf32, #tpu.memory_space<vmem>>
    %dma_start3A_169 = arith.constant 0 : i32
    %dma_start3A_170 = tpu.memref_slice %arg7[%dma_start3A_163, %dma_start3A_169] : memref<125x80xi32, #tpu.memory_space<vmem>> -> memref<1x80xi32, #tpu.memory_space<vmem>>
    %dma_start3A_171 = tpu.memref_squeeze %dma_start3A_170 : memref<1x80xi32, #tpu.memory_space<vmem>> -> memref<80xi32, #tpu.memory_space<vmem>>
    %dma_start3A_172 = arith.constant 0 : i32
    %dma_start3A_173 = arith.constant 0 : i32
    %dma_start3A_174 = tpu.memref_slice %arg2[%dma_start3A_172, %dma_start3A_173] : memref<10240x64xf32, #tpu.memory_space<hbm>> -> memref<10240x64xf32, #tpu.memory_space<hbm>>
    tpu.enqueue_indirect_dma source(%dma_start3A_174 : memref<10240x64xf32, #tpu.memory_space<hbm>>) target(%dma_start3A_168 : memref<80x64xf32, #tpu.memory_space<vmem>>) offsets(%dma_start3A_171 : memref<80xi32, #tpu.memory_space<vmem>>) semaphore(%arg12 : memref<!tpu.dma_semaphore, #tpu.memory_space<semaphore_mem>>)
    %dma_start3A_175 = arith.constant 4 : i32
    %dma_start3A_176 = arith.constant 4 : i32
    %dma_start3A_177 = arith.constant 0 : i32
    %dma_start3A_178 = arith.constant 0 : i32
    %dma_start3A_179 = tpu.memref_slice %arg9[%dma_start3A_176, %dma_start3A_177, %dma_start3A_178] : memref<10x80x64xf32, #tpu.memory_space<vmem>> -> memref<1x80x64xf32, #tpu.memory_space<vmem>>
    %dma_start3A_180 = tpu.memref_squeeze %dma_start3A_179 : memref<1x80x64xf32, #tpu.memory_space<vmem>> -> memref<80x64xf32, #tpu.memory_space<vmem>>
    %dma_start3A_181 = arith.constant 0 : i32
    %dma_start3A_182 = tpu.memref_slice %arg7[%dma_start3A_175, %dma_start3A_181] : memref<125x80xi32, #tpu.memory_space<vmem>> -> memref<1x80xi32, #tpu.memory_space<vmem>>
    %dma_start3A_183 = tpu.memref_squeeze %dma_start3A_182 : memref<1x80xi32, #tpu.memory_space<vmem>> -> memref<80xi32, #tpu.memory_space<vmem>>
    %dma_start3A_184 = arith.constant 0 : i32
    %dma_start3A_185 = arith.constant 0 : i32
    %dma_start3A_186 = tpu.memref_slice %arg2[%dma_start3A_184, %dma_start3A_185] : memref<10240x64xf32, #tpu.memory_space<hbm>> -> memref<10240x64xf32, #tpu.memory_space<hbm>>
    tpu.enqueue_indirect_dma source(%dma_start3A_186 : memref<10240x64xf32, #tpu.memory_space<hbm>>) target(%dma_start3A_180 : memref<80x64xf32, #tpu.memory_space<vmem>>) offsets(%dma_start3A_183 : memref<80xi32, #tpu.memory_space<vmem>>) semaphore(%arg12 : memref<!tpu.dma_semaphore, #tpu.memory_space<semaphore_mem>>)
    %scan3A = arith.constant 0 : i32
    %scan3A_187 = arith.constant 125 : i32
    %scan3A_188 = arith.addi %scan3A, %scan3A_187 : i32
    %scan3A_189 = arith.constant 1 : i32
    scf.for %scan3A_764 = %scan3A to %scan3A_188 step %scan3A_189  : i32 {
      %ge3A = arith.constant 5 : i32
      %ge3A_765 = arith.cmpi sge, %scan3A_764, %ge3A : i32
      %convert_element_type3A = arith.extui %ge3A_765 : i1 to i32
      %cond3A = arith.constant 0 : i32
      %cond3A_766 = arith.cmpi ne, %convert_element_type3A, %cond3A : i32
      scf.if %cond3A_766 {
        %dma_wait3A_796 = arith.constant 0 : i32
        %dma_wait3A_797 = arith.constant 0 : i32
        %dma_wait3A_798 = arith.constant 0 : i32
        %dma_wait3A_799 = arith.constant 0 : i32
        %dma_wait3A_800 = tpu.memref_slice %arg9[%dma_wait3A_796, %dma_wait3A_798, %dma_wait3A_799] : memref<10x80x64xf32, #tpu.memory_space<vmem>> -> memref<1x80x64xf32, #tpu.memory_space<vmem>>
        %dma_wait3A_801 = tpu.memref_squeeze %dma_wait3A_800 : memref<1x80x64xf32, #tpu.memory_space<vmem>> -> memref<80x64xf32, #tpu.memory_space<vmem>>
        %dma_wait3A_802 = arith.constant 0 : i32
        %dma_wait3A_803 = tpu.memref_slice %arg8[%dma_wait3A_797, %dma_wait3A_802] : memref<125x80xi32, #tpu.memory_space<vmem>> -> memref<1x80xi32, #tpu.memory_space<vmem>>
        %dma_wait3A_804 = tpu.memref_squeeze %dma_wait3A_803 : memref<1x80xi32, #tpu.memory_space<vmem>> -> memref<80xi32, #tpu.memory_space<vmem>>
        %dma_wait3A_805 = arith.constant 0 : i32
        %dma_wait3A_806 = arith.constant 0 : i32
        %dma_wait3A_807 = tpu.memref_slice %arg11[%dma_wait3A_805, %dma_wait3A_806] : memref<10240x64xf32, #tpu.memory_space<vmem_shared>> -> memref<10240x64xf32, #tpu.memory_space<vmem_shared>>
        tpu.wait_indirect_dma semaphore(%arg13 : memref<!tpu.dma_semaphore, #tpu.memory_space<semaphore_mem>>) src(%dma_wait3A_801 : memref<80x64xf32, #tpu.memory_space<vmem>>) dst(%dma_wait3A_807 : memref<10240x64xf32, #tpu.memory_space<vmem_shared>>)
      } else {
      }
      %dma_wait3A_767 = arith.constant 0 : i32
      %dma_wait3A_768 = arith.constant 0 : i32
      %dma_wait3A_769 = arith.constant 0 : i32
      %dma_wait3A_770 = arith.constant 0 : i32
      %dma_wait3A_771 = tpu.memref_slice %arg9[%dma_wait3A_768, %dma_wait3A_769, %dma_wait3A_770] : memref<10x80x64xf32, #tpu.memory_space<vmem>> -> memref<1x80x64xf32, #tpu.memory_space<vmem>>
      %dma_wait3A_772 = tpu.memref_squeeze %dma_wait3A_771 : memref<1x80x64xf32, #tpu.memory_space<vmem>> -> memref<80x64xf32, #tpu.memory_space<vmem>>
      %dma_wait3A_773 = arith.constant 0 : i32
      %dma_wait3A_774 = tpu.memref_slice %arg7[%dma_wait3A_767, %dma_wait3A_773] : memref<125x80xi32, #tpu.memory_space<vmem>> -> memref<1x80xi32, #tpu.memory_space<vmem>>
      %dma_wait3A_775 = tpu.memref_squeeze %dma_wait3A_774 : memref<1x80xi32, #tpu.memory_space<vmem>> -> memref<80xi32, #tpu.memory_space<vmem>>
      %dma_wait3A_776 = arith.constant 0 : i32
      %dma_wait3A_777 = arith.constant 0 : i32
      %dma_wait3A_778 = tpu.memref_slice %arg2[%dma_wait3A_776, %dma_wait3A_777] : memref<10240x64xf32, #tpu.memory_space<hbm>> -> memref<10240x64xf32, #tpu.memory_space<hbm>>
      tpu.wait_indirect_dma semaphore(%arg12 : memref<!tpu.dma_semaphore, #tpu.memory_space<semaphore_mem>>) src(%dma_wait3A_778 : memref<10240x64xf32, #tpu.memory_space<hbm>>) dst(%dma_wait3A_772 : memref<80x64xf32, #tpu.memory_space<vmem>>)
      %rem3A = arith.constant 10 : i32
      %rem3A_779 = arith.remsi %scan3A_764, %rem3A : i32
      %dma_start3A_780 = arith.constant 0 : i32
      %dma_start3A_781 = arith.constant 0 : i32
      %dma_start3A_782 = tpu.memref_slice %arg9[%rem3A_779, %dma_start3A_780, %dma_start3A_781] : memref<10x80x64xf32, #tpu.memory_space<vmem>> -> memref<1x80x64xf32, #tpu.memory_space<vmem>>
      %dma_start3A_783 = tpu.memref_squeeze %dma_start3A_782 : memref<1x80x64xf32, #tpu.memory_space<vmem>> -> memref<80x64xf32, #tpu.memory_space<vmem>>
      %dma_start3A_784 = arith.constant 0 : i32
      %dma_start3A_785 = tpu.memref_slice %arg8[%scan3A_764, %dma_start3A_784] : memref<125x80xi32, #tpu.memory_space<vmem>> -> memref<1x80xi32, #tpu.memory_space<vmem>>
      %dma_start3A_786 = tpu.memref_squeeze %dma_start3A_785 : memref<1x80xi32, #tpu.memory_space<vmem>> -> memref<80xi32, #tpu.memory_space<vmem>>
      %dma_start3A_787 = arith.constant 0 : i32
      %dma_start3A_788 = arith.constant 0 : i32
      %dma_start3A_789 = tpu.memref_slice %arg11[%dma_start3A_787, %dma_start3A_788] : memref<10240x64xf32, #tpu.memory_space<vmem_shared>> -> memref<10240x64xf32, #tpu.memory_space<vmem_shared>>
      tpu.enqueue_indirect_dma source(%dma_start3A_783 : memref<80x64xf32, #tpu.memory_space<vmem>>) target(%dma_start3A_789 : memref<10240x64xf32, #tpu.memory_space<vmem_shared>>) offsets(%dma_start3A_786 : memref<80xi32, #tpu.memory_space<vmem>>) semaphore(%arg13 : memref<!tpu.dma_semaphore, #tpu.memory_space<semaphore_mem>>) {add = true}
      %add3A_790 = arith.constant 5 : i32
      %add3A_791 = arith.addi %scan3A_764, %add3A_790 : i32
      %lt3A = arith.constant 125 : i32
      %lt3A_792 = arith.cmpi slt, %add3A_791, %lt3A : i32
      %convert_element_type3A_793 = arith.extui %lt3A_792 : i1 to i32
      %cond3A_794 = arith.constant 0 : i32
      %cond3A_795 = arith.cmpi ne, %convert_element_type3A_793, %cond3A_794 : i32
      scf.if %cond3A_795 {
        %add3A_796 = arith.constant 5 : i32
        %add3A_797 = arith.addi %scan3A_764, %add3A_796 : i32
        %add3A_798 = arith.constant 5 : i32
        %add3A_799 = arith.addi %scan3A_764, %add3A_798 : i32
        %rem3A_800 = arith.constant 10 : i32
        %rem3A_801 = arith.remsi %add3A_799, %rem3A_800 : i32
        %dma_start3A_802 = arith.constant 0 : i32
        %dma_start3A_803 = arith.constant 0 : i32
        %dma_start3A_804 = tpu.memref_slice %arg9[%rem3A_801, %dma_start3A_802, %dma_start3A_803] : memref<10x80x64xf32, #tpu.memory_space<vmem>> -> memref<1x80x64xf32, #tpu.memory_space<vmem>>
        %dma_start3A_805 = tpu.memref_squeeze %dma_start3A_804 : memref<1x80x64xf32, #tpu.memory_space<vmem>> -> memref<80x64xf32, #tpu.memory_space<vmem>>
        %dma_start3A_806 = arith.constant 0 : i32
        %dma_start3A_807 = tpu.memref_slice %arg7[%add3A_797, %dma_start3A_806] : memref<125x80xi32, #tpu.memory_space<vmem>> -> memref<1x80xi32, #tpu.memory_space<vmem>>
        %dma_start3A_808 = tpu.memref_squeeze %dma_start3A_807 : memref<1x80xi32, #tpu.memory_space<vmem>> -> memref<80xi32, #tpu.memory_space<vmem>>
        %dma_start3A_809 = arith.constant 0 : i32
        %dma_start3A_810 = arith.constant 0 : i32
        %dma_start3A_811 = tpu.memref_slice %arg2[%dma_start3A_809, %dma_start3A_810] : memref<10240x64xf32, #tpu.memory_space<hbm>> -> memref<10240x64xf32, #tpu.memory_space<hbm>>
        tpu.enqueue_indirect_dma source(%dma_start3A_811 : memref<10240x64xf32, #tpu.memory_space<hbm>>) target(%dma_start3A_805 : memref<80x64xf32, #tpu.memory_space<vmem>>) offsets(%dma_start3A_808 : memref<80xi32, #tpu.memory_space<vmem>>) semaphore(%arg12 : memref<!tpu.dma_semaphore, #tpu.memory_space<semaphore_mem>>)
      } else {
      }
    }
    %scan3A_190 = arith.constant 125 : i32
    %dma_wait3A_191 = arith.constant 0 : i32
    %dma_wait3A_192 = arith.constant 0 : i32
    %dma_wait3A_193 = arith.constant 0 : i32
    %dma_wait3A_194 = arith.constant 0 : i32
    %dma_wait3A_195 = tpu.memref_slice %arg9[%dma_wait3A_191, %dma_wait3A_193, %dma_wait3A_194] : memref<10x80x64xf32, #tpu.memory_space<vmem>> -> memref<1x80x64xf32, #tpu.memory_space<vmem>>
    %dma_wait3A_196 = tpu.memref_squeeze %dma_wait3A_195 : memref<1x80x64xf32, #tpu.memory_space<vmem>> -> memref<80x64xf32, #tpu.memory_space<vmem>>
    %dma_wait3A_197 = arith.constant 0 : i32
    %dma_wait3A_198 = tpu.memref_slice %arg8[%dma_wait3A_192, %dma_wait3A_197] : memref<125x80xi32, #tpu.memory_space<vmem>> -> memref<1x80xi32, #tpu.memory_space<vmem>>
    %dma_wait3A_199 = tpu.memref_squeeze %dma_wait3A_198 : memref<1x80xi32, #tpu.memory_space<vmem>> -> memref<80xi32, #tpu.memory_space<vmem>>
    %dma_wait3A_200 = arith.constant 0 : i32
    %dma_wait3A_201 = arith.constant 0 : i32
    %dma_wait3A_202 = tpu.memref_slice %arg11[%dma_wait3A_200, %dma_wait3A_201] : memref<10240x64xf32, #tpu.memory_space<vmem_shared>> -> memref<10240x64xf32, #tpu.memory_space<vmem_shared>>
    tpu.wait_indirect_dma semaphore(%arg13 : memref<!tpu.dma_semaphore, #tpu.memory_space<semaphore_mem>>) src(%dma_wait3A_196 : memref<80x64xf32, #tpu.memory_space<vmem>>) dst(%dma_wait3A_202 : memref<10240x64xf32, #tpu.memory_space<vmem_shared>>)
    %dma_wait3A_203 = arith.constant 0 : i32
    %dma_wait3A_204 = arith.constant 0 : i32
    %dma_wait3A_205 = arith.constant 0 : i32
    %dma_wait3A_206 = arith.constant 0 : i32
    %dma_wait3A_207 = tpu.memref_slice %arg9[%dma_wait3A_203, %dma_wait3A_205, %dma_wait3A_206] : memref<10x80x64xf32, #tpu.memory_space<vmem>> -> memref<1x80x64xf32, #tpu.memory_space<vmem>>
    %dma_wait3A_208 = tpu.memref_squeeze %dma_wait3A_207 : memref<1x80x64xf32, #tpu.memory_space<vmem>> -> memref<80x64xf32, #tpu.memory_space<vmem>>
    %dma_wait3A_209 = arith.constant 0 : i32
    %dma_wait3A_210 = tpu.memref_slice %arg8[%dma_wait3A_204, %dma_wait3A_209] : memref<125x80xi32, #tpu.memory_space<vmem>> -> memref<1x80xi32, #tpu.memory_space<vmem>>
    %dma_wait3A_211 = tpu.memref_squeeze %dma_wait3A_210 : memref<1x80xi32, #tpu.memory_space<vmem>> -> memref<80xi32, #tpu.memory_space<vmem>>
    %dma_wait3A_212 = arith.constant 0 : i32
    %dma_wait3A_213 = arith.constant 0 : i32
    %dma_wait3A_214 = tpu.memref_slice %arg11[%dma_wait3A_212, %dma_wait3A_213] : memref<10240x64xf32, #tpu.memory_space<vmem_shared>> -> memref<10240x64xf32, #tpu.memory_space<vmem_shared>>
    tpu.wait_indirect_dma semaphore(%arg13 : memref<!tpu.dma_semaphore, #tpu.memory_space<semaphore_mem>>) src(%dma_wait3A_208 : memref<80x64xf32, #tpu.memory_space<vmem>>) dst(%dma_wait3A_214 : memref<10240x64xf32, #tpu.memory_space<vmem_shared>>)
    %dma_wait3A_215 = arith.constant 0 : i32
    %dma_wait3A_216 = arith.constant 0 : i32
    %dma_wait3A_217 = arith.constant 0 : i32
    %dma_wait3A_218 = arith.constant 0 : i32
    %dma_wait3A_219 = tpu.memref_slice %arg9[%dma_wait3A_215, %dma_wait3A_217, %dma_wait3A_218] : memref<10x80x64xf32, #tpu.memory_space<vmem>> -> memref<1x80x64xf32, #tpu.memory_space<vmem>>
    %dma_wait3A_220 = tpu.memref_squeeze %dma_wait3A_219 : memref<1x80x64xf32, #tpu.memory_space<vmem>> -> memref<80x64xf32, #tpu.memory_space<vmem>>
    %dma_wait3A_221 = arith.constant 0 : i32
    %dma_wait3A_222 = tpu.memref_slice %arg8[%dma_wait3A_216, %dma_wait3A_221] : memref<125x80xi32, #tpu.memory_space<vmem>> -> memref<1x80xi32, #tpu.memory_space<vmem>>
    %dma_wait3A_223 = tpu.memref_squeeze %dma_wait3A_222 : memref<1x80xi32, #tpu.memory_space<vmem>> -> memref<80xi32, #tpu.memory_space<vmem>>
    %dma_wait3A_224 = arith.constant 0 : i32
    %dma_wait3A_225 = arith.constant 0 : i32
    %dma_wait3A_226 = tpu.memref_slice %arg11[%dma_wait3A_224, %dma_wait3A_225] : memref<10240x64xf32, #tpu.memory_space<vmem_shared>> -> memref<10240x64xf32, #tpu.memory_space<vmem_shared>>
    tpu.wait_indirect_dma semaphore(%arg13 : memref<!tpu.dma_semaphore, #tpu.memory_space<semaphore_mem>>) src(%dma_wait3A_220 : memref<80x64xf32, #tpu.memory_space<vmem>>) dst(%dma_wait3A_226 : memref<10240x64xf32, #tpu.memory_space<vmem_shared>>)
    %dma_wait3A_227 = arith.constant 0 : i32
    %dma_wait3A_228 = arith.constant 0 : i32
    %dma_wait3A_229 = arith.constant 0 : i32
    %dma_wait3A_230 = arith.constant 0 : i32
    %dma_wait3A_231 = tpu.memref_slice %arg9[%dma_wait3A_227, %dma_wait3A_229, %dma_wait3A_230] : memref<10x80x64xf32, #tpu.memory_space<vmem>> -> memref<1x80x64xf32, #tpu.memory_space<vmem>>
    %dma_wait3A_232 = tpu.memref_squeeze %dma_wait3A_231 : memref<1x80x64xf32, #tpu.memory_space<vmem>> -> memref<80x64xf32, #tpu.memory_space<vmem>>
    %dma_wait3A_233 = arith.constant 0 : i32
    %dma_wait3A_234 = tpu.memref_slice %arg8[%dma_wait3A_228, %dma_wait3A_233] : memref<125x80xi32, #tpu.memory_space<vmem>> -> memref<1x80xi32, #tpu.memory_space<vmem>>
    %dma_wait3A_235 = tpu.memref_squeeze %dma_wait3A_234 : memref<1x80xi32, #tpu.memory_space<vmem>> -> memref<80xi32, #tpu.memory_space<vmem>>
    %dma_wait3A_236 = arith.constant 0 : i32
    %dma_wait3A_237 = arith.constant 0 : i32
    %dma_wait3A_238 = tpu.memref_slice %arg11[%dma_wait3A_236, %dma_wait3A_237] : memref<10240x64xf32, #tpu.memory_space<vmem_shared>> -> memref<10240x64xf32, #tpu.memory_space<vmem_shared>>
    tpu.wait_indirect_dma semaphore(%arg13 : memref<!tpu.dma_semaphore, #tpu.memory_space<semaphore_mem>>) src(%dma_wait3A_232 : memref<80x64xf32, #tpu.memory_space<vmem>>) dst(%dma_wait3A_238 : memref<10240x64xf32, #tpu.memory_space<vmem_shared>>)
    %dma_wait3A_239 = arith.constant 0 : i32
    %dma_wait3A_240 = arith.constant 0 : i32
    %dma_wait3A_241 = arith.constant 0 : i32
    %dma_wait3A_242 = arith.constant 0 : i32
    %dma_wait3A_243 = tpu.memref_slice %arg9[%dma_wait3A_239, %dma_wait3A_241, %dma_wait3A_242] : memref<10x80x64xf32, #tpu.memory_space<vmem>> -> memref<1x80x64xf32, #tpu.memory_space<vmem>>
    %dma_wait3A_244 = tpu.memref_squeeze %dma_wait3A_243 : memref<1x80x64xf32, #tpu.memory_space<vmem>> -> memref<80x64xf32, #tpu.memory_space<vmem>>
    %dma_wait3A_245 = arith.constant 0 : i32
    %dma_wait3A_246 = tpu.memref_slice %arg8[%dma_wait3A_240, %dma_wait3A_245] : memref<125x80xi32, #tpu.memory_space<vmem>> -> memref<1x80xi32, #tpu.memory_space<vmem>>
    %dma_wait3A_247 = tpu.memref_squeeze %dma_wait3A_246 : memref<1x80xi32, #tpu.memory_space<vmem>> -> memref<80xi32, #tpu.memory_space<vmem>>
    %dma_wait3A_248 = arith.constant 0 : i32
    %dma_wait3A_249 = arith.constant 0 : i32
    %dma_wait3A_250 = tpu.memref_slice %arg11[%dma_wait3A_248, %dma_wait3A_249] : memref<10240x64xf32, #tpu.memory_space<vmem_shared>> -> memref<10240x64xf32, #tpu.memory_space<vmem_shared>>
    tpu.wait_indirect_dma semaphore(%arg13 : memref<!tpu.dma_semaphore, #tpu.memory_space<semaphore_mem>>) src(%dma_wait3A_244 : memref<80x64xf32, #tpu.memory_space<vmem>>) dst(%dma_wait3A_250 : memref<10240x64xf32, #tpu.memory_space<vmem_shared>>)
    %barrier3A_251 = arith.constant 0 : index
    tpu.barrier barrier_id(%barrier3A_251)
    %mul3A_252 = arith.constant 640 : i32
    %mul3A_253 = arith.muli %arg1, %mul3A_252 : i32
    %add3A_254 = arith.constant 0 : i32
    %add3A_255 = arith.addi %mul3A_253, %add3A_254 : i32
    %dma_start3A_256 = arith.constant 0 : i32
    %dma_start3A_257 = arith.constant 0 : i32
    %dma_start3A_258 = arith.constant 0 : i32
    %dma_start3A_259 = tpu.memref_slice %arg9[%dma_start3A_256, %dma_start3A_257, %dma_start3A_258] : memref<10x80x64xf32, #tpu.memory_space<vmem>> -> memref<1x80x64xf32, #tpu.memory_space<vmem>>
    %dma_start3A_260 = tpu.memref_squeeze %dma_start3A_259 : memref<1x80x64xf32, #tpu.memory_space<vmem>> -> memref<80x64xf32, #tpu.memory_space<vmem>>
    %dma_start3A_261 = arith.constant 0 : i32
    %dma_start3A_262 = tpu.memref_slice %arg11[%add3A_255, %dma_start3A_261] : memref<10240x64xf32, #tpu.memory_space<vmem_shared>> -> memref<80x64xf32, #tpu.memory_space<vmem_shared>>
    %dma_start3A_263 = arith.constant 0 : i32
    %dma_start3A_264 = arith.constant 0 : i32
    %dma_start3A_265 = tpu.memref_slice %arg9[%dma_start3A_256, %dma_start3A_263, %dma_start3A_264] : memref<10x80x64xf32, #tpu.memory_space<vmem>> -> memref<1x80x64xf32, #tpu.memory_space<vmem>>
    %dma_start3A_266 = tpu.memref_squeeze %dma_start3A_265 : memref<1x80x64xf32, #tpu.memory_space<vmem>> -> memref<80x64xf32, #tpu.memory_space<vmem>>
    %dma_start3A_267 = arith.constant 0 : i32
    %dma_start3A_268 = tpu.memref_slice %arg11[%add3A_255, %dma_start3A_267] : memref<10240x64xf32, #tpu.memory_space<vmem_shared>> -> memref<80x64xf32, #tpu.memory_space<vmem_shared>>
    tpu.enqueue_dma source(%dma_start3A_268 : memref<80x64xf32, #tpu.memory_space<vmem_shared>>) target(%dma_start3A_266 : memref<80x64xf32, #tpu.memory_space<vmem>>) target_semaphore(%arg12 : memref<!tpu.dma_semaphore, #tpu.memory_space<semaphore_mem>>)
    %mul3A_269 = arith.constant 640 : i32
    %mul3A_270 = arith.muli %arg1, %mul3A_269 : i32
    %add3A_271 = arith.constant 80 : i32
    %add3A_272 = arith.addi %mul3A_270, %add3A_271 : i32
    %dma_start3A_273 = arith.constant 1 : i32
    %dma_start3A_274 = arith.constant 0 : i32
    %dma_start3A_275 = arith.constant 0 : i32
    %dma_start3A_276 = tpu.memref_slice %arg9[%dma_start3A_273, %dma_start3A_274, %dma_start3A_275] : memref<10x80x64xf32, #tpu.memory_space<vmem>> -> memref<1x80x64xf32, #tpu.memory_space<vmem>>
    %dma_start3A_277 = tpu.memref_squeeze %dma_start3A_276 : memref<1x80x64xf32, #tpu.memory_space<vmem>> -> memref<80x64xf32, #tpu.memory_space<vmem>>
    %dma_start3A_278 = arith.constant 0 : i32
    %dma_start3A_279 = tpu.memref_slice %arg11[%add3A_272, %dma_start3A_278] : memref<10240x64xf32, #tpu.memory_space<vmem_shared>> -> memref<80x64xf32, #tpu.memory_space<vmem_shared>>
    %dma_start3A_280 = arith.constant 0 : i32
    %dma_start3A_281 = arith.constant 0 : i32
    %dma_start3A_282 = tpu.memref_slice %arg9[%dma_start3A_273, %dma_start3A_280, %dma_start3A_281] : memref<10x80x64xf32, #tpu.memory_space<vmem>> -> memref<1x80x64xf32, #tpu.memory_space<vmem>>
    %dma_start3A_283 = tpu.memref_squeeze %dma_start3A_282 : memref<1x80x64xf32, #tpu.memory_space<vmem>> -> memref<80x64xf32, #tpu.memory_space<vmem>>
    %dma_start3A_284 = arith.constant 0 : i32
    %dma_start3A_285 = tpu.memref_slice %arg11[%add3A_272, %dma_start3A_284] : memref<10240x64xf32, #tpu.memory_space<vmem_shared>> -> memref<80x64xf32, #tpu.memory_space<vmem_shared>>
    tpu.enqueue_dma source(%dma_start3A_285 : memref<80x64xf32, #tpu.memory_space<vmem_shared>>) target(%dma_start3A_283 : memref<80x64xf32, #tpu.memory_space<vmem>>) target_semaphore(%arg12 : memref<!tpu.dma_semaphore, #tpu.memory_space<semaphore_mem>>)
    %mul3A_286 = arith.constant 640 : i32
    %mul3A_287 = arith.muli %arg1, %mul3A_286 : i32
    %add3A_288 = arith.constant 160 : i32
    %add3A_289 = arith.addi %mul3A_287, %add3A_288 : i32
    %dma_start3A_290 = arith.constant 2 : i32
    %dma_start3A_291 = arith.constant 0 : i32
    %dma_start3A_292 = arith.constant 0 : i32
    %dma_start3A_293 = tpu.memref_slice %arg9[%dma_start3A_290, %dma_start3A_291, %dma_start3A_292] : memref<10x80x64xf32, #tpu.memory_space<vmem>> -> memref<1x80x64xf32, #tpu.memory_space<vmem>>
    %dma_start3A_294 = tpu.memref_squeeze %dma_start3A_293 : memref<1x80x64xf32, #tpu.memory_space<vmem>> -> memref<80x64xf32, #tpu.memory_space<vmem>>
    %dma_start3A_295 = arith.constant 0 : i32
    %dma_start3A_296 = tpu.memref_slice %arg11[%add3A_289, %dma_start3A_295] : memref<10240x64xf32, #tpu.memory_space<vmem_shared>> -> memref<80x64xf32, #tpu.memory_space<vmem_shared>>
    %dma_start3A_297 = arith.constant 0 : i32
    %dma_start3A_298 = arith.constant 0 : i32
    %dma_start3A_299 = tpu.memref_slice %arg9[%dma_start3A_290, %dma_start3A_297, %dma_start3A_298] : memref<10x80x64xf32, #tpu.memory_space<vmem>> -> memref<1x80x64xf32, #tpu.memory_space<vmem>>
    %dma_start3A_300 = tpu.memref_squeeze %dma_start3A_299 : memref<1x80x64xf32, #tpu.memory_space<vmem>> -> memref<80x64xf32, #tpu.memory_space<vmem>>
    %dma_start3A_301 = arith.constant 0 : i32
    %dma_start3A_302 = tpu.memref_slice %arg11[%add3A_289, %dma_start3A_301] : memref<10240x64xf32, #tpu.memory_space<vmem_shared>> -> memref<80x64xf32, #tpu.memory_space<vmem_shared>>
    tpu.enqueue_dma source(%dma_start3A_302 : memref<80x64xf32, #tpu.memory_space<vmem_shared>>) target(%dma_start3A_300 : memref<80x64xf32, #tpu.memory_space<vmem>>) target_semaphore(%arg12 : memref<!tpu.dma_semaphore, #tpu.memory_space<semaphore_mem>>)
    %mul3A_303 = arith.constant 640 : i32
    %mul3A_304 = arith.muli %arg1, %mul3A_303 : i32
    %add3A_305 = arith.constant 240 : i32
    %add3A_306 = arith.addi %mul3A_304, %add3A_305 : i32
    %dma_start3A_307 = arith.constant 3 : i32
    %dma_start3A_308 = arith.constant 0 : i32
    %dma_start3A_309 = arith.constant 0 : i32
    %dma_start3A_310 = tpu.memref_slice %arg9[%dma_start3A_307, %dma_start3A_308, %dma_start3A_309] : memref<10x80x64xf32, #tpu.memory_space<vmem>> -> memref<1x80x64xf32, #tpu.memory_space<vmem>>
    %dma_start3A_311 = tpu.memref_squeeze %dma_start3A_310 : memref<1x80x64xf32, #tpu.memory_space<vmem>> -> memref<80x64xf32, #tpu.memory_space<vmem>>
    %dma_start3A_312 = arith.constant 0 : i32
    %dma_start3A_313 = tpu.memref_slice %arg11[%add3A_306, %dma_start3A_312] : memref<10240x64xf32, #tpu.memory_space<vmem_shared>> -> memref<80x64xf32, #tpu.memory_space<vmem_shared>>
    %dma_start3A_314 = arith.constant 0 : i32
    %dma_start3A_315 = arith.constant 0 : i32
    %dma_start3A_316 = tpu.memref_slice %arg9[%dma_start3A_307, %dma_start3A_314, %dma_start3A_315] : memref<10x80x64xf32, #tpu.memory_space<vmem>> -> memref<1x80x64xf32, #tpu.memory_space<vmem>>
    %dma_start3A_317 = tpu.memref_squeeze %dma_start3A_316 : memref<1x80x64xf32, #tpu.memory_space<vmem>> -> memref<80x64xf32, #tpu.memory_space<vmem>>
    %dma_start3A_318 = arith.constant 0 : i32
    %dma_start3A_319 = tpu.memref_slice %arg11[%add3A_306, %dma_start3A_318] : memref<10240x64xf32, #tpu.memory_space<vmem_shared>> -> memref<80x64xf32, #tpu.memory_space<vmem_shared>>
    tpu.enqueue_dma source(%dma_start3A_319 : memref<80x64xf32, #tpu.memory_space<vmem_shared>>) target(%dma_start3A_317 : memref<80x64xf32, #tpu.memory_space<vmem>>) target_semaphore(%arg12 : memref<!tpu.dma_semaphore, #tpu.memory_space<semaphore_mem>>)
    %mul3A_320 = arith.constant 640 : i32
    %mul3A_321 = arith.muli %arg1, %mul3A_320 : i32
    %add3A_322 = arith.constant 320 : i32
    %add3A_323 = arith.addi %mul3A_321, %add3A_322 : i32
    %dma_start3A_324 = arith.constant 4 : i32
    %dma_start3A_325 = arith.constant 0 : i32
    %dma_start3A_326 = arith.constant 0 : i32
    %dma_start3A_327 = tpu.memref_slice %arg9[%dma_start3A_324, %dma_start3A_325, %dma_start3A_326] : memref<10x80x64xf32, #tpu.memory_space<vmem>> -> memref<1x80x64xf32, #tpu.memory_space<vmem>>
    %dma_start3A_328 = tpu.memref_squeeze %dma_start3A_327 : memref<1x80x64xf32, #tpu.memory_space<vmem>> -> memref<80x64xf32, #tpu.memory_space<vmem>>
    %dma_start3A_329 = arith.constant 0 : i32
    %dma_start3A_330 = tpu.memref_slice %arg11[%add3A_323, %dma_start3A_329] : memref<10240x64xf32, #tpu.memory_space<vmem_shared>> -> memref<80x64xf32, #tpu.memory_space<vmem_shared>>
    %dma_start3A_331 = arith.constant 0 : i32
    %dma_start3A_332 = arith.constant 0 : i32
    %dma_start3A_333 = tpu.memref_slice %arg9[%dma_start3A_324, %dma_start3A_331, %dma_start3A_332] : memref<10x80x64xf32, #tpu.memory_space<vmem>> -> memref<1x80x64xf32, #tpu.memory_space<vmem>>
    %dma_start3A_334 = tpu.memref_squeeze %dma_start3A_333 : memref<1x80x64xf32, #tpu.memory_space<vmem>> -> memref<80x64xf32, #tpu.memory_space<vmem>>
    %dma_start3A_335 = arith.constant 0 : i32
    %dma_start3A_336 = tpu.memref_slice %arg11[%add3A_323, %dma_start3A_335] : memref<10240x64xf32, #tpu.memory_space<vmem_shared>> -> memref<80x64xf32, #tpu.memory_space<vmem_shared>>
    tpu.enqueue_dma source(%dma_start3A_336 : memref<80x64xf32, #tpu.memory_space<vmem_shared>>) target(%dma_start3A_334 : memref<80x64xf32, #tpu.memory_space<vmem>>) target_semaphore(%arg12 : memref<!tpu.dma_semaphore, #tpu.memory_space<semaphore_mem>>)
    %mul3A_337 = arith.constant 640 : i32
    %mul3A_338 = arith.muli %arg1, %mul3A_337 : i32
    %add3A_339 = arith.constant 400 : i32
    %add3A_340 = arith.addi %mul3A_338, %add3A_339 : i32
    %dma_start3A_341 = arith.constant 5 : i32
    %dma_start3A_342 = arith.constant 0 : i32
    %dma_start3A_343 = arith.constant 0 : i32
    %dma_start3A_344 = tpu.memref_slice %arg9[%dma_start3A_341, %dma_start3A_342, %dma_start3A_343] : memref<10x80x64xf32, #tpu.memory_space<vmem>> -> memref<1x80x64xf32, #tpu.memory_space<vmem>>
    %dma_start3A_345 = tpu.memref_squeeze %dma_start3A_344 : memref<1x80x64xf32, #tpu.memory_space<vmem>> -> memref<80x64xf32, #tpu.memory_space<vmem>>
    %dma_start3A_346 = arith.constant 0 : i32
    %dma_start3A_347 = tpu.memref_slice %arg11[%add3A_340, %dma_start3A_346] : memref<10240x64xf32, #tpu.memory_space<vmem_shared>> -> memref<80x64xf32, #tpu.memory_space<vmem_shared>>
    %dma_start3A_348 = arith.constant 0 : i32
    %dma_start3A_349 = arith.constant 0 : i32
    %dma_start3A_350 = tpu.memref_slice %arg9[%dma_start3A_341, %dma_start3A_348, %dma_start3A_349] : memref<10x80x64xf32, #tpu.memory_space<vmem>> -> memref<1x80x64xf32, #tpu.memory_space<vmem>>
    %dma_start3A_351 = tpu.memref_squeeze %dma_start3A_350 : memref<1x80x64xf32, #tpu.memory_space<vmem>> -> memref<80x64xf32, #tpu.memory_space<vmem>>
    %dma_start3A_352 = arith.constant 0 : i32
    %dma_start3A_353 = tpu.memref_slice %arg11[%add3A_340, %dma_start3A_352] : memref<10240x64xf32, #tpu.memory_space<vmem_shared>> -> memref<80x64xf32, #tpu.memory_space<vmem_shared>>
    tpu.enqueue_dma source(%dma_start3A_353 : memref<80x64xf32, #tpu.memory_space<vmem_shared>>) target(%dma_start3A_351 : memref<80x64xf32, #tpu.memory_space<vmem>>) target_semaphore(%arg12 : memref<!tpu.dma_semaphore, #tpu.memory_space<semaphore_mem>>)
    %mul3A_354 = arith.constant 640 : i32
    %mul3A_355 = arith.muli %arg1, %mul3A_354 : i32
    %add3A_356 = arith.constant 480 : i32
    %add3A_357 = arith.addi %mul3A_355, %add3A_356 : i32
    %dma_start3A_358 = arith.constant 6 : i32
    %dma_start3A_359 = arith.constant 0 : i32
    %dma_start3A_360 = arith.constant 0 : i32
    %dma_start3A_361 = tpu.memref_slice %arg9[%dma_start3A_358, %dma_start3A_359, %dma_start3A_360] : memref<10x80x64xf32, #tpu.memory_space<vmem>> -> memref<1x80x64xf32, #tpu.memory_space<vmem>>
    %dma_start3A_362 = tpu.memref_squeeze %dma_start3A_361 : memref<1x80x64xf32, #tpu.memory_space<vmem>> -> memref<80x64xf32, #tpu.memory_space<vmem>>
    %dma_start3A_363 = arith.constant 0 : i32
    %dma_start3A_364 = tpu.memref_slice %arg11[%add3A_357, %dma_start3A_363] : memref<10240x64xf32, #tpu.memory_space<vmem_shared>> -> memref<80x64xf32, #tpu.memory_space<vmem_shared>>
    %dma_start3A_365 = arith.constant 0 : i32
    %dma_start3A_366 = arith.constant 0 : i32
    %dma_start3A_367 = tpu.memref_slice %arg9[%dma_start3A_358, %dma_start3A_365, %dma_start3A_366] : memref<10x80x64xf32, #tpu.memory_space<vmem>> -> memref<1x80x64xf32, #tpu.memory_space<vmem>>
    %dma_start3A_368 = tpu.memref_squeeze %dma_start3A_367 : memref<1x80x64xf32, #tpu.memory_space<vmem>> -> memref<80x64xf32, #tpu.memory_space<vmem>>
    %dma_start3A_369 = arith.constant 0 : i32
    %dma_start3A_370 = tpu.memref_slice %arg11[%add3A_357, %dma_start3A_369] : memref<10240x64xf32, #tpu.memory_space<vmem_shared>> -> memref<80x64xf32, #tpu.memory_space<vmem_shared>>
    tpu.enqueue_dma source(%dma_start3A_370 : memref<80x64xf32, #tpu.memory_space<vmem_shared>>) target(%dma_start3A_368 : memref<80x64xf32, #tpu.memory_space<vmem>>) target_semaphore(%arg12 : memref<!tpu.dma_semaphore, #tpu.memory_space<semaphore_mem>>)
    %mul3A_371 = arith.constant 640 : i32
    %mul3A_372 = arith.muli %arg1, %mul3A_371 : i32
    %add3A_373 = arith.constant 560 : i32
    %add3A_374 = arith.addi %mul3A_372, %add3A_373 : i32
    %dma_start3A_375 = arith.constant 7 : i32
    %dma_start3A_376 = arith.constant 0 : i32
    %dma_start3A_377 = arith.constant 0 : i32
    %dma_start3A_378 = tpu.memref_slice %arg9[%dma_start3A_375, %dma_start3A_376, %dma_start3A_377] : memref<10x80x64xf32, #tpu.memory_space<vmem>> -> memref<1x80x64xf32, #tpu.memory_space<vmem>>
    %dma_start3A_379 = tpu.memref_squeeze %dma_start3A_378 : memref<1x80x64xf32, #tpu.memory_space<vmem>> -> memref<80x64xf32, #tpu.memory_space<vmem>>
    %dma_start3A_380 = arith.constant 0 : i32
    %dma_start3A_381 = tpu.memref_slice %arg11[%add3A_374, %dma_start3A_380] : memref<10240x64xf32, #tpu.memory_space<vmem_shared>> -> memref<80x64xf32, #tpu.memory_space<vmem_shared>>
    %dma_start3A_382 = arith.constant 0 : i32
    %dma_start3A_383 = arith.constant 0 : i32
    %dma_start3A_384 = tpu.memref_slice %arg9[%dma_start3A_375, %dma_start3A_382, %dma_start3A_383] : memref<10x80x64xf32, #tpu.memory_space<vmem>> -> memref<1x80x64xf32, #tpu.memory_space<vmem>>
    %dma_start3A_385 = tpu.memref_squeeze %dma_start3A_384 : memref<1x80x64xf32, #tpu.memory_space<vmem>> -> memref<80x64xf32, #tpu.memory_space<vmem>>
    %dma_start3A_386 = arith.constant 0 : i32
    %dma_start3A_387 = tpu.memref_slice %arg11[%add3A_374, %dma_start3A_386] : memref<10240x64xf32, #tpu.memory_space<vmem_shared>> -> memref<80x64xf32, #tpu.memory_space<vmem_shared>>
    tpu.enqueue_dma source(%dma_start3A_387 : memref<80x64xf32, #tpu.memory_space<vmem_shared>>) target(%dma_start3A_385 : memref<80x64xf32, #tpu.memory_space<vmem>>) target_semaphore(%arg12 : memref<!tpu.dma_semaphore, #tpu.memory_space<semaphore_mem>>)
    %dma_wait3A_388 = arith.constant 0 : i32
    %dma_wait3A_389 = arith.constant 0 : i32
    %dma_wait3A_390 = arith.constant 0 : i32
    %dma_wait3A_391 = tpu.memref_slice %arg9[%dma_wait3A_388, %dma_wait3A_389, %dma_wait3A_390] : memref<10x80x64xf32, #tpu.memory_space<vmem>> -> memref<1x80x64xf32, #tpu.memory_space<vmem>>
    %dma_wait3A_392 = tpu.memref_squeeze %dma_wait3A_391 : memref<1x80x64xf32, #tpu.memory_space<vmem>> -> memref<80x64xf32, #tpu.memory_space<vmem>>
    %dma_wait3A_393 = arith.constant 0 : i32
    %dma_wait3A_394 = tpu.memref_slice %arg11[%add3A_255, %dma_wait3A_393] : memref<10240x64xf32, #tpu.memory_space<vmem_shared>> -> memref<80x64xf32, #tpu.memory_space<vmem_shared>>
    %dma_wait3A_395 = arith.constant 0 : i32
    %dma_wait3A_396 = arith.constant 0 : i32
    %dma_wait3A_397 = tpu.memref_slice %arg9[%dma_wait3A_388, %dma_wait3A_395, %dma_wait3A_396] : memref<10x80x64xf32, #tpu.memory_space<vmem>> -> memref<1x80x64xf32, #tpu.memory_space<vmem>>
    %dma_wait3A_398 = tpu.memref_squeeze %dma_wait3A_397 : memref<1x80x64xf32, #tpu.memory_space<vmem>> -> memref<80x64xf32, #tpu.memory_space<vmem>>
    %dma_wait3A_399 = arith.constant 0 : i32
    %dma_wait3A_400 = tpu.memref_slice %arg11[%add3A_255, %dma_wait3A_399] : memref<10240x64xf32, #tpu.memory_space<vmem_shared>> -> memref<80x64xf32, #tpu.memory_space<vmem_shared>>
    tpu.wait_dma2 semaphore(%arg12 : memref<!tpu.dma_semaphore, #tpu.memory_space<semaphore_mem>>) src(%dma_wait3A_400 : memref<80x64xf32, #tpu.memory_space<vmem_shared>>) dst(%dma_wait3A_398 : memref<80x64xf32, #tpu.memory_space<vmem>>)
    %mul3A_401 = arith.constant 640 : i32
    %mul3A_402 = arith.muli %arg1, %mul3A_401 : i32
    %add3A_403 = arith.constant 0 : i32
    %add3A_404 = arith.addi %mul3A_402, %add3A_403 : i32
    %dma_start3A_405 = arith.constant 0 : i32
    %dma_start3A_406 = arith.constant 0 : i32
    %dma_start3A_407 = arith.constant 0 : i32
    %dma_start3A_408 = tpu.memref_slice %arg9[%dma_start3A_405, %dma_start3A_406, %dma_start3A_407] : memref<10x80x64xf32, #tpu.memory_space<vmem>> -> memref<1x80x64xf32, #tpu.memory_space<vmem>>
    %dma_start3A_409 = tpu.memref_squeeze %dma_start3A_408 : memref<1x80x64xf32, #tpu.memory_space<vmem>> -> memref<80x64xf32, #tpu.memory_space<vmem>>
    %dma_start3A_410 = arith.constant 0 : i32
    %dma_start3A_411 = tpu.memref_slice %arg6[%arg0, %add3A_404, %dma_start3A_410] : memref<2x10240x64xf32, #tpu.memory_space<hbm>> -> memref<1x80x64xf32, #tpu.memory_space<hbm>>
    %dma_start3A_412 = tpu.memref_squeeze %dma_start3A_411 : memref<1x80x64xf32, #tpu.memory_space<hbm>> -> memref<80x64xf32, #tpu.memory_space<hbm>>
    %dma_start3A_413 = arith.constant 0 : i32
    %dma_start3A_414 = tpu.memref_slice %arg6[%arg0, %add3A_404, %dma_start3A_413] : memref<2x10240x64xf32, #tpu.memory_space<hbm>> -> memref<1x80x64xf32, #tpu.memory_space<hbm>>
    %dma_start3A_415 = tpu.memref_squeeze %dma_start3A_414 : memref<1x80x64xf32, #tpu.memory_space<hbm>> -> memref<80x64xf32, #tpu.memory_space<hbm>>
    %dma_start3A_416 = arith.constant 0 : i32
    %dma_start3A_417 = arith.constant 0 : i32
    %dma_start3A_418 = tpu.memref_slice %arg9[%dma_start3A_405, %dma_start3A_416, %dma_start3A_417] : memref<10x80x64xf32, #tpu.memory_space<vmem>> -> memref<1x80x64xf32, #tpu.memory_space<vmem>>
    %dma_start3A_419 = tpu.memref_squeeze %dma_start3A_418 : memref<1x80x64xf32, #tpu.memory_space<vmem>> -> memref<80x64xf32, #tpu.memory_space<vmem>>
    tpu.enqueue_dma source(%dma_start3A_419 : memref<80x64xf32, #tpu.memory_space<vmem>>) target(%dma_start3A_415 : memref<80x64xf32, #tpu.memory_space<hbm>>) target_semaphore(%arg13 : memref<!tpu.dma_semaphore, #tpu.memory_space<semaphore_mem>>)
    %dma_wait3A_420 = arith.constant 1 : i32
    %dma_wait3A_421 = arith.constant 0 : i32
    %dma_wait3A_422 = arith.constant 0 : i32
    %dma_wait3A_423 = tpu.memref_slice %arg9[%dma_wait3A_420, %dma_wait3A_421, %dma_wait3A_422] : memref<10x80x64xf32, #tpu.memory_space<vmem>> -> memref<1x80x64xf32, #tpu.memory_space<vmem>>
    %dma_wait3A_424 = tpu.memref_squeeze %dma_wait3A_423 : memref<1x80x64xf32, #tpu.memory_space<vmem>> -> memref<80x64xf32, #tpu.memory_space<vmem>>
    %dma_wait3A_425 = arith.constant 0 : i32
    %dma_wait3A_426 = tpu.memref_slice %arg11[%add3A_272, %dma_wait3A_425] : memref<10240x64xf32, #tpu.memory_space<vmem_shared>> -> memref<80x64xf32, #tpu.memory_space<vmem_shared>>
    %dma_wait3A_427 = arith.constant 0 : i32
    %dma_wait3A_428 = arith.constant 0 : i32
    %dma_wait3A_429 = tpu.memref_slice %arg9[%dma_wait3A_420, %dma_wait3A_427, %dma_wait3A_428] : memref<10x80x64xf32, #tpu.memory_space<vmem>> -> memref<1x80x64xf32, #tpu.memory_space<vmem>>
    %dma_wait3A_430 = tpu.memref_squeeze %dma_wait3A_429 : memref<1x80x64xf32, #tpu.memory_space<vmem>> -> memref<80x64xf32, #tpu.memory_space<vmem>>
    %dma_wait3A_431 = arith.constant 0 : i32
    %dma_wait3A_432 = tpu.memref_slice %arg11[%add3A_272, %dma_wait3A_431] : memref<10240x64xf32, #tpu.memory_space<vmem_shared>> -> memref<80x64xf32, #tpu.memory_space<vmem_shared>>
    tpu.wait_dma2 semaphore(%arg12 : memref<!tpu.dma_semaphore, #tpu.memory_space<semaphore_mem>>) src(%dma_wait3A_432 : memref<80x64xf32, #tpu.memory_space<vmem_shared>>) dst(%dma_wait3A_430 : memref<80x64xf32, #tpu.memory_space<vmem>>)
    %mul3A_433 = arith.constant 640 : i32
    %mul3A_434 = arith.muli %arg1, %mul3A_433 : i32
    %add3A_435 = arith.constant 80 : i32
    %add3A_436 = arith.addi %mul3A_434, %add3A_435 : i32
    %dma_start3A_437 = arith.constant 1 : i32
    %dma_start3A_438 = arith.constant 0 : i32
    %dma_start3A_439 = arith.constant 0 : i32
    %dma_start3A_440 = tpu.memref_slice %arg9[%dma_start3A_437, %dma_start3A_438, %dma_start3A_439] : memref<10x80x64xf32, #tpu.memory_space<vmem>> -> memref<1x80x64xf32, #tpu.memory_space<vmem>>
    %dma_start3A_441 = tpu.memref_squeeze %dma_start3A_440 : memref<1x80x64xf32, #tpu.memory_space<vmem>> -> memref<80x64xf32, #tpu.memory_space<vmem>>
    %dma_start3A_442 = arith.constant 0 : i32
    %dma_start3A_443 = tpu.memref_slice %arg6[%arg0, %add3A_436, %dma_start3A_442] : memref<2x10240x64xf32, #tpu.memory_space<hbm>> -> memref<1x80x64xf32, #tpu.memory_space<hbm>>
    %dma_start3A_444 = tpu.memref_squeeze %dma_start3A_443 : memref<1x80x64xf32, #tpu.memory_space<hbm>> -> memref<80x64xf32, #tpu.memory_space<hbm>>
    %dma_start3A_445 = arith.constant 0 : i32
    %dma_start3A_446 = tpu.memref_slice %arg6[%arg0, %add3A_436, %dma_start3A_445] : memref<2x10240x64xf32, #tpu.memory_space<hbm>> -> memref<1x80x64xf32, #tpu.memory_space<hbm>>
    %dma_start3A_447 = tpu.memref_squeeze %dma_start3A_446 : memref<1x80x64xf32, #tpu.memory_space<hbm>> -> memref<80x64xf32, #tpu.memory_space<hbm>>
    %dma_start3A_448 = arith.constant 0 : i32
    %dma_start3A_449 = arith.constant 0 : i32
    %dma_start3A_450 = tpu.memref_slice %arg9[%dma_start3A_437, %dma_start3A_448, %dma_start3A_449] : memref<10x80x64xf32, #tpu.memory_space<vmem>> -> memref<1x80x64xf32, #tpu.memory_space<vmem>>
    %dma_start3A_451 = tpu.memref_squeeze %dma_start3A_450 : memref<1x80x64xf32, #tpu.memory_space<vmem>> -> memref<80x64xf32, #tpu.memory_space<vmem>>
    tpu.enqueue_dma source(%dma_start3A_451 : memref<80x64xf32, #tpu.memory_space<vmem>>) target(%dma_start3A_447 : memref<80x64xf32, #tpu.memory_space<hbm>>) target_semaphore(%arg13 : memref<!tpu.dma_semaphore, #tpu.memory_space<semaphore_mem>>)
    %dma_wait3A_452 = arith.constant 2 : i32
    %dma_wait3A_453 = arith.constant 0 : i32
    %dma_wait3A_454 = arith.constant 0 : i32
    %dma_wait3A_455 = tpu.memref_slice %arg9[%dma_wait3A_452, %dma_wait3A_453, %dma_wait3A_454] : memref<10x80x64xf32, #tpu.memory_space<vmem>> -> memref<1x80x64xf32, #tpu.memory_space<vmem>>
    %dma_wait3A_456 = tpu.memref_squeeze %dma_wait3A_455 : memref<1x80x64xf32, #tpu.memory_space<vmem>> -> memref<80x64xf32, #tpu.memory_space<vmem>>
    %dma_wait3A_457 = arith.constant 0 : i32
    %dma_wait3A_458 = tpu.memref_slice %arg11[%add3A_289, %dma_wait3A_457] : memref<10240x64xf32, #tpu.memory_space<vmem_shared>> -> memref<80x64xf32, #tpu.memory_space<vmem_shared>>
    %dma_wait3A_459 = arith.constant 0 : i32
    %dma_wait3A_460 = arith.constant 0 : i32
    %dma_wait3A_461 = tpu.memref_slice %arg9[%dma_wait3A_452, %dma_wait3A_459, %dma_wait3A_460] : memref<10x80x64xf32, #tpu.memory_space<vmem>> -> memref<1x80x64xf32, #tpu.memory_space<vmem>>
    %dma_wait3A_462 = tpu.memref_squeeze %dma_wait3A_461 : memref<1x80x64xf32, #tpu.memory_space<vmem>> -> memref<80x64xf32, #tpu.memory_space<vmem>>
    %dma_wait3A_463 = arith.constant 0 : i32
    %dma_wait3A_464 = tpu.memref_slice %arg11[%add3A_289, %dma_wait3A_463] : memref<10240x64xf32, #tpu.memory_space<vmem_shared>> -> memref<80x64xf32, #tpu.memory_space<vmem_shared>>
    tpu.wait_dma2 semaphore(%arg12 : memref<!tpu.dma_semaphore, #tpu.memory_space<semaphore_mem>>) src(%dma_wait3A_464 : memref<80x64xf32, #tpu.memory_space<vmem_shared>>) dst(%dma_wait3A_462 : memref<80x64xf32, #tpu.memory_space<vmem>>)
    %mul3A_465 = arith.constant 640 : i32
    %mul3A_466 = arith.muli %arg1, %mul3A_465 : i32
    %add3A_467 = arith.constant 160 : i32
    %add3A_468 = arith.addi %mul3A_466, %add3A_467 : i32
    %dma_start3A_469 = arith.constant 2 : i32
    %dma_start3A_470 = arith.constant 0 : i32
    %dma_start3A_471 = arith.constant 0 : i32
    %dma_start3A_472 = tpu.memref_slice %arg9[%dma_start3A_469, %dma_start3A_470, %dma_start3A_471] : memref<10x80x64xf32, #tpu.memory_space<vmem>> -> memref<1x80x64xf32, #tpu.memory_space<vmem>>
    %dma_start3A_473 = tpu.memref_squeeze %dma_start3A_472 : memref<1x80x64xf32, #tpu.memory_space<vmem>> -> memref<80x64xf32, #tpu.memory_space<vmem>>
    %dma_start3A_474 = arith.constant 0 : i32
    %dma_start3A_475 = tpu.memref_slice %arg6[%arg0, %add3A_468, %dma_start3A_474] : memref<2x10240x64xf32, #tpu.memory_space<hbm>> -> memref<1x80x64xf32, #tpu.memory_space<hbm>>
    %dma_start3A_476 = tpu.memref_squeeze %dma_start3A_475 : memref<1x80x64xf32, #tpu.memory_space<hbm>> -> memref<80x64xf32, #tpu.memory_space<hbm>>
    %dma_start3A_477 = arith.constant 0 : i32
    %dma_start3A_478 = tpu.memref_slice %arg6[%arg0, %add3A_468, %dma_start3A_477] : memref<2x10240x64xf32, #tpu.memory_space<hbm>> -> memref<1x80x64xf32, #tpu.memory_space<hbm>>
    %dma_start3A_479 = tpu.memref_squeeze %dma_start3A_478 : memref<1x80x64xf32, #tpu.memory_space<hbm>> -> memref<80x64xf32, #tpu.memory_space<hbm>>
    %dma_start3A_480 = arith.constant 0 : i32
    %dma_start3A_481 = arith.constant 0 : i32
    %dma_start3A_482 = tpu.memref_slice %arg9[%dma_start3A_469, %dma_start3A_480, %dma_start3A_481] : memref<10x80x64xf32, #tpu.memory_space<vmem>> -> memref<1x80x64xf32, #tpu.memory_space<vmem>>
    %dma_start3A_483 = tpu.memref_squeeze %dma_start3A_482 : memref<1x80x64xf32, #tpu.memory_space<vmem>> -> memref<80x64xf32, #tpu.memory_space<vmem>>
    tpu.enqueue_dma source(%dma_start3A_483 : memref<80x64xf32, #tpu.memory_space<vmem>>) target(%dma_start3A_479 : memref<80x64xf32, #tpu.memory_space<hbm>>) target_semaphore(%arg13 : memref<!tpu.dma_semaphore, #tpu.memory_space<semaphore_mem>>)
    %dma_wait3A_484 = arith.constant 3 : i32
    %dma_wait3A_485 = arith.constant 0 : i32
    %dma_wait3A_486 = arith.constant 0 : i32
    %dma_wait3A_487 = tpu.memref_slice %arg9[%dma_wait3A_484, %dma_wait3A_485, %dma_wait3A_486] : memref<10x80x64xf32, #tpu.memory_space<vmem>> -> memref<1x80x64xf32, #tpu.memory_space<vmem>>
    %dma_wait3A_488 = tpu.memref_squeeze %dma_wait3A_487 : memref<1x80x64xf32, #tpu.memory_space<vmem>> -> memref<80x64xf32, #tpu.memory_space<vmem>>
    %dma_wait3A_489 = arith.constant 0 : i32
    %dma_wait3A_490 = tpu.memref_slice %arg11[%add3A_306, %dma_wait3A_489] : memref<10240x64xf32, #tpu.memory_space<vmem_shared>> -> memref<80x64xf32, #tpu.memory_space<vmem_shared>>
    %dma_wait3A_491 = arith.constant 0 : i32
    %dma_wait3A_492 = arith.constant 0 : i32
    %dma_wait3A_493 = tpu.memref_slice %arg9[%dma_wait3A_484, %dma_wait3A_491, %dma_wait3A_492] : memref<10x80x64xf32, #tpu.memory_space<vmem>> -> memref<1x80x64xf32, #tpu.memory_space<vmem>>
    %dma_wait3A_494 = tpu.memref_squeeze %dma_wait3A_493 : memref<1x80x64xf32, #tpu.memory_space<vmem>> -> memref<80x64xf32, #tpu.memory_space<vmem>>
    %dma_wait3A_495 = arith.constant 0 : i32
    %dma_wait3A_496 = tpu.memref_slice %arg11[%add3A_306, %dma_wait3A_495] : memref<10240x64xf32, #tpu.memory_space<vmem_shared>> -> memref<80x64xf32, #tpu.memory_space<vmem_shared>>
    tpu.wait_dma2 semaphore(%arg12 : memref<!tpu.dma_semaphore, #tpu.memory_space<semaphore_mem>>) src(%dma_wait3A_496 : memref<80x64xf32, #tpu.memory_space<vmem_shared>>) dst(%dma_wait3A_494 : memref<80x64xf32, #tpu.memory_space<vmem>>)
    %mul3A_497 = arith.constant 640 : i32
    %mul3A_498 = arith.muli %arg1, %mul3A_497 : i32
    %add3A_499 = arith.constant 240 : i32
    %add3A_500 = arith.addi %mul3A_498, %add3A_499 : i32
    %dma_start3A_501 = arith.constant 3 : i32
    %dma_start3A_502 = arith.constant 0 : i32
    %dma_start3A_503 = arith.constant 0 : i32
    %dma_start3A_504 = tpu.memref_slice %arg9[%dma_start3A_501, %dma_start3A_502, %dma_start3A_503] : memref<10x80x64xf32, #tpu.memory_space<vmem>> -> memref<1x80x64xf32, #tpu.memory_space<vmem>>
    %dma_start3A_505 = tpu.memref_squeeze %dma_start3A_504 : memref<1x80x64xf32, #tpu.memory_space<vmem>> -> memref<80x64xf32, #tpu.memory_space<vmem>>
    %dma_start3A_506 = arith.constant 0 : i32
    %dma_start3A_507 = tpu.memref_slice %arg6[%arg0, %add3A_500, %dma_start3A_506] : memref<2x10240x64xf32, #tpu.memory_space<hbm>> -> memref<1x80x64xf32, #tpu.memory_space<hbm>>
    %dma_start3A_508 = tpu.memref_squeeze %dma_start3A_507 : memref<1x80x64xf32, #tpu.memory_space<hbm>> -> memref<80x64xf32, #tpu.memory_space<hbm>>
    %dma_start3A_509 = arith.constant 0 : i32
    %dma_start3A_510 = tpu.memref_slice %arg6[%arg0, %add3A_500, %dma_start3A_509] : memref<2x10240x64xf32, #tpu.memory_space<hbm>> -> memref<1x80x64xf32, #tpu.memory_space<hbm>>
    %dma_start3A_511 = tpu.memref_squeeze %dma_start3A_510 : memref<1x80x64xf32, #tpu.memory_space<hbm>> -> memref<80x64xf32, #tpu.memory_space<hbm>>
    %dma_start3A_512 = arith.constant 0 : i32
    %dma_start3A_513 = arith.constant 0 : i32
    %dma_start3A_514 = tpu.memref_slice %arg9[%dma_start3A_501, %dma_start3A_512, %dma_start3A_513] : memref<10x80x64xf32, #tpu.memory_space<vmem>> -> memref<1x80x64xf32, #tpu.memory_space<vmem>>
    %dma_start3A_515 = tpu.memref_squeeze %dma_start3A_514 : memref<1x80x64xf32, #tpu.memory_space<vmem>> -> memref<80x64xf32, #tpu.memory_space<vmem>>
    tpu.enqueue_dma source(%dma_start3A_515 : memref<80x64xf32, #tpu.memory_space<vmem>>) target(%dma_start3A_511 : memref<80x64xf32, #tpu.memory_space<hbm>>) target_semaphore(%arg13 : memref<!tpu.dma_semaphore, #tpu.memory_space<semaphore_mem>>)
    %dma_wait3A_516 = arith.constant 4 : i32
    %dma_wait3A_517 = arith.constant 0 : i32
    %dma_wait3A_518 = arith.constant 0 : i32
    %dma_wait3A_519 = tpu.memref_slice %arg9[%dma_wait3A_516, %dma_wait3A_517, %dma_wait3A_518] : memref<10x80x64xf32, #tpu.memory_space<vmem>> -> memref<1x80x64xf32, #tpu.memory_space<vmem>>
    %dma_wait3A_520 = tpu.memref_squeeze %dma_wait3A_519 : memref<1x80x64xf32, #tpu.memory_space<vmem>> -> memref<80x64xf32, #tpu.memory_space<vmem>>
    %dma_wait3A_521 = arith.constant 0 : i32
    %dma_wait3A_522 = tpu.memref_slice %arg11[%add3A_323, %dma_wait3A_521] : memref<10240x64xf32, #tpu.memory_space<vmem_shared>> -> memref<80x64xf32, #tpu.memory_space<vmem_shared>>
    %dma_wait3A_523 = arith.constant 0 : i32
    %dma_wait3A_524 = arith.constant 0 : i32
    %dma_wait3A_525 = tpu.memref_slice %arg9[%dma_wait3A_516, %dma_wait3A_523, %dma_wait3A_524] : memref<10x80x64xf32, #tpu.memory_space<vmem>> -> memref<1x80x64xf32, #tpu.memory_space<vmem>>
    %dma_wait3A_526 = tpu.memref_squeeze %dma_wait3A_525 : memref<1x80x64xf32, #tpu.memory_space<vmem>> -> memref<80x64xf32, #tpu.memory_space<vmem>>
    %dma_wait3A_527 = arith.constant 0 : i32
    %dma_wait3A_528 = tpu.memref_slice %arg11[%add3A_323, %dma_wait3A_527] : memref<10240x64xf32, #tpu.memory_space<vmem_shared>> -> memref<80x64xf32, #tpu.memory_space<vmem_shared>>
    tpu.wait_dma2 semaphore(%arg12 : memref<!tpu.dma_semaphore, #tpu.memory_space<semaphore_mem>>) src(%dma_wait3A_528 : memref<80x64xf32, #tpu.memory_space<vmem_shared>>) dst(%dma_wait3A_526 : memref<80x64xf32, #tpu.memory_space<vmem>>)
    %mul3A_529 = arith.constant 640 : i32
    %mul3A_530 = arith.muli %arg1, %mul3A_529 : i32
    %add3A_531 = arith.constant 320 : i32
    %add3A_532 = arith.addi %mul3A_530, %add3A_531 : i32
    %dma_start3A_533 = arith.constant 4 : i32
    %dma_start3A_534 = arith.constant 0 : i32
    %dma_start3A_535 = arith.constant 0 : i32
    %dma_start3A_536 = tpu.memref_slice %arg9[%dma_start3A_533, %dma_start3A_534, %dma_start3A_535] : memref<10x80x64xf32, #tpu.memory_space<vmem>> -> memref<1x80x64xf32, #tpu.memory_space<vmem>>
    %dma_start3A_537 = tpu.memref_squeeze %dma_start3A_536 : memref<1x80x64xf32, #tpu.memory_space<vmem>> -> memref<80x64xf32, #tpu.memory_space<vmem>>
    %dma_start3A_538 = arith.constant 0 : i32
    %dma_start3A_539 = tpu.memref_slice %arg6[%arg0, %add3A_532, %dma_start3A_538] : memref<2x10240x64xf32, #tpu.memory_space<hbm>> -> memref<1x80x64xf32, #tpu.memory_space<hbm>>
    %dma_start3A_540 = tpu.memref_squeeze %dma_start3A_539 : memref<1x80x64xf32, #tpu.memory_space<hbm>> -> memref<80x64xf32, #tpu.memory_space<hbm>>
    %dma_start3A_541 = arith.constant 0 : i32
    %dma_start3A_542 = tpu.memref_slice %arg6[%arg0, %add3A_532, %dma_start3A_541] : memref<2x10240x64xf32, #tpu.memory_space<hbm>> -> memref<1x80x64xf32, #tpu.memory_space<hbm>>
    %dma_start3A_543 = tpu.memref_squeeze %dma_start3A_542 : memref<1x80x64xf32, #tpu.memory_space<hbm>> -> memref<80x64xf32, #tpu.memory_space<hbm>>
    %dma_start3A_544 = arith.constant 0 : i32
    %dma_start3A_545 = arith.constant 0 : i32
    %dma_start3A_546 = tpu.memref_slice %arg9[%dma_start3A_533, %dma_start3A_544, %dma_start3A_545] : memref<10x80x64xf32, #tpu.memory_space<vmem>> -> memref<1x80x64xf32, #tpu.memory_space<vmem>>
    %dma_start3A_547 = tpu.memref_squeeze %dma_start3A_546 : memref<1x80x64xf32, #tpu.memory_space<vmem>> -> memref<80x64xf32, #tpu.memory_space<vmem>>
    tpu.enqueue_dma source(%dma_start3A_547 : memref<80x64xf32, #tpu.memory_space<vmem>>) target(%dma_start3A_543 : memref<80x64xf32, #tpu.memory_space<hbm>>) target_semaphore(%arg13 : memref<!tpu.dma_semaphore, #tpu.memory_space<semaphore_mem>>)
    %dma_wait3A_548 = arith.constant 5 : i32
    %dma_wait3A_549 = arith.constant 0 : i32
    %dma_wait3A_550 = arith.constant 0 : i32
    %dma_wait3A_551 = tpu.memref_slice %arg9[%dma_wait3A_548, %dma_wait3A_549, %dma_wait3A_550] : memref<10x80x64xf32, #tpu.memory_space<vmem>> -> memref<1x80x64xf32, #tpu.memory_space<vmem>>
    %dma_wait3A_552 = tpu.memref_squeeze %dma_wait3A_551 : memref<1x80x64xf32, #tpu.memory_space<vmem>> -> memref<80x64xf32, #tpu.memory_space<vmem>>
    %dma_wait3A_553 = arith.constant 0 : i32
    %dma_wait3A_554 = tpu.memref_slice %arg11[%add3A_340, %dma_wait3A_553] : memref<10240x64xf32, #tpu.memory_space<vmem_shared>> -> memref<80x64xf32, #tpu.memory_space<vmem_shared>>
    %dma_wait3A_555 = arith.constant 0 : i32
    %dma_wait3A_556 = arith.constant 0 : i32
    %dma_wait3A_557 = tpu.memref_slice %arg9[%dma_wait3A_548, %dma_wait3A_555, %dma_wait3A_556] : memref<10x80x64xf32, #tpu.memory_space<vmem>> -> memref<1x80x64xf32, #tpu.memory_space<vmem>>
    %dma_wait3A_558 = tpu.memref_squeeze %dma_wait3A_557 : memref<1x80x64xf32, #tpu.memory_space<vmem>> -> memref<80x64xf32, #tpu.memory_space<vmem>>
    %dma_wait3A_559 = arith.constant 0 : i32
    %dma_wait3A_560 = tpu.memref_slice %arg11[%add3A_340, %dma_wait3A_559] : memref<10240x64xf32, #tpu.memory_space<vmem_shared>> -> memref<80x64xf32, #tpu.memory_space<vmem_shared>>
    tpu.wait_dma2 semaphore(%arg12 : memref<!tpu.dma_semaphore, #tpu.memory_space<semaphore_mem>>) src(%dma_wait3A_560 : memref<80x64xf32, #tpu.memory_space<vmem_shared>>) dst(%dma_wait3A_558 : memref<80x64xf32, #tpu.memory_space<vmem>>)
    %mul3A_561 = arith.constant 640 : i32
    %mul3A_562 = arith.muli %arg1, %mul3A_561 : i32
    %add3A_563 = arith.constant 400 : i32
    %add3A_564 = arith.addi %mul3A_562, %add3A_563 : i32
    %dma_start3A_565 = arith.constant 5 : i32
    %dma_start3A_566 = arith.constant 0 : i32
    %dma_start3A_567 = arith.constant 0 : i32
    %dma_start3A_568 = tpu.memref_slice %arg9[%dma_start3A_565, %dma_start3A_566, %dma_start3A_567] : memref<10x80x64xf32, #tpu.memory_space<vmem>> -> memref<1x80x64xf32, #tpu.memory_space<vmem>>
    %dma_start3A_569 = tpu.memref_squeeze %dma_start3A_568 : memref<1x80x64xf32, #tpu.memory_space<vmem>> -> memref<80x64xf32, #tpu.memory_space<vmem>>
    %dma_start3A_570 = arith.constant 0 : i32
    %dma_start3A_571 = tpu.memref_slice %arg6[%arg0, %add3A_564, %dma_start3A_570] : memref<2x10240x64xf32, #tpu.memory_space<hbm>> -> memref<1x80x64xf32, #tpu.memory_space<hbm>>
    %dma_start3A_572 = tpu.memref_squeeze %dma_start3A_571 : memref<1x80x64xf32, #tpu.memory_space<hbm>> -> memref<80x64xf32, #tpu.memory_space<hbm>>
    %dma_start3A_573 = arith.constant 0 : i32
    %dma_start3A_574 = tpu.memref_slice %arg6[%arg0, %add3A_564, %dma_start3A_573] : memref<2x10240x64xf32, #tpu.memory_space<hbm>> -> memref<1x80x64xf32, #tpu.memory_space<hbm>>
    %dma_start3A_575 = tpu.memref_squeeze %dma_start3A_574 : memref<1x80x64xf32, #tpu.memory_space<hbm>> -> memref<80x64xf32, #tpu.memory_space<hbm>>
    %dma_start3A_576 = arith.constant 0 : i32
    %dma_start3A_577 = arith.constant 0 : i32
    %dma_start3A_578 = tpu.memref_slice %arg9[%dma_start3A_565, %dma_start3A_576, %dma_start3A_577] : memref<10x80x64xf32, #tpu.memory_space<vmem>> -> memref<1x80x64xf32, #tpu.memory_space<vmem>>
    %dma_start3A_579 = tpu.memref_squeeze %dma_start3A_578 : memref<1x80x64xf32, #tpu.memory_space<vmem>> -> memref<80x64xf32, #tpu.memory_space<vmem>>
    tpu.enqueue_dma source(%dma_start3A_579 : memref<80x64xf32, #tpu.memory_space<vmem>>) target(%dma_start3A_575 : memref<80x64xf32, #tpu.memory_space<hbm>>) target_semaphore(%arg13 : memref<!tpu.dma_semaphore, #tpu.memory_space<semaphore_mem>>)
    %dma_wait3A_580 = arith.constant 6 : i32
    %dma_wait3A_581 = arith.constant 0 : i32
    %dma_wait3A_582 = arith.constant 0 : i32
    %dma_wait3A_583 = tpu.memref_slice %arg9[%dma_wait3A_580, %dma_wait3A_581, %dma_wait3A_582] : memref<10x80x64xf32, #tpu.memory_space<vmem>> -> memref<1x80x64xf32, #tpu.memory_space<vmem>>
    %dma_wait3A_584 = tpu.memref_squeeze %dma_wait3A_583 : memref<1x80x64xf32, #tpu.memory_space<vmem>> -> memref<80x64xf32, #tpu.memory_space<vmem>>
    %dma_wait3A_585 = arith.constant 0 : i32
    %dma_wait3A_586 = tpu.memref_slice %arg11[%add3A_357, %dma_wait3A_585] : memref<10240x64xf32, #tpu.memory_space<vmem_shared>> -> memref<80x64xf32, #tpu.memory_space<vmem_shared>>
    %dma_wait3A_587 = arith.constant 0 : i32
    %dma_wait3A_588 = arith.constant 0 : i32
    %dma_wait3A_589 = tpu.memref_slice %arg9[%dma_wait3A_580, %dma_wait3A_587, %dma_wait3A_588] : memref<10x80x64xf32, #tpu.memory_space<vmem>> -> memref<1x80x64xf32, #tpu.memory_space<vmem>>
    %dma_wait3A_590 = tpu.memref_squeeze %dma_wait3A_589 : memref<1x80x64xf32, #tpu.memory_space<vmem>> -> memref<80x64xf32, #tpu.memory_space<vmem>>
    %dma_wait3A_591 = arith.constant 0 : i32
    %dma_wait3A_592 = tpu.memref_slice %arg11[%add3A_357, %dma_wait3A_591] : memref<10240x64xf32, #tpu.memory_space<vmem_shared>> -> memref<80x64xf32, #tpu.memory_space<vmem_shared>>
    tpu.wait_dma2 semaphore(%arg12 : memref<!tpu.dma_semaphore, #tpu.memory_space<semaphore_mem>>) src(%dma_wait3A_592 : memref<80x64xf32, #tpu.memory_space<vmem_shared>>) dst(%dma_wait3A_590 : memref<80x64xf32, #tpu.memory_space<vmem>>)
    %mul3A_593 = arith.constant 640 : i32
    %mul3A_594 = arith.muli %arg1, %mul3A_593 : i32
    %add3A_595 = arith.constant 480 : i32
    %add3A_596 = arith.addi %mul3A_594, %add3A_595 : i32
    %dma_start3A_597 = arith.constant 6 : i32
    %dma_start3A_598 = arith.constant 0 : i32
    %dma_start3A_599 = arith.constant 0 : i32
    %dma_start3A_600 = tpu.memref_slice %arg9[%dma_start3A_597, %dma_start3A_598, %dma_start3A_599] : memref<10x80x64xf32, #tpu.memory_space<vmem>> -> memref<1x80x64xf32, #tpu.memory_space<vmem>>
    %dma_start3A_601 = tpu.memref_squeeze %dma_start3A_600 : memref<1x80x64xf32, #tpu.memory_space<vmem>> -> memref<80x64xf32, #tpu.memory_space<vmem>>
    %dma_start3A_602 = arith.constant 0 : i32
    %dma_start3A_603 = tpu.memref_slice %arg6[%arg0, %add3A_596, %dma_start3A_602] : memref<2x10240x64xf32, #tpu.memory_space<hbm>> -> memref<1x80x64xf32, #tpu.memory_space<hbm>>
    %dma_start3A_604 = tpu.memref_squeeze %dma_start3A_603 : memref<1x80x64xf32, #tpu.memory_space<hbm>> -> memref<80x64xf32, #tpu.memory_space<hbm>>
    %dma_start3A_605 = arith.constant 0 : i32
    %dma_start3A_606 = tpu.memref_slice %arg6[%arg0, %add3A_596, %dma_start3A_605] : memref<2x10240x64xf32, #tpu.memory_space<hbm>> -> memref<1x80x64xf32, #tpu.memory_space<hbm>>
    %dma_start3A_607 = tpu.memref_squeeze %dma_start3A_606 : memref<1x80x64xf32, #tpu.memory_space<hbm>> -> memref<80x64xf32, #tpu.memory_space<hbm>>
    %dma_start3A_608 = arith.constant 0 : i32
    %dma_start3A_609 = arith.constant 0 : i32
    %dma_start3A_610 = tpu.memref_slice %arg9[%dma_start3A_597, %dma_start3A_608, %dma_start3A_609] : memref<10x80x64xf32, #tpu.memory_space<vmem>> -> memref<1x80x64xf32, #tpu.memory_space<vmem>>
    %dma_start3A_611 = tpu.memref_squeeze %dma_start3A_610 : memref<1x80x64xf32, #tpu.memory_space<vmem>> -> memref<80x64xf32, #tpu.memory_space<vmem>>
    tpu.enqueue_dma source(%dma_start3A_611 : memref<80x64xf32, #tpu.memory_space<vmem>>) target(%dma_start3A_607 : memref<80x64xf32, #tpu.memory_space<hbm>>) target_semaphore(%arg13 : memref<!tpu.dma_semaphore, #tpu.memory_space<semaphore_mem>>)
    %dma_wait3A_612 = arith.constant 7 : i32
    %dma_wait3A_613 = arith.constant 0 : i32
    %dma_wait3A_614 = arith.constant 0 : i32
    %dma_wait3A_615 = tpu.memref_slice %arg9[%dma_wait3A_612, %dma_wait3A_613, %dma_wait3A_614] : memref<10x80x64xf32, #tpu.memory_space<vmem>> -> memref<1x80x64xf32, #tpu.memory_space<vmem>>
    %dma_wait3A_616 = tpu.memref_squeeze %dma_wait3A_615 : memref<1x80x64xf32, #tpu.memory_space<vmem>> -> memref<80x64xf32, #tpu.memory_space<vmem>>
    %dma_wait3A_617 = arith.constant 0 : i32
    %dma_wait3A_618 = tpu.memref_slice %arg11[%add3A_374, %dma_wait3A_617] : memref<10240x64xf32, #tpu.memory_space<vmem_shared>> -> memref<80x64xf32, #tpu.memory_space<vmem_shared>>
    %dma_wait3A_619 = arith.constant 0 : i32
    %dma_wait3A_620 = arith.constant 0 : i32
    %dma_wait3A_621 = tpu.memref_slice %arg9[%dma_wait3A_612, %dma_wait3A_619, %dma_wait3A_620] : memref<10x80x64xf32, #tpu.memory_space<vmem>> -> memref<1x80x64xf32, #tpu.memory_space<vmem>>
    %dma_wait3A_622 = tpu.memref_squeeze %dma_wait3A_621 : memref<1x80x64xf32, #tpu.memory_space<vmem>> -> memref<80x64xf32, #tpu.memory_space<vmem>>
    %dma_wait3A_623 = arith.constant 0 : i32
    %dma_wait3A_624 = tpu.memref_slice %arg11[%add3A_374, %dma_wait3A_623] : memref<10240x64xf32, #tpu.memory_space<vmem_shared>> -> memref<80x64xf32, #tpu.memory_space<vmem_shared>>
    tpu.wait_dma2 semaphore(%arg12 : memref<!tpu.dma_semaphore, #tpu.memory_space<semaphore_mem>>) src(%dma_wait3A_624 : memref<80x64xf32, #tpu.memory_space<vmem_shared>>) dst(%dma_wait3A_622 : memref<80x64xf32, #tpu.memory_space<vmem>>)
    %mul3A_625 = arith.constant 640 : i32
    %mul3A_626 = arith.muli %arg1, %mul3A_625 : i32
    %add3A_627 = arith.constant 560 : i32
    %add3A_628 = arith.addi %mul3A_626, %add3A_627 : i32
    %dma_start3A_629 = arith.constant 7 : i32
    %dma_start3A_630 = arith.constant 0 : i32
    %dma_start3A_631 = arith.constant 0 : i32
    %dma_start3A_632 = tpu.memref_slice %arg9[%dma_start3A_629, %dma_start3A_630, %dma_start3A_631] : memref<10x80x64xf32, #tpu.memory_space<vmem>> -> memref<1x80x64xf32, #tpu.memory_space<vmem>>
    %dma_start3A_633 = tpu.memref_squeeze %dma_start3A_632 : memref<1x80x64xf32, #tpu.memory_space<vmem>> -> memref<80x64xf32, #tpu.memory_space<vmem>>
    %dma_start3A_634 = arith.constant 0 : i32
    %dma_start3A_635 = tpu.memref_slice %arg6[%arg0, %add3A_628, %dma_start3A_634] : memref<2x10240x64xf32, #tpu.memory_space<hbm>> -> memref<1x80x64xf32, #tpu.memory_space<hbm>>
    %dma_start3A_636 = tpu.memref_squeeze %dma_start3A_635 : memref<1x80x64xf32, #tpu.memory_space<hbm>> -> memref<80x64xf32, #tpu.memory_space<hbm>>
    %dma_start3A_637 = arith.constant 0 : i32
    %dma_start3A_638 = tpu.memref_slice %arg6[%arg0, %add3A_628, %dma_start3A_637] : memref<2x10240x64xf32, #tpu.memory_space<hbm>> -> memref<1x80x64xf32, #tpu.memory_space<hbm>>
    %dma_start3A_639 = tpu.memref_squeeze %dma_start3A_638 : memref<1x80x64xf32, #tpu.memory_space<hbm>> -> memref<80x64xf32, #tpu.memory_space<hbm>>
    %dma_start3A_640 = arith.constant 0 : i32
    %dma_start3A_641 = arith.constant 0 : i32
    %dma_start3A_642 = tpu.memref_slice %arg9[%dma_start3A_629, %dma_start3A_640, %dma_start3A_641] : memref<10x80x64xf32, #tpu.memory_space<vmem>> -> memref<1x80x64xf32, #tpu.memory_space<vmem>>
    %dma_start3A_643 = tpu.memref_squeeze %dma_start3A_642 : memref<1x80x64xf32, #tpu.memory_space<vmem>> -> memref<80x64xf32, #tpu.memory_space<vmem>>
    tpu.enqueue_dma source(%dma_start3A_643 : memref<80x64xf32, #tpu.memory_space<vmem>>) target(%dma_start3A_639 : memref<80x64xf32, #tpu.memory_space<hbm>>) target_semaphore(%arg13 : memref<!tpu.dma_semaphore, #tpu.memory_space<semaphore_mem>>)
    %dma_wait3A_644 = arith.constant 0 : i32
    %dma_wait3A_645 = arith.constant 0 : i32
    %dma_wait3A_646 = arith.constant 0 : i32
    %dma_wait3A_647 = tpu.memref_slice %arg9[%dma_wait3A_644, %dma_wait3A_645, %dma_wait3A_646] : memref<10x80x64xf32, #tpu.memory_space<vmem>> -> memref<1x80x64xf32, #tpu.memory_space<vmem>>
    %dma_wait3A_648 = tpu.memref_squeeze %dma_wait3A_647 : memref<1x80x64xf32, #tpu.memory_space<vmem>> -> memref<80x64xf32, #tpu.memory_space<vmem>>
    %dma_wait3A_649 = arith.constant 0 : i32
    %dma_wait3A_650 = tpu.memref_slice %arg6[%arg0, %add3A_404, %dma_wait3A_649] : memref<2x10240x64xf32, #tpu.memory_space<hbm>> -> memref<1x80x64xf32, #tpu.memory_space<hbm>>
    %dma_wait3A_651 = tpu.memref_squeeze %dma_wait3A_650 : memref<1x80x64xf32, #tpu.memory_space<hbm>> -> memref<80x64xf32, #tpu.memory_space<hbm>>
    %dma_wait3A_652 = arith.constant 0 : i32
    %dma_wait3A_653 = tpu.memref_slice %arg6[%arg0, %add3A_404, %dma_wait3A_652] : memref<2x10240x64xf32, #tpu.memory_space<hbm>> -> memref<1x80x64xf32, #tpu.memory_space<hbm>>
    %dma_wait3A_654 = tpu.memref_squeeze %dma_wait3A_653 : memref<1x80x64xf32, #tpu.memory_space<hbm>> -> memref<80x64xf32, #tpu.memory_space<hbm>>
    %dma_wait3A_655 = arith.constant 0 : i32
    %dma_wait3A_656 = arith.constant 0 : i32
    %dma_wait3A_657 = tpu.memref_slice %arg9[%dma_wait3A_644, %dma_wait3A_655, %dma_wait3A_656] : memref<10x80x64xf32, #tpu.memory_space<vmem>> -> memref<1x80x64xf32, #tpu.memory_space<vmem>>
    %dma_wait3A_658 = tpu.memref_squeeze %dma_wait3A_657 : memref<1x80x64xf32, #tpu.memory_space<vmem>> -> memref<80x64xf32, #tpu.memory_space<vmem>>
    tpu.wait_dma2 semaphore(%arg13 : memref<!tpu.dma_semaphore, #tpu.memory_space<semaphore_mem>>) src(%dma_wait3A_658 : memref<80x64xf32, #tpu.memory_space<vmem>>) dst(%dma_wait3A_654 : memref<80x64xf32, #tpu.memory_space<hbm>>)
    %dma_wait3A_659 = arith.constant 1 : i32
    %dma_wait3A_660 = arith.constant 0 : i32
    %dma_wait3A_661 = arith.constant 0 : i32
    %dma_wait3A_662 = tpu.memref_slice %arg9[%dma_wait3A_659, %dma_wait3A_660, %dma_wait3A_661] : memref<10x80x64xf32, #tpu.memory_space<vmem>> -> memref<1x80x64xf32, #tpu.memory_space<vmem>>
    %dma_wait3A_663 = tpu.memref_squeeze %dma_wait3A_662 : memref<1x80x64xf32, #tpu.memory_space<vmem>> -> memref<80x64xf32, #tpu.memory_space<vmem>>
    %dma_wait3A_664 = arith.constant 0 : i32
    %dma_wait3A_665 = tpu.memref_slice %arg6[%arg0, %add3A_436, %dma_wait3A_664] : memref<2x10240x64xf32, #tpu.memory_space<hbm>> -> memref<1x80x64xf32, #tpu.memory_space<hbm>>
    %dma_wait3A_666 = tpu.memref_squeeze %dma_wait3A_665 : memref<1x80x64xf32, #tpu.memory_space<hbm>> -> memref<80x64xf32, #tpu.memory_space<hbm>>
    %dma_wait3A_667 = arith.constant 0 : i32
    %dma_wait3A_668 = tpu.memref_slice %arg6[%arg0, %add3A_436, %dma_wait3A_667] : memref<2x10240x64xf32, #tpu.memory_space<hbm>> -> memref<1x80x64xf32, #tpu.memory_space<hbm>>
    %dma_wait3A_669 = tpu.memref_squeeze %dma_wait3A_668 : memref<1x80x64xf32, #tpu.memory_space<hbm>> -> memref<80x64xf32, #tpu.memory_space<hbm>>
    %dma_wait3A_670 = arith.constant 0 : i32
    %dma_wait3A_671 = arith.constant 0 : i32
    %dma_wait3A_672 = tpu.memref_slice %arg9[%dma_wait3A_659, %dma_wait3A_670, %dma_wait3A_671] : memref<10x80x64xf32, #tpu.memory_space<vmem>> -> memref<1x80x64xf32, #tpu.memory_space<vmem>>
    %dma_wait3A_673 = tpu.memref_squeeze %dma_wait3A_672 : memref<1x80x64xf32, #tpu.memory_space<vmem>> -> memref<80x64xf32, #tpu.memory_space<vmem>>
    tpu.wait_dma2 semaphore(%arg13 : memref<!tpu.dma_semaphore, #tpu.memory_space<semaphore_mem>>) src(%dma_wait3A_673 : memref<80x64xf32, #tpu.memory_space<vmem>>) dst(%dma_wait3A_669 : memref<80x64xf32, #tpu.memory_space<hbm>>)
    %dma_wait3A_674 = arith.constant 2 : i32
    %dma_wait3A_675 = arith.constant 0 : i32
    %dma_wait3A_676 = arith.constant 0 : i32
    %dma_wait3A_677 = tpu.memref_slice %arg9[%dma_wait3A_674, %dma_wait3A_675, %dma_wait3A_676] : memref<10x80x64xf32, #tpu.memory_space<vmem>> -> memref<1x80x64xf32, #tpu.memory_space<vmem>>
    %dma_wait3A_678 = tpu.memref_squeeze %dma_wait3A_677 : memref<1x80x64xf32, #tpu.memory_space<vmem>> -> memref<80x64xf32, #tpu.memory_space<vmem>>
    %dma_wait3A_679 = arith.constant 0 : i32
    %dma_wait3A_680 = tpu.memref_slice %arg6[%arg0, %add3A_468, %dma_wait3A_679] : memref<2x10240x64xf32, #tpu.memory_space<hbm>> -> memref<1x80x64xf32, #tpu.memory_space<hbm>>
    %dma_wait3A_681 = tpu.memref_squeeze %dma_wait3A_680 : memref<1x80x64xf32, #tpu.memory_space<hbm>> -> memref<80x64xf32, #tpu.memory_space<hbm>>
    %dma_wait3A_682 = arith.constant 0 : i32
    %dma_wait3A_683 = tpu.memref_slice %arg6[%arg0, %add3A_468, %dma_wait3A_682] : memref<2x10240x64xf32, #tpu.memory_space<hbm>> -> memref<1x80x64xf32, #tpu.memory_space<hbm>>
    %dma_wait3A_684 = tpu.memref_squeeze %dma_wait3A_683 : memref<1x80x64xf32, #tpu.memory_space<hbm>> -> memref<80x64xf32, #tpu.memory_space<hbm>>
    %dma_wait3A_685 = arith.constant 0 : i32
    %dma_wait3A_686 = arith.constant 0 : i32
    %dma_wait3A_687 = tpu.memref_slice %arg9[%dma_wait3A_674, %dma_wait3A_685, %dma_wait3A_686] : memref<10x80x64xf32, #tpu.memory_space<vmem>> -> memref<1x80x64xf32, #tpu.memory_space<vmem>>
    %dma_wait3A_688 = tpu.memref_squeeze %dma_wait3A_687 : memref<1x80x64xf32, #tpu.memory_space<vmem>> -> memref<80x64xf32, #tpu.memory_space<vmem>>
    tpu.wait_dma2 semaphore(%arg13 : memref<!tpu.dma_semaphore, #tpu.memory_space<semaphore_mem>>) src(%dma_wait3A_688 : memref<80x64xf32, #tpu.memory_space<vmem>>) dst(%dma_wait3A_684 : memref<80x64xf32, #tpu.memory_space<hbm>>)
    %dma_wait3A_689 = arith.constant 3 : i32
    %dma_wait3A_690 = arith.constant 0 : i32
    %dma_wait3A_691 = arith.constant 0 : i32
    %dma_wait3A_692 = tpu.memref_slice %arg9[%dma_wait3A_689, %dma_wait3A_690, %dma_wait3A_691] : memref<10x80x64xf32, #tpu.memory_space<vmem>> -> memref<1x80x64xf32, #tpu.memory_space<vmem>>
    %dma_wait3A_693 = tpu.memref_squeeze %dma_wait3A_692 : memref<1x80x64xf32, #tpu.memory_space<vmem>> -> memref<80x64xf32, #tpu.memory_space<vmem>>
    %dma_wait3A_694 = arith.constant 0 : i32
    %dma_wait3A_695 = tpu.memref_slice %arg6[%arg0, %add3A_500, %dma_wait3A_694] : memref<2x10240x64xf32, #tpu.memory_space<hbm>> -> memref<1x80x64xf32, #tpu.memory_space<hbm>>
    %dma_wait3A_696 = tpu.memref_squeeze %dma_wait3A_695 : memref<1x80x64xf32, #tpu.memory_space<hbm>> -> memref<80x64xf32, #tpu.memory_space<hbm>>
    %dma_wait3A_697 = arith.constant 0 : i32
    %dma_wait3A_698 = tpu.memref_slice %arg6[%arg0, %add3A_500, %dma_wait3A_697] : memref<2x10240x64xf32, #tpu.memory_space<hbm>> -> memref<1x80x64xf32, #tpu.memory_space<hbm>>
    %dma_wait3A_699 = tpu.memref_squeeze %dma_wait3A_698 : memref<1x80x64xf32, #tpu.memory_space<hbm>> -> memref<80x64xf32, #tpu.memory_space<hbm>>
    %dma_wait3A_700 = arith.constant 0 : i32
    %dma_wait3A_701 = arith.constant 0 : i32
    %dma_wait3A_702 = tpu.memref_slice %arg9[%dma_wait3A_689, %dma_wait3A_700, %dma_wait3A_701] : memref<10x80x64xf32, #tpu.memory_space<vmem>> -> memref<1x80x64xf32, #tpu.memory_space<vmem>>
    %dma_wait3A_703 = tpu.memref_squeeze %dma_wait3A_702 : memref<1x80x64xf32, #tpu.memory_space<vmem>> -> memref<80x64xf32, #tpu.memory_space<vmem>>
    tpu.wait_dma2 semaphore(%arg13 : memref<!tpu.dma_semaphore, #tpu.memory_space<semaphore_mem>>) src(%dma_wait3A_703 : memref<80x64xf32, #tpu.memory_space<vmem>>) dst(%dma_wait3A_699 : memref<80x64xf32, #tpu.memory_space<hbm>>)
    %dma_wait3A_704 = arith.constant 4 : i32
    %dma_wait3A_705 = arith.constant 0 : i32
    %dma_wait3A_706 = arith.constant 0 : i32
    %dma_wait3A_707 = tpu.memref_slice %arg9[%dma_wait3A_704, %dma_wait3A_705, %dma_wait3A_706] : memref<10x80x64xf32, #tpu.memory_space<vmem>> -> memref<1x80x64xf32, #tpu.memory_space<vmem>>
    %dma_wait3A_708 = tpu.memref_squeeze %dma_wait3A_707 : memref<1x80x64xf32, #tpu.memory_space<vmem>> -> memref<80x64xf32, #tpu.memory_space<vmem>>
    %dma_wait3A_709 = arith.constant 0 : i32
    %dma_wait3A_710 = tpu.memref_slice %arg6[%arg0, %add3A_532, %dma_wait3A_709] : memref<2x10240x64xf32, #tpu.memory_space<hbm>> -> memref<1x80x64xf32, #tpu.memory_space<hbm>>
    %dma_wait3A_711 = tpu.memref_squeeze %dma_wait3A_710 : memref<1x80x64xf32, #tpu.memory_space<hbm>> -> memref<80x64xf32, #tpu.memory_space<hbm>>
    %dma_wait3A_712 = arith.constant 0 : i32
    %dma_wait3A_713 = tpu.memref_slice %arg6[%arg0, %add3A_532, %dma_wait3A_712] : memref<2x10240x64xf32, #tpu.memory_space<hbm>> -> memref<1x80x64xf32, #tpu.memory_space<hbm>>
    %dma_wait3A_714 = tpu.memref_squeeze %dma_wait3A_713 : memref<1x80x64xf32, #tpu.memory_space<hbm>> -> memref<80x64xf32, #tpu.memory_space<hbm>>
    %dma_wait3A_715 = arith.constant 0 : i32
    %dma_wait3A_716 = arith.constant 0 : i32
    %dma_wait3A_717 = tpu.memref_slice %arg9[%dma_wait3A_704, %dma_wait3A_715, %dma_wait3A_716] : memref<10x80x64xf32, #tpu.memory_space<vmem>> -> memref<1x80x64xf32, #tpu.memory_space<vmem>>
    %dma_wait3A_718 = tpu.memref_squeeze %dma_wait3A_717 : memref<1x80x64xf32, #tpu.memory_space<vmem>> -> memref<80x64xf32, #tpu.memory_space<vmem>>
    tpu.wait_dma2 semaphore(%arg13 : memref<!tpu.dma_semaphore, #tpu.memory_space<semaphore_mem>>) src(%dma_wait3A_718 : memref<80x64xf32, #tpu.memory_space<vmem>>) dst(%dma_wait3A_714 : memref<80x64xf32, #tpu.memory_space<hbm>>)
    %dma_wait3A_719 = arith.constant 5 : i32
    %dma_wait3A_720 = arith.constant 0 : i32
    %dma_wait3A_721 = arith.constant 0 : i32
    %dma_wait3A_722 = tpu.memref_slice %arg9[%dma_wait3A_719, %dma_wait3A_720, %dma_wait3A_721] : memref<10x80x64xf32, #tpu.memory_space<vmem>> -> memref<1x80x64xf32, #tpu.memory_space<vmem>>
    %dma_wait3A_723 = tpu.memref_squeeze %dma_wait3A_722 : memref<1x80x64xf32, #tpu.memory_space<vmem>> -> memref<80x64xf32, #tpu.memory_space<vmem>>
    %dma_wait3A_724 = arith.constant 0 : i32
    %dma_wait3A_725 = tpu.memref_slice %arg6[%arg0, %add3A_564, %dma_wait3A_724] : memref<2x10240x64xf32, #tpu.memory_space<hbm>> -> memref<1x80x64xf32, #tpu.memory_space<hbm>>
    %dma_wait3A_726 = tpu.memref_squeeze %dma_wait3A_725 : memref<1x80x64xf32, #tpu.memory_space<hbm>> -> memref<80x64xf32, #tpu.memory_space<hbm>>
    %dma_wait3A_727 = arith.constant 0 : i32
    %dma_wait3A_728 = tpu.memref_slice %arg6[%arg0, %add3A_564, %dma_wait3A_727] : memref<2x10240x64xf32, #tpu.memory_space<hbm>> -> memref<1x80x64xf32, #tpu.memory_space<hbm>>
    %dma_wait3A_729 = tpu.memref_squeeze %dma_wait3A_728 : memref<1x80x64xf32, #tpu.memory_space<hbm>> -> memref<80x64xf32, #tpu.memory_space<hbm>>
    %dma_wait3A_730 = arith.constant 0 : i32
    %dma_wait3A_731 = arith.constant 0 : i32
    %dma_wait3A_732 = tpu.memref_slice %arg9[%dma_wait3A_719, %dma_wait3A_730, %dma_wait3A_731] : memref<10x80x64xf32, #tpu.memory_space<vmem>> -> memref<1x80x64xf32, #tpu.memory_space<vmem>>
    %dma_wait3A_733 = tpu.memref_squeeze %dma_wait3A_732 : memref<1x80x64xf32, #tpu.memory_space<vmem>> -> memref<80x64xf32, #tpu.memory_space<vmem>>
    tpu.wait_dma2 semaphore(%arg13 : memref<!tpu.dma_semaphore, #tpu.memory_space<semaphore_mem>>) src(%dma_wait3A_733 : memref<80x64xf32, #tpu.memory_space<vmem>>) dst(%dma_wait3A_729 : memref<80x64xf32, #tpu.memory_space<hbm>>)
    %dma_wait3A_734 = arith.constant 6 : i32
    %dma_wait3A_735 = arith.constant 0 : i32
    %dma_wait3A_736 = arith.constant 0 : i32
    %dma_wait3A_737 = tpu.memref_slice %arg9[%dma_wait3A_734, %dma_wait3A_735, %dma_wait3A_736] : memref<10x80x64xf32, #tpu.memory_space<vmem>> -> memref<1x80x64xf32, #tpu.memory_space<vmem>>
    %dma_wait3A_738 = tpu.memref_squeeze %dma_wait3A_737 : memref<1x80x64xf32, #tpu.memory_space<vmem>> -> memref<80x64xf32, #tpu.memory_space<vmem>>
    %dma_wait3A_739 = arith.constant 0 : i32
    %dma_wait3A_740 = tpu.memref_slice %arg6[%arg0, %add3A_596, %dma_wait3A_739] : memref<2x10240x64xf32, #tpu.memory_space<hbm>> -> memref<1x80x64xf32, #tpu.memory_space<hbm>>
    %dma_wait3A_741 = tpu.memref_squeeze %dma_wait3A_740 : memref<1x80x64xf32, #tpu.memory_space<hbm>> -> memref<80x64xf32, #tpu.memory_space<hbm>>
    %dma_wait3A_742 = arith.constant 0 : i32
    %dma_wait3A_743 = tpu.memref_slice %arg6[%arg0, %add3A_596, %dma_wait3A_742] : memref<2x10240x64xf32, #tpu.memory_space<hbm>> -> memref<1x80x64xf32, #tpu.memory_space<hbm>>
    %dma_wait3A_744 = tpu.memref_squeeze %dma_wait3A_743 : memref<1x80x64xf32, #tpu.memory_space<hbm>> -> memref<80x64xf32, #tpu.memory_space<hbm>>
    %dma_wait3A_745 = arith.constant 0 : i32
    %dma_wait3A_746 = arith.constant 0 : i32
    %dma_wait3A_747 = tpu.memref_slice %arg9[%dma_wait3A_734, %dma_wait3A_745, %dma_wait3A_746] : memref<10x80x64xf32, #tpu.memory_space<vmem>> -> memref<1x80x64xf32, #tpu.memory_space<vmem>>
    %dma_wait3A_748 = tpu.memref_squeeze %dma_wait3A_747 : memref<1x80x64xf32, #tpu.memory_space<vmem>> -> memref<80x64xf32, #tpu.memory_space<vmem>>
    tpu.wait_dma2 semaphore(%arg13 : memref<!tpu.dma_semaphore, #tpu.memory_space<semaphore_mem>>) src(%dma_wait3A_748 : memref<80x64xf32, #tpu.memory_space<vmem>>) dst(%dma_wait3A_744 : memref<80x64xf32, #tpu.memory_space<hbm>>)
    %dma_wait3A_749 = arith.constant 7 : i32
    %dma_wait3A_750 = arith.constant 0 : i32
    %dma_wait3A_751 = arith.constant 0 : i32
    %dma_wait3A_752 = tpu.memref_slice %arg9[%dma_wait3A_749, %dma_wait3A_750, %dma_wait3A_751] : memref<10x80x64xf32, #tpu.memory_space<vmem>> -> memref<1x80x64xf32, #tpu.memory_space<vmem>>
    %dma_wait3A_753 = tpu.memref_squeeze %dma_wait3A_752 : memref<1x80x64xf32, #tpu.memory_space<vmem>> -> memref<80x64xf32, #tpu.memory_space<vmem>>
    %dma_wait3A_754 = arith.constant 0 : i32
    %dma_wait3A_755 = tpu.memref_slice %arg6[%arg0, %add3A_628, %dma_wait3A_754] : memref<2x10240x64xf32, #tpu.memory_space<hbm>> -> memref<1x80x64xf32, #tpu.memory_space<hbm>>
    %dma_wait3A_756 = tpu.memref_squeeze %dma_wait3A_755 : memref<1x80x64xf32, #tpu.memory_space<hbm>> -> memref<80x64xf32, #tpu.memory_space<hbm>>
    %dma_wait3A_757 = arith.constant 0 : i32
    %dma_wait3A_758 = tpu.memref_slice %arg6[%arg0, %add3A_628, %dma_wait3A_757] : memref<2x10240x64xf32, #tpu.memory_space<hbm>> -> memref<1x80x64xf32, #tpu.memory_space<hbm>>
    %dma_wait3A_759 = tpu.memref_squeeze %dma_wait3A_758 : memref<1x80x64xf32, #tpu.memory_space<hbm>> -> memref<80x64xf32, #tpu.memory_space<hbm>>
    %dma_wait3A_760 = arith.constant 0 : i32
    %dma_wait3A_761 = arith.constant 0 : i32
    %dma_wait3A_762 = tpu.memref_slice %arg9[%dma_wait3A_749, %dma_wait3A_760, %dma_wait3A_761] : memref<10x80x64xf32, #tpu.memory_space<vmem>> -> memref<1x80x64xf32, #tpu.memory_space<vmem>>
    %dma_wait3A_763 = tpu.memref_squeeze %dma_wait3A_762 : memref<1x80x64xf32, #tpu.memory_space<vmem>> -> memref<80x64xf32, #tpu.memory_space<vmem>>
    tpu.wait_dma2 semaphore(%arg13 : memref<!tpu.dma_semaphore, #tpu.memory_space<semaphore_mem>>) src(%dma_wait3A_763 : memref<80x64xf32, #tpu.memory_space<vmem>>) dst(%dma_wait3A_759 : memref<80x64xf32, #tpu.memory_space<hbm>>)
    return
  }
}

#map = affine_map<(d0, d1) -> (0, 0)>
#map1 = affine_map<(d0, d1) -> (0, 0, 0)>
module attributes {stable_mosaic.version = 14 : i64} {
  func.func @_edge_scatter(%arg0: i32, %arg1: i32, %arg2: memref<10240x64xf32, #tpu.memory_space<hbm>>, %arg3: memref<32x125x80xi32, #tpu.memory_space<hbm>>, %arg4: memref<32x125x80xi32, #tpu.memory_space<hbm>>, %arg5: memref<80x64xf32, #tpu.memory_space<hbm>>, %arg6: memref<2x10240x64xf32, #tpu.memory_space<hbm>>, %arg7: memref<125x80xi32, #tpu.memory_space<vmem>>, %arg8: memref<125x80xi32, #tpu.memory_space<vmem>>, %arg9: memref<10x80x64xf32, #tpu.memory_space<vmem>>, %arg10: memref<80x64xf32, #tpu.memory_space<vmem>>, %arg11: memref<10240x64xf32, #tpu.memory_space<vmem_shared>>, %arg12: memref<!tpu.dma_semaphore, #tpu.memory_space<semaphore_mem>>, %arg13: memref<!tpu.dma_semaphore, #tpu.memory_space<semaphore_mem>>) attributes {dimension_semantics = [#tpu.dimension_semantics<core_parallel>, #tpu.dimension_semantics<subcore_parallel>], iteration_bounds = array<i64: 2, 16>, scalar_prefetch = 0 : i64, scratch_operands = 7 : i64, tpu.core_type = #tpu.core_type<sc_vector_subcore>, window_params = [{transform_indices = #map}, {transform_indices = #map1}, {transform_indices = #map1}, {transform_indices = #map}, {transform_indices = #map1}]} {
    %mul3A = arith.constant 2 : i32
    %mul3A_0 = arith.muli %arg1, %mul3A : i32
    %add3A = arith.addi %mul3A_0, %arg0 : i32
    %dma_start3A = arith.constant 0 : i32
    %dma_start3A_1 = arith.constant 0 : i32
    %dma_start3A_2 = tpu.memref_slice %arg3[%add3A, %dma_start3A, %dma_start3A_1] : memref<32x125x80xi32, #tpu.memory_space<hbm>> -> memref<1x125x80xi32, #tpu.memory_space<hbm>>
    %dma_start3A_3 = tpu.memref_squeeze %dma_start3A_2 : memref<1x125x80xi32, #tpu.memory_space<hbm>> -> memref<125x80xi32, #tpu.memory_space<hbm>>
    %dma_start3A_4 = arith.constant 0 : i32
    %dma_start3A_5 = arith.constant 0 : i32
    %dma_start3A_6 = tpu.memref_slice %arg3[%add3A, %dma_start3A_4, %dma_start3A_5] : memref<32x125x80xi32, #tpu.memory_space<hbm>> -> memref<1x125x80xi32, #tpu.memory_space<hbm>>
    %dma_start3A_7 = tpu.memref_squeeze %dma_start3A_6 : memref<1x125x80xi32, #tpu.memory_space<hbm>> -> memref<125x80xi32, #tpu.memory_space<hbm>>
    tpu.enqueue_dma source(%dma_start3A_7 : memref<125x80xi32, #tpu.memory_space<hbm>>) target(%arg7 : memref<125x80xi32, #tpu.memory_space<vmem>>) target_semaphore(%arg13 : memref<!tpu.dma_semaphore, #tpu.memory_space<semaphore_mem>>)
    %dma_start3A_8 = arith.constant 0 : i32
    %dma_start3A_9 = arith.constant 0 : i32
    %dma_start3A_10 = tpu.memref_slice %arg4[%add3A, %dma_start3A_8, %dma_start3A_9] : memref<32x125x80xi32, #tpu.memory_space<hbm>> -> memref<1x125x80xi32, #tpu.memory_space<hbm>>
    %dma_start3A_11 = tpu.memref_squeeze %dma_start3A_10 : memref<1x125x80xi32, #tpu.memory_space<hbm>> -> memref<125x80xi32, #tpu.memory_space<hbm>>
    %dma_start3A_12 = arith.constant 0 : i32
    %dma_start3A_13 = arith.constant 0 : i32
    %dma_start3A_14 = tpu.memref_slice %arg4[%add3A, %dma_start3A_12, %dma_start3A_13] : memref<32x125x80xi32, #tpu.memory_space<hbm>> -> memref<1x125x80xi32, #tpu.memory_space<hbm>>
    %dma_start3A_15 = tpu.memref_squeeze %dma_start3A_14 : memref<1x125x80xi32, #tpu.memory_space<hbm>> -> memref<125x80xi32, #tpu.memory_space<hbm>>
    tpu.enqueue_dma source(%dma_start3A_15 : memref<125x80xi32, #tpu.memory_space<hbm>>) target(%arg8 : memref<125x80xi32, #tpu.memory_space<vmem>>) target_semaphore(%arg13 : memref<!tpu.dma_semaphore, #tpu.memory_space<semaphore_mem>>)
    "tpu.region"() ({
      %run_scoped3A = tpu.sem_alloc : memref<!tpu.dma_semaphore, #tpu.memory_space<semaphore_mem>>
      tpu.enqueue_dma source(%arg5 : memref<80x64xf32, #tpu.memory_space<hbm>>) target(%arg10 : memref<80x64xf32, #tpu.memory_space<vmem>>) target_semaphore(%run_scoped3A : memref<!tpu.dma_semaphore, #tpu.memory_space<semaphore_mem>>)
      tpu.wait_dma2 semaphore(%run_scoped3A : memref<!tpu.dma_semaphore, #tpu.memory_space<semaphore_mem>>) src(%arg5 : memref<80x64xf32, #tpu.memory_space<hbm>>) dst(%arg10 : memref<80x64xf32, #tpu.memory_space<vmem>>)
      tpu.yield
    }) : () -> ()
    %mul3A_16 = arith.constant 640 : i32
    %mul3A_17 = arith.muli %arg1, %mul3A_16 : i32
    %add3A_18 = arith.constant 0 : i32
    %add3A_19 = arith.addi %mul3A_17, %add3A_18 : i32
    %dma_start3A_20 = arith.constant 0 : i32
    %dma_start3A_21 = tpu.memref_slice %arg11[%add3A_19, %dma_start3A_20] : memref<10240x64xf32, #tpu.memory_space<vmem_shared>> -> memref<80x64xf32, #tpu.memory_space<vmem_shared>>
    %dma_start3A_22 = arith.constant 0 : i32
    %dma_start3A_23 = tpu.memref_slice %arg11[%add3A_19, %dma_start3A_22] : memref<10240x64xf32, #tpu.memory_space<vmem_shared>> -> memref<80x64xf32, #tpu.memory_space<vmem_shared>>
    tpu.enqueue_dma source(%arg10 : memref<80x64xf32, #tpu.memory_space<vmem>>) target(%dma_start3A_23 : memref<80x64xf32, #tpu.memory_space<vmem_shared>>) target_semaphore(%arg12 : memref<!tpu.dma_semaphore, #tpu.memory_space<semaphore_mem>>)
    %mul3A_24 = arith.constant 640 : i32
    %mul3A_25 = arith.muli %arg1, %mul3A_24 : i32
    %add3A_26 = arith.constant 80 : i32
    %add3A_27 = arith.addi %mul3A_25, %add3A_26 : i32
    %dma_start3A_28 = arith.constant 0 : i32
    %dma_start3A_29 = tpu.memref_slice %arg11[%add3A_27, %dma_start3A_28] : memref<10240x64xf32, #tpu.memory_space<vmem_shared>> -> memref<80x64xf32, #tpu.memory_space<vmem_shared>>
    %dma_start3A_30 = arith.constant 0 : i32
    %dma_start3A_31 = tpu.memref_slice %arg11[%add3A_27, %dma_start3A_30] : memref<10240x64xf32, #tpu.memory_space<vmem_shared>> -> memref<80x64xf32, #tpu.memory_space<vmem_shared>>
    tpu.enqueue_dma source(%arg10 : memref<80x64xf32, #tpu.memory_space<vmem>>) target(%dma_start3A_31 : memref<80x64xf32, #tpu.memory_space<vmem_shared>>) target_semaphore(%arg12 : memref<!tpu.dma_semaphore, #tpu.memory_space<semaphore_mem>>)
    %mul3A_32 = arith.constant 640 : i32
    %mul3A_33 = arith.muli %arg1, %mul3A_32 : i32
    %add3A_34 = arith.constant 160 : i32
    %add3A_35 = arith.addi %mul3A_33, %add3A_34 : i32
    %dma_start3A_36 = arith.constant 0 : i32
    %dma_start3A_37 = tpu.memref_slice %arg11[%add3A_35, %dma_start3A_36] : memref<10240x64xf32, #tpu.memory_space<vmem_shared>> -> memref<80x64xf32, #tpu.memory_space<vmem_shared>>
    %dma_start3A_38 = arith.constant 0 : i32
    %dma_start3A_39 = tpu.memref_slice %arg11[%add3A_35, %dma_start3A_38] : memref<10240x64xf32, #tpu.memory_space<vmem_shared>> -> memref<80x64xf32, #tpu.memory_space<vmem_shared>>
    tpu.enqueue_dma source(%arg10 : memref<80x64xf32, #tpu.memory_space<vmem>>) target(%dma_start3A_39 : memref<80x64xf32, #tpu.memory_space<vmem_shared>>) target_semaphore(%arg12 : memref<!tpu.dma_semaphore, #tpu.memory_space<semaphore_mem>>)
    %mul3A_40 = arith.constant 640 : i32
    %mul3A_41 = arith.muli %arg1, %mul3A_40 : i32
    %add3A_42 = arith.constant 240 : i32
    %add3A_43 = arith.addi %mul3A_41, %add3A_42 : i32
    %dma_start3A_44 = arith.constant 0 : i32
    %dma_start3A_45 = tpu.memref_slice %arg11[%add3A_43, %dma_start3A_44] : memref<10240x64xf32, #tpu.memory_space<vmem_shared>> -> memref<80x64xf32, #tpu.memory_space<vmem_shared>>
    %dma_start3A_46 = arith.constant 0 : i32
    %dma_start3A_47 = tpu.memref_slice %arg11[%add3A_43, %dma_start3A_46] : memref<10240x64xf32, #tpu.memory_space<vmem_shared>> -> memref<80x64xf32, #tpu.memory_space<vmem_shared>>
    tpu.enqueue_dma source(%arg10 : memref<80x64xf32, #tpu.memory_space<vmem>>) target(%dma_start3A_47 : memref<80x64xf32, #tpu.memory_space<vmem_shared>>) target_semaphore(%arg12 : memref<!tpu.dma_semaphore, #tpu.memory_space<semaphore_mem>>)
    %mul3A_48 = arith.constant 640 : i32
    %mul3A_49 = arith.muli %arg1, %mul3A_48 : i32
    %add3A_50 = arith.constant 320 : i32
    %add3A_51 = arith.addi %mul3A_49, %add3A_50 : i32
    %dma_start3A_52 = arith.constant 0 : i32
    %dma_start3A_53 = tpu.memref_slice %arg11[%add3A_51, %dma_start3A_52] : memref<10240x64xf32, #tpu.memory_space<vmem_shared>> -> memref<80x64xf32, #tpu.memory_space<vmem_shared>>
    %dma_start3A_54 = arith.constant 0 : i32
    %dma_start3A_55 = tpu.memref_slice %arg11[%add3A_51, %dma_start3A_54] : memref<10240x64xf32, #tpu.memory_space<vmem_shared>> -> memref<80x64xf32, #tpu.memory_space<vmem_shared>>
    tpu.enqueue_dma source(%arg10 : memref<80x64xf32, #tpu.memory_space<vmem>>) target(%dma_start3A_55 : memref<80x64xf32, #tpu.memory_space<vmem_shared>>) target_semaphore(%arg12 : memref<!tpu.dma_semaphore, #tpu.memory_space<semaphore_mem>>)
    %mul3A_56 = arith.constant 640 : i32
    %mul3A_57 = arith.muli %arg1, %mul3A_56 : i32
    %add3A_58 = arith.constant 400 : i32
    %add3A_59 = arith.addi %mul3A_57, %add3A_58 : i32
    %dma_start3A_60 = arith.constant 0 : i32
    %dma_start3A_61 = tpu.memref_slice %arg11[%add3A_59, %dma_start3A_60] : memref<10240x64xf32, #tpu.memory_space<vmem_shared>> -> memref<80x64xf32, #tpu.memory_space<vmem_shared>>
    %dma_start3A_62 = arith.constant 0 : i32
    %dma_start3A_63 = tpu.memref_slice %arg11[%add3A_59, %dma_start3A_62] : memref<10240x64xf32, #tpu.memory_space<vmem_shared>> -> memref<80x64xf32, #tpu.memory_space<vmem_shared>>
    tpu.enqueue_dma source(%arg10 : memref<80x64xf32, #tpu.memory_space<vmem>>) target(%dma_start3A_63 : memref<80x64xf32, #tpu.memory_space<vmem_shared>>) target_semaphore(%arg12 : memref<!tpu.dma_semaphore, #tpu.memory_space<semaphore_mem>>)
    %mul3A_64 = arith.constant 640 : i32
    %mul3A_65 = arith.muli %arg1, %mul3A_64 : i32
    %add3A_66 = arith.constant 480 : i32
    %add3A_67 = arith.addi %mul3A_65, %add3A_66 : i32
    %dma_start3A_68 = arith.constant 0 : i32
    %dma_start3A_69 = tpu.memref_slice %arg11[%add3A_67, %dma_start3A_68] : memref<10240x64xf32, #tpu.memory_space<vmem_shared>> -> memref<80x64xf32, #tpu.memory_space<vmem_shared>>
    %dma_start3A_70 = arith.constant 0 : i32
    %dma_start3A_71 = tpu.memref_slice %arg11[%add3A_67, %dma_start3A_70] : memref<10240x64xf32, #tpu.memory_space<vmem_shared>> -> memref<80x64xf32, #tpu.memory_space<vmem_shared>>
    tpu.enqueue_dma source(%arg10 : memref<80x64xf32, #tpu.memory_space<vmem>>) target(%dma_start3A_71 : memref<80x64xf32, #tpu.memory_space<vmem_shared>>) target_semaphore(%arg12 : memref<!tpu.dma_semaphore, #tpu.memory_space<semaphore_mem>>)
    %mul3A_72 = arith.constant 640 : i32
    %mul3A_73 = arith.muli %arg1, %mul3A_72 : i32
    %add3A_74 = arith.constant 560 : i32
    %add3A_75 = arith.addi %mul3A_73, %add3A_74 : i32
    %dma_start3A_76 = arith.constant 0 : i32
    %dma_start3A_77 = tpu.memref_slice %arg11[%add3A_75, %dma_start3A_76] : memref<10240x64xf32, #tpu.memory_space<vmem_shared>> -> memref<80x64xf32, #tpu.memory_space<vmem_shared>>
    %dma_start3A_78 = arith.constant 0 : i32
    %dma_start3A_79 = tpu.memref_slice %arg11[%add3A_75, %dma_start3A_78] : memref<10240x64xf32, #tpu.memory_space<vmem_shared>> -> memref<80x64xf32, #tpu.memory_space<vmem_shared>>
    tpu.enqueue_dma source(%arg10 : memref<80x64xf32, #tpu.memory_space<vmem>>) target(%dma_start3A_79 : memref<80x64xf32, #tpu.memory_space<vmem_shared>>) target_semaphore(%arg12 : memref<!tpu.dma_semaphore, #tpu.memory_space<semaphore_mem>>)
    %dma_wait3A = arith.constant 0 : i32
    %dma_wait3A_80 = arith.constant 0 : i32
    %dma_wait3A_81 = tpu.memref_slice %arg3[%add3A, %dma_wait3A, %dma_wait3A_80] : memref<32x125x80xi32, #tpu.memory_space<hbm>> -> memref<1x125x80xi32, #tpu.memory_space<hbm>>
    %dma_wait3A_82 = tpu.memref_squeeze %dma_wait3A_81 : memref<1x125x80xi32, #tpu.memory_space<hbm>> -> memref<125x80xi32, #tpu.memory_space<hbm>>
    %dma_wait3A_83 = arith.constant 0 : i32
    %dma_wait3A_84 = arith.constant 0 : i32
    %dma_wait3A_85 = tpu.memref_slice %arg3[%add3A, %dma_wait3A_83, %dma_wait3A_84] : memref<32x125x80xi32, #tpu.memory_space<hbm>> -> memref<1x125x80xi32, #tpu.memory_space<hbm>>
    %dma_wait3A_86 = tpu.memref_squeeze %dma_wait3A_85 : memref<1x125x80xi32, #tpu.memory_space<hbm>> -> memref<125x80xi32, #tpu.memory_space<hbm>>
    tpu.wait_dma2 semaphore(%arg13 : memref<!tpu.dma_semaphore, #tpu.memory_space<semaphore_mem>>) src(%dma_wait3A_86 : memref<125x80xi32, #tpu.memory_space<hbm>>) dst(%arg7 : memref<125x80xi32, #tpu.memory_space<vmem>>)
    %dma_wait3A_87 = arith.constant 0 : i32
    %dma_wait3A_88 = arith.constant 0 : i32
    %dma_wait3A_89 = tpu.memref_slice %arg4[%add3A, %dma_wait3A_87, %dma_wait3A_88] : memref<32x125x80xi32, #tpu.memory_space<hbm>> -> memref<1x125x80xi32, #tpu.memory_space<hbm>>
    %dma_wait3A_90 = tpu.memref_squeeze %dma_wait3A_89 : memref<1x125x80xi32, #tpu.memory_space<hbm>> -> memref<125x80xi32, #tpu.memory_space<hbm>>
    %dma_wait3A_91 = arith.constant 0 : i32
    %dma_wait3A_92 = arith.constant 0 : i32
    %dma_wait3A_93 = tpu.memref_slice %arg4[%add3A, %dma_wait3A_91, %dma_wait3A_92] : memref<32x125x80xi32, #tpu.memory_space<hbm>> -> memref<1x125x80xi32, #tpu.memory_space<hbm>>
    %dma_wait3A_94 = tpu.memref_squeeze %dma_wait3A_93 : memref<1x125x80xi32, #tpu.memory_space<hbm>> -> memref<125x80xi32, #tpu.memory_space<hbm>>
    tpu.wait_dma2 semaphore(%arg13 : memref<!tpu.dma_semaphore, #tpu.memory_space<semaphore_mem>>) src(%dma_wait3A_94 : memref<125x80xi32, #tpu.memory_space<hbm>>) dst(%arg8 : memref<125x80xi32, #tpu.memory_space<vmem>>)
    %dma_wait3A_95 = arith.constant 0 : i32
    %dma_wait3A_96 = tpu.memref_slice %arg11[%add3A_19, %dma_wait3A_95] : memref<10240x64xf32, #tpu.memory_space<vmem_shared>> -> memref<80x64xf32, #tpu.memory_space<vmem_shared>>
    %dma_wait3A_97 = arith.constant 0 : i32
    %dma_wait3A_98 = tpu.memref_slice %arg11[%add3A_19, %dma_wait3A_97] : memref<10240x64xf32, #tpu.memory_space<vmem_shared>> -> memref<80x64xf32, #tpu.memory_space<vmem_shared>>
    tpu.wait_dma2 semaphore(%arg12 : memref<!tpu.dma_semaphore, #tpu.memory_space<semaphore_mem>>) src(%arg10 : memref<80x64xf32, #tpu.memory_space<vmem>>) dst(%dma_wait3A_98 : memref<80x64xf32, #tpu.memory_space<vmem_shared>>)
    %dma_wait3A_99 = arith.constant 0 : i32
    %dma_wait3A_100 = tpu.memref_slice %arg11[%add3A_27, %dma_wait3A_99] : memref<10240x64xf32, #tpu.memory_space<vmem_shared>> -> memref<80x64xf32, #tpu.memory_space<vmem_shared>>
    %dma_wait3A_101 = arith.constant 0 : i32
    %dma_wait3A_102 = tpu.memref_slice %arg11[%add3A_27, %dma_wait3A_101] : memref<10240x64xf32, #tpu.memory_space<vmem_shared>> -> memref<80x64xf32, #tpu.memory_space<vmem_shared>>
    tpu.wait_dma2 semaphore(%arg12 : memref<!tpu.dma_semaphore, #tpu.memory_space<semaphore_mem>>) src(%arg10 : memref<80x64xf32, #tpu.memory_space<vmem>>) dst(%dma_wait3A_102 : memref<80x64xf32, #tpu.memory_space<vmem_shared>>)
    %dma_wait3A_103 = arith.constant 0 : i32
    %dma_wait3A_104 = tpu.memref_slice %arg11[%add3A_35, %dma_wait3A_103] : memref<10240x64xf32, #tpu.memory_space<vmem_shared>> -> memref<80x64xf32, #tpu.memory_space<vmem_shared>>
    %dma_wait3A_105 = arith.constant 0 : i32
    %dma_wait3A_106 = tpu.memref_slice %arg11[%add3A_35, %dma_wait3A_105] : memref<10240x64xf32, #tpu.memory_space<vmem_shared>> -> memref<80x64xf32, #tpu.memory_space<vmem_shared>>
    tpu.wait_dma2 semaphore(%arg12 : memref<!tpu.dma_semaphore, #tpu.memory_space<semaphore_mem>>) src(%arg10 : memref<80x64xf32, #tpu.memory_space<vmem>>) dst(%dma_wait3A_106 : memref<80x64xf32, #tpu.memory_space<vmem_shared>>)
    %dma_wait3A_107 = arith.constant 0 : i32
    %dma_wait3A_108 = tpu.memref_slice %arg11[%add3A_43, %dma_wait3A_107] : memref<10240x64xf32, #tpu.memory_space<vmem_shared>> -> memref<80x64xf32, #tpu.memory_space<vmem_shared>>
    %dma_wait3A_109 = arith.constant 0 : i32
    %dma_wait3A_110 = tpu.memref_slice %arg11[%add3A_43, %dma_wait3A_109] : memref<10240x64xf32, #tpu.memory_space<vmem_shared>> -> memref<80x64xf32, #tpu.memory_space<vmem_shared>>
    tpu.wait_dma2 semaphore(%arg12 : memref<!tpu.dma_semaphore, #tpu.memory_space<semaphore_mem>>) src(%arg10 : memref<80x64xf32, #tpu.memory_space<vmem>>) dst(%dma_wait3A_110 : memref<80x64xf32, #tpu.memory_space<vmem_shared>>)
    %dma_wait3A_111 = arith.constant 0 : i32
    %dma_wait3A_112 = tpu.memref_slice %arg11[%add3A_51, %dma_wait3A_111] : memref<10240x64xf32, #tpu.memory_space<vmem_shared>> -> memref<80x64xf32, #tpu.memory_space<vmem_shared>>
    %dma_wait3A_113 = arith.constant 0 : i32
    %dma_wait3A_114 = tpu.memref_slice %arg11[%add3A_51, %dma_wait3A_113] : memref<10240x64xf32, #tpu.memory_space<vmem_shared>> -> memref<80x64xf32, #tpu.memory_space<vmem_shared>>
    tpu.wait_dma2 semaphore(%arg12 : memref<!tpu.dma_semaphore, #tpu.memory_space<semaphore_mem>>) src(%arg10 : memref<80x64xf32, #tpu.memory_space<vmem>>) dst(%dma_wait3A_114 : memref<80x64xf32, #tpu.memory_space<vmem_shared>>)
    %dma_wait3A_115 = arith.constant 0 : i32
    %dma_wait3A_116 = tpu.memref_slice %arg11[%add3A_59, %dma_wait3A_115] : memref<10240x64xf32, #tpu.memory_space<vmem_shared>> -> memref<80x64xf32, #tpu.memory_space<vmem_shared>>
    %dma_wait3A_117 = arith.constant 0 : i32
    %dma_wait3A_118 = tpu.memref_slice %arg11[%add3A_59, %dma_wait3A_117] : memref<10240x64xf32, #tpu.memory_space<vmem_shared>> -> memref<80x64xf32, #tpu.memory_space<vmem_shared>>
    tpu.wait_dma2 semaphore(%arg12 : memref<!tpu.dma_semaphore, #tpu.memory_space<semaphore_mem>>) src(%arg10 : memref<80x64xf32, #tpu.memory_space<vmem>>) dst(%dma_wait3A_118 : memref<80x64xf32, #tpu.memory_space<vmem_shared>>)
    %dma_wait3A_119 = arith.constant 0 : i32
    %dma_wait3A_120 = tpu.memref_slice %arg11[%add3A_67, %dma_wait3A_119] : memref<10240x64xf32, #tpu.memory_space<vmem_shared>> -> memref<80x64xf32, #tpu.memory_space<vmem_shared>>
    %dma_wait3A_121 = arith.constant 0 : i32
    %dma_wait3A_122 = tpu.memref_slice %arg11[%add3A_67, %dma_wait3A_121] : memref<10240x64xf32, #tpu.memory_space<vmem_shared>> -> memref<80x64xf32, #tpu.memory_space<vmem_shared>>
    tpu.wait_dma2 semaphore(%arg12 : memref<!tpu.dma_semaphore, #tpu.memory_space<semaphore_mem>>) src(%arg10 : memref<80x64xf32, #tpu.memory_space<vmem>>) dst(%dma_wait3A_122 : memref<80x64xf32, #tpu.memory_space<vmem_shared>>)
    %dma_wait3A_123 = arith.constant 0 : i32
    %dma_wait3A_124 = tpu.memref_slice %arg11[%add3A_75, %dma_wait3A_123] : memref<10240x64xf32, #tpu.memory_space<vmem_shared>> -> memref<80x64xf32, #tpu.memory_space<vmem_shared>>
    %dma_wait3A_125 = arith.constant 0 : i32
    %dma_wait3A_126 = tpu.memref_slice %arg11[%add3A_75, %dma_wait3A_125] : memref<10240x64xf32, #tpu.memory_space<vmem_shared>> -> memref<80x64xf32, #tpu.memory_space<vmem_shared>>
    tpu.wait_dma2 semaphore(%arg12 : memref<!tpu.dma_semaphore, #tpu.memory_space<semaphore_mem>>) src(%arg10 : memref<80x64xf32, #tpu.memory_space<vmem>>) dst(%dma_wait3A_126 : memref<80x64xf32, #tpu.memory_space<vmem_shared>>)
    %barrier3A = arith.constant 0 : index
    tpu.barrier barrier_id(%barrier3A)
    %dma_start3A_127 = arith.constant 0 : i32
    %dma_start3A_128 = arith.constant 0 : i32
    %dma_start3A_129 = arith.constant 0 : i32
    %dma_start3A_130 = arith.constant 0 : i32
    %dma_start3A_131 = tpu.memref_slice %arg9[%dma_start3A_128, %dma_start3A_129, %dma_start3A_130] : memref<10x80x64xf32, #tpu.memory_space<vmem>> -> memref<1x80x64xf32, #tpu.memory_space<vmem>>
    %dma_start3A_132 = tpu.memref_squeeze %dma_start3A_131 : memref<1x80x64xf32, #tpu.memory_space<vmem>> -> memref<80x64xf32, #tpu.memory_space<vmem>>
    %dma_start3A_133 = arith.constant 0 : i32
    %dma_start3A_134 = tpu.memref_slice %arg7[%dma_start3A_127, %dma_start3A_133] : memref<125x80xi32, #tpu.memory_space<vmem>> -> memref<1x80xi32, #tpu.memory_space<vmem>>
    %dma_start3A_135 = tpu.memref_squeeze %dma_start3A_134 : memref<1x80xi32, #tpu.memory_space<vmem>> -> memref<80xi32, #tpu.memory_space<vmem>>
    %dma_start3A_136 = arith.constant 0 : i32
    %dma_start3A_137 = arith.constant 0 : i32
    %dma_start3A_138 = tpu.memref_slice %arg2[%dma_start3A_136, %dma_start3A_137] : memref<10240x64xf32, #tpu.memory_space<hbm>> -> memref<10240x64xf32, #tpu.memory_space<hbm>>
    tpu.enqueue_indirect_dma source(%dma_start3A_138 : memref<10240x64xf32, #tpu.memory_space<hbm>>) target(%dma_start3A_132 : memref<80x64xf32, #tpu.memory_space<vmem>>) offsets(%dma_start3A_135 : memref<80xi32, #tpu.memory_space<vmem>>) semaphore(%arg12 : memref<!tpu.dma_semaphore, #tpu.memory_space<semaphore_mem>>)
    %dma_start3A_139 = arith.constant 1 : i32
    %dma_start3A_140 = arith.constant 1 : i32
    %dma_start3A_141 = arith.constant 0 : i32
    %dma_start3A_142 = arith.constant 0 : i32
    %dma_start3A_143 = tpu.memref_slice %arg9[%dma_start3A_140, %dma_start3A_141, %dma_start3A_142] : memref<10x80x64xf32, #tpu.memory_space<vmem>> -> memref<1x80x64xf32, #tpu.memory_space<vmem>>
    %dma_start3A_144 = tpu.memref_squeeze %dma_start3A_143 : memref<1x80x64xf32, #tpu.memory_space<vmem>> -> memref<80x64xf32, #tpu.memory_space<vmem>>
    %dma_start3A_145 = arith.constant 0 : i32
    %dma_start3A_146 = tpu.memref_slice %arg7[%dma_start3A_139, %dma_start3A_145] : memref<125x80xi32, #tpu.memory_space<vmem>> -> memref<1x80xi32, #tpu.memory_space<vmem>>
    %dma_start3A_147 = tpu.memref_squeeze %dma_start3A_146 : memref<1x80xi32, #tpu.memory_space<vmem>> -> memref<80xi32, #tpu.memory_space<vmem>>
    %dma_start3A_148 = arith.constant 0 : i32
    %dma_start3A_149 = arith.constant 0 : i32
    %dma_start3A_150 = tpu.memref_slice %arg2[%dma_start3A_148, %dma_start3A_149] : memref<10240x64xf32, #tpu.memory_space<hbm>> -> memref<10240x64xf32, #tpu.memory_space<hbm>>
    tpu.enqueue_indirect_dma source(%dma_start3A_150 : memref<10240x64xf32, #tpu.memory_space<hbm>>) target(%dma_start3A_144 : memref<80x64xf32, #tpu.memory_space<vmem>>) offsets(%dma_start3A_147 : memref<80xi32, #tpu.memory_space<vmem>>) semaphore(%arg12 : memref<!tpu.dma_semaphore, #tpu.memory_space<semaphore_mem>>)
    %dma_start3A_151 = arith.constant 2 : i32
    %dma_start3A_152 = arith.constant 2 : i32
    %dma_start3A_153 = arith.constant 0 : i32
    %dma_start3A_154 = arith.constant 0 : i32
    %dma_start3A_155 = tpu.memref_slice %arg9[%dma_start3A_152, %dma_start3A_153, %dma_start3A_154] : memref<10x80x64xf32, #tpu.memory_space<vmem>> -> memref<1x80x64xf32, #tpu.memory_space<vmem>>
    %dma_start3A_156 = tpu.memref_squeeze %dma_start3A_155 : memref<1x80x64xf32, #tpu.memory_space<vmem>> -> memref<80x64xf32, #tpu.memory_space<vmem>>
    %dma_start3A_157 = arith.constant 0 : i32
    %dma_start3A_158 = tpu.memref_slice %arg7[%dma_start3A_151, %dma_start3A_157] : memref<125x80xi32, #tpu.memory_space<vmem>> -> memref<1x80xi32, #tpu.memory_space<vmem>>
    %dma_start3A_159 = tpu.memref_squeeze %dma_start3A_158 : memref<1x80xi32, #tpu.memory_space<vmem>> -> memref<80xi32, #tpu.memory_space<vmem>>
    %dma_start3A_160 = arith.constant 0 : i32
    %dma_start3A_161 = arith.constant 0 : i32
    %dma_start3A_162 = tpu.memref_slice %arg2[%dma_start3A_160, %dma_start3A_161] : memref<10240x64xf32, #tpu.memory_space<hbm>> -> memref<10240x64xf32, #tpu.memory_space<hbm>>
    tpu.enqueue_indirect_dma source(%dma_start3A_162 : memref<10240x64xf32, #tpu.memory_space<hbm>>) target(%dma_start3A_156 : memref<80x64xf32, #tpu.memory_space<vmem>>) offsets(%dma_start3A_159 : memref<80xi32, #tpu.memory_space<vmem>>) semaphore(%arg12 : memref<!tpu.dma_semaphore, #tpu.memory_space<semaphore_mem>>)
    %dma_start3A_163 = arith.constant 3 : i32
    %dma_start3A_164 = arith.constant 3 : i32
    %dma_start3A_165 = arith.constant 0 : i32
    %dma_start3A_166 = arith.constant 0 : i32
    %dma_start3A_167 = tpu.memref_slice %arg9[%dma_start3A_164, %dma_start3A_165, %dma_start3A_166] : memref<10x80x64xf32, #tpu.memory_space<vmem>> -> memref<1x80x64xf32, #tpu.memory_space<vmem>>
    %dma_start3A_168 = tpu.memref_squeeze %dma_start3A_167 : memref<1x80x64xf32, #tpu.memory_space<vmem>> -> memref<80x64xf32, #tpu.memory_space<vmem>>
    %dma_start3A_169 = arith.constant 0 : i32
    %dma_start3A_170 = tpu.memref_slice %arg7[%dma_start3A_163, %dma_start3A_169] : memref<125x80xi32, #tpu.memory_space<vmem>> -> memref<1x80xi32, #tpu.memory_space<vmem>>
    %dma_start3A_171 = tpu.memref_squeeze %dma_start3A_170 : memref<1x80xi32, #tpu.memory_space<vmem>> -> memref<80xi32, #tpu.memory_space<vmem>>
    %dma_start3A_172 = arith.constant 0 : i32
    %dma_start3A_173 = arith.constant 0 : i32
    %dma_start3A_174 = tpu.memref_slice %arg2[%dma_start3A_172, %dma_start3A_173] : memref<10240x64xf32, #tpu.memory_space<hbm>> -> memref<10240x64xf32, #tpu.memory_space<hbm>>
    tpu.enqueue_indirect_dma source(%dma_start3A_174 : memref<10240x64xf32, #tpu.memory_space<hbm>>) target(%dma_start3A_168 : memref<80x64xf32, #tpu.memory_space<vmem>>) offsets(%dma_start3A_171 : memref<80xi32, #tpu.memory_space<vmem>>) semaphore(%arg12 : memref<!tpu.dma_semaphore, #tpu.memory_space<semaphore_mem>>)
    %dma_start3A_175 = arith.constant 4 : i32
    %dma_start3A_176 = arith.constant 4 : i32
    %dma_start3A_177 = arith.constant 0 : i32
    %dma_start3A_178 = arith.constant 0 : i32
    %dma_start3A_179 = tpu.memref_slice %arg9[%dma_start3A_176, %dma_start3A_177, %dma_start3A_178] : memref<10x80x64xf32, #tpu.memory_space<vmem>> -> memref<1x80x64xf32, #tpu.memory_space<vmem>>
    %dma_start3A_180 = tpu.memref_squeeze %dma_start3A_179 : memref<1x80x64xf32, #tpu.memory_space<vmem>> -> memref<80x64xf32, #tpu.memory_space<vmem>>
    %dma_start3A_181 = arith.constant 0 : i32
    %dma_start3A_182 = tpu.memref_slice %arg7[%dma_start3A_175, %dma_start3A_181] : memref<125x80xi32, #tpu.memory_space<vmem>> -> memref<1x80xi32, #tpu.memory_space<vmem>>
    %dma_start3A_183 = tpu.memref_squeeze %dma_start3A_182 : memref<1x80xi32, #tpu.memory_space<vmem>> -> memref<80xi32, #tpu.memory_space<vmem>>
    %dma_start3A_184 = arith.constant 0 : i32
    %dma_start3A_185 = arith.constant 0 : i32
    %dma_start3A_186 = tpu.memref_slice %arg2[%dma_start3A_184, %dma_start3A_185] : memref<10240x64xf32, #tpu.memory_space<hbm>> -> memref<10240x64xf32, #tpu.memory_space<hbm>>
    tpu.enqueue_indirect_dma source(%dma_start3A_186 : memref<10240x64xf32, #tpu.memory_space<hbm>>) target(%dma_start3A_180 : memref<80x64xf32, #tpu.memory_space<vmem>>) offsets(%dma_start3A_183 : memref<80xi32, #tpu.memory_space<vmem>>) semaphore(%arg12 : memref<!tpu.dma_semaphore, #tpu.memory_space<semaphore_mem>>)
    %scan3A = arith.constant 0 : i32
    %scan3A_187 = arith.constant 125 : i32
    %scan3A_188 = arith.addi %scan3A, %scan3A_187 : i32
    %scan3A_189 = arith.constant 1 : i32
    scf.for %scan3A_764 = %scan3A to %scan3A_188 step %scan3A_189  : i32 {
      %ge3A = arith.constant 5 : i32
      %ge3A_765 = arith.cmpi sge, %scan3A_764, %ge3A : i32
      %convert_element_type3A = arith.extui %ge3A_765 : i1 to i32
      %cond3A = arith.constant 0 : i32
      %cond3A_766 = arith.cmpi ne, %convert_element_type3A, %cond3A : i32
      scf.if %cond3A_766 {
        %dma_wait3A_796 = arith.constant 0 : i32
        %dma_wait3A_797 = arith.constant 0 : i32
        %dma_wait3A_798 = arith.constant 0 : i32
        %dma_wait3A_799 = arith.constant 0 : i32
        %dma_wait3A_800 = tpu.memref_slice %arg9[%dma_wait3A_796, %dma_wait3A_798, %dma_wait3A_799] : memref<10x80x64xf32, #tpu.memory_space<vmem>> -> memref<1x80x64xf32, #tpu.memory_space<vmem>>
        %dma_wait3A_801 = tpu.memref_squeeze %dma_wait3A_800 : memref<1x80x64xf32, #tpu.memory_space<vmem>> -> memref<80x64xf32, #tpu.memory_space<vmem>>
        %dma_wait3A_802 = arith.constant 0 : i32
        %dma_wait3A_803 = tpu.memref_slice %arg8[%dma_wait3A_797, %dma_wait3A_802] : memref<125x80xi32, #tpu.memory_space<vmem>> -> memref<1x80xi32, #tpu.memory_space<vmem>>
        %dma_wait3A_804 = tpu.memref_squeeze %dma_wait3A_803 : memref<1x80xi32, #tpu.memory_space<vmem>> -> memref<80xi32, #tpu.memory_space<vmem>>
        %dma_wait3A_805 = arith.constant 0 : i32
        %dma_wait3A_806 = arith.constant 0 : i32
        %dma_wait3A_807 = tpu.memref_slice %arg11[%dma_wait3A_805, %dma_wait3A_806] : memref<10240x64xf32, #tpu.memory_space<vmem_shared>> -> memref<10240x64xf32, #tpu.memory_space<vmem_shared>>
        tpu.wait_indirect_dma semaphore(%arg13 : memref<!tpu.dma_semaphore, #tpu.memory_space<semaphore_mem>>) src(%dma_wait3A_801 : memref<80x64xf32, #tpu.memory_space<vmem>>) dst(%dma_wait3A_807 : memref<10240x64xf32, #tpu.memory_space<vmem_shared>>)
      } else {
      }
      %dma_wait3A_767 = arith.constant 0 : i32
      %dma_wait3A_768 = arith.constant 0 : i32
      %dma_wait3A_769 = arith.constant 0 : i32
      %dma_wait3A_770 = arith.constant 0 : i32
      %dma_wait3A_771 = tpu.memref_slice %arg9[%dma_wait3A_768, %dma_wait3A_769, %dma_wait3A_770] : memref<10x80x64xf32, #tpu.memory_space<vmem>> -> memref<1x80x64xf32, #tpu.memory_space<vmem>>
      %dma_wait3A_772 = tpu.memref_squeeze %dma_wait3A_771 : memref<1x80x64xf32, #tpu.memory_space<vmem>> -> memref<80x64xf32, #tpu.memory_space<vmem>>
      %dma_wait3A_773 = arith.constant 0 : i32
      %dma_wait3A_774 = tpu.memref_slice %arg7[%dma_wait3A_767, %dma_wait3A_773] : memref<125x80xi32, #tpu.memory_space<vmem>> -> memref<1x80xi32, #tpu.memory_space<vmem>>
      %dma_wait3A_775 = tpu.memref_squeeze %dma_wait3A_774 : memref<1x80xi32, #tpu.memory_space<vmem>> -> memref<80xi32, #tpu.memory_space<vmem>>
      %dma_wait3A_776 = arith.constant 0 : i32
      %dma_wait3A_777 = arith.constant 0 : i32
      %dma_wait3A_778 = tpu.memref_slice %arg2[%dma_wait3A_776, %dma_wait3A_777] : memref<10240x64xf32, #tpu.memory_space<hbm>> -> memref<10240x64xf32, #tpu.memory_space<hbm>>
      tpu.wait_indirect_dma semaphore(%arg12 : memref<!tpu.dma_semaphore, #tpu.memory_space<semaphore_mem>>) src(%dma_wait3A_778 : memref<10240x64xf32, #tpu.memory_space<hbm>>) dst(%dma_wait3A_772 : memref<80x64xf32, #tpu.memory_space<vmem>>)
      %rem3A = arith.constant 10 : i32
      %rem3A_779 = arith.remsi %scan3A_764, %rem3A : i32
      %dma_start3A_780 = arith.constant 0 : i32
      %dma_start3A_781 = arith.constant 0 : i32
      %dma_start3A_782 = tpu.memref_slice %arg9[%rem3A_779, %dma_start3A_780, %dma_start3A_781] : memref<10x80x64xf32, #tpu.memory_space<vmem>> -> memref<1x80x64xf32, #tpu.memory_space<vmem>>
      %dma_start3A_783 = tpu.memref_squeeze %dma_start3A_782 : memref<1x80x64xf32, #tpu.memory_space<vmem>> -> memref<80x64xf32, #tpu.memory_space<vmem>>
      %dma_start3A_784 = arith.constant 0 : i32
      %dma_start3A_785 = tpu.memref_slice %arg8[%scan3A_764, %dma_start3A_784] : memref<125x80xi32, #tpu.memory_space<vmem>> -> memref<1x80xi32, #tpu.memory_space<vmem>>
      %dma_start3A_786 = tpu.memref_squeeze %dma_start3A_785 : memref<1x80xi32, #tpu.memory_space<vmem>> -> memref<80xi32, #tpu.memory_space<vmem>>
      %dma_start3A_787 = arith.constant 0 : i32
      %dma_start3A_788 = arith.constant 0 : i32
      %dma_start3A_789 = tpu.memref_slice %arg11[%dma_start3A_787, %dma_start3A_788] : memref<10240x64xf32, #tpu.memory_space<vmem_shared>> -> memref<10240x64xf32, #tpu.memory_space<vmem_shared>>
      tpu.enqueue_indirect_dma source(%dma_start3A_783 : memref<80x64xf32, #tpu.memory_space<vmem>>) target(%dma_start3A_789 : memref<10240x64xf32, #tpu.memory_space<vmem_shared>>) offsets(%dma_start3A_786 : memref<80xi32, #tpu.memory_space<vmem>>) semaphore(%arg13 : memref<!tpu.dma_semaphore, #tpu.memory_space<semaphore_mem>>) {add = true}
      %add3A_790 = arith.constant 5 : i32
      %add3A_791 = arith.addi %scan3A_764, %add3A_790 : i32
      %lt3A = arith.constant 125 : i32
      %lt3A_792 = arith.cmpi slt, %add3A_791, %lt3A : i32
      %convert_element_type3A_793 = arith.extui %lt3A_792 : i1 to i32
      %cond3A_794 = arith.constant 0 : i32
      %cond3A_795 = arith.cmpi ne, %convert_element_type3A_793, %cond3A_794 : i32
      scf.if %cond3A_795 {
        %add3A_796 = arith.constant 5 : i32
        %add3A_797 = arith.addi %scan3A_764, %add3A_796 : i32
        %add3A_798 = arith.constant 5 : i32
        %add3A_799 = arith.addi %scan3A_764, %add3A_798 : i32
        %rem3A_800 = arith.constant 10 : i32
        %rem3A_801 = arith.remsi %add3A_799, %rem3A_800 : i32
        %dma_start3A_802 = arith.constant 0 : i32
        %dma_start3A_803 = arith.constant 0 : i32
        %dma_start3A_804 = tpu.memref_slice %arg9[%rem3A_801, %dma_start3A_802, %dma_start3A_803] : memref<10x80x64xf32, #tpu.memory_space<vmem>> -> memref<1x80x64xf32, #tpu.memory_space<vmem>>
        %dma_start3A_805 = tpu.memref_squeeze %dma_start3A_804 : memref<1x80x64xf32, #tpu.memory_space<vmem>> -> memref<80x64xf32, #tpu.memory_space<vmem>>
        %dma_start3A_806 = arith.constant 0 : i32
        %dma_start3A_807 = tpu.memref_slice %arg7[%add3A_797, %dma_start3A_806] : memref<125x80xi32, #tpu.memory_space<vmem>> -> memref<1x80xi32, #tpu.memory_space<vmem>>
        %dma_start3A_808 = tpu.memref_squeeze %dma_start3A_807 : memref<1x80xi32, #tpu.memory_space<vmem>> -> memref<80xi32, #tpu.memory_space<vmem>>
        %dma_start3A_809 = arith.constant 0 : i32
        %dma_start3A_810 = arith.constant 0 : i32
        %dma_start3A_811 = tpu.memref_slice %arg2[%dma_start3A_809, %dma_start3A_810] : memref<10240x64xf32, #tpu.memory_space<hbm>> -> memref<10240x64xf32, #tpu.memory_space<hbm>>
        tpu.enqueue_indirect_dma source(%dma_start3A_811 : memref<10240x64xf32, #tpu.memory_space<hbm>>) target(%dma_start3A_805 : memref<80x64xf32, #tpu.memory_space<vmem>>) offsets(%dma_start3A_808 : memref<80xi32, #tpu.memory_space<vmem>>) semaphore(%arg12 : memref<!tpu.dma_semaphore, #tpu.memory_space<semaphore_mem>>)
      } else {
      }
    }
    %scan3A_190 = arith.constant 125 : i32
    %dma_wait3A_191 = arith.constant 0 : i32
    %dma_wait3A_192 = arith.constant 0 : i32
    %dma_wait3A_193 = arith.constant 0 : i32
    %dma_wait3A_194 = arith.constant 0 : i32
    %dma_wait3A_195 = tpu.memref_slice %arg9[%dma_wait3A_191, %dma_wait3A_193, %dma_wait3A_194] : memref<10x80x64xf32, #tpu.memory_space<vmem>> -> memref<1x80x64xf32, #tpu.memory_space<vmem>>
    %dma_wait3A_196 = tpu.memref_squeeze %dma_wait3A_195 : memref<1x80x64xf32, #tpu.memory_space<vmem>> -> memref<80x64xf32, #tpu.memory_space<vmem>>
    %dma_wait3A_197 = arith.constant 0 : i32
    %dma_wait3A_198 = tpu.memref_slice %arg8[%dma_wait3A_192, %dma_wait3A_197] : memref<125x80xi32, #tpu.memory_space<vmem>> -> memref<1x80xi32, #tpu.memory_space<vmem>>
    %dma_wait3A_199 = tpu.memref_squeeze %dma_wait3A_198 : memref<1x80xi32, #tpu.memory_space<vmem>> -> memref<80xi32, #tpu.memory_space<vmem>>
    %dma_wait3A_200 = arith.constant 0 : i32
    %dma_wait3A_201 = arith.constant 0 : i32
    %dma_wait3A_202 = tpu.memref_slice %arg11[%dma_wait3A_200, %dma_wait3A_201] : memref<10240x64xf32, #tpu.memory_space<vmem_shared>> -> memref<10240x64xf32, #tpu.memory_space<vmem_shared>>
    tpu.wait_indirect_dma semaphore(%arg13 : memref<!tpu.dma_semaphore, #tpu.memory_space<semaphore_mem>>) src(%dma_wait3A_196 : memref<80x64xf32, #tpu.memory_space<vmem>>) dst(%dma_wait3A_202 : memref<10240x64xf32, #tpu.memory_space<vmem_shared>>)
    %dma_wait3A_203 = arith.constant 0 : i32
    %dma_wait3A_204 = arith.constant 0 : i32
    %dma_wait3A_205 = arith.constant 0 : i32
    %dma_wait3A_206 = arith.constant 0 : i32
    %dma_wait3A_207 = tpu.memref_slice %arg9[%dma_wait3A_203, %dma_wait3A_205, %dma_wait3A_206] : memref<10x80x64xf32, #tpu.memory_space<vmem>> -> memref<1x80x64xf32, #tpu.memory_space<vmem>>
    %dma_wait3A_208 = tpu.memref_squeeze %dma_wait3A_207 : memref<1x80x64xf32, #tpu.memory_space<vmem>> -> memref<80x64xf32, #tpu.memory_space<vmem>>
    %dma_wait3A_209 = arith.constant 0 : i32
    %dma_wait3A_210 = tpu.memref_slice %arg8[%dma_wait3A_204, %dma_wait3A_209] : memref<125x80xi32, #tpu.memory_space<vmem>> -> memref<1x80xi32, #tpu.memory_space<vmem>>
    %dma_wait3A_211 = tpu.memref_squeeze %dma_wait3A_210 : memref<1x80xi32, #tpu.memory_space<vmem>> -> memref<80xi32, #tpu.memory_space<vmem>>
    %dma_wait3A_212 = arith.constant 0 : i32
    %dma_wait3A_213 = arith.constant 0 : i32
    %dma_wait3A_214 = tpu.memref_slice %arg11[%dma_wait3A_212, %dma_wait3A_213] : memref<10240x64xf32, #tpu.memory_space<vmem_shared>> -> memref<10240x64xf32, #tpu.memory_space<vmem_shared>>
    tpu.wait_indirect_dma semaphore(%arg13 : memref<!tpu.dma_semaphore, #tpu.memory_space<semaphore_mem>>) src(%dma_wait3A_208 : memref<80x64xf32, #tpu.memory_space<vmem>>) dst(%dma_wait3A_214 : memref<10240x64xf32, #tpu.memory_space<vmem_shared>>)
    %dma_wait3A_215 = arith.constant 0 : i32
    %dma_wait3A_216 = arith.constant 0 : i32
    %dma_wait3A_217 = arith.constant 0 : i32
    %dma_wait3A_218 = arith.constant 0 : i32
    %dma_wait3A_219 = tpu.memref_slice %arg9[%dma_wait3A_215, %dma_wait3A_217, %dma_wait3A_218] : memref<10x80x64xf32, #tpu.memory_space<vmem>> -> memref<1x80x64xf32, #tpu.memory_space<vmem>>
    %dma_wait3A_220 = tpu.memref_squeeze %dma_wait3A_219 : memref<1x80x64xf32, #tpu.memory_space<vmem>> -> memref<80x64xf32, #tpu.memory_space<vmem>>
    %dma_wait3A_221 = arith.constant 0 : i32
    %dma_wait3A_222 = tpu.memref_slice %arg8[%dma_wait3A_216, %dma_wait3A_221] : memref<125x80xi32, #tpu.memory_space<vmem>> -> memref<1x80xi32, #tpu.memory_space<vmem>>
    %dma_wait3A_223 = tpu.memref_squeeze %dma_wait3A_222 : memref<1x80xi32, #tpu.memory_space<vmem>> -> memref<80xi32, #tpu.memory_space<vmem>>
    %dma_wait3A_224 = arith.constant 0 : i32
    %dma_wait3A_225 = arith.constant 0 : i32
    %dma_wait3A_226 = tpu.memref_slice %arg11[%dma_wait3A_224, %dma_wait3A_225] : memref<10240x64xf32, #tpu.memory_space<vmem_shared>> -> memref<10240x64xf32, #tpu.memory_space<vmem_shared>>
    tpu.wait_indirect_dma semaphore(%arg13 : memref<!tpu.dma_semaphore, #tpu.memory_space<semaphore_mem>>) src(%dma_wait3A_220 : memref<80x64xf32, #tpu.memory_space<vmem>>) dst(%dma_wait3A_226 : memref<10240x64xf32, #tpu.memory_space<vmem_shared>>)
    %dma_wait3A_227 = arith.constant 0 : i32
    %dma_wait3A_228 = arith.constant 0 : i32
    %dma_wait3A_229 = arith.constant 0 : i32
    %dma_wait3A_230 = arith.constant 0 : i32
    %dma_wait3A_231 = tpu.memref_slice %arg9[%dma_wait3A_227, %dma_wait3A_229, %dma_wait3A_230] : memref<10x80x64xf32, #tpu.memory_space<vmem>> -> memref<1x80x64xf32, #tpu.memory_space<vmem>>
    %dma_wait3A_232 = tpu.memref_squeeze %dma_wait3A_231 : memref<1x80x64xf32, #tpu.memory_space<vmem>> -> memref<80x64xf32, #tpu.memory_space<vmem>>
    %dma_wait3A_233 = arith.constant 0 : i32
    %dma_wait3A_234 = tpu.memref_slice %arg8[%dma_wait3A_228, %dma_wait3A_233] : memref<125x80xi32, #tpu.memory_space<vmem>> -> memref<1x80xi32, #tpu.memory_space<vmem>>
    %dma_wait3A_235 = tpu.memref_squeeze %dma_wait3A_234 : memref<1x80xi32, #tpu.memory_space<vmem>> -> memref<80xi32, #tpu.memory_space<vmem>>
    %dma_wait3A_236 = arith.constant 0 : i32
    %dma_wait3A_237 = arith.constant 0 : i32
    %dma_wait3A_238 = tpu.memref_slice %arg11[%dma_wait3A_236, %dma_wait3A_237] : memref<10240x64xf32, #tpu.memory_space<vmem_shared>> -> memref<10240x64xf32, #tpu.memory_space<vmem_shared>>
    tpu.wait_indirect_dma semaphore(%arg13 : memref<!tpu.dma_semaphore, #tpu.memory_space<semaphore_mem>>) src(%dma_wait3A_232 : memref<80x64xf32, #tpu.memory_space<vmem>>) dst(%dma_wait3A_238 : memref<10240x64xf32, #tpu.memory_space<vmem_shared>>)
    %dma_wait3A_239 = arith.constant 0 : i32
    %dma_wait3A_240 = arith.constant 0 : i32
    %dma_wait3A_241 = arith.constant 0 : i32
    %dma_wait3A_242 = arith.constant 0 : i32
    %dma_wait3A_243 = tpu.memref_slice %arg9[%dma_wait3A_239, %dma_wait3A_241, %dma_wait3A_242] : memref<10x80x64xf32, #tpu.memory_space<vmem>> -> memref<1x80x64xf32, #tpu.memory_space<vmem>>
    %dma_wait3A_244 = tpu.memref_squeeze %dma_wait3A_243 : memref<1x80x64xf32, #tpu.memory_space<vmem>> -> memref<80x64xf32, #tpu.memory_space<vmem>>
    %dma_wait3A_245 = arith.constant 0 : i32
    %dma_wait3A_246 = tpu.memref_slice %arg8[%dma_wait3A_240, %dma_wait3A_245] : memref<125x80xi32, #tpu.memory_space<vmem>> -> memref<1x80xi32, #tpu.memory_space<vmem>>
    %dma_wait3A_247 = tpu.memref_squeeze %dma_wait3A_246 : memref<1x80xi32, #tpu.memory_space<vmem>> -> memref<80xi32, #tpu.memory_space<vmem>>
    %dma_wait3A_248 = arith.constant 0 : i32
    %dma_wait3A_249 = arith.constant 0 : i32
    %dma_wait3A_250 = tpu.memref_slice %arg11[%dma_wait3A_248, %dma_wait3A_249] : memref<10240x64xf32, #tpu.memory_space<vmem_shared>> -> memref<10240x64xf32, #tpu.memory_space<vmem_shared>>
    tpu.wait_indirect_dma semaphore(%arg13 : memref<!tpu.dma_semaphore, #tpu.memory_space<semaphore_mem>>) src(%dma_wait3A_244 : memref<80x64xf32, #tpu.memory_space<vmem>>) dst(%dma_wait3A_250 : memref<10240x64xf32, #tpu.memory_space<vmem_shared>>)
    %barrier3A_251 = arith.constant 0 : index
    tpu.barrier barrier_id(%barrier3A_251)
    %mul3A_252 = arith.constant 640 : i32
    %mul3A_253 = arith.muli %arg1, %mul3A_252 : i32
    %add3A_254 = arith.constant 0 : i32
    %add3A_255 = arith.addi %mul3A_253, %add3A_254 : i32
    %dma_start3A_256 = arith.constant 0 : i32
    %dma_start3A_257 = arith.constant 0 : i32
    %dma_start3A_258 = arith.constant 0 : i32
    %dma_start3A_259 = tpu.memref_slice %arg9[%dma_start3A_256, %dma_start3A_257, %dma_start3A_258] : memref<10x80x64xf32, #tpu.memory_space<vmem>> -> memref<1x80x64xf32, #tpu.memory_space<vmem>>
    %dma_start3A_260 = tpu.memref_squeeze %dma_start3A_259 : memref<1x80x64xf32, #tpu.memory_space<vmem>> -> memref<80x64xf32, #tpu.memory_space<vmem>>
    %dma_start3A_261 = arith.constant 0 : i32
    %dma_start3A_262 = tpu.memref_slice %arg11[%add3A_255, %dma_start3A_261] : memref<10240x64xf32, #tpu.memory_space<vmem_shared>> -> memref<80x64xf32, #tpu.memory_space<vmem_shared>>
    %dma_start3A_263 = arith.constant 0 : i32
    %dma_start3A_264 = arith.constant 0 : i32
    %dma_start3A_265 = tpu.memref_slice %arg9[%dma_start3A_256, %dma_start3A_263, %dma_start3A_264] : memref<10x80x64xf32, #tpu.memory_space<vmem>> -> memref<1x80x64xf32, #tpu.memory_space<vmem>>
    %dma_start3A_266 = tpu.memref_squeeze %dma_start3A_265 : memref<1x80x64xf32, #tpu.memory_space<vmem>> -> memref<80x64xf32, #tpu.memory_space<vmem>>
    %dma_start3A_267 = arith.constant 0 : i32
    %dma_start3A_268 = tpu.memref_slice %arg11[%add3A_255, %dma_start3A_267] : memref<10240x64xf32, #tpu.memory_space<vmem_shared>> -> memref<80x64xf32, #tpu.memory_space<vmem_shared>>
    tpu.enqueue_dma source(%dma_start3A_268 : memref<80x64xf32, #tpu.memory_space<vmem_shared>>) target(%dma_start3A_266 : memref<80x64xf32, #tpu.memory_space<vmem>>) target_semaphore(%arg12 : memref<!tpu.dma_semaphore, #tpu.memory_space<semaphore_mem>>)
    %mul3A_269 = arith.constant 640 : i32
    %mul3A_270 = arith.muli %arg1, %mul3A_269 : i32
    %add3A_271 = arith.constant 80 : i32
    %add3A_272 = arith.addi %mul3A_270, %add3A_271 : i32
    %dma_start3A_273 = arith.constant 1 : i32
    %dma_start3A_274 = arith.constant 0 : i32
    %dma_start3A_275 = arith.constant 0 : i32
    %dma_start3A_276 = tpu.memref_slice %arg9[%dma_start3A_273, %dma_start3A_274, %dma_start3A_275] : memref<10x80x64xf32, #tpu.memory_space<vmem>> -> memref<1x80x64xf32, #tpu.memory_space<vmem>>
    %dma_start3A_277 = tpu.memref_squeeze %dma_start3A_276 : memref<1x80x64xf32, #tpu.memory_space<vmem>> -> memref<80x64xf32, #tpu.memory_space<vmem>>
    %dma_start3A_278 = arith.constant 0 : i32
    %dma_start3A_279 = tpu.memref_slice %arg11[%add3A_272, %dma_start3A_278] : memref<10240x64xf32, #tpu.memory_space<vmem_shared>> -> memref<80x64xf32, #tpu.memory_space<vmem_shared>>
    %dma_start3A_280 = arith.constant 0 : i32
    %dma_start3A_281 = arith.constant 0 : i32
    %dma_start3A_282 = tpu.memref_slice %arg9[%dma_start3A_273, %dma_start3A_280, %dma_start3A_281] : memref<10x80x64xf32, #tpu.memory_space<vmem>> -> memref<1x80x64xf32, #tpu.memory_space<vmem>>
    %dma_start3A_283 = tpu.memref_squeeze %dma_start3A_282 : memref<1x80x64xf32, #tpu.memory_space<vmem>> -> memref<80x64xf32, #tpu.memory_space<vmem>>
    %dma_start3A_284 = arith.constant 0 : i32
    %dma_start3A_285 = tpu.memref_slice %arg11[%add3A_272, %dma_start3A_284] : memref<10240x64xf32, #tpu.memory_space<vmem_shared>> -> memref<80x64xf32, #tpu.memory_space<vmem_shared>>
    tpu.enqueue_dma source(%dma_start3A_285 : memref<80x64xf32, #tpu.memory_space<vmem_shared>>) target(%dma_start3A_283 : memref<80x64xf32, #tpu.memory_space<vmem>>) target_semaphore(%arg12 : memref<!tpu.dma_semaphore, #tpu.memory_space<semaphore_mem>>)
    %mul3A_286 = arith.constant 640 : i32
    %mul3A_287 = arith.muli %arg1, %mul3A_286 : i32
    %add3A_288 = arith.constant 160 : i32
    %add3A_289 = arith.addi %mul3A_287, %add3A_288 : i32
    %dma_start3A_290 = arith.constant 2 : i32
    %dma_start3A_291 = arith.constant 0 : i32
    %dma_start3A_292 = arith.constant 0 : i32
    %dma_start3A_293 = tpu.memref_slice %arg9[%dma_start3A_290, %dma_start3A_291, %dma_start3A_292] : memref<10x80x64xf32, #tpu.memory_space<vmem>> -> memref<1x80x64xf32, #tpu.memory_space<vmem>>
    %dma_start3A_294 = tpu.memref_squeeze %dma_start3A_293 : memref<1x80x64xf32, #tpu.memory_space<vmem>> -> memref<80x64xf32, #tpu.memory_space<vmem>>
    %dma_start3A_295 = arith.constant 0 : i32
    %dma_start3A_296 = tpu.memref_slice %arg11[%add3A_289, %dma_start3A_295] : memref<10240x64xf32, #tpu.memory_space<vmem_shared>> -> memref<80x64xf32, #tpu.memory_space<vmem_shared>>
    %dma_start3A_297 = arith.constant 0 : i32
    %dma_start3A_298 = arith.constant 0 : i32
    %dma_start3A_299 = tpu.memref_slice %arg9[%dma_start3A_290, %dma_start3A_297, %dma_start3A_298] : memref<10x80x64xf32, #tpu.memory_space<vmem>> -> memref<1x80x64xf32, #tpu.memory_space<vmem>>
    %dma_start3A_300 = tpu.memref_squeeze %dma_start3A_299 : memref<1x80x64xf32, #tpu.memory_space<vmem>> -> memref<80x64xf32, #tpu.memory_space<vmem>>
    %dma_start3A_301 = arith.constant 0 : i32
    %dma_start3A_302 = tpu.memref_slice %arg11[%add3A_289, %dma_start3A_301] : memref<10240x64xf32, #tpu.memory_space<vmem_shared>> -> memref<80x64xf32, #tpu.memory_space<vmem_shared>>
    tpu.enqueue_dma source(%dma_start3A_302 : memref<80x64xf32, #tpu.memory_space<vmem_shared>>) target(%dma_start3A_300 : memref<80x64xf32, #tpu.memory_space<vmem>>) target_semaphore(%arg12 : memref<!tpu.dma_semaphore, #tpu.memory_space<semaphore_mem>>)
    %mul3A_303 = arith.constant 640 : i32
    %mul3A_304 = arith.muli %arg1, %mul3A_303 : i32
    %add3A_305 = arith.constant 240 : i32
    %add3A_306 = arith.addi %mul3A_304, %add3A_305 : i32
    %dma_start3A_307 = arith.constant 3 : i32
    %dma_start3A_308 = arith.constant 0 : i32
    %dma_start3A_309 = arith.constant 0 : i32
    %dma_start3A_310 = tpu.memref_slice %arg9[%dma_start3A_307, %dma_start3A_308, %dma_start3A_309] : memref<10x80x64xf32, #tpu.memory_space<vmem>> -> memref<1x80x64xf32, #tpu.memory_space<vmem>>
    %dma_start3A_311 = tpu.memref_squeeze %dma_start3A_310 : memref<1x80x64xf32, #tpu.memory_space<vmem>> -> memref<80x64xf32, #tpu.memory_space<vmem>>
    %dma_start3A_312 = arith.constant 0 : i32
    %dma_start3A_313 = tpu.memref_slice %arg11[%add3A_306, %dma_start3A_312] : memref<10240x64xf32, #tpu.memory_space<vmem_shared>> -> memref<80x64xf32, #tpu.memory_space<vmem_shared>>
    %dma_start3A_314 = arith.constant 0 : i32
    %dma_start3A_315 = arith.constant 0 : i32
    %dma_start3A_316 = tpu.memref_slice %arg9[%dma_start3A_307, %dma_start3A_314, %dma_start3A_315] : memref<10x80x64xf32, #tpu.memory_space<vmem>> -> memref<1x80x64xf32, #tpu.memory_space<vmem>>
    %dma_start3A_317 = tpu.memref_squeeze %dma_start3A_316 : memref<1x80x64xf32, #tpu.memory_space<vmem>> -> memref<80x64xf32, #tpu.memory_space<vmem>>
    %dma_start3A_318 = arith.constant 0 : i32
    %dma_start3A_319 = tpu.memref_slice %arg11[%add3A_306, %dma_start3A_318] : memref<10240x64xf32, #tpu.memory_space<vmem_shared>> -> memref<80x64xf32, #tpu.memory_space<vmem_shared>>
    tpu.enqueue_dma source(%dma_start3A_319 : memref<80x64xf32, #tpu.memory_space<vmem_shared>>) target(%dma_start3A_317 : memref<80x64xf32, #tpu.memory_space<vmem>>) target_semaphore(%arg12 : memref<!tpu.dma_semaphore, #tpu.memory_space<semaphore_mem>>)
    %mul3A_320 = arith.constant 640 : i32
    %mul3A_321 = arith.muli %arg1, %mul3A_320 : i32
    %add3A_322 = arith.constant 320 : i32
    %add3A_323 = arith.addi %mul3A_321, %add3A_322 : i32
    %dma_start3A_324 = arith.constant 4 : i32
    %dma_start3A_325 = arith.constant 0 : i32
    %dma_start3A_326 = arith.constant 0 : i32
    %dma_start3A_327 = tpu.memref_slice %arg9[%dma_start3A_324, %dma_start3A_325, %dma_start3A_326] : memref<10x80x64xf32, #tpu.memory_space<vmem>> -> memref<1x80x64xf32, #tpu.memory_space<vmem>>
    %dma_start3A_328 = tpu.memref_squeeze %dma_start3A_327 : memref<1x80x64xf32, #tpu.memory_space<vmem>> -> memref<80x64xf32, #tpu.memory_space<vmem>>
    %dma_start3A_329 = arith.constant 0 : i32
    %dma_start3A_330 = tpu.memref_slice %arg11[%add3A_323, %dma_start3A_329] : memref<10240x64xf32, #tpu.memory_space<vmem_shared>> -> memref<80x64xf32, #tpu.memory_space<vmem_shared>>
    %dma_start3A_331 = arith.constant 0 : i32
    %dma_start3A_332 = arith.constant 0 : i32
    %dma_start3A_333 = tpu.memref_slice %arg9[%dma_start3A_324, %dma_start3A_331, %dma_start3A_332] : memref<10x80x64xf32, #tpu.memory_space<vmem>> -> memref<1x80x64xf32, #tpu.memory_space<vmem>>
    %dma_start3A_334 = tpu.memref_squeeze %dma_start3A_333 : memref<1x80x64xf32, #tpu.memory_space<vmem>> -> memref<80x64xf32, #tpu.memory_space<vmem>>
    %dma_start3A_335 = arith.constant 0 : i32
    %dma_start3A_336 = tpu.memref_slice %arg11[%add3A_323, %dma_start3A_335] : memref<10240x64xf32, #tpu.memory_space<vmem_shared>> -> memref<80x64xf32, #tpu.memory_space<vmem_shared>>
    tpu.enqueue_dma source(%dma_start3A_336 : memref<80x64xf32, #tpu.memory_space<vmem_shared>>) target(%dma_start3A_334 : memref<80x64xf32, #tpu.memory_space<vmem>>) target_semaphore(%arg12 : memref<!tpu.dma_semaphore, #tpu.memory_space<semaphore_mem>>)
    %mul3A_337 = arith.constant 640 : i32
    %mul3A_338 = arith.muli %arg1, %mul3A_337 : i32
    %add3A_339 = arith.constant 400 : i32
    %add3A_340 = arith.addi %mul3A_338, %add3A_339 : i32
    %dma_start3A_341 = arith.constant 5 : i32
    %dma_start3A_342 = arith.constant 0 : i32
    %dma_start3A_343 = arith.constant 0 : i32
    %dma_start3A_344 = tpu.memref_slice %arg9[%dma_start3A_341, %dma_start3A_342, %dma_start3A_343] : memref<10x80x64xf32, #tpu.memory_space<vmem>> -> memref<1x80x64xf32, #tpu.memory_space<vmem>>
    %dma_start3A_345 = tpu.memref_squeeze %dma_start3A_344 : memref<1x80x64xf32, #tpu.memory_space<vmem>> -> memref<80x64xf32, #tpu.memory_space<vmem>>
    %dma_start3A_346 = arith.constant 0 : i32
    %dma_start3A_347 = tpu.memref_slice %arg11[%add3A_340, %dma_start3A_346] : memref<10240x64xf32, #tpu.memory_space<vmem_shared>> -> memref<80x64xf32, #tpu.memory_space<vmem_shared>>
    %dma_start3A_348 = arith.constant 0 : i32
    %dma_start3A_349 = arith.constant 0 : i32
    %dma_start3A_350 = tpu.memref_slice %arg9[%dma_start3A_341, %dma_start3A_348, %dma_start3A_349] : memref<10x80x64xf32, #tpu.memory_space<vmem>> -> memref<1x80x64xf32, #tpu.memory_space<vmem>>
    %dma_start3A_351 = tpu.memref_squeeze %dma_start3A_350 : memref<1x80x64xf32, #tpu.memory_space<vmem>> -> memref<80x64xf32, #tpu.memory_space<vmem>>
    %dma_start3A_352 = arith.constant 0 : i32
    %dma_start3A_353 = tpu.memref_slice %arg11[%add3A_340, %dma_start3A_352] : memref<10240x64xf32, #tpu.memory_space<vmem_shared>> -> memref<80x64xf32, #tpu.memory_space<vmem_shared>>
    tpu.enqueue_dma source(%dma_start3A_353 : memref<80x64xf32, #tpu.memory_space<vmem_shared>>) target(%dma_start3A_351 : memref<80x64xf32, #tpu.memory_space<vmem>>) target_semaphore(%arg12 : memref<!tpu.dma_semaphore, #tpu.memory_space<semaphore_mem>>)
    %mul3A_354 = arith.constant 640 : i32
    %mul3A_355 = arith.muli %arg1, %mul3A_354 : i32
    %add3A_356 = arith.constant 480 : i32
    %add3A_357 = arith.addi %mul3A_355, %add3A_356 : i32
    %dma_start3A_358 = arith.constant 6 : i32
    %dma_start3A_359 = arith.constant 0 : i32
    %dma_start3A_360 = arith.constant 0 : i32
    %dma_start3A_361 = tpu.memref_slice %arg9[%dma_start3A_358, %dma_start3A_359, %dma_start3A_360] : memref<10x80x64xf32, #tpu.memory_space<vmem>> -> memref<1x80x64xf32, #tpu.memory_space<vmem>>
    %dma_start3A_362 = tpu.memref_squeeze %dma_start3A_361 : memref<1x80x64xf32, #tpu.memory_space<vmem>> -> memref<80x64xf32, #tpu.memory_space<vmem>>
    %dma_start3A_363 = arith.constant 0 : i32
    %dma_start3A_364 = tpu.memref_slice %arg11[%add3A_357, %dma_start3A_363] : memref<10240x64xf32, #tpu.memory_space<vmem_shared>> -> memref<80x64xf32, #tpu.memory_space<vmem_shared>>
    %dma_start3A_365 = arith.constant 0 : i32
    %dma_start3A_366 = arith.constant 0 : i32
    %dma_start3A_367 = tpu.memref_slice %arg9[%dma_start3A_358, %dma_start3A_365, %dma_start3A_366] : memref<10x80x64xf32, #tpu.memory_space<vmem>> -> memref<1x80x64xf32, #tpu.memory_space<vmem>>
    %dma_start3A_368 = tpu.memref_squeeze %dma_start3A_367 : memref<1x80x64xf32, #tpu.memory_space<vmem>> -> memref<80x64xf32, #tpu.memory_space<vmem>>
    %dma_start3A_369 = arith.constant 0 : i32
    %dma_start3A_370 = tpu.memref_slice %arg11[%add3A_357, %dma_start3A_369] : memref<10240x64xf32, #tpu.memory_space<vmem_shared>> -> memref<80x64xf32, #tpu.memory_space<vmem_shared>>
    tpu.enqueue_dma source(%dma_start3A_370 : memref<80x64xf32, #tpu.memory_space<vmem_shared>>) target(%dma_start3A_368 : memref<80x64xf32, #tpu.memory_space<vmem>>) target_semaphore(%arg12 : memref<!tpu.dma_semaphore, #tpu.memory_space<semaphore_mem>>)
    %mul3A_371 = arith.constant 640 : i32
    %mul3A_372 = arith.muli %arg1, %mul3A_371 : i32
    %add3A_373 = arith.constant 560 : i32
    %add3A_374 = arith.addi %mul3A_372, %add3A_373 : i32
    %dma_start3A_375 = arith.constant 7 : i32
    %dma_start3A_376 = arith.constant 0 : i32
    %dma_start3A_377 = arith.constant 0 : i32
    %dma_start3A_378 = tpu.memref_slice %arg9[%dma_start3A_375, %dma_start3A_376, %dma_start3A_377] : memref<10x80x64xf32, #tpu.memory_space<vmem>> -> memref<1x80x64xf32, #tpu.memory_space<vmem>>
    %dma_start3A_379 = tpu.memref_squeeze %dma_start3A_378 : memref<1x80x64xf32, #tpu.memory_space<vmem>> -> memref<80x64xf32, #tpu.memory_space<vmem>>
    %dma_start3A_380 = arith.constant 0 : i32
    %dma_start3A_381 = tpu.memref_slice %arg11[%add3A_374, %dma_start3A_380] : memref<10240x64xf32, #tpu.memory_space<vmem_shared>> -> memref<80x64xf32, #tpu.memory_space<vmem_shared>>
    %dma_start3A_382 = arith.constant 0 : i32
    %dma_start3A_383 = arith.constant 0 : i32
    %dma_start3A_384 = tpu.memref_slice %arg9[%dma_start3A_375, %dma_start3A_382, %dma_start3A_383] : memref<10x80x64xf32, #tpu.memory_space<vmem>> -> memref<1x80x64xf32, #tpu.memory_space<vmem>>
    %dma_start3A_385 = tpu.memref_squeeze %dma_start3A_384 : memref<1x80x64xf32, #tpu.memory_space<vmem>> -> memref<80x64xf32, #tpu.memory_space<vmem>>
    %dma_start3A_386 = arith.constant 0 : i32
    %dma_start3A_387 = tpu.memref_slice %arg11[%add3A_374, %dma_start3A_386] : memref<10240x64xf32, #tpu.memory_space<vmem_shared>> -> memref<80x64xf32, #tpu.memory_space<vmem_shared>>
    tpu.enqueue_dma source(%dma_start3A_387 : memref<80x64xf32, #tpu.memory_space<vmem_shared>>) target(%dma_start3A_385 : memref<80x64xf32, #tpu.memory_space<vmem>>) target_semaphore(%arg12 : memref<!tpu.dma_semaphore, #tpu.memory_space<semaphore_mem>>)
    %dma_wait3A_388 = arith.constant 0 : i32
    %dma_wait3A_389 = arith.constant 0 : i32
    %dma_wait3A_390 = arith.constant 0 : i32
    %dma_wait3A_391 = tpu.memref_slice %arg9[%dma_wait3A_388, %dma_wait3A_389, %dma_wait3A_390] : memref<10x80x64xf32, #tpu.memory_space<vmem>> -> memref<1x80x64xf32, #tpu.memory_space<vmem>>
    %dma_wait3A_392 = tpu.memref_squeeze %dma_wait3A_391 : memref<1x80x64xf32, #tpu.memory_space<vmem>> -> memref<80x64xf32, #tpu.memory_space<vmem>>
    %dma_wait3A_393 = arith.constant 0 : i32
    %dma_wait3A_394 = tpu.memref_slice %arg11[%add3A_255, %dma_wait3A_393] : memref<10240x64xf32, #tpu.memory_space<vmem_shared>> -> memref<80x64xf32, #tpu.memory_space<vmem_shared>>
    %dma_wait3A_395 = arith.constant 0 : i32
    %dma_wait3A_396 = arith.constant 0 : i32
    %dma_wait3A_397 = tpu.memref_slice %arg9[%dma_wait3A_388, %dma_wait3A_395, %dma_wait3A_396] : memref<10x80x64xf32, #tpu.memory_space<vmem>> -> memref<1x80x64xf32, #tpu.memory_space<vmem>>
    %dma_wait3A_398 = tpu.memref_squeeze %dma_wait3A_397 : memref<1x80x64xf32, #tpu.memory_space<vmem>> -> memref<80x64xf32, #tpu.memory_space<vmem>>
    %dma_wait3A_399 = arith.constant 0 : i32
    %dma_wait3A_400 = tpu.memref_slice %arg11[%add3A_255, %dma_wait3A_399] : memref<10240x64xf32, #tpu.memory_space<vmem_shared>> -> memref<80x64xf32, #tpu.memory_space<vmem_shared>>
    tpu.wait_dma2 semaphore(%arg12 : memref<!tpu.dma_semaphore, #tpu.memory_space<semaphore_mem>>) src(%dma_wait3A_400 : memref<80x64xf32, #tpu.memory_space<vmem_shared>>) dst(%dma_wait3A_398 : memref<80x64xf32, #tpu.memory_space<vmem>>)
    %mul3A_401 = arith.constant 640 : i32
    %mul3A_402 = arith.muli %arg1, %mul3A_401 : i32
    %add3A_403 = arith.constant 0 : i32
    %add3A_404 = arith.addi %mul3A_402, %add3A_403 : i32
    %dma_start3A_405 = arith.constant 0 : i32
    %dma_start3A_406 = arith.constant 0 : i32
    %dma_start3A_407 = arith.constant 0 : i32
    %dma_start3A_408 = tpu.memref_slice %arg9[%dma_start3A_405, %dma_start3A_406, %dma_start3A_407] : memref<10x80x64xf32, #tpu.memory_space<vmem>> -> memref<1x80x64xf32, #tpu.memory_space<vmem>>
    %dma_start3A_409 = tpu.memref_squeeze %dma_start3A_408 : memref<1x80x64xf32, #tpu.memory_space<vmem>> -> memref<80x64xf32, #tpu.memory_space<vmem>>
    %dma_start3A_410 = arith.constant 0 : i32
    %dma_start3A_411 = tpu.memref_slice %arg6[%arg0, %add3A_404, %dma_start3A_410] : memref<2x10240x64xf32, #tpu.memory_space<hbm>> -> memref<1x80x64xf32, #tpu.memory_space<hbm>>
    %dma_start3A_412 = tpu.memref_squeeze %dma_start3A_411 : memref<1x80x64xf32, #tpu.memory_space<hbm>> -> memref<80x64xf32, #tpu.memory_space<hbm>>
    %dma_start3A_413 = arith.constant 0 : i32
    %dma_start3A_414 = tpu.memref_slice %arg6[%arg0, %add3A_404, %dma_start3A_413] : memref<2x10240x64xf32, #tpu.memory_space<hbm>> -> memref<1x80x64xf32, #tpu.memory_space<hbm>>
    %dma_start3A_415 = tpu.memref_squeeze %dma_start3A_414 : memref<1x80x64xf32, #tpu.memory_space<hbm>> -> memref<80x64xf32, #tpu.memory_space<hbm>>
    %dma_start3A_416 = arith.constant 0 : i32
    %dma_start3A_417 = arith.constant 0 : i32
    %dma_start3A_418 = tpu.memref_slice %arg9[%dma_start3A_405, %dma_start3A_416, %dma_start3A_417] : memref<10x80x64xf32, #tpu.memory_space<vmem>> -> memref<1x80x64xf32, #tpu.memory_space<vmem>>
    %dma_start3A_419 = tpu.memref_squeeze %dma_start3A_418 : memref<1x80x64xf32, #tpu.memory_space<vmem>> -> memref<80x64xf32, #tpu.memory_space<vmem>>
    tpu.enqueue_dma source(%dma_start3A_419 : memref<80x64xf32, #tpu.memory_space<vmem>>) target(%dma_start3A_415 : memref<80x64xf32, #tpu.memory_space<hbm>>) target_semaphore(%arg13 : memref<!tpu.dma_semaphore, #tpu.memory_space<semaphore_mem>>)
    %dma_wait3A_420 = arith.constant 1 : i32
    %dma_wait3A_421 = arith.constant 0 : i32
    %dma_wait3A_422 = arith.constant 0 : i32
    %dma_wait3A_423 = tpu.memref_slice %arg9[%dma_wait3A_420, %dma_wait3A_421, %dma_wait3A_422] : memref<10x80x64xf32, #tpu.memory_space<vmem>> -> memref<1x80x64xf32, #tpu.memory_space<vmem>>
    %dma_wait3A_424 = tpu.memref_squeeze %dma_wait3A_423 : memref<1x80x64xf32, #tpu.memory_space<vmem>> -> memref<80x64xf32, #tpu.memory_space<vmem>>
    %dma_wait3A_425 = arith.constant 0 : i32
    %dma_wait3A_426 = tpu.memref_slice %arg11[%add3A_272, %dma_wait3A_425] : memref<10240x64xf32, #tpu.memory_space<vmem_shared>> -> memref<80x64xf32, #tpu.memory_space<vmem_shared>>
    %dma_wait3A_427 = arith.constant 0 : i32
    %dma_wait3A_428 = arith.constant 0 : i32
    %dma_wait3A_429 = tpu.memref_slice %arg9[%dma_wait3A_420, %dma_wait3A_427, %dma_wait3A_428] : memref<10x80x64xf32, #tpu.memory_space<vmem>> -> memref<1x80x64xf32, #tpu.memory_space<vmem>>
    %dma_wait3A_430 = tpu.memref_squeeze %dma_wait3A_429 : memref<1x80x64xf32, #tpu.memory_space<vmem>> -> memref<80x64xf32, #tpu.memory_space<vmem>>
    %dma_wait3A_431 = arith.constant 0 : i32
    %dma_wait3A_432 = tpu.memref_slice %arg11[%add3A_272, %dma_wait3A_431] : memref<10240x64xf32, #tpu.memory_space<vmem_shared>> -> memref<80x64xf32, #tpu.memory_space<vmem_shared>>
    tpu.wait_dma2 semaphore(%arg12 : memref<!tpu.dma_semaphore, #tpu.memory_space<semaphore_mem>>) src(%dma_wait3A_432 : memref<80x64xf32, #tpu.memory_space<vmem_shared>>) dst(%dma_wait3A_430 : memref<80x64xf32, #tpu.memory_space<vmem>>)
    %mul3A_433 = arith.constant 640 : i32
    %mul3A_434 = arith.muli %arg1, %mul3A_433 : i32
    %add3A_435 = arith.constant 80 : i32
    %add3A_436 = arith.addi %mul3A_434, %add3A_435 : i32
    %dma_start3A_437 = arith.constant 1 : i32
    %dma_start3A_438 = arith.constant 0 : i32
    %dma_start3A_439 = arith.constant 0 : i32
    %dma_start3A_440 = tpu.memref_slice %arg9[%dma_start3A_437, %dma_start3A_438, %dma_start3A_439] : memref<10x80x64xf32, #tpu.memory_space<vmem>> -> memref<1x80x64xf32, #tpu.memory_space<vmem>>
    %dma_start3A_441 = tpu.memref_squeeze %dma_start3A_440 : memref<1x80x64xf32, #tpu.memory_space<vmem>> -> memref<80x64xf32, #tpu.memory_space<vmem>>
    %dma_start3A_442 = arith.constant 0 : i32
    %dma_start3A_443 = tpu.memref_slice %arg6[%arg0, %add3A_436, %dma_start3A_442] : memref<2x10240x64xf32, #tpu.memory_space<hbm>> -> memref<1x80x64xf32, #tpu.memory_space<hbm>>
    %dma_start3A_444 = tpu.memref_squeeze %dma_start3A_443 : memref<1x80x64xf32, #tpu.memory_space<hbm>> -> memref<80x64xf32, #tpu.memory_space<hbm>>
    %dma_start3A_445 = arith.constant 0 : i32
    %dma_start3A_446 = tpu.memref_slice %arg6[%arg0, %add3A_436, %dma_start3A_445] : memref<2x10240x64xf32, #tpu.memory_space<hbm>> -> memref<1x80x64xf32, #tpu.memory_space<hbm>>
    %dma_start3A_447 = tpu.memref_squeeze %dma_start3A_446 : memref<1x80x64xf32, #tpu.memory_space<hbm>> -> memref<80x64xf32, #tpu.memory_space<hbm>>
    %dma_start3A_448 = arith.constant 0 : i32
    %dma_start3A_449 = arith.constant 0 : i32
    %dma_start3A_450 = tpu.memref_slice %arg9[%dma_start3A_437, %dma_start3A_448, %dma_start3A_449] : memref<10x80x64xf32, #tpu.memory_space<vmem>> -> memref<1x80x64xf32, #tpu.memory_space<vmem>>
    %dma_start3A_451 = tpu.memref_squeeze %dma_start3A_450 : memref<1x80x64xf32, #tpu.memory_space<vmem>> -> memref<80x64xf32, #tpu.memory_space<vmem>>
    tpu.enqueue_dma source(%dma_start3A_451 : memref<80x64xf32, #tpu.memory_space<vmem>>) target(%dma_start3A_447 : memref<80x64xf32, #tpu.memory_space<hbm>>) target_semaphore(%arg13 : memref<!tpu.dma_semaphore, #tpu.memory_space<semaphore_mem>>)
    %dma_wait3A_452 = arith.constant 2 : i32
    %dma_wait3A_453 = arith.constant 0 : i32
    %dma_wait3A_454 = arith.constant 0 : i32
    %dma_wait3A_455 = tpu.memref_slice %arg9[%dma_wait3A_452, %dma_wait3A_453, %dma_wait3A_454] : memref<10x80x64xf32, #tpu.memory_space<vmem>> -> memref<1x80x64xf32, #tpu.memory_space<vmem>>
    %dma_wait3A_456 = tpu.memref_squeeze %dma_wait3A_455 : memref<1x80x64xf32, #tpu.memory_space<vmem>> -> memref<80x64xf32, #tpu.memory_space<vmem>>
    %dma_wait3A_457 = arith.constant 0 : i32
    %dma_wait3A_458 = tpu.memref_slice %arg11[%add3A_289, %dma_wait3A_457] : memref<10240x64xf32, #tpu.memory_space<vmem_shared>> -> memref<80x64xf32, #tpu.memory_space<vmem_shared>>
    %dma_wait3A_459 = arith.constant 0 : i32
    %dma_wait3A_460 = arith.constant 0 : i32
    %dma_wait3A_461 = tpu.memref_slice %arg9[%dma_wait3A_452, %dma_wait3A_459, %dma_wait3A_460] : memref<10x80x64xf32, #tpu.memory_space<vmem>> -> memref<1x80x64xf32, #tpu.memory_space<vmem>>
    %dma_wait3A_462 = tpu.memref_squeeze %dma_wait3A_461 : memref<1x80x64xf32, #tpu.memory_space<vmem>> -> memref<80x64xf32, #tpu.memory_space<vmem>>
    %dma_wait3A_463 = arith.constant 0 : i32
    %dma_wait3A_464 = tpu.memref_slice %arg11[%add3A_289, %dma_wait3A_463] : memref<10240x64xf32, #tpu.memory_space<vmem_shared>> -> memref<80x64xf32, #tpu.memory_space<vmem_shared>>
    tpu.wait_dma2 semaphore(%arg12 : memref<!tpu.dma_semaphore, #tpu.memory_space<semaphore_mem>>) src(%dma_wait3A_464 : memref<80x64xf32, #tpu.memory_space<vmem_shared>>) dst(%dma_wait3A_462 : memref<80x64xf32, #tpu.memory_space<vmem>>)
    %mul3A_465 = arith.constant 640 : i32
    %mul3A_466 = arith.muli %arg1, %mul3A_465 : i32
    %add3A_467 = arith.constant 160 : i32
    %add3A_468 = arith.addi %mul3A_466, %add3A_467 : i32
    %dma_start3A_469 = arith.constant 2 : i32
    %dma_start3A_470 = arith.constant 0 : i32
    %dma_start3A_471 = arith.constant 0 : i32
    %dma_start3A_472 = tpu.memref_slice %arg9[%dma_start3A_469, %dma_start3A_470, %dma_start3A_471] : memref<10x80x64xf32, #tpu.memory_space<vmem>> -> memref<1x80x64xf32, #tpu.memory_space<vmem>>
    %dma_start3A_473 = tpu.memref_squeeze %dma_start3A_472 : memref<1x80x64xf32, #tpu.memory_space<vmem>> -> memref<80x64xf32, #tpu.memory_space<vmem>>
    %dma_start3A_474 = arith.constant 0 : i32
    %dma_start3A_475 = tpu.memref_slice %arg6[%arg0, %add3A_468, %dma_start3A_474] : memref<2x10240x64xf32, #tpu.memory_space<hbm>> -> memref<1x80x64xf32, #tpu.memory_space<hbm>>
    %dma_start3A_476 = tpu.memref_squeeze %dma_start3A_475 : memref<1x80x64xf32, #tpu.memory_space<hbm>> -> memref<80x64xf32, #tpu.memory_space<hbm>>
    %dma_start3A_477 = arith.constant 0 : i32
    %dma_start3A_478 = tpu.memref_slice %arg6[%arg0, %add3A_468, %dma_start3A_477] : memref<2x10240x64xf32, #tpu.memory_space<hbm>> -> memref<1x80x64xf32, #tpu.memory_space<hbm>>
    %dma_start3A_479 = tpu.memref_squeeze %dma_start3A_478 : memref<1x80x64xf32, #tpu.memory_space<hbm>> -> memref<80x64xf32, #tpu.memory_space<hbm>>
    %dma_start3A_480 = arith.constant 0 : i32
    %dma_start3A_481 = arith.constant 0 : i32
    %dma_start3A_482 = tpu.memref_slice %arg9[%dma_start3A_469, %dma_start3A_480, %dma_start3A_481] : memref<10x80x64xf32, #tpu.memory_space<vmem>> -> memref<1x80x64xf32, #tpu.memory_space<vmem>>
    %dma_start3A_483 = tpu.memref_squeeze %dma_start3A_482 : memref<1x80x64xf32, #tpu.memory_space<vmem>> -> memref<80x64xf32, #tpu.memory_space<vmem>>
    tpu.enqueue_dma source(%dma_start3A_483 : memref<80x64xf32, #tpu.memory_space<vmem>>) target(%dma_start3A_479 : memref<80x64xf32, #tpu.memory_space<hbm>>) target_semaphore(%arg13 : memref<!tpu.dma_semaphore, #tpu.memory_space<semaphore_mem>>)
    %dma_wait3A_484 = arith.constant 3 : i32
    %dma_wait3A_485 = arith.constant 0 : i32
    %dma_wait3A_486 = arith.constant 0 : i32
    %dma_wait3A_487 = tpu.memref_slice %arg9[%dma_wait3A_484, %dma_wait3A_485, %dma_wait3A_486] : memref<10x80x64xf32, #tpu.memory_space<vmem>> -> memref<1x80x64xf32, #tpu.memory_space<vmem>>
    %dma_wait3A_488 = tpu.memref_squeeze %dma_wait3A_487 : memref<1x80x64xf32, #tpu.memory_space<vmem>> -> memref<80x64xf32, #tpu.memory_space<vmem>>
    %dma_wait3A_489 = arith.constant 0 : i32
    %dma_wait3A_490 = tpu.memref_slice %arg11[%add3A_306, %dma_wait3A_489] : memref<10240x64xf32, #tpu.memory_space<vmem_shared>> -> memref<80x64xf32, #tpu.memory_space<vmem_shared>>
    %dma_wait3A_491 = arith.constant 0 : i32
    %dma_wait3A_492 = arith.constant 0 : i32
    %dma_wait3A_493 = tpu.memref_slice %arg9[%dma_wait3A_484, %dma_wait3A_491, %dma_wait3A_492] : memref<10x80x64xf32, #tpu.memory_space<vmem>> -> memref<1x80x64xf32, #tpu.memory_space<vmem>>
    %dma_wait3A_494 = tpu.memref_squeeze %dma_wait3A_493 : memref<1x80x64xf32, #tpu.memory_space<vmem>> -> memref<80x64xf32, #tpu.memory_space<vmem>>
    %dma_wait3A_495 = arith.constant 0 : i32
    %dma_wait3A_496 = tpu.memref_slice %arg11[%add3A_306, %dma_wait3A_495] : memref<10240x64xf32, #tpu.memory_space<vmem_shared>> -> memref<80x64xf32, #tpu.memory_space<vmem_shared>>
    tpu.wait_dma2 semaphore(%arg12 : memref<!tpu.dma_semaphore, #tpu.memory_space<semaphore_mem>>) src(%dma_wait3A_496 : memref<80x64xf32, #tpu.memory_space<vmem_shared>>) dst(%dma_wait3A_494 : memref<80x64xf32, #tpu.memory_space<vmem>>)
    %mul3A_497 = arith.constant 640 : i32
    %mul3A_498 = arith.muli %arg1, %mul3A_497 : i32
    %add3A_499 = arith.constant 240 : i32
    %add3A_500 = arith.addi %mul3A_498, %add3A_499 : i32
    %dma_start3A_501 = arith.constant 3 : i32
    %dma_start3A_502 = arith.constant 0 : i32
    %dma_start3A_503 = arith.constant 0 : i32
    %dma_start3A_504 = tpu.memref_slice %arg9[%dma_start3A_501, %dma_start3A_502, %dma_start3A_503] : memref<10x80x64xf32, #tpu.memory_space<vmem>> -> memref<1x80x64xf32, #tpu.memory_space<vmem>>
    %dma_start3A_505 = tpu.memref_squeeze %dma_start3A_504 : memref<1x80x64xf32, #tpu.memory_space<vmem>> -> memref<80x64xf32, #tpu.memory_space<vmem>>
    %dma_start3A_506 = arith.constant 0 : i32
    %dma_start3A_507 = tpu.memref_slice %arg6[%arg0, %add3A_500, %dma_start3A_506] : memref<2x10240x64xf32, #tpu.memory_space<hbm>> -> memref<1x80x64xf32, #tpu.memory_space<hbm>>
    %dma_start3A_508 = tpu.memref_squeeze %dma_start3A_507 : memref<1x80x64xf32, #tpu.memory_space<hbm>> -> memref<80x64xf32, #tpu.memory_space<hbm>>
    %dma_start3A_509 = arith.constant 0 : i32
    %dma_start3A_510 = tpu.memref_slice %arg6[%arg0, %add3A_500, %dma_start3A_509] : memref<2x10240x64xf32, #tpu.memory_space<hbm>> -> memref<1x80x64xf32, #tpu.memory_space<hbm>>
    %dma_start3A_511 = tpu.memref_squeeze %dma_start3A_510 : memref<1x80x64xf32, #tpu.memory_space<hbm>> -> memref<80x64xf32, #tpu.memory_space<hbm>>
    %dma_start3A_512 = arith.constant 0 : i32
    %dma_start3A_513 = arith.constant 0 : i32
    %dma_start3A_514 = tpu.memref_slice %arg9[%dma_start3A_501, %dma_start3A_512, %dma_start3A_513] : memref<10x80x64xf32, #tpu.memory_space<vmem>> -> memref<1x80x64xf32, #tpu.memory_space<vmem>>
    %dma_start3A_515 = tpu.memref_squeeze %dma_start3A_514 : memref<1x80x64xf32, #tpu.memory_space<vmem>> -> memref<80x64xf32, #tpu.memory_space<vmem>>
    tpu.enqueue_dma source(%dma_start3A_515 : memref<80x64xf32, #tpu.memory_space<vmem>>) target(%dma_start3A_511 : memref<80x64xf32, #tpu.memory_space<hbm>>) target_semaphore(%arg13 : memref<!tpu.dma_semaphore, #tpu.memory_space<semaphore_mem>>)
    %dma_wait3A_516 = arith.constant 4 : i32
    %dma_wait3A_517 = arith.constant 0 : i32
    %dma_wait3A_518 = arith.constant 0 : i32
    %dma_wait3A_519 = tpu.memref_slice %arg9[%dma_wait3A_516, %dma_wait3A_517, %dma_wait3A_518] : memref<10x80x64xf32, #tpu.memory_space<vmem>> -> memref<1x80x64xf32, #tpu.memory_space<vmem>>
    %dma_wait3A_520 = tpu.memref_squeeze %dma_wait3A_519 : memref<1x80x64xf32, #tpu.memory_space<vmem>> -> memref<80x64xf32, #tpu.memory_space<vmem>>
    %dma_wait3A_521 = arith.constant 0 : i32
    %dma_wait3A_522 = tpu.memref_slice %arg11[%add3A_323, %dma_wait3A_521] : memref<10240x64xf32, #tpu.memory_space<vmem_shared>> -> memref<80x64xf32, #tpu.memory_space<vmem_shared>>
    %dma_wait3A_523 = arith.constant 0 : i32
    %dma_wait3A_524 = arith.constant 0 : i32
    %dma_wait3A_525 = tpu.memref_slice %arg9[%dma_wait3A_516, %dma_wait3A_523, %dma_wait3A_524] : memref<10x80x64xf32, #tpu.memory_space<vmem>> -> memref<1x80x64xf32, #tpu.memory_space<vmem>>
    %dma_wait3A_526 = tpu.memref_squeeze %dma_wait3A_525 : memref<1x80x64xf32, #tpu.memory_space<vmem>> -> memref<80x64xf32, #tpu.memory_space<vmem>>
    %dma_wait3A_527 = arith.constant 0 : i32
    %dma_wait3A_528 = tpu.memref_slice %arg11[%add3A_323, %dma_wait3A_527] : memref<10240x64xf32, #tpu.memory_space<vmem_shared>> -> memref<80x64xf32, #tpu.memory_space<vmem_shared>>
    tpu.wait_dma2 semaphore(%arg12 : memref<!tpu.dma_semaphore, #tpu.memory_space<semaphore_mem>>) src(%dma_wait3A_528 : memref<80x64xf32, #tpu.memory_space<vmem_shared>>) dst(%dma_wait3A_526 : memref<80x64xf32, #tpu.memory_space<vmem>>)
    %mul3A_529 = arith.constant 640 : i32
    %mul3A_530 = arith.muli %arg1, %mul3A_529 : i32
    %add3A_531 = arith.constant 320 : i32
    %add3A_532 = arith.addi %mul3A_530, %add3A_531 : i32
    %dma_start3A_533 = arith.constant 4 : i32
    %dma_start3A_534 = arith.constant 0 : i32
    %dma_start3A_535 = arith.constant 0 : i32
    %dma_start3A_536 = tpu.memref_slice %arg9[%dma_start3A_533, %dma_start3A_534, %dma_start3A_535] : memref<10x80x64xf32, #tpu.memory_space<vmem>> -> memref<1x80x64xf32, #tpu.memory_space<vmem>>
    %dma_start3A_537 = tpu.memref_squeeze %dma_start3A_536 : memref<1x80x64xf32, #tpu.memory_space<vmem>> -> memref<80x64xf32, #tpu.memory_space<vmem>>
    %dma_start3A_538 = arith.constant 0 : i32
    %dma_start3A_539 = tpu.memref_slice %arg6[%arg0, %add3A_532, %dma_start3A_538] : memref<2x10240x64xf32, #tpu.memory_space<hbm>> -> memref<1x80x64xf32, #tpu.memory_space<hbm>>
    %dma_start3A_540 = tpu.memref_squeeze %dma_start3A_539 : memref<1x80x64xf32, #tpu.memory_space<hbm>> -> memref<80x64xf32, #tpu.memory_space<hbm>>
    %dma_start3A_541 = arith.constant 0 : i32
    %dma_start3A_542 = tpu.memref_slice %arg6[%arg0, %add3A_532, %dma_start3A_541] : memref<2x10240x64xf32, #tpu.memory_space<hbm>> -> memref<1x80x64xf32, #tpu.memory_space<hbm>>
    %dma_start3A_543 = tpu.memref_squeeze %dma_start3A_542 : memref<1x80x64xf32, #tpu.memory_space<hbm>> -> memref<80x64xf32, #tpu.memory_space<hbm>>
    %dma_start3A_544 = arith.constant 0 : i32
    %dma_start3A_545 = arith.constant 0 : i32
    %dma_start3A_546 = tpu.memref_slice %arg9[%dma_start3A_533, %dma_start3A_544, %dma_start3A_545] : memref<10x80x64xf32, #tpu.memory_space<vmem>> -> memref<1x80x64xf32, #tpu.memory_space<vmem>>
    %dma_start3A_547 = tpu.memref_squeeze %dma_start3A_546 : memref<1x80x64xf32, #tpu.memory_space<vmem>> -> memref<80x64xf32, #tpu.memory_space<vmem>>
    tpu.enqueue_dma source(%dma_start3A_547 : memref<80x64xf32, #tpu.memory_space<vmem>>) target(%dma_start3A_543 : memref<80x64xf32, #tpu.memory_space<hbm>>) target_semaphore(%arg13 : memref<!tpu.dma_semaphore, #tpu.memory_space<semaphore_mem>>)
    %dma_wait3A_548 = arith.constant 5 : i32
    %dma_wait3A_549 = arith.constant 0 : i32
    %dma_wait3A_550 = arith.constant 0 : i32
    %dma_wait3A_551 = tpu.memref_slice %arg9[%dma_wait3A_548, %dma_wait3A_549, %dma_wait3A_550] : memref<10x80x64xf32, #tpu.memory_space<vmem>> -> memref<1x80x64xf32, #tpu.memory_space<vmem>>
    %dma_wait3A_552 = tpu.memref_squeeze %dma_wait3A_551 : memref<1x80x64xf32, #tpu.memory_space<vmem>> -> memref<80x64xf32, #tpu.memory_space<vmem>>
    %dma_wait3A_553 = arith.constant 0 : i32
    %dma_wait3A_554 = tpu.memref_slice %arg11[%add3A_340, %dma_wait3A_553] : memref<10240x64xf32, #tpu.memory_space<vmem_shared>> -> memref<80x64xf32, #tpu.memory_space<vmem_shared>>
    %dma_wait3A_555 = arith.constant 0 : i32
    %dma_wait3A_556 = arith.constant 0 : i32
    %dma_wait3A_557 = tpu.memref_slice %arg9[%dma_wait3A_548, %dma_wait3A_555, %dma_wait3A_556] : memref<10x80x64xf32, #tpu.memory_space<vmem>> -> memref<1x80x64xf32, #tpu.memory_space<vmem>>
    %dma_wait3A_558 = tpu.memref_squeeze %dma_wait3A_557 : memref<1x80x64xf32, #tpu.memory_space<vmem>> -> memref<80x64xf32, #tpu.memory_space<vmem>>
    %dma_wait3A_559 = arith.constant 0 : i32
    %dma_wait3A_560 = tpu.memref_slice %arg11[%add3A_340, %dma_wait3A_559] : memref<10240x64xf32, #tpu.memory_space<vmem_shared>> -> memref<80x64xf32, #tpu.memory_space<vmem_shared>>
    tpu.wait_dma2 semaphore(%arg12 : memref<!tpu.dma_semaphore, #tpu.memory_space<semaphore_mem>>) src(%dma_wait3A_560 : memref<80x64xf32, #tpu.memory_space<vmem_shared>>) dst(%dma_wait3A_558 : memref<80x64xf32, #tpu.memory_space<vmem>>)
    %mul3A_561 = arith.constant 640 : i32
    %mul3A_562 = arith.muli %arg1, %mul3A_561 : i32
    %add3A_563 = arith.constant 400 : i32
    %add3A_564 = arith.addi %mul3A_562, %add3A_563 : i32
    %dma_start3A_565 = arith.constant 5 : i32
    %dma_start3A_566 = arith.constant 0 : i32
    %dma_start3A_567 = arith.constant 0 : i32
    %dma_start3A_568 = tpu.memref_slice %arg9[%dma_start3A_565, %dma_start3A_566, %dma_start3A_567] : memref<10x80x64xf32, #tpu.memory_space<vmem>> -> memref<1x80x64xf32, #tpu.memory_space<vmem>>
    %dma_start3A_569 = tpu.memref_squeeze %dma_start3A_568 : memref<1x80x64xf32, #tpu.memory_space<vmem>> -> memref<80x64xf32, #tpu.memory_space<vmem>>
    %dma_start3A_570 = arith.constant 0 : i32
    %dma_start3A_571 = tpu.memref_slice %arg6[%arg0, %add3A_564, %dma_start3A_570] : memref<2x10240x64xf32, #tpu.memory_space<hbm>> -> memref<1x80x64xf32, #tpu.memory_space<hbm>>
    %dma_start3A_572 = tpu.memref_squeeze %dma_start3A_571 : memref<1x80x64xf32, #tpu.memory_space<hbm>> -> memref<80x64xf32, #tpu.memory_space<hbm>>
    %dma_start3A_573 = arith.constant 0 : i32
    %dma_start3A_574 = tpu.memref_slice %arg6[%arg0, %add3A_564, %dma_start3A_573] : memref<2x10240x64xf32, #tpu.memory_space<hbm>> -> memref<1x80x64xf32, #tpu.memory_space<hbm>>
    %dma_start3A_575 = tpu.memref_squeeze %dma_start3A_574 : memref<1x80x64xf32, #tpu.memory_space<hbm>> -> memref<80x64xf32, #tpu.memory_space<hbm>>
    %dma_start3A_576 = arith.constant 0 : i32
    %dma_start3A_577 = arith.constant 0 : i32
    %dma_start3A_578 = tpu.memref_slice %arg9[%dma_start3A_565, %dma_start3A_576, %dma_start3A_577] : memref<10x80x64xf32, #tpu.memory_space<vmem>> -> memref<1x80x64xf32, #tpu.memory_space<vmem>>
    %dma_start3A_579 = tpu.memref_squeeze %dma_start3A_578 : memref<1x80x64xf32, #tpu.memory_space<vmem>> -> memref<80x64xf32, #tpu.memory_space<vmem>>
    tpu.enqueue_dma source(%dma_start3A_579 : memref<80x64xf32, #tpu.memory_space<vmem>>) target(%dma_start3A_575 : memref<80x64xf32, #tpu.memory_space<hbm>>) target_semaphore(%arg13 : memref<!tpu.dma_semaphore, #tpu.memory_space<semaphore_mem>>)
    %dma_wait3A_580 = arith.constant 6 : i32
    %dma_wait3A_581 = arith.constant 0 : i32
    %dma_wait3A_582 = arith.constant 0 : i32
    %dma_wait3A_583 = tpu.memref_slice %arg9[%dma_wait3A_580, %dma_wait3A_581, %dma_wait3A_582] : memref<10x80x64xf32, #tpu.memory_space<vmem>> -> memref<1x80x64xf32, #tpu.memory_space<vmem>>
    %dma_wait3A_584 = tpu.memref_squeeze %dma_wait3A_583 : memref<1x80x64xf32, #tpu.memory_space<vmem>> -> memref<80x64xf32, #tpu.memory_space<vmem>>
    %dma_wait3A_585 = arith.constant 0 : i32
    %dma_wait3A_586 = tpu.memref_slice %arg11[%add3A_357, %dma_wait3A_585] : memref<10240x64xf32, #tpu.memory_space<vmem_shared>> -> memref<80x64xf32, #tpu.memory_space<vmem_shared>>
    %dma_wait3A_587 = arith.constant 0 : i32
    %dma_wait3A_588 = arith.constant 0 : i32
    %dma_wait3A_589 = tpu.memref_slice %arg9[%dma_wait3A_580, %dma_wait3A_587, %dma_wait3A_588] : memref<10x80x64xf32, #tpu.memory_space<vmem>> -> memref<1x80x64xf32, #tpu.memory_space<vmem>>
    %dma_wait3A_590 = tpu.memref_squeeze %dma_wait3A_589 : memref<1x80x64xf32, #tpu.memory_space<vmem>> -> memref<80x64xf32, #tpu.memory_space<vmem>>
    %dma_wait3A_591 = arith.constant 0 : i32
    %dma_wait3A_592 = tpu.memref_slice %arg11[%add3A_357, %dma_wait3A_591] : memref<10240x64xf32, #tpu.memory_space<vmem_shared>> -> memref<80x64xf32, #tpu.memory_space<vmem_shared>>
    tpu.wait_dma2 semaphore(%arg12 : memref<!tpu.dma_semaphore, #tpu.memory_space<semaphore_mem>>) src(%dma_wait3A_592 : memref<80x64xf32, #tpu.memory_space<vmem_shared>>) dst(%dma_wait3A_590 : memref<80x64xf32, #tpu.memory_space<vmem>>)
    %mul3A_593 = arith.constant 640 : i32
    %mul3A_594 = arith.muli %arg1, %mul3A_593 : i32
    %add3A_595 = arith.constant 480 : i32
    %add3A_596 = arith.addi %mul3A_594, %add3A_595 : i32
    %dma_start3A_597 = arith.constant 6 : i32
    %dma_start3A_598 = arith.constant 0 : i32
    %dma_start3A_599 = arith.constant 0 : i32
    %dma_start3A_600 = tpu.memref_slice %arg9[%dma_start3A_597, %dma_start3A_598, %dma_start3A_599] : memref<10x80x64xf32, #tpu.memory_space<vmem>> -> memref<1x80x64xf32, #tpu.memory_space<vmem>>
    %dma_start3A_601 = tpu.memref_squeeze %dma_start3A_600 : memref<1x80x64xf32, #tpu.memory_space<vmem>> -> memref<80x64xf32, #tpu.memory_space<vmem>>
    %dma_start3A_602 = arith.constant 0 : i32
    %dma_start3A_603 = tpu.memref_slice %arg6[%arg0, %add3A_596, %dma_start3A_602] : memref<2x10240x64xf32, #tpu.memory_space<hbm>> -> memref<1x80x64xf32, #tpu.memory_space<hbm>>
    %dma_start3A_604 = tpu.memref_squeeze %dma_start3A_603 : memref<1x80x64xf32, #tpu.memory_space<hbm>> -> memref<80x64xf32, #tpu.memory_space<hbm>>
    %dma_start3A_605 = arith.constant 0 : i32
    %dma_start3A_606 = tpu.memref_slice %arg6[%arg0, %add3A_596, %dma_start3A_605] : memref<2x10240x64xf32, #tpu.memory_space<hbm>> -> memref<1x80x64xf32, #tpu.memory_space<hbm>>
    %dma_start3A_607 = tpu.memref_squeeze %dma_start3A_606 : memref<1x80x64xf32, #tpu.memory_space<hbm>> -> memref<80x64xf32, #tpu.memory_space<hbm>>
    %dma_start3A_608 = arith.constant 0 : i32
    %dma_start3A_609 = arith.constant 0 : i32
    %dma_start3A_610 = tpu.memref_slice %arg9[%dma_start3A_597, %dma_start3A_608, %dma_start3A_609] : memref<10x80x64xf32, #tpu.memory_space<vmem>> -> memref<1x80x64xf32, #tpu.memory_space<vmem>>
    %dma_start3A_611 = tpu.memref_squeeze %dma_start3A_610 : memref<1x80x64xf32, #tpu.memory_space<vmem>> -> memref<80x64xf32, #tpu.memory_space<vmem>>
    tpu.enqueue_dma source(%dma_start3A_611 : memref<80x64xf32, #tpu.memory_space<vmem>>) target(%dma_start3A_607 : memref<80x64xf32, #tpu.memory_space<hbm>>) target_semaphore(%arg13 : memref<!tpu.dma_semaphore, #tpu.memory_space<semaphore_mem>>)
    %dma_wait3A_612 = arith.constant 7 : i32
    %dma_wait3A_613 = arith.constant 0 : i32
    %dma_wait3A_614 = arith.constant 0 : i32
    %dma_wait3A_615 = tpu.memref_slice %arg9[%dma_wait3A_612, %dma_wait3A_613, %dma_wait3A_614] : memref<10x80x64xf32, #tpu.memory_space<vmem>> -> memref<1x80x64xf32, #tpu.memory_space<vmem>>
    %dma_wait3A_616 = tpu.memref_squeeze %dma_wait3A_615 : memref<1x80x64xf32, #tpu.memory_space<vmem>> -> memref<80x64xf32, #tpu.memory_space<vmem>>
    %dma_wait3A_617 = arith.constant 0 : i32
    %dma_wait3A_618 = tpu.memref_slice %arg11[%add3A_374, %dma_wait3A_617] : memref<10240x64xf32, #tpu.memory_space<vmem_shared>> -> memref<80x64xf32, #tpu.memory_space<vmem_shared>>
    %dma_wait3A_619 = arith.constant 0 : i32
    %dma_wait3A_620 = arith.constant 0 : i32
    %dma_wait3A_621 = tpu.memref_slice %arg9[%dma_wait3A_612, %dma_wait3A_619, %dma_wait3A_620] : memref<10x80x64xf32, #tpu.memory_space<vmem>> -> memref<1x80x64xf32, #tpu.memory_space<vmem>>
    %dma_wait3A_622 = tpu.memref_squeeze %dma_wait3A_621 : memref<1x80x64xf32, #tpu.memory_space<vmem>> -> memref<80x64xf32, #tpu.memory_space<vmem>>
    %dma_wait3A_623 = arith.constant 0 : i32
    %dma_wait3A_624 = tpu.memref_slice %arg11[%add3A_374, %dma_wait3A_623] : memref<10240x64xf32, #tpu.memory_space<vmem_shared>> -> memref<80x64xf32, #tpu.memory_space<vmem_shared>>
    tpu.wait_dma2 semaphore(%arg12 : memref<!tpu.dma_semaphore, #tpu.memory_space<semaphore_mem>>) src(%dma_wait3A_624 : memref<80x64xf32, #tpu.memory_space<vmem_shared>>) dst(%dma_wait3A_622 : memref<80x64xf32, #tpu.memory_space<vmem>>)
    %mul3A_625 = arith.constant 640 : i32
    %mul3A_626 = arith.muli %arg1, %mul3A_625 : i32
    %add3A_627 = arith.constant 560 : i32
    %add3A_628 = arith.addi %mul3A_626, %add3A_627 : i32
    %dma_start3A_629 = arith.constant 7 : i32
    %dma_start3A_630 = arith.constant 0 : i32
    %dma_start3A_631 = arith.constant 0 : i32
    %dma_start3A_632 = tpu.memref_slice %arg9[%dma_start3A_629, %dma_start3A_630, %dma_start3A_631] : memref<10x80x64xf32, #tpu.memory_space<vmem>> -> memref<1x80x64xf32, #tpu.memory_space<vmem>>
    %dma_start3A_633 = tpu.memref_squeeze %dma_start3A_632 : memref<1x80x64xf32, #tpu.memory_space<vmem>> -> memref<80x64xf32, #tpu.memory_space<vmem>>
    %dma_start3A_634 = arith.constant 0 : i32
    %dma_start3A_635 = tpu.memref_slice %arg6[%arg0, %add3A_628, %dma_start3A_634] : memref<2x10240x64xf32, #tpu.memory_space<hbm>> -> memref<1x80x64xf32, #tpu.memory_space<hbm>>
    %dma_start3A_636 = tpu.memref_squeeze %dma_start3A_635 : memref<1x80x64xf32, #tpu.memory_space<hbm>> -> memref<80x64xf32, #tpu.memory_space<hbm>>
    %dma_start3A_637 = arith.constant 0 : i32
    %dma_start3A_638 = tpu.memref_slice %arg6[%arg0, %add3A_628, %dma_start3A_637] : memref<2x10240x64xf32, #tpu.memory_space<hbm>> -> memref<1x80x64xf32, #tpu.memory_space<hbm>>
    %dma_start3A_639 = tpu.memref_squeeze %dma_start3A_638 : memref<1x80x64xf32, #tpu.memory_space<hbm>> -> memref<80x64xf32, #tpu.memory_space<hbm>>
    %dma_start3A_640 = arith.constant 0 : i32
    %dma_start3A_641 = arith.constant 0 : i32
    %dma_start3A_642 = tpu.memref_slice %arg9[%dma_start3A_629, %dma_start3A_640, %dma_start3A_641] : memref<10x80x64xf32, #tpu.memory_space<vmem>> -> memref<1x80x64xf32, #tpu.memory_space<vmem>>
    %dma_start3A_643 = tpu.memref_squeeze %dma_start3A_642 : memref<1x80x64xf32, #tpu.memory_space<vmem>> -> memref<80x64xf32, #tpu.memory_space<vmem>>
    tpu.enqueue_dma source(%dma_start3A_643 : memref<80x64xf32, #tpu.memory_space<vmem>>) target(%dma_start3A_639 : memref<80x64xf32, #tpu.memory_space<hbm>>) target_semaphore(%arg13 : memref<!tpu.dma_semaphore, #tpu.memory_space<semaphore_mem>>)
    %dma_wait3A_644 = arith.constant 0 : i32
    %dma_wait3A_645 = arith.constant 0 : i32
    %dma_wait3A_646 = arith.constant 0 : i32
    %dma_wait3A_647 = tpu.memref_slice %arg9[%dma_wait3A_644, %dma_wait3A_645, %dma_wait3A_646] : memref<10x80x64xf32, #tpu.memory_space<vmem>> -> memref<1x80x64xf32, #tpu.memory_space<vmem>>
    %dma_wait3A_648 = tpu.memref_squeeze %dma_wait3A_647 : memref<1x80x64xf32, #tpu.memory_space<vmem>> -> memref<80x64xf32, #tpu.memory_space<vmem>>
    %dma_wait3A_649 = arith.constant 0 : i32
    %dma_wait3A_650 = tpu.memref_slice %arg6[%arg0, %add3A_404, %dma_wait3A_649] : memref<2x10240x64xf32, #tpu.memory_space<hbm>> -> memref<1x80x64xf32, #tpu.memory_space<hbm>>
    %dma_wait3A_651 = tpu.memref_squeeze %dma_wait3A_650 : memref<1x80x64xf32, #tpu.memory_space<hbm>> -> memref<80x64xf32, #tpu.memory_space<hbm>>
    %dma_wait3A_652 = arith.constant 0 : i32
    %dma_wait3A_653 = tpu.memref_slice %arg6[%arg0, %add3A_404, %dma_wait3A_652] : memref<2x10240x64xf32, #tpu.memory_space<hbm>> -> memref<1x80x64xf32, #tpu.memory_space<hbm>>
    %dma_wait3A_654 = tpu.memref_squeeze %dma_wait3A_653 : memref<1x80x64xf32, #tpu.memory_space<hbm>> -> memref<80x64xf32, #tpu.memory_space<hbm>>
    %dma_wait3A_655 = arith.constant 0 : i32
    %dma_wait3A_656 = arith.constant 0 : i32
    %dma_wait3A_657 = tpu.memref_slice %arg9[%dma_wait3A_644, %dma_wait3A_655, %dma_wait3A_656] : memref<10x80x64xf32, #tpu.memory_space<vmem>> -> memref<1x80x64xf32, #tpu.memory_space<vmem>>
    %dma_wait3A_658 = tpu.memref_squeeze %dma_wait3A_657 : memref<1x80x64xf32, #tpu.memory_space<vmem>> -> memref<80x64xf32, #tpu.memory_space<vmem>>
    tpu.wait_dma2 semaphore(%arg13 : memref<!tpu.dma_semaphore, #tpu.memory_space<semaphore_mem>>) src(%dma_wait3A_658 : memref<80x64xf32, #tpu.memory_space<vmem>>) dst(%dma_wait3A_654 : memref<80x64xf32, #tpu.memory_space<hbm>>)
    %dma_wait3A_659 = arith.constant 1 : i32
    %dma_wait3A_660 = arith.constant 0 : i32
    %dma_wait3A_661 = arith.constant 0 : i32
    %dma_wait3A_662 = tpu.memref_slice %arg9[%dma_wait3A_659, %dma_wait3A_660, %dma_wait3A_661] : memref<10x80x64xf32, #tpu.memory_space<vmem>> -> memref<1x80x64xf32, #tpu.memory_space<vmem>>
    %dma_wait3A_663 = tpu.memref_squeeze %dma_wait3A_662 : memref<1x80x64xf32, #tpu.memory_space<vmem>> -> memref<80x64xf32, #tpu.memory_space<vmem>>
    %dma_wait3A_664 = arith.constant 0 : i32
    %dma_wait3A_665 = tpu.memref_slice %arg6[%arg0, %add3A_436, %dma_wait3A_664] : memref<2x10240x64xf32, #tpu.memory_space<hbm>> -> memref<1x80x64xf32, #tpu.memory_space<hbm>>
    %dma_wait3A_666 = tpu.memref_squeeze %dma_wait3A_665 : memref<1x80x64xf32, #tpu.memory_space<hbm>> -> memref<80x64xf32, #tpu.memory_space<hbm>>
    %dma_wait3A_667 = arith.constant 0 : i32
    %dma_wait3A_668 = tpu.memref_slice %arg6[%arg0, %add3A_436, %dma_wait3A_667] : memref<2x10240x64xf32, #tpu.memory_space<hbm>> -> memref<1x80x64xf32, #tpu.memory_space<hbm>>
    %dma_wait3A_669 = tpu.memref_squeeze %dma_wait3A_668 : memref<1x80x64xf32, #tpu.memory_space<hbm>> -> memref<80x64xf32, #tpu.memory_space<hbm>>
    %dma_wait3A_670 = arith.constant 0 : i32
    %dma_wait3A_671 = arith.constant 0 : i32
    %dma_wait3A_672 = tpu.memref_slice %arg9[%dma_wait3A_659, %dma_wait3A_670, %dma_wait3A_671] : memref<10x80x64xf32, #tpu.memory_space<vmem>> -> memref<1x80x64xf32, #tpu.memory_space<vmem>>
    %dma_wait3A_673 = tpu.memref_squeeze %dma_wait3A_672 : memref<1x80x64xf32, #tpu.memory_space<vmem>> -> memref<80x64xf32, #tpu.memory_space<vmem>>
    tpu.wait_dma2 semaphore(%arg13 : memref<!tpu.dma_semaphore, #tpu.memory_space<semaphore_mem>>) src(%dma_wait3A_673 : memref<80x64xf32, #tpu.memory_space<vmem>>) dst(%dma_wait3A_669 : memref<80x64xf32, #tpu.memory_space<hbm>>)
    %dma_wait3A_674 = arith.constant 2 : i32
    %dma_wait3A_675 = arith.constant 0 : i32
    %dma_wait3A_676 = arith.constant 0 : i32
    %dma_wait3A_677 = tpu.memref_slice %arg9[%dma_wait3A_674, %dma_wait3A_675, %dma_wait3A_676] : memref<10x80x64xf32, #tpu.memory_space<vmem>> -> memref<1x80x64xf32, #tpu.memory_space<vmem>>
    %dma_wait3A_678 = tpu.memref_squeeze %dma_wait3A_677 : memref<1x80x64xf32, #tpu.memory_space<vmem>> -> memref<80x64xf32, #tpu.memory_space<vmem>>
    %dma_wait3A_679 = arith.constant 0 : i32
    %dma_wait3A_680 = tpu.memref_slice %arg6[%arg0, %add3A_468, %dma_wait3A_679] : memref<2x10240x64xf32, #tpu.memory_space<hbm>> -> memref<1x80x64xf32, #tpu.memory_space<hbm>>
    %dma_wait3A_681 = tpu.memref_squeeze %dma_wait3A_680 : memref<1x80x64xf32, #tpu.memory_space<hbm>> -> memref<80x64xf32, #tpu.memory_space<hbm>>
    %dma_wait3A_682 = arith.constant 0 : i32
    %dma_wait3A_683 = tpu.memref_slice %arg6[%arg0, %add3A_468, %dma_wait3A_682] : memref<2x10240x64xf32, #tpu.memory_space<hbm>> -> memref<1x80x64xf32, #tpu.memory_space<hbm>>
    %dma_wait3A_684 = tpu.memref_squeeze %dma_wait3A_683 : memref<1x80x64xf32, #tpu.memory_space<hbm>> -> memref<80x64xf32, #tpu.memory_space<hbm>>
    %dma_wait3A_685 = arith.constant 0 : i32
    %dma_wait3A_686 = arith.constant 0 : i32
    %dma_wait3A_687 = tpu.memref_slice %arg9[%dma_wait3A_674, %dma_wait3A_685, %dma_wait3A_686] : memref<10x80x64xf32, #tpu.memory_space<vmem>> -> memref<1x80x64xf32, #tpu.memory_space<vmem>>
    %dma_wait3A_688 = tpu.memref_squeeze %dma_wait3A_687 : memref<1x80x64xf32, #tpu.memory_space<vmem>> -> memref<80x64xf32, #tpu.memory_space<vmem>>
    tpu.wait_dma2 semaphore(%arg13 : memref<!tpu.dma_semaphore, #tpu.memory_space<semaphore_mem>>) src(%dma_wait3A_688 : memref<80x64xf32, #tpu.memory_space<vmem>>) dst(%dma_wait3A_684 : memref<80x64xf32, #tpu.memory_space<hbm>>)
    %dma_wait3A_689 = arith.constant 3 : i32
    %dma_wait3A_690 = arith.constant 0 : i32
    %dma_wait3A_691 = arith.constant 0 : i32
    %dma_wait3A_692 = tpu.memref_slice %arg9[%dma_wait3A_689, %dma_wait3A_690, %dma_wait3A_691] : memref<10x80x64xf32, #tpu.memory_space<vmem>> -> memref<1x80x64xf32, #tpu.memory_space<vmem>>
    %dma_wait3A_693 = tpu.memref_squeeze %dma_wait3A_692 : memref<1x80x64xf32, #tpu.memory_space<vmem>> -> memref<80x64xf32, #tpu.memory_space<vmem>>
    %dma_wait3A_694 = arith.constant 0 : i32
    %dma_wait3A_695 = tpu.memref_slice %arg6[%arg0, %add3A_500, %dma_wait3A_694] : memref<2x10240x64xf32, #tpu.memory_space<hbm>> -> memref<1x80x64xf32, #tpu.memory_space<hbm>>
    %dma_wait3A_696 = tpu.memref_squeeze %dma_wait3A_695 : memref<1x80x64xf32, #tpu.memory_space<hbm>> -> memref<80x64xf32, #tpu.memory_space<hbm>>
    %dma_wait3A_697 = arith.constant 0 : i32
    %dma_wait3A_698 = tpu.memref_slice %arg6[%arg0, %add3A_500, %dma_wait3A_697] : memref<2x10240x64xf32, #tpu.memory_space<hbm>> -> memref<1x80x64xf32, #tpu.memory_space<hbm>>
    %dma_wait3A_699 = tpu.memref_squeeze %dma_wait3A_698 : memref<1x80x64xf32, #tpu.memory_space<hbm>> -> memref<80x64xf32, #tpu.memory_space<hbm>>
    %dma_wait3A_700 = arith.constant 0 : i32
    %dma_wait3A_701 = arith.constant 0 : i32
    %dma_wait3A_702 = tpu.memref_slice %arg9[%dma_wait3A_689, %dma_wait3A_700, %dma_wait3A_701] : memref<10x80x64xf32, #tpu.memory_space<vmem>> -> memref<1x80x64xf32, #tpu.memory_space<vmem>>
    %dma_wait3A_703 = tpu.memref_squeeze %dma_wait3A_702 : memref<1x80x64xf32, #tpu.memory_space<vmem>> -> memref<80x64xf32, #tpu.memory_space<vmem>>
    tpu.wait_dma2 semaphore(%arg13 : memref<!tpu.dma_semaphore, #tpu.memory_space<semaphore_mem>>) src(%dma_wait3A_703 : memref<80x64xf32, #tpu.memory_space<vmem>>) dst(%dma_wait3A_699 : memref<80x64xf32, #tpu.memory_space<hbm>>)
    %dma_wait3A_704 = arith.constant 4 : i32
    %dma_wait3A_705 = arith.constant 0 : i32
    %dma_wait3A_706 = arith.constant 0 : i32
    %dma_wait3A_707 = tpu.memref_slice %arg9[%dma_wait3A_704, %dma_wait3A_705, %dma_wait3A_706] : memref<10x80x64xf32, #tpu.memory_space<vmem>> -> memref<1x80x64xf32, #tpu.memory_space<vmem>>
    %dma_wait3A_708 = tpu.memref_squeeze %dma_wait3A_707 : memref<1x80x64xf32, #tpu.memory_space<vmem>> -> memref<80x64xf32, #tpu.memory_space<vmem>>
    %dma_wait3A_709 = arith.constant 0 : i32
    %dma_wait3A_710 = tpu.memref_slice %arg6[%arg0, %add3A_532, %dma_wait3A_709] : memref<2x10240x64xf32, #tpu.memory_space<hbm>> -> memref<1x80x64xf32, #tpu.memory_space<hbm>>
    %dma_wait3A_711 = tpu.memref_squeeze %dma_wait3A_710 : memref<1x80x64xf32, #tpu.memory_space<hbm>> -> memref<80x64xf32, #tpu.memory_space<hbm>>
    %dma_wait3A_712 = arith.constant 0 : i32
    %dma_wait3A_713 = tpu.memref_slice %arg6[%arg0, %add3A_532, %dma_wait3A_712] : memref<2x10240x64xf32, #tpu.memory_space<hbm>> -> memref<1x80x64xf32, #tpu.memory_space<hbm>>
    %dma_wait3A_714 = tpu.memref_squeeze %dma_wait3A_713 : memref<1x80x64xf32, #tpu.memory_space<hbm>> -> memref<80x64xf32, #tpu.memory_space<hbm>>
    %dma_wait3A_715 = arith.constant 0 : i32
    %dma_wait3A_716 = arith.constant 0 : i32
    %dma_wait3A_717 = tpu.memref_slice %arg9[%dma_wait3A_704, %dma_wait3A_715, %dma_wait3A_716] : memref<10x80x64xf32, #tpu.memory_space<vmem>> -> memref<1x80x64xf32, #tpu.memory_space<vmem>>
    %dma_wait3A_718 = tpu.memref_squeeze %dma_wait3A_717 : memref<1x80x64xf32, #tpu.memory_space<vmem>> -> memref<80x64xf32, #tpu.memory_space<vmem>>
    tpu.wait_dma2 semaphore(%arg13 : memref<!tpu.dma_semaphore, #tpu.memory_space<semaphore_mem>>) src(%dma_wait3A_718 : memref<80x64xf32, #tpu.memory_space<vmem>>) dst(%dma_wait3A_714 : memref<80x64xf32, #tpu.memory_space<hbm>>)
    %dma_wait3A_719 = arith.constant 5 : i32
    %dma_wait3A_720 = arith.constant 0 : i32
    %dma_wait3A_721 = arith.constant 0 : i32
    %dma_wait3A_722 = tpu.memref_slice %arg9[%dma_wait3A_719, %dma_wait3A_720, %dma_wait3A_721] : memref<10x80x64xf32, #tpu.memory_space<vmem>> -> memref<1x80x64xf32, #tpu.memory_space<vmem>>
    %dma_wait3A_723 = tpu.memref_squeeze %dma_wait3A_722 : memref<1x80x64xf32, #tpu.memory_space<vmem>> -> memref<80x64xf32, #tpu.memory_space<vmem>>
    %dma_wait3A_724 = arith.constant 0 : i32
    %dma_wait3A_725 = tpu.memref_slice %arg6[%arg0, %add3A_564, %dma_wait3A_724] : memref<2x10240x64xf32, #tpu.memory_space<hbm>> -> memref<1x80x64xf32, #tpu.memory_space<hbm>>
    %dma_wait3A_726 = tpu.memref_squeeze %dma_wait3A_725 : memref<1x80x64xf32, #tpu.memory_space<hbm>> -> memref<80x64xf32, #tpu.memory_space<hbm>>
    %dma_wait3A_727 = arith.constant 0 : i32
    %dma_wait3A_728 = tpu.memref_slice %arg6[%arg0, %add3A_564, %dma_wait3A_727] : memref<2x10240x64xf32, #tpu.memory_space<hbm>> -> memref<1x80x64xf32, #tpu.memory_space<hbm>>
    %dma_wait3A_729 = tpu.memref_squeeze %dma_wait3A_728 : memref<1x80x64xf32, #tpu.memory_space<hbm>> -> memref<80x64xf32, #tpu.memory_space<hbm>>
    %dma_wait3A_730 = arith.constant 0 : i32
    %dma_wait3A_731 = arith.constant 0 : i32
    %dma_wait3A_732 = tpu.memref_slice %arg9[%dma_wait3A_719, %dma_wait3A_730, %dma_wait3A_731] : memref<10x80x64xf32, #tpu.memory_space<vmem>> -> memref<1x80x64xf32, #tpu.memory_space<vmem>>
    %dma_wait3A_733 = tpu.memref_squeeze %dma_wait3A_732 : memref<1x80x64xf32, #tpu.memory_space<vmem>> -> memref<80x64xf32, #tpu.memory_space<vmem>>
    tpu.wait_dma2 semaphore(%arg13 : memref<!tpu.dma_semaphore, #tpu.memory_space<semaphore_mem>>) src(%dma_wait3A_733 : memref<80x64xf32, #tpu.memory_space<vmem>>) dst(%dma_wait3A_729 : memref<80x64xf32, #tpu.memory_space<hbm>>)
    %dma_wait3A_734 = arith.constant 6 : i32
    %dma_wait3A_735 = arith.constant 0 : i32
    %dma_wait3A_736 = arith.constant 0 : i32
    %dma_wait3A_737 = tpu.memref_slice %arg9[%dma_wait3A_734, %dma_wait3A_735, %dma_wait3A_736] : memref<10x80x64xf32, #tpu.memory_space<vmem>> -> memref<1x80x64xf32, #tpu.memory_space<vmem>>
    %dma_wait3A_738 = tpu.memref_squeeze %dma_wait3A_737 : memref<1x80x64xf32, #tpu.memory_space<vmem>> -> memref<80x64xf32, #tpu.memory_space<vmem>>
    %dma_wait3A_739 = arith.constant 0 : i32
    %dma_wait3A_740 = tpu.memref_slice %arg6[%arg0, %add3A_596, %dma_wait3A_739] : memref<2x10240x64xf32, #tpu.memory_space<hbm>> -> memref<1x80x64xf32, #tpu.memory_space<hbm>>
    %dma_wait3A_741 = tpu.memref_squeeze %dma_wait3A_740 : memref<1x80x64xf32, #tpu.memory_space<hbm>> -> memref<80x64xf32, #tpu.memory_space<hbm>>
    %dma_wait3A_742 = arith.constant 0 : i32
    %dma_wait3A_743 = tpu.memref_slice %arg6[%arg0, %add3A_596, %dma_wait3A_742] : memref<2x10240x64xf32, #tpu.memory_space<hbm>> -> memref<1x80x64xf32, #tpu.memory_space<hbm>>
    %dma_wait3A_744 = tpu.memref_squeeze %dma_wait3A_743 : memref<1x80x64xf32, #tpu.memory_space<hbm>> -> memref<80x64xf32, #tpu.memory_space<hbm>>
    %dma_wait3A_745 = arith.constant 0 : i32
    %dma_wait3A_746 = arith.constant 0 : i32
    %dma_wait3A_747 = tpu.memref_slice %arg9[%dma_wait3A_734, %dma_wait3A_745, %dma_wait3A_746] : memref<10x80x64xf32, #tpu.memory_space<vmem>> -> memref<1x80x64xf32, #tpu.memory_space<vmem>>
    %dma_wait3A_748 = tpu.memref_squeeze %dma_wait3A_747 : memref<1x80x64xf32, #tpu.memory_space<vmem>> -> memref<80x64xf32, #tpu.memory_space<vmem>>
    tpu.wait_dma2 semaphore(%arg13 : memref<!tpu.dma_semaphore, #tpu.memory_space<semaphore_mem>>) src(%dma_wait3A_748 : memref<80x64xf32, #tpu.memory_space<vmem>>) dst(%dma_wait3A_744 : memref<80x64xf32, #tpu.memory_space<hbm>>)
    %dma_wait3A_749 = arith.constant 7 : i32
    %dma_wait3A_750 = arith.constant 0 : i32
    %dma_wait3A_751 = arith.constant 0 : i32
    %dma_wait3A_752 = tpu.memref_slice %arg9[%dma_wait3A_749, %dma_wait3A_750, %dma_wait3A_751] : memref<10x80x64xf32, #tpu.memory_space<vmem>> -> memref<1x80x64xf32, #tpu.memory_space<vmem>>
    %dma_wait3A_753 = tpu.memref_squeeze %dma_wait3A_752 : memref<1x80x64xf32, #tpu.memory_space<vmem>> -> memref<80x64xf32, #tpu.memory_space<vmem>>
    %dma_wait3A_754 = arith.constant 0 : i32
    %dma_wait3A_755 = tpu.memref_slice %arg6[%arg0, %add3A_628, %dma_wait3A_754] : memref<2x10240x64xf32, #tpu.memory_space<hbm>> -> memref<1x80x64xf32, #tpu.memory_space<hbm>>
    %dma_wait3A_756 = tpu.memref_squeeze %dma_wait3A_755 : memref<1x80x64xf32, #tpu.memory_space<hbm>> -> memref<80x64xf32, #tpu.memory_space<hbm>>
    %dma_wait3A_757 = arith.constant 0 : i32
    %dma_wait3A_758 = tpu.memref_slice %arg6[%arg0, %add3A_628, %dma_wait3A_757] : memref<2x10240x64xf32, #tpu.memory_space<hbm>> -> memref<1x80x64xf32, #tpu.memory_space<hbm>>
    %dma_wait3A_759 = tpu.memref_squeeze %dma_wait3A_758 : memref<1x80x64xf32, #tpu.memory_space<hbm>> -> memref<80x64xf32, #tpu.memory_space<hbm>>
    %dma_wait3A_760 = arith.constant 0 : i32
    %dma_wait3A_761 = arith.constant 0 : i32
    %dma_wait3A_762 = tpu.memref_slice %arg9[%dma_wait3A_749, %dma_wait3A_760, %dma_wait3A_761] : memref<10x80x64xf32, #tpu.memory_space<vmem>> -> memref<1x80x64xf32, #tpu.memory_space<vmem>>
    %dma_wait3A_763 = tpu.memref_squeeze %dma_wait3A_762 : memref<1x80x64xf32, #tpu.memory_space<vmem>> -> memref<80x64xf32, #tpu.memory_space<vmem>>
    tpu.wait_dma2 semaphore(%arg13 : memref<!tpu.dma_semaphore, #tpu.memory_space<semaphore_mem>>) src(%dma_wait3A_763 : memref<80x64xf32, #tpu.memory_space<vmem>>) dst(%dma_wait3A_759 : memref<80x64xf32, #tpu.memory_space<hbm>>)
    return
  }
}

#map = affine_map<(d0, d1) -> (0, 0)>
#map1 = affine_map<(d0, d1) -> (0, 0, 0)>
module attributes {stable_mosaic.version = 14 : i64} {
  func.func @_edge_scatter(%arg0: i32, %arg1: i32, %arg2: memref<10240x64xf32, #tpu.memory_space<hbm>>, %arg3: memref<32x125x80xi32, #tpu.memory_space<hbm>>, %arg4: memref<32x125x80xi32, #tpu.memory_space<hbm>>, %arg5: memref<80x64xf32, #tpu.memory_space<hbm>>, %arg6: memref<2x10240x64xf32, #tpu.memory_space<hbm>>, %arg7: memref<125x80xi32, #tpu.memory_space<vmem>>, %arg8: memref<125x80xi32, #tpu.memory_space<vmem>>, %arg9: memref<10x80x64xf32, #tpu.memory_space<vmem>>, %arg10: memref<80x64xf32, #tpu.memory_space<vmem>>, %arg11: memref<10240x64xf32, #tpu.memory_space<vmem_shared>>, %arg12: memref<!tpu.dma_semaphore, #tpu.memory_space<semaphore_mem>>, %arg13: memref<!tpu.dma_semaphore, #tpu.memory_space<semaphore_mem>>) attributes {dimension_semantics = [#tpu.dimension_semantics<core_parallel>, #tpu.dimension_semantics<subcore_parallel>], iteration_bounds = array<i64: 2, 16>, scalar_prefetch = 0 : i64, scratch_operands = 7 : i64, tpu.core_type = #tpu.core_type<sc_vector_subcore>, window_params = [{transform_indices = #map}, {transform_indices = #map1}, {transform_indices = #map1}, {transform_indices = #map}, {transform_indices = #map1}]} {
    %mul3A = arith.constant 2 : i32
    %mul3A_0 = arith.muli %arg1, %mul3A : i32
    %add3A = arith.addi %mul3A_0, %arg0 : i32
    %dma_start3A = arith.constant 0 : i32
    %dma_start3A_1 = arith.constant 0 : i32
    %dma_start3A_2 = tpu.memref_slice %arg3[%add3A, %dma_start3A, %dma_start3A_1] : memref<32x125x80xi32, #tpu.memory_space<hbm>> -> memref<1x125x80xi32, #tpu.memory_space<hbm>>
    %dma_start3A_3 = tpu.memref_squeeze %dma_start3A_2 : memref<1x125x80xi32, #tpu.memory_space<hbm>> -> memref<125x80xi32, #tpu.memory_space<hbm>>
    %dma_start3A_4 = arith.constant 0 : i32
    %dma_start3A_5 = arith.constant 0 : i32
    %dma_start3A_6 = tpu.memref_slice %arg3[%add3A, %dma_start3A_4, %dma_start3A_5] : memref<32x125x80xi32, #tpu.memory_space<hbm>> -> memref<1x125x80xi32, #tpu.memory_space<hbm>>
    %dma_start3A_7 = tpu.memref_squeeze %dma_start3A_6 : memref<1x125x80xi32, #tpu.memory_space<hbm>> -> memref<125x80xi32, #tpu.memory_space<hbm>>
    tpu.enqueue_dma source(%dma_start3A_7 : memref<125x80xi32, #tpu.memory_space<hbm>>) target(%arg7 : memref<125x80xi32, #tpu.memory_space<vmem>>) target_semaphore(%arg13 : memref<!tpu.dma_semaphore, #tpu.memory_space<semaphore_mem>>)
    %dma_start3A_8 = arith.constant 0 : i32
    %dma_start3A_9 = arith.constant 0 : i32
    %dma_start3A_10 = tpu.memref_slice %arg4[%add3A, %dma_start3A_8, %dma_start3A_9] : memref<32x125x80xi32, #tpu.memory_space<hbm>> -> memref<1x125x80xi32, #tpu.memory_space<hbm>>
    %dma_start3A_11 = tpu.memref_squeeze %dma_start3A_10 : memref<1x125x80xi32, #tpu.memory_space<hbm>> -> memref<125x80xi32, #tpu.memory_space<hbm>>
    %dma_start3A_12 = arith.constant 0 : i32
    %dma_start3A_13 = arith.constant 0 : i32
    %dma_start3A_14 = tpu.memref_slice %arg4[%add3A, %dma_start3A_12, %dma_start3A_13] : memref<32x125x80xi32, #tpu.memory_space<hbm>> -> memref<1x125x80xi32, #tpu.memory_space<hbm>>
    %dma_start3A_15 = tpu.memref_squeeze %dma_start3A_14 : memref<1x125x80xi32, #tpu.memory_space<hbm>> -> memref<125x80xi32, #tpu.memory_space<hbm>>
    tpu.enqueue_dma source(%dma_start3A_15 : memref<125x80xi32, #tpu.memory_space<hbm>>) target(%arg8 : memref<125x80xi32, #tpu.memory_space<vmem>>) target_semaphore(%arg13 : memref<!tpu.dma_semaphore, #tpu.memory_space<semaphore_mem>>)
    "tpu.region"() ({
      %run_scoped3A = tpu.sem_alloc : memref<!tpu.dma_semaphore, #tpu.memory_space<semaphore_mem>>
      tpu.enqueue_dma source(%arg5 : memref<80x64xf32, #tpu.memory_space<hbm>>) target(%arg10 : memref<80x64xf32, #tpu.memory_space<vmem>>) target_semaphore(%run_scoped3A : memref<!tpu.dma_semaphore, #tpu.memory_space<semaphore_mem>>)
      tpu.wait_dma2 semaphore(%run_scoped3A : memref<!tpu.dma_semaphore, #tpu.memory_space<semaphore_mem>>) src(%arg5 : memref<80x64xf32, #tpu.memory_space<hbm>>) dst(%arg10 : memref<80x64xf32, #tpu.memory_space<vmem>>)
      tpu.yield
    }) : () -> ()
    %mul3A_16 = arith.constant 640 : i32
    %mul3A_17 = arith.muli %arg1, %mul3A_16 : i32
    %add3A_18 = arith.constant 0 : i32
    %add3A_19 = arith.addi %mul3A_17, %add3A_18 : i32
    %dma_start3A_20 = arith.constant 0 : i32
    %dma_start3A_21 = tpu.memref_slice %arg11[%add3A_19, %dma_start3A_20] : memref<10240x64xf32, #tpu.memory_space<vmem_shared>> -> memref<80x64xf32, #tpu.memory_space<vmem_shared>>
    %dma_start3A_22 = arith.constant 0 : i32
    %dma_start3A_23 = tpu.memref_slice %arg11[%add3A_19, %dma_start3A_22] : memref<10240x64xf32, #tpu.memory_space<vmem_shared>> -> memref<80x64xf32, #tpu.memory_space<vmem_shared>>
    tpu.enqueue_dma source(%arg10 : memref<80x64xf32, #tpu.memory_space<vmem>>) target(%dma_start3A_23 : memref<80x64xf32, #tpu.memory_space<vmem_shared>>) target_semaphore(%arg12 : memref<!tpu.dma_semaphore, #tpu.memory_space<semaphore_mem>>)
    %mul3A_24 = arith.constant 640 : i32
    %mul3A_25 = arith.muli %arg1, %mul3A_24 : i32
    %add3A_26 = arith.constant 80 : i32
    %add3A_27 = arith.addi %mul3A_25, %add3A_26 : i32
    %dma_start3A_28 = arith.constant 0 : i32
    %dma_start3A_29 = tpu.memref_slice %arg11[%add3A_27, %dma_start3A_28] : memref<10240x64xf32, #tpu.memory_space<vmem_shared>> -> memref<80x64xf32, #tpu.memory_space<vmem_shared>>
    %dma_start3A_30 = arith.constant 0 : i32
    %dma_start3A_31 = tpu.memref_slice %arg11[%add3A_27, %dma_start3A_30] : memref<10240x64xf32, #tpu.memory_space<vmem_shared>> -> memref<80x64xf32, #tpu.memory_space<vmem_shared>>
    tpu.enqueue_dma source(%arg10 : memref<80x64xf32, #tpu.memory_space<vmem>>) target(%dma_start3A_31 : memref<80x64xf32, #tpu.memory_space<vmem_shared>>) target_semaphore(%arg12 : memref<!tpu.dma_semaphore, #tpu.memory_space<semaphore_mem>>)
    %mul3A_32 = arith.constant 640 : i32
    %mul3A_33 = arith.muli %arg1, %mul3A_32 : i32
    %add3A_34 = arith.constant 160 : i32
    %add3A_35 = arith.addi %mul3A_33, %add3A_34 : i32
    %dma_start3A_36 = arith.constant 0 : i32
    %dma_start3A_37 = tpu.memref_slice %arg11[%add3A_35, %dma_start3A_36] : memref<10240x64xf32, #tpu.memory_space<vmem_shared>> -> memref<80x64xf32, #tpu.memory_space<vmem_shared>>
    %dma_start3A_38 = arith.constant 0 : i32
    %dma_start3A_39 = tpu.memref_slice %arg11[%add3A_35, %dma_start3A_38] : memref<10240x64xf32, #tpu.memory_space<vmem_shared>> -> memref<80x64xf32, #tpu.memory_space<vmem_shared>>
    tpu.enqueue_dma source(%arg10 : memref<80x64xf32, #tpu.memory_space<vmem>>) target(%dma_start3A_39 : memref<80x64xf32, #tpu.memory_space<vmem_shared>>) target_semaphore(%arg12 : memref<!tpu.dma_semaphore, #tpu.memory_space<semaphore_mem>>)
    %mul3A_40 = arith.constant 640 : i32
    %mul3A_41 = arith.muli %arg1, %mul3A_40 : i32
    %add3A_42 = arith.constant 240 : i32
    %add3A_43 = arith.addi %mul3A_41, %add3A_42 : i32
    %dma_start3A_44 = arith.constant 0 : i32
    %dma_start3A_45 = tpu.memref_slice %arg11[%add3A_43, %dma_start3A_44] : memref<10240x64xf32, #tpu.memory_space<vmem_shared>> -> memref<80x64xf32, #tpu.memory_space<vmem_shared>>
    %dma_start3A_46 = arith.constant 0 : i32
    %dma_start3A_47 = tpu.memref_slice %arg11[%add3A_43, %dma_start3A_46] : memref<10240x64xf32, #tpu.memory_space<vmem_shared>> -> memref<80x64xf32, #tpu.memory_space<vmem_shared>>
    tpu.enqueue_dma source(%arg10 : memref<80x64xf32, #tpu.memory_space<vmem>>) target(%dma_start3A_47 : memref<80x64xf32, #tpu.memory_space<vmem_shared>>) target_semaphore(%arg12 : memref<!tpu.dma_semaphore, #tpu.memory_space<semaphore_mem>>)
    %mul3A_48 = arith.constant 640 : i32
    %mul3A_49 = arith.muli %arg1, %mul3A_48 : i32
    %add3A_50 = arith.constant 320 : i32
    %add3A_51 = arith.addi %mul3A_49, %add3A_50 : i32
    %dma_start3A_52 = arith.constant 0 : i32
    %dma_start3A_53 = tpu.memref_slice %arg11[%add3A_51, %dma_start3A_52] : memref<10240x64xf32, #tpu.memory_space<vmem_shared>> -> memref<80x64xf32, #tpu.memory_space<vmem_shared>>
    %dma_start3A_54 = arith.constant 0 : i32
    %dma_start3A_55 = tpu.memref_slice %arg11[%add3A_51, %dma_start3A_54] : memref<10240x64xf32, #tpu.memory_space<vmem_shared>> -> memref<80x64xf32, #tpu.memory_space<vmem_shared>>
    tpu.enqueue_dma source(%arg10 : memref<80x64xf32, #tpu.memory_space<vmem>>) target(%dma_start3A_55 : memref<80x64xf32, #tpu.memory_space<vmem_shared>>) target_semaphore(%arg12 : memref<!tpu.dma_semaphore, #tpu.memory_space<semaphore_mem>>)
    %mul3A_56 = arith.constant 640 : i32
    %mul3A_57 = arith.muli %arg1, %mul3A_56 : i32
    %add3A_58 = arith.constant 400 : i32
    %add3A_59 = arith.addi %mul3A_57, %add3A_58 : i32
    %dma_start3A_60 = arith.constant 0 : i32
    %dma_start3A_61 = tpu.memref_slice %arg11[%add3A_59, %dma_start3A_60] : memref<10240x64xf32, #tpu.memory_space<vmem_shared>> -> memref<80x64xf32, #tpu.memory_space<vmem_shared>>
    %dma_start3A_62 = arith.constant 0 : i32
    %dma_start3A_63 = tpu.memref_slice %arg11[%add3A_59, %dma_start3A_62] : memref<10240x64xf32, #tpu.memory_space<vmem_shared>> -> memref<80x64xf32, #tpu.memory_space<vmem_shared>>
    tpu.enqueue_dma source(%arg10 : memref<80x64xf32, #tpu.memory_space<vmem>>) target(%dma_start3A_63 : memref<80x64xf32, #tpu.memory_space<vmem_shared>>) target_semaphore(%arg12 : memref<!tpu.dma_semaphore, #tpu.memory_space<semaphore_mem>>)
    %mul3A_64 = arith.constant 640 : i32
    %mul3A_65 = arith.muli %arg1, %mul3A_64 : i32
    %add3A_66 = arith.constant 480 : i32
    %add3A_67 = arith.addi %mul3A_65, %add3A_66 : i32
    %dma_start3A_68 = arith.constant 0 : i32
    %dma_start3A_69 = tpu.memref_slice %arg11[%add3A_67, %dma_start3A_68] : memref<10240x64xf32, #tpu.memory_space<vmem_shared>> -> memref<80x64xf32, #tpu.memory_space<vmem_shared>>
    %dma_start3A_70 = arith.constant 0 : i32
    %dma_start3A_71 = tpu.memref_slice %arg11[%add3A_67, %dma_start3A_70] : memref<10240x64xf32, #tpu.memory_space<vmem_shared>> -> memref<80x64xf32, #tpu.memory_space<vmem_shared>>
    tpu.enqueue_dma source(%arg10 : memref<80x64xf32, #tpu.memory_space<vmem>>) target(%dma_start3A_71 : memref<80x64xf32, #tpu.memory_space<vmem_shared>>) target_semaphore(%arg12 : memref<!tpu.dma_semaphore, #tpu.memory_space<semaphore_mem>>)
    %mul3A_72 = arith.constant 640 : i32
    %mul3A_73 = arith.muli %arg1, %mul3A_72 : i32
    %add3A_74 = arith.constant 560 : i32
    %add3A_75 = arith.addi %mul3A_73, %add3A_74 : i32
    %dma_start3A_76 = arith.constant 0 : i32
    %dma_start3A_77 = tpu.memref_slice %arg11[%add3A_75, %dma_start3A_76] : memref<10240x64xf32, #tpu.memory_space<vmem_shared>> -> memref<80x64xf32, #tpu.memory_space<vmem_shared>>
    %dma_start3A_78 = arith.constant 0 : i32
    %dma_start3A_79 = tpu.memref_slice %arg11[%add3A_75, %dma_start3A_78] : memref<10240x64xf32, #tpu.memory_space<vmem_shared>> -> memref<80x64xf32, #tpu.memory_space<vmem_shared>>
    tpu.enqueue_dma source(%arg10 : memref<80x64xf32, #tpu.memory_space<vmem>>) target(%dma_start3A_79 : memref<80x64xf32, #tpu.memory_space<vmem_shared>>) target_semaphore(%arg12 : memref<!tpu.dma_semaphore, #tpu.memory_space<semaphore_mem>>)
    %dma_wait3A = arith.constant 0 : i32
    %dma_wait3A_80 = arith.constant 0 : i32
    %dma_wait3A_81 = tpu.memref_slice %arg3[%add3A, %dma_wait3A, %dma_wait3A_80] : memref<32x125x80xi32, #tpu.memory_space<hbm>> -> memref<1x125x80xi32, #tpu.memory_space<hbm>>
    %dma_wait3A_82 = tpu.memref_squeeze %dma_wait3A_81 : memref<1x125x80xi32, #tpu.memory_space<hbm>> -> memref<125x80xi32, #tpu.memory_space<hbm>>
    %dma_wait3A_83 = arith.constant 0 : i32
    %dma_wait3A_84 = arith.constant 0 : i32
    %dma_wait3A_85 = tpu.memref_slice %arg3[%add3A, %dma_wait3A_83, %dma_wait3A_84] : memref<32x125x80xi32, #tpu.memory_space<hbm>> -> memref<1x125x80xi32, #tpu.memory_space<hbm>>
    %dma_wait3A_86 = tpu.memref_squeeze %dma_wait3A_85 : memref<1x125x80xi32, #tpu.memory_space<hbm>> -> memref<125x80xi32, #tpu.memory_space<hbm>>
    tpu.wait_dma2 semaphore(%arg13 : memref<!tpu.dma_semaphore, #tpu.memory_space<semaphore_mem>>) src(%dma_wait3A_86 : memref<125x80xi32, #tpu.memory_space<hbm>>) dst(%arg7 : memref<125x80xi32, #tpu.memory_space<vmem>>)
    %dma_wait3A_87 = arith.constant 0 : i32
    %dma_wait3A_88 = arith.constant 0 : i32
    %dma_wait3A_89 = tpu.memref_slice %arg4[%add3A, %dma_wait3A_87, %dma_wait3A_88] : memref<32x125x80xi32, #tpu.memory_space<hbm>> -> memref<1x125x80xi32, #tpu.memory_space<hbm>>
    %dma_wait3A_90 = tpu.memref_squeeze %dma_wait3A_89 : memref<1x125x80xi32, #tpu.memory_space<hbm>> -> memref<125x80xi32, #tpu.memory_space<hbm>>
    %dma_wait3A_91 = arith.constant 0 : i32
    %dma_wait3A_92 = arith.constant 0 : i32
    %dma_wait3A_93 = tpu.memref_slice %arg4[%add3A, %dma_wait3A_91, %dma_wait3A_92] : memref<32x125x80xi32, #tpu.memory_space<hbm>> -> memref<1x125x80xi32, #tpu.memory_space<hbm>>
    %dma_wait3A_94 = tpu.memref_squeeze %dma_wait3A_93 : memref<1x125x80xi32, #tpu.memory_space<hbm>> -> memref<125x80xi32, #tpu.memory_space<hbm>>
    tpu.wait_dma2 semaphore(%arg13 : memref<!tpu.dma_semaphore, #tpu.memory_space<semaphore_mem>>) src(%dma_wait3A_94 : memref<125x80xi32, #tpu.memory_space<hbm>>) dst(%arg8 : memref<125x80xi32, #tpu.memory_space<vmem>>)
    %dma_wait3A_95 = arith.constant 0 : i32
    %dma_wait3A_96 = tpu.memref_slice %arg11[%add3A_19, %dma_wait3A_95] : memref<10240x64xf32, #tpu.memory_space<vmem_shared>> -> memref<80x64xf32, #tpu.memory_space<vmem_shared>>
    %dma_wait3A_97 = arith.constant 0 : i32
    %dma_wait3A_98 = tpu.memref_slice %arg11[%add3A_19, %dma_wait3A_97] : memref<10240x64xf32, #tpu.memory_space<vmem_shared>> -> memref<80x64xf32, #tpu.memory_space<vmem_shared>>
    tpu.wait_dma2 semaphore(%arg12 : memref<!tpu.dma_semaphore, #tpu.memory_space<semaphore_mem>>) src(%arg10 : memref<80x64xf32, #tpu.memory_space<vmem>>) dst(%dma_wait3A_98 : memref<80x64xf32, #tpu.memory_space<vmem_shared>>)
    %dma_wait3A_99 = arith.constant 0 : i32
    %dma_wait3A_100 = tpu.memref_slice %arg11[%add3A_27, %dma_wait3A_99] : memref<10240x64xf32, #tpu.memory_space<vmem_shared>> -> memref<80x64xf32, #tpu.memory_space<vmem_shared>>
    %dma_wait3A_101 = arith.constant 0 : i32
    %dma_wait3A_102 = tpu.memref_slice %arg11[%add3A_27, %dma_wait3A_101] : memref<10240x64xf32, #tpu.memory_space<vmem_shared>> -> memref<80x64xf32, #tpu.memory_space<vmem_shared>>
    tpu.wait_dma2 semaphore(%arg12 : memref<!tpu.dma_semaphore, #tpu.memory_space<semaphore_mem>>) src(%arg10 : memref<80x64xf32, #tpu.memory_space<vmem>>) dst(%dma_wait3A_102 : memref<80x64xf32, #tpu.memory_space<vmem_shared>>)
    %dma_wait3A_103 = arith.constant 0 : i32
    %dma_wait3A_104 = tpu.memref_slice %arg11[%add3A_35, %dma_wait3A_103] : memref<10240x64xf32, #tpu.memory_space<vmem_shared>> -> memref<80x64xf32, #tpu.memory_space<vmem_shared>>
    %dma_wait3A_105 = arith.constant 0 : i32
    %dma_wait3A_106 = tpu.memref_slice %arg11[%add3A_35, %dma_wait3A_105] : memref<10240x64xf32, #tpu.memory_space<vmem_shared>> -> memref<80x64xf32, #tpu.memory_space<vmem_shared>>
    tpu.wait_dma2 semaphore(%arg12 : memref<!tpu.dma_semaphore, #tpu.memory_space<semaphore_mem>>) src(%arg10 : memref<80x64xf32, #tpu.memory_space<vmem>>) dst(%dma_wait3A_106 : memref<80x64xf32, #tpu.memory_space<vmem_shared>>)
    %dma_wait3A_107 = arith.constant 0 : i32
    %dma_wait3A_108 = tpu.memref_slice %arg11[%add3A_43, %dma_wait3A_107] : memref<10240x64xf32, #tpu.memory_space<vmem_shared>> -> memref<80x64xf32, #tpu.memory_space<vmem_shared>>
    %dma_wait3A_109 = arith.constant 0 : i32
    %dma_wait3A_110 = tpu.memref_slice %arg11[%add3A_43, %dma_wait3A_109] : memref<10240x64xf32, #tpu.memory_space<vmem_shared>> -> memref<80x64xf32, #tpu.memory_space<vmem_shared>>
    tpu.wait_dma2 semaphore(%arg12 : memref<!tpu.dma_semaphore, #tpu.memory_space<semaphore_mem>>) src(%arg10 : memref<80x64xf32, #tpu.memory_space<vmem>>) dst(%dma_wait3A_110 : memref<80x64xf32, #tpu.memory_space<vmem_shared>>)
    %dma_wait3A_111 = arith.constant 0 : i32
    %dma_wait3A_112 = tpu.memref_slice %arg11[%add3A_51, %dma_wait3A_111] : memref<10240x64xf32, #tpu.memory_space<vmem_shared>> -> memref<80x64xf32, #tpu.memory_space<vmem_shared>>
    %dma_wait3A_113 = arith.constant 0 : i32
    %dma_wait3A_114 = tpu.memref_slice %arg11[%add3A_51, %dma_wait3A_113] : memref<10240x64xf32, #tpu.memory_space<vmem_shared>> -> memref<80x64xf32, #tpu.memory_space<vmem_shared>>
    tpu.wait_dma2 semaphore(%arg12 : memref<!tpu.dma_semaphore, #tpu.memory_space<semaphore_mem>>) src(%arg10 : memref<80x64xf32, #tpu.memory_space<vmem>>) dst(%dma_wait3A_114 : memref<80x64xf32, #tpu.memory_space<vmem_shared>>)
    %dma_wait3A_115 = arith.constant 0 : i32
    %dma_wait3A_116 = tpu.memref_slice %arg11[%add3A_59, %dma_wait3A_115] : memref<10240x64xf32, #tpu.memory_space<vmem_shared>> -> memref<80x64xf32, #tpu.memory_space<vmem_shared>>
    %dma_wait3A_117 = arith.constant 0 : i32
    %dma_wait3A_118 = tpu.memref_slice %arg11[%add3A_59, %dma_wait3A_117] : memref<10240x64xf32, #tpu.memory_space<vmem_shared>> -> memref<80x64xf32, #tpu.memory_space<vmem_shared>>
    tpu.wait_dma2 semaphore(%arg12 : memref<!tpu.dma_semaphore, #tpu.memory_space<semaphore_mem>>) src(%arg10 : memref<80x64xf32, #tpu.memory_space<vmem>>) dst(%dma_wait3A_118 : memref<80x64xf32, #tpu.memory_space<vmem_shared>>)
    %dma_wait3A_119 = arith.constant 0 : i32
    %dma_wait3A_120 = tpu.memref_slice %arg11[%add3A_67, %dma_wait3A_119] : memref<10240x64xf32, #tpu.memory_space<vmem_shared>> -> memref<80x64xf32, #tpu.memory_space<vmem_shared>>
    %dma_wait3A_121 = arith.constant 0 : i32
    %dma_wait3A_122 = tpu.memref_slice %arg11[%add3A_67, %dma_wait3A_121] : memref<10240x64xf32, #tpu.memory_space<vmem_shared>> -> memref<80x64xf32, #tpu.memory_space<vmem_shared>>
    tpu.wait_dma2 semaphore(%arg12 : memref<!tpu.dma_semaphore, #tpu.memory_space<semaphore_mem>>) src(%arg10 : memref<80x64xf32, #tpu.memory_space<vmem>>) dst(%dma_wait3A_122 : memref<80x64xf32, #tpu.memory_space<vmem_shared>>)
    %dma_wait3A_123 = arith.constant 0 : i32
    %dma_wait3A_124 = tpu.memref_slice %arg11[%add3A_75, %dma_wait3A_123] : memref<10240x64xf32, #tpu.memory_space<vmem_shared>> -> memref<80x64xf32, #tpu.memory_space<vmem_shared>>
    %dma_wait3A_125 = arith.constant 0 : i32
    %dma_wait3A_126 = tpu.memref_slice %arg11[%add3A_75, %dma_wait3A_125] : memref<10240x64xf32, #tpu.memory_space<vmem_shared>> -> memref<80x64xf32, #tpu.memory_space<vmem_shared>>
    tpu.wait_dma2 semaphore(%arg12 : memref<!tpu.dma_semaphore, #tpu.memory_space<semaphore_mem>>) src(%arg10 : memref<80x64xf32, #tpu.memory_space<vmem>>) dst(%dma_wait3A_126 : memref<80x64xf32, #tpu.memory_space<vmem_shared>>)
    %barrier3A = arith.constant 0 : index
    tpu.barrier barrier_id(%barrier3A)
    %dma_start3A_127 = arith.constant 0 : i32
    %dma_start3A_128 = arith.constant 0 : i32
    %dma_start3A_129 = arith.constant 0 : i32
    %dma_start3A_130 = arith.constant 0 : i32
    %dma_start3A_131 = tpu.memref_slice %arg9[%dma_start3A_128, %dma_start3A_129, %dma_start3A_130] : memref<10x80x64xf32, #tpu.memory_space<vmem>> -> memref<1x80x64xf32, #tpu.memory_space<vmem>>
    %dma_start3A_132 = tpu.memref_squeeze %dma_start3A_131 : memref<1x80x64xf32, #tpu.memory_space<vmem>> -> memref<80x64xf32, #tpu.memory_space<vmem>>
    %dma_start3A_133 = arith.constant 0 : i32
    %dma_start3A_134 = tpu.memref_slice %arg7[%dma_start3A_127, %dma_start3A_133] : memref<125x80xi32, #tpu.memory_space<vmem>> -> memref<1x80xi32, #tpu.memory_space<vmem>>
    %dma_start3A_135 = tpu.memref_squeeze %dma_start3A_134 : memref<1x80xi32, #tpu.memory_space<vmem>> -> memref<80xi32, #tpu.memory_space<vmem>>
    %dma_start3A_136 = arith.constant 0 : i32
    %dma_start3A_137 = arith.constant 0 : i32
    %dma_start3A_138 = tpu.memref_slice %arg2[%dma_start3A_136, %dma_start3A_137] : memref<10240x64xf32, #tpu.memory_space<hbm>> -> memref<10240x64xf32, #tpu.memory_space<hbm>>
    tpu.enqueue_indirect_dma source(%dma_start3A_138 : memref<10240x64xf32, #tpu.memory_space<hbm>>) target(%dma_start3A_132 : memref<80x64xf32, #tpu.memory_space<vmem>>) offsets(%dma_start3A_135 : memref<80xi32, #tpu.memory_space<vmem>>) semaphore(%arg12 : memref<!tpu.dma_semaphore, #tpu.memory_space<semaphore_mem>>)
    %dma_start3A_139 = arith.constant 1 : i32
    %dma_start3A_140 = arith.constant 1 : i32
    %dma_start3A_141 = arith.constant 0 : i32
    %dma_start3A_142 = arith.constant 0 : i32
    %dma_start3A_143 = tpu.memref_slice %arg9[%dma_start3A_140, %dma_start3A_141, %dma_start3A_142] : memref<10x80x64xf32, #tpu.memory_space<vmem>> -> memref<1x80x64xf32, #tpu.memory_space<vmem>>
    %dma_start3A_144 = tpu.memref_squeeze %dma_start3A_143 : memref<1x80x64xf32, #tpu.memory_space<vmem>> -> memref<80x64xf32, #tpu.memory_space<vmem>>
    %dma_start3A_145 = arith.constant 0 : i32
    %dma_start3A_146 = tpu.memref_slice %arg7[%dma_start3A_139, %dma_start3A_145] : memref<125x80xi32, #tpu.memory_space<vmem>> -> memref<1x80xi32, #tpu.memory_space<vmem>>
    %dma_start3A_147 = tpu.memref_squeeze %dma_start3A_146 : memref<1x80xi32, #tpu.memory_space<vmem>> -> memref<80xi32, #tpu.memory_space<vmem>>
    %dma_start3A_148 = arith.constant 0 : i32
    %dma_start3A_149 = arith.constant 0 : i32
    %dma_start3A_150 = tpu.memref_slice %arg2[%dma_start3A_148, %dma_start3A_149] : memref<10240x64xf32, #tpu.memory_space<hbm>> -> memref<10240x64xf32, #tpu.memory_space<hbm>>
    tpu.enqueue_indirect_dma source(%dma_start3A_150 : memref<10240x64xf32, #tpu.memory_space<hbm>>) target(%dma_start3A_144 : memref<80x64xf32, #tpu.memory_space<vmem>>) offsets(%dma_start3A_147 : memref<80xi32, #tpu.memory_space<vmem>>) semaphore(%arg12 : memref<!tpu.dma_semaphore, #tpu.memory_space<semaphore_mem>>)
    %dma_start3A_151 = arith.constant 2 : i32
    %dma_start3A_152 = arith.constant 2 : i32
    %dma_start3A_153 = arith.constant 0 : i32
    %dma_start3A_154 = arith.constant 0 : i32
    %dma_start3A_155 = tpu.memref_slice %arg9[%dma_start3A_152, %dma_start3A_153, %dma_start3A_154] : memref<10x80x64xf32, #tpu.memory_space<vmem>> -> memref<1x80x64xf32, #tpu.memory_space<vmem>>
    %dma_start3A_156 = tpu.memref_squeeze %dma_start3A_155 : memref<1x80x64xf32, #tpu.memory_space<vmem>> -> memref<80x64xf32, #tpu.memory_space<vmem>>
    %dma_start3A_157 = arith.constant 0 : i32
    %dma_start3A_158 = tpu.memref_slice %arg7[%dma_start3A_151, %dma_start3A_157] : memref<125x80xi32, #tpu.memory_space<vmem>> -> memref<1x80xi32, #tpu.memory_space<vmem>>
    %dma_start3A_159 = tpu.memref_squeeze %dma_start3A_158 : memref<1x80xi32, #tpu.memory_space<vmem>> -> memref<80xi32, #tpu.memory_space<vmem>>
    %dma_start3A_160 = arith.constant 0 : i32
    %dma_start3A_161 = arith.constant 0 : i32
    %dma_start3A_162 = tpu.memref_slice %arg2[%dma_start3A_160, %dma_start3A_161] : memref<10240x64xf32, #tpu.memory_space<hbm>> -> memref<10240x64xf32, #tpu.memory_space<hbm>>
    tpu.enqueue_indirect_dma source(%dma_start3A_162 : memref<10240x64xf32, #tpu.memory_space<hbm>>) target(%dma_start3A_156 : memref<80x64xf32, #tpu.memory_space<vmem>>) offsets(%dma_start3A_159 : memref<80xi32, #tpu.memory_space<vmem>>) semaphore(%arg12 : memref<!tpu.dma_semaphore, #tpu.memory_space<semaphore_mem>>)
    %dma_start3A_163 = arith.constant 3 : i32
    %dma_start3A_164 = arith.constant 3 : i32
    %dma_start3A_165 = arith.constant 0 : i32
    %dma_start3A_166 = arith.constant 0 : i32
    %dma_start3A_167 = tpu.memref_slice %arg9[%dma_start3A_164, %dma_start3A_165, %dma_start3A_166] : memref<10x80x64xf32, #tpu.memory_space<vmem>> -> memref<1x80x64xf32, #tpu.memory_space<vmem>>
    %dma_start3A_168 = tpu.memref_squeeze %dma_start3A_167 : memref<1x80x64xf32, #tpu.memory_space<vmem>> -> memref<80x64xf32, #tpu.memory_space<vmem>>
    %dma_start3A_169 = arith.constant 0 : i32
    %dma_start3A_170 = tpu.memref_slice %arg7[%dma_start3A_163, %dma_start3A_169] : memref<125x80xi32, #tpu.memory_space<vmem>> -> memref<1x80xi32, #tpu.memory_space<vmem>>
    %dma_start3A_171 = tpu.memref_squeeze %dma_start3A_170 : memref<1x80xi32, #tpu.memory_space<vmem>> -> memref<80xi32, #tpu.memory_space<vmem>>
    %dma_start3A_172 = arith.constant 0 : i32
    %dma_start3A_173 = arith.constant 0 : i32
    %dma_start3A_174 = tpu.memref_slice %arg2[%dma_start3A_172, %dma_start3A_173] : memref<10240x64xf32, #tpu.memory_space<hbm>> -> memref<10240x64xf32, #tpu.memory_space<hbm>>
    tpu.enqueue_indirect_dma source(%dma_start3A_174 : memref<10240x64xf32, #tpu.memory_space<hbm>>) target(%dma_start3A_168 : memref<80x64xf32, #tpu.memory_space<vmem>>) offsets(%dma_start3A_171 : memref<80xi32, #tpu.memory_space<vmem>>) semaphore(%arg12 : memref<!tpu.dma_semaphore, #tpu.memory_space<semaphore_mem>>)
    %dma_start3A_175 = arith.constant 4 : i32
    %dma_start3A_176 = arith.constant 4 : i32
    %dma_start3A_177 = arith.constant 0 : i32
    %dma_start3A_178 = arith.constant 0 : i32
    %dma_start3A_179 = tpu.memref_slice %arg9[%dma_start3A_176, %dma_start3A_177, %dma_start3A_178] : memref<10x80x64xf32, #tpu.memory_space<vmem>> -> memref<1x80x64xf32, #tpu.memory_space<vmem>>
    %dma_start3A_180 = tpu.memref_squeeze %dma_start3A_179 : memref<1x80x64xf32, #tpu.memory_space<vmem>> -> memref<80x64xf32, #tpu.memory_space<vmem>>
    %dma_start3A_181 = arith.constant 0 : i32
    %dma_start3A_182 = tpu.memref_slice %arg7[%dma_start3A_175, %dma_start3A_181] : memref<125x80xi32, #tpu.memory_space<vmem>> -> memref<1x80xi32, #tpu.memory_space<vmem>>
    %dma_start3A_183 = tpu.memref_squeeze %dma_start3A_182 : memref<1x80xi32, #tpu.memory_space<vmem>> -> memref<80xi32, #tpu.memory_space<vmem>>
    %dma_start3A_184 = arith.constant 0 : i32
    %dma_start3A_185 = arith.constant 0 : i32
    %dma_start3A_186 = tpu.memref_slice %arg2[%dma_start3A_184, %dma_start3A_185] : memref<10240x64xf32, #tpu.memory_space<hbm>> -> memref<10240x64xf32, #tpu.memory_space<hbm>>
    tpu.enqueue_indirect_dma source(%dma_start3A_186 : memref<10240x64xf32, #tpu.memory_space<hbm>>) target(%dma_start3A_180 : memref<80x64xf32, #tpu.memory_space<vmem>>) offsets(%dma_start3A_183 : memref<80xi32, #tpu.memory_space<vmem>>) semaphore(%arg12 : memref<!tpu.dma_semaphore, #tpu.memory_space<semaphore_mem>>)
    %scan3A = arith.constant 0 : i32
    %scan3A_187 = arith.constant 125 : i32
    %scan3A_188 = arith.addi %scan3A, %scan3A_187 : i32
    %scan3A_189 = arith.constant 1 : i32
    scf.for %scan3A_764 = %scan3A to %scan3A_188 step %scan3A_189  : i32 {
      %ge3A = arith.constant 5 : i32
      %ge3A_765 = arith.cmpi sge, %scan3A_764, %ge3A : i32
      %convert_element_type3A = arith.extui %ge3A_765 : i1 to i32
      %cond3A = arith.constant 0 : i32
      %cond3A_766 = arith.cmpi ne, %convert_element_type3A, %cond3A : i32
      scf.if %cond3A_766 {
        %dma_wait3A_796 = arith.constant 0 : i32
        %dma_wait3A_797 = arith.constant 0 : i32
        %dma_wait3A_798 = arith.constant 0 : i32
        %dma_wait3A_799 = arith.constant 0 : i32
        %dma_wait3A_800 = tpu.memref_slice %arg9[%dma_wait3A_796, %dma_wait3A_798, %dma_wait3A_799] : memref<10x80x64xf32, #tpu.memory_space<vmem>> -> memref<1x80x64xf32, #tpu.memory_space<vmem>>
        %dma_wait3A_801 = tpu.memref_squeeze %dma_wait3A_800 : memref<1x80x64xf32, #tpu.memory_space<vmem>> -> memref<80x64xf32, #tpu.memory_space<vmem>>
        %dma_wait3A_802 = arith.constant 0 : i32
        %dma_wait3A_803 = tpu.memref_slice %arg8[%dma_wait3A_797, %dma_wait3A_802] : memref<125x80xi32, #tpu.memory_space<vmem>> -> memref<1x80xi32, #tpu.memory_space<vmem>>
        %dma_wait3A_804 = tpu.memref_squeeze %dma_wait3A_803 : memref<1x80xi32, #tpu.memory_space<vmem>> -> memref<80xi32, #tpu.memory_space<vmem>>
        %dma_wait3A_805 = arith.constant 0 : i32
        %dma_wait3A_806 = arith.constant 0 : i32
        %dma_wait3A_807 = tpu.memref_slice %arg11[%dma_wait3A_805, %dma_wait3A_806] : memref<10240x64xf32, #tpu.memory_space<vmem_shared>> -> memref<10240x64xf32, #tpu.memory_space<vmem_shared>>
        tpu.wait_indirect_dma semaphore(%arg13 : memref<!tpu.dma_semaphore, #tpu.memory_space<semaphore_mem>>) src(%dma_wait3A_801 : memref<80x64xf32, #tpu.memory_space<vmem>>) dst(%dma_wait3A_807 : memref<10240x64xf32, #tpu.memory_space<vmem_shared>>)
      } else {
      }
      %dma_wait3A_767 = arith.constant 0 : i32
      %dma_wait3A_768 = arith.constant 0 : i32
      %dma_wait3A_769 = arith.constant 0 : i32
      %dma_wait3A_770 = arith.constant 0 : i32
      %dma_wait3A_771 = tpu.memref_slice %arg9[%dma_wait3A_768, %dma_wait3A_769, %dma_wait3A_770] : memref<10x80x64xf32, #tpu.memory_space<vmem>> -> memref<1x80x64xf32, #tpu.memory_space<vmem>>
      %dma_wait3A_772 = tpu.memref_squeeze %dma_wait3A_771 : memref<1x80x64xf32, #tpu.memory_space<vmem>> -> memref<80x64xf32, #tpu.memory_space<vmem>>
      %dma_wait3A_773 = arith.constant 0 : i32
      %dma_wait3A_774 = tpu.memref_slice %arg7[%dma_wait3A_767, %dma_wait3A_773] : memref<125x80xi32, #tpu.memory_space<vmem>> -> memref<1x80xi32, #tpu.memory_space<vmem>>
      %dma_wait3A_775 = tpu.memref_squeeze %dma_wait3A_774 : memref<1x80xi32, #tpu.memory_space<vmem>> -> memref<80xi32, #tpu.memory_space<vmem>>
      %dma_wait3A_776 = arith.constant 0 : i32
      %dma_wait3A_777 = arith.constant 0 : i32
      %dma_wait3A_778 = tpu.memref_slice %arg2[%dma_wait3A_776, %dma_wait3A_777] : memref<10240x64xf32, #tpu.memory_space<hbm>> -> memref<10240x64xf32, #tpu.memory_space<hbm>>
      tpu.wait_indirect_dma semaphore(%arg12 : memref<!tpu.dma_semaphore, #tpu.memory_space<semaphore_mem>>) src(%dma_wait3A_778 : memref<10240x64xf32, #tpu.memory_space<hbm>>) dst(%dma_wait3A_772 : memref<80x64xf32, #tpu.memory_space<vmem>>)
      %rem3A = arith.constant 10 : i32
      %rem3A_779 = arith.remsi %scan3A_764, %rem3A : i32
      %dma_start3A_780 = arith.constant 0 : i32
      %dma_start3A_781 = arith.constant 0 : i32
      %dma_start3A_782 = tpu.memref_slice %arg9[%rem3A_779, %dma_start3A_780, %dma_start3A_781] : memref<10x80x64xf32, #tpu.memory_space<vmem>> -> memref<1x80x64xf32, #tpu.memory_space<vmem>>
      %dma_start3A_783 = tpu.memref_squeeze %dma_start3A_782 : memref<1x80x64xf32, #tpu.memory_space<vmem>> -> memref<80x64xf32, #tpu.memory_space<vmem>>
      %dma_start3A_784 = arith.constant 0 : i32
      %dma_start3A_785 = tpu.memref_slice %arg8[%scan3A_764, %dma_start3A_784] : memref<125x80xi32, #tpu.memory_space<vmem>> -> memref<1x80xi32, #tpu.memory_space<vmem>>
      %dma_start3A_786 = tpu.memref_squeeze %dma_start3A_785 : memref<1x80xi32, #tpu.memory_space<vmem>> -> memref<80xi32, #tpu.memory_space<vmem>>
      %dma_start3A_787 = arith.constant 0 : i32
      %dma_start3A_788 = arith.constant 0 : i32
      %dma_start3A_789 = tpu.memref_slice %arg11[%dma_start3A_787, %dma_start3A_788] : memref<10240x64xf32, #tpu.memory_space<vmem_shared>> -> memref<10240x64xf32, #tpu.memory_space<vmem_shared>>
      tpu.enqueue_indirect_dma source(%dma_start3A_783 : memref<80x64xf32, #tpu.memory_space<vmem>>) target(%dma_start3A_789 : memref<10240x64xf32, #tpu.memory_space<vmem_shared>>) offsets(%dma_start3A_786 : memref<80xi32, #tpu.memory_space<vmem>>) semaphore(%arg13 : memref<!tpu.dma_semaphore, #tpu.memory_space<semaphore_mem>>) {add = true}
      %add3A_790 = arith.constant 5 : i32
      %add3A_791 = arith.addi %scan3A_764, %add3A_790 : i32
      %lt3A = arith.constant 125 : i32
      %lt3A_792 = arith.cmpi slt, %add3A_791, %lt3A : i32
      %convert_element_type3A_793 = arith.extui %lt3A_792 : i1 to i32
      %cond3A_794 = arith.constant 0 : i32
      %cond3A_795 = arith.cmpi ne, %convert_element_type3A_793, %cond3A_794 : i32
      scf.if %cond3A_795 {
        %add3A_796 = arith.constant 5 : i32
        %add3A_797 = arith.addi %scan3A_764, %add3A_796 : i32
        %add3A_798 = arith.constant 5 : i32
        %add3A_799 = arith.addi %scan3A_764, %add3A_798 : i32
        %rem3A_800 = arith.constant 10 : i32
        %rem3A_801 = arith.remsi %add3A_799, %rem3A_800 : i32
        %dma_start3A_802 = arith.constant 0 : i32
        %dma_start3A_803 = arith.constant 0 : i32
        %dma_start3A_804 = tpu.memref_slice %arg9[%rem3A_801, %dma_start3A_802, %dma_start3A_803] : memref<10x80x64xf32, #tpu.memory_space<vmem>> -> memref<1x80x64xf32, #tpu.memory_space<vmem>>
        %dma_start3A_805 = tpu.memref_squeeze %dma_start3A_804 : memref<1x80x64xf32, #tpu.memory_space<vmem>> -> memref<80x64xf32, #tpu.memory_space<vmem>>
        %dma_start3A_806 = arith.constant 0 : i32
        %dma_start3A_807 = tpu.memref_slice %arg7[%add3A_797, %dma_start3A_806] : memref<125x80xi32, #tpu.memory_space<vmem>> -> memref<1x80xi32, #tpu.memory_space<vmem>>
        %dma_start3A_808 = tpu.memref_squeeze %dma_start3A_807 : memref<1x80xi32, #tpu.memory_space<vmem>> -> memref<80xi32, #tpu.memory_space<vmem>>
        %dma_start3A_809 = arith.constant 0 : i32
        %dma_start3A_810 = arith.constant 0 : i32
        %dma_start3A_811 = tpu.memref_slice %arg2[%dma_start3A_809, %dma_start3A_810] : memref<10240x64xf32, #tpu.memory_space<hbm>> -> memref<10240x64xf32, #tpu.memory_space<hbm>>
        tpu.enqueue_indirect_dma source(%dma_start3A_811 : memref<10240x64xf32, #tpu.memory_space<hbm>>) target(%dma_start3A_805 : memref<80x64xf32, #tpu.memory_space<vmem>>) offsets(%dma_start3A_808 : memref<80xi32, #tpu.memory_space<vmem>>) semaphore(%arg12 : memref<!tpu.dma_semaphore, #tpu.memory_space<semaphore_mem>>)
      } else {
      }
    }
    %scan3A_190 = arith.constant 125 : i32
    %dma_wait3A_191 = arith.constant 0 : i32
    %dma_wait3A_192 = arith.constant 0 : i32
    %dma_wait3A_193 = arith.constant 0 : i32
    %dma_wait3A_194 = arith.constant 0 : i32
    %dma_wait3A_195 = tpu.memref_slice %arg9[%dma_wait3A_191, %dma_wait3A_193, %dma_wait3A_194] : memref<10x80x64xf32, #tpu.memory_space<vmem>> -> memref<1x80x64xf32, #tpu.memory_space<vmem>>
    %dma_wait3A_196 = tpu.memref_squeeze %dma_wait3A_195 : memref<1x80x64xf32, #tpu.memory_space<vmem>> -> memref<80x64xf32, #tpu.memory_space<vmem>>
    %dma_wait3A_197 = arith.constant 0 : i32
    %dma_wait3A_198 = tpu.memref_slice %arg8[%dma_wait3A_192, %dma_wait3A_197] : memref<125x80xi32, #tpu.memory_space<vmem>> -> memref<1x80xi32, #tpu.memory_space<vmem>>
    %dma_wait3A_199 = tpu.memref_squeeze %dma_wait3A_198 : memref<1x80xi32, #tpu.memory_space<vmem>> -> memref<80xi32, #tpu.memory_space<vmem>>
    %dma_wait3A_200 = arith.constant 0 : i32
    %dma_wait3A_201 = arith.constant 0 : i32
    %dma_wait3A_202 = tpu.memref_slice %arg11[%dma_wait3A_200, %dma_wait3A_201] : memref<10240x64xf32, #tpu.memory_space<vmem_shared>> -> memref<10240x64xf32, #tpu.memory_space<vmem_shared>>
    tpu.wait_indirect_dma semaphore(%arg13 : memref<!tpu.dma_semaphore, #tpu.memory_space<semaphore_mem>>) src(%dma_wait3A_196 : memref<80x64xf32, #tpu.memory_space<vmem>>) dst(%dma_wait3A_202 : memref<10240x64xf32, #tpu.memory_space<vmem_shared>>)
    %dma_wait3A_203 = arith.constant 0 : i32
    %dma_wait3A_204 = arith.constant 0 : i32
    %dma_wait3A_205 = arith.constant 0 : i32
    %dma_wait3A_206 = arith.constant 0 : i32
    %dma_wait3A_207 = tpu.memref_slice %arg9[%dma_wait3A_203, %dma_wait3A_205, %dma_wait3A_206] : memref<10x80x64xf32, #tpu.memory_space<vmem>> -> memref<1x80x64xf32, #tpu.memory_space<vmem>>
    %dma_wait3A_208 = tpu.memref_squeeze %dma_wait3A_207 : memref<1x80x64xf32, #tpu.memory_space<vmem>> -> memref<80x64xf32, #tpu.memory_space<vmem>>
    %dma_wait3A_209 = arith.constant 0 : i32
    %dma_wait3A_210 = tpu.memref_slice %arg8[%dma_wait3A_204, %dma_wait3A_209] : memref<125x80xi32, #tpu.memory_space<vmem>> -> memref<1x80xi32, #tpu.memory_space<vmem>>
    %dma_wait3A_211 = tpu.memref_squeeze %dma_wait3A_210 : memref<1x80xi32, #tpu.memory_space<vmem>> -> memref<80xi32, #tpu.memory_space<vmem>>
    %dma_wait3A_212 = arith.constant 0 : i32
    %dma_wait3A_213 = arith.constant 0 : i32
    %dma_wait3A_214 = tpu.memref_slice %arg11[%dma_wait3A_212, %dma_wait3A_213] : memref<10240x64xf32, #tpu.memory_space<vmem_shared>> -> memref<10240x64xf32, #tpu.memory_space<vmem_shared>>
    tpu.wait_indirect_dma semaphore(%arg13 : memref<!tpu.dma_semaphore, #tpu.memory_space<semaphore_mem>>) src(%dma_wait3A_208 : memref<80x64xf32, #tpu.memory_space<vmem>>) dst(%dma_wait3A_214 : memref<10240x64xf32, #tpu.memory_space<vmem_shared>>)
    %dma_wait3A_215 = arith.constant 0 : i32
    %dma_wait3A_216 = arith.constant 0 : i32
    %dma_wait3A_217 = arith.constant 0 : i32
    %dma_wait3A_218 = arith.constant 0 : i32
    %dma_wait3A_219 = tpu.memref_slice %arg9[%dma_wait3A_215, %dma_wait3A_217, %dma_wait3A_218] : memref<10x80x64xf32, #tpu.memory_space<vmem>> -> memref<1x80x64xf32, #tpu.memory_space<vmem>>
    %dma_wait3A_220 = tpu.memref_squeeze %dma_wait3A_219 : memref<1x80x64xf32, #tpu.memory_space<vmem>> -> memref<80x64xf32, #tpu.memory_space<vmem>>
    %dma_wait3A_221 = arith.constant 0 : i32
    %dma_wait3A_222 = tpu.memref_slice %arg8[%dma_wait3A_216, %dma_wait3A_221] : memref<125x80xi32, #tpu.memory_space<vmem>> -> memref<1x80xi32, #tpu.memory_space<vmem>>
    %dma_wait3A_223 = tpu.memref_squeeze %dma_wait3A_222 : memref<1x80xi32, #tpu.memory_space<vmem>> -> memref<80xi32, #tpu.memory_space<vmem>>
    %dma_wait3A_224 = arith.constant 0 : i32
    %dma_wait3A_225 = arith.constant 0 : i32
    %dma_wait3A_226 = tpu.memref_slice %arg11[%dma_wait3A_224, %dma_wait3A_225] : memref<10240x64xf32, #tpu.memory_space<vmem_shared>> -> memref<10240x64xf32, #tpu.memory_space<vmem_shared>>
    tpu.wait_indirect_dma semaphore(%arg13 : memref<!tpu.dma_semaphore, #tpu.memory_space<semaphore_mem>>) src(%dma_wait3A_220 : memref<80x64xf32, #tpu.memory_space<vmem>>) dst(%dma_wait3A_226 : memref<10240x64xf32, #tpu.memory_space<vmem_shared>>)
    %dma_wait3A_227 = arith.constant 0 : i32
    %dma_wait3A_228 = arith.constant 0 : i32
    %dma_wait3A_229 = arith.constant 0 : i32
    %dma_wait3A_230 = arith.constant 0 : i32
    %dma_wait3A_231 = tpu.memref_slice %arg9[%dma_wait3A_227, %dma_wait3A_229, %dma_wait3A_230] : memref<10x80x64xf32, #tpu.memory_space<vmem>> -> memref<1x80x64xf32, #tpu.memory_space<vmem>>
    %dma_wait3A_232 = tpu.memref_squeeze %dma_wait3A_231 : memref<1x80x64xf32, #tpu.memory_space<vmem>> -> memref<80x64xf32, #tpu.memory_space<vmem>>
    %dma_wait3A_233 = arith.constant 0 : i32
    %dma_wait3A_234 = tpu.memref_slice %arg8[%dma_wait3A_228, %dma_wait3A_233] : memref<125x80xi32, #tpu.memory_space<vmem>> -> memref<1x80xi32, #tpu.memory_space<vmem>>
    %dma_wait3A_235 = tpu.memref_squeeze %dma_wait3A_234 : memref<1x80xi32, #tpu.memory_space<vmem>> -> memref<80xi32, #tpu.memory_space<vmem>>
    %dma_wait3A_236 = arith.constant 0 : i32
    %dma_wait3A_237 = arith.constant 0 : i32
    %dma_wait3A_238 = tpu.memref_slice %arg11[%dma_wait3A_236, %dma_wait3A_237] : memref<10240x64xf32, #tpu.memory_space<vmem_shared>> -> memref<10240x64xf32, #tpu.memory_space<vmem_shared>>
    tpu.wait_indirect_dma semaphore(%arg13 : memref<!tpu.dma_semaphore, #tpu.memory_space<semaphore_mem>>) src(%dma_wait3A_232 : memref<80x64xf32, #tpu.memory_space<vmem>>) dst(%dma_wait3A_238 : memref<10240x64xf32, #tpu.memory_space<vmem_shared>>)
    %dma_wait3A_239 = arith.constant 0 : i32
    %dma_wait3A_240 = arith.constant 0 : i32
    %dma_wait3A_241 = arith.constant 0 : i32
    %dma_wait3A_242 = arith.constant 0 : i32
    %dma_wait3A_243 = tpu.memref_slice %arg9[%dma_wait3A_239, %dma_wait3A_241, %dma_wait3A_242] : memref<10x80x64xf32, #tpu.memory_space<vmem>> -> memref<1x80x64xf32, #tpu.memory_space<vmem>>
    %dma_wait3A_244 = tpu.memref_squeeze %dma_wait3A_243 : memref<1x80x64xf32, #tpu.memory_space<vmem>> -> memref<80x64xf32, #tpu.memory_space<vmem>>
    %dma_wait3A_245 = arith.constant 0 : i32
    %dma_wait3A_246 = tpu.memref_slice %arg8[%dma_wait3A_240, %dma_wait3A_245] : memref<125x80xi32, #tpu.memory_space<vmem>> -> memref<1x80xi32, #tpu.memory_space<vmem>>
    %dma_wait3A_247 = tpu.memref_squeeze %dma_wait3A_246 : memref<1x80xi32, #tpu.memory_space<vmem>> -> memref<80xi32, #tpu.memory_space<vmem>>
    %dma_wait3A_248 = arith.constant 0 : i32
    %dma_wait3A_249 = arith.constant 0 : i32
    %dma_wait3A_250 = tpu.memref_slice %arg11[%dma_wait3A_248, %dma_wait3A_249] : memref<10240x64xf32, #tpu.memory_space<vmem_shared>> -> memref<10240x64xf32, #tpu.memory_space<vmem_shared>>
    tpu.wait_indirect_dma semaphore(%arg13 : memref<!tpu.dma_semaphore, #tpu.memory_space<semaphore_mem>>) src(%dma_wait3A_244 : memref<80x64xf32, #tpu.memory_space<vmem>>) dst(%dma_wait3A_250 : memref<10240x64xf32, #tpu.memory_space<vmem_shared>>)
    %barrier3A_251 = arith.constant 0 : index
    tpu.barrier barrier_id(%barrier3A_251)
    %mul3A_252 = arith.constant 640 : i32
    %mul3A_253 = arith.muli %arg1, %mul3A_252 : i32
    %add3A_254 = arith.constant 0 : i32
    %add3A_255 = arith.addi %mul3A_253, %add3A_254 : i32
    %dma_start3A_256 = arith.constant 0 : i32
    %dma_start3A_257 = arith.constant 0 : i32
    %dma_start3A_258 = arith.constant 0 : i32
    %dma_start3A_259 = tpu.memref_slice %arg9[%dma_start3A_256, %dma_start3A_257, %dma_start3A_258] : memref<10x80x64xf32, #tpu.memory_space<vmem>> -> memref<1x80x64xf32, #tpu.memory_space<vmem>>
    %dma_start3A_260 = tpu.memref_squeeze %dma_start3A_259 : memref<1x80x64xf32, #tpu.memory_space<vmem>> -> memref<80x64xf32, #tpu.memory_space<vmem>>
    %dma_start3A_261 = arith.constant 0 : i32
    %dma_start3A_262 = tpu.memref_slice %arg11[%add3A_255, %dma_start3A_261] : memref<10240x64xf32, #tpu.memory_space<vmem_shared>> -> memref<80x64xf32, #tpu.memory_space<vmem_shared>>
    %dma_start3A_263 = arith.constant 0 : i32
    %dma_start3A_264 = arith.constant 0 : i32
    %dma_start3A_265 = tpu.memref_slice %arg9[%dma_start3A_256, %dma_start3A_263, %dma_start3A_264] : memref<10x80x64xf32, #tpu.memory_space<vmem>> -> memref<1x80x64xf32, #tpu.memory_space<vmem>>
    %dma_start3A_266 = tpu.memref_squeeze %dma_start3A_265 : memref<1x80x64xf32, #tpu.memory_space<vmem>> -> memref<80x64xf32, #tpu.memory_space<vmem>>
    %dma_start3A_267 = arith.constant 0 : i32
    %dma_start3A_268 = tpu.memref_slice %arg11[%add3A_255, %dma_start3A_267] : memref<10240x64xf32, #tpu.memory_space<vmem_shared>> -> memref<80x64xf32, #tpu.memory_space<vmem_shared>>
    tpu.enqueue_dma source(%dma_start3A_268 : memref<80x64xf32, #tpu.memory_space<vmem_shared>>) target(%dma_start3A_266 : memref<80x64xf32, #tpu.memory_space<vmem>>) target_semaphore(%arg12 : memref<!tpu.dma_semaphore, #tpu.memory_space<semaphore_mem>>)
    %mul3A_269 = arith.constant 640 : i32
    %mul3A_270 = arith.muli %arg1, %mul3A_269 : i32
    %add3A_271 = arith.constant 80 : i32
    %add3A_272 = arith.addi %mul3A_270, %add3A_271 : i32
    %dma_start3A_273 = arith.constant 1 : i32
    %dma_start3A_274 = arith.constant 0 : i32
    %dma_start3A_275 = arith.constant 0 : i32
    %dma_start3A_276 = tpu.memref_slice %arg9[%dma_start3A_273, %dma_start3A_274, %dma_start3A_275] : memref<10x80x64xf32, #tpu.memory_space<vmem>> -> memref<1x80x64xf32, #tpu.memory_space<vmem>>
    %dma_start3A_277 = tpu.memref_squeeze %dma_start3A_276 : memref<1x80x64xf32, #tpu.memory_space<vmem>> -> memref<80x64xf32, #tpu.memory_space<vmem>>
    %dma_start3A_278 = arith.constant 0 : i32
    %dma_start3A_279 = tpu.memref_slice %arg11[%add3A_272, %dma_start3A_278] : memref<10240x64xf32, #tpu.memory_space<vmem_shared>> -> memref<80x64xf32, #tpu.memory_space<vmem_shared>>
    %dma_start3A_280 = arith.constant 0 : i32
    %dma_start3A_281 = arith.constant 0 : i32
    %dma_start3A_282 = tpu.memref_slice %arg9[%dma_start3A_273, %dma_start3A_280, %dma_start3A_281] : memref<10x80x64xf32, #tpu.memory_space<vmem>> -> memref<1x80x64xf32, #tpu.memory_space<vmem>>
    %dma_start3A_283 = tpu.memref_squeeze %dma_start3A_282 : memref<1x80x64xf32, #tpu.memory_space<vmem>> -> memref<80x64xf32, #tpu.memory_space<vmem>>
    %dma_start3A_284 = arith.constant 0 : i32
    %dma_start3A_285 = tpu.memref_slice %arg11[%add3A_272, %dma_start3A_284] : memref<10240x64xf32, #tpu.memory_space<vmem_shared>> -> memref<80x64xf32, #tpu.memory_space<vmem_shared>>
    tpu.enqueue_dma source(%dma_start3A_285 : memref<80x64xf32, #tpu.memory_space<vmem_shared>>) target(%dma_start3A_283 : memref<80x64xf32, #tpu.memory_space<vmem>>) target_semaphore(%arg12 : memref<!tpu.dma_semaphore, #tpu.memory_space<semaphore_mem>>)
    %mul3A_286 = arith.constant 640 : i32
    %mul3A_287 = arith.muli %arg1, %mul3A_286 : i32
    %add3A_288 = arith.constant 160 : i32
    %add3A_289 = arith.addi %mul3A_287, %add3A_288 : i32
    %dma_start3A_290 = arith.constant 2 : i32
    %dma_start3A_291 = arith.constant 0 : i32
    %dma_start3A_292 = arith.constant 0 : i32
    %dma_start3A_293 = tpu.memref_slice %arg9[%dma_start3A_290, %dma_start3A_291, %dma_start3A_292] : memref<10x80x64xf32, #tpu.memory_space<vmem>> -> memref<1x80x64xf32, #tpu.memory_space<vmem>>
    %dma_start3A_294 = tpu.memref_squeeze %dma_start3A_293 : memref<1x80x64xf32, #tpu.memory_space<vmem>> -> memref<80x64xf32, #tpu.memory_space<vmem>>
    %dma_start3A_295 = arith.constant 0 : i32
    %dma_start3A_296 = tpu.memref_slice %arg11[%add3A_289, %dma_start3A_295] : memref<10240x64xf32, #tpu.memory_space<vmem_shared>> -> memref<80x64xf32, #tpu.memory_space<vmem_shared>>
    %dma_start3A_297 = arith.constant 0 : i32
    %dma_start3A_298 = arith.constant 0 : i32
    %dma_start3A_299 = tpu.memref_slice %arg9[%dma_start3A_290, %dma_start3A_297, %dma_start3A_298] : memref<10x80x64xf32, #tpu.memory_space<vmem>> -> memref<1x80x64xf32, #tpu.memory_space<vmem>>
    %dma_start3A_300 = tpu.memref_squeeze %dma_start3A_299 : memref<1x80x64xf32, #tpu.memory_space<vmem>> -> memref<80x64xf32, #tpu.memory_space<vmem>>
    %dma_start3A_301 = arith.constant 0 : i32
    %dma_start3A_302 = tpu.memref_slice %arg11[%add3A_289, %dma_start3A_301] : memref<10240x64xf32, #tpu.memory_space<vmem_shared>> -> memref<80x64xf32, #tpu.memory_space<vmem_shared>>
    tpu.enqueue_dma source(%dma_start3A_302 : memref<80x64xf32, #tpu.memory_space<vmem_shared>>) target(%dma_start3A_300 : memref<80x64xf32, #tpu.memory_space<vmem>>) target_semaphore(%arg12 : memref<!tpu.dma_semaphore, #tpu.memory_space<semaphore_mem>>)
    %mul3A_303 = arith.constant 640 : i32
    %mul3A_304 = arith.muli %arg1, %mul3A_303 : i32
    %add3A_305 = arith.constant 240 : i32
    %add3A_306 = arith.addi %mul3A_304, %add3A_305 : i32
    %dma_start3A_307 = arith.constant 3 : i32
    %dma_start3A_308 = arith.constant 0 : i32
    %dma_start3A_309 = arith.constant 0 : i32
    %dma_start3A_310 = tpu.memref_slice %arg9[%dma_start3A_307, %dma_start3A_308, %dma_start3A_309] : memref<10x80x64xf32, #tpu.memory_space<vmem>> -> memref<1x80x64xf32, #tpu.memory_space<vmem>>
    %dma_start3A_311 = tpu.memref_squeeze %dma_start3A_310 : memref<1x80x64xf32, #tpu.memory_space<vmem>> -> memref<80x64xf32, #tpu.memory_space<vmem>>
    %dma_start3A_312 = arith.constant 0 : i32
    %dma_start3A_313 = tpu.memref_slice %arg11[%add3A_306, %dma_start3A_312] : memref<10240x64xf32, #tpu.memory_space<vmem_shared>> -> memref<80x64xf32, #tpu.memory_space<vmem_shared>>
    %dma_start3A_314 = arith.constant 0 : i32
    %dma_start3A_315 = arith.constant 0 : i32
    %dma_start3A_316 = tpu.memref_slice %arg9[%dma_start3A_307, %dma_start3A_314, %dma_start3A_315] : memref<10x80x64xf32, #tpu.memory_space<vmem>> -> memref<1x80x64xf32, #tpu.memory_space<vmem>>
    %dma_start3A_317 = tpu.memref_squeeze %dma_start3A_316 : memref<1x80x64xf32, #tpu.memory_space<vmem>> -> memref<80x64xf32, #tpu.memory_space<vmem>>
    %dma_start3A_318 = arith.constant 0 : i32
    %dma_start3A_319 = tpu.memref_slice %arg11[%add3A_306, %dma_start3A_318] : memref<10240x64xf32, #tpu.memory_space<vmem_shared>> -> memref<80x64xf32, #tpu.memory_space<vmem_shared>>
    tpu.enqueue_dma source(%dma_start3A_319 : memref<80x64xf32, #tpu.memory_space<vmem_shared>>) target(%dma_start3A_317 : memref<80x64xf32, #tpu.memory_space<vmem>>) target_semaphore(%arg12 : memref<!tpu.dma_semaphore, #tpu.memory_space<semaphore_mem>>)
    %mul3A_320 = arith.constant 640 : i32
    %mul3A_321 = arith.muli %arg1, %mul3A_320 : i32
    %add3A_322 = arith.constant 320 : i32
    %add3A_323 = arith.addi %mul3A_321, %add3A_322 : i32
    %dma_start3A_324 = arith.constant 4 : i32
    %dma_start3A_325 = arith.constant 0 : i32
    %dma_start3A_326 = arith.constant 0 : i32
    %dma_start3A_327 = tpu.memref_slice %arg9[%dma_start3A_324, %dma_start3A_325, %dma_start3A_326] : memref<10x80x64xf32, #tpu.memory_space<vmem>> -> memref<1x80x64xf32, #tpu.memory_space<vmem>>
    %dma_start3A_328 = tpu.memref_squeeze %dma_start3A_327 : memref<1x80x64xf32, #tpu.memory_space<vmem>> -> memref<80x64xf32, #tpu.memory_space<vmem>>
    %dma_start3A_329 = arith.constant 0 : i32
    %dma_start3A_330 = tpu.memref_slice %arg11[%add3A_323, %dma_start3A_329] : memref<10240x64xf32, #tpu.memory_space<vmem_shared>> -> memref<80x64xf32, #tpu.memory_space<vmem_shared>>
    %dma_start3A_331 = arith.constant 0 : i32
    %dma_start3A_332 = arith.constant 0 : i32
    %dma_start3A_333 = tpu.memref_slice %arg9[%dma_start3A_324, %dma_start3A_331, %dma_start3A_332] : memref<10x80x64xf32, #tpu.memory_space<vmem>> -> memref<1x80x64xf32, #tpu.memory_space<vmem>>
    %dma_start3A_334 = tpu.memref_squeeze %dma_start3A_333 : memref<1x80x64xf32, #tpu.memory_space<vmem>> -> memref<80x64xf32, #tpu.memory_space<vmem>>
    %dma_start3A_335 = arith.constant 0 : i32
    %dma_start3A_336 = tpu.memref_slice %arg11[%add3A_323, %dma_start3A_335] : memref<10240x64xf32, #tpu.memory_space<vmem_shared>> -> memref<80x64xf32, #tpu.memory_space<vmem_shared>>
    tpu.enqueue_dma source(%dma_start3A_336 : memref<80x64xf32, #tpu.memory_space<vmem_shared>>) target(%dma_start3A_334 : memref<80x64xf32, #tpu.memory_space<vmem>>) target_semaphore(%arg12 : memref<!tpu.dma_semaphore, #tpu.memory_space<semaphore_mem>>)
    %mul3A_337 = arith.constant 640 : i32
    %mul3A_338 = arith.muli %arg1, %mul3A_337 : i32
    %add3A_339 = arith.constant 400 : i32
    %add3A_340 = arith.addi %mul3A_338, %add3A_339 : i32
    %dma_start3A_341 = arith.constant 5 : i32
    %dma_start3A_342 = arith.constant 0 : i32
    %dma_start3A_343 = arith.constant 0 : i32
    %dma_start3A_344 = tpu.memref_slice %arg9[%dma_start3A_341, %dma_start3A_342, %dma_start3A_343] : memref<10x80x64xf32, #tpu.memory_space<vmem>> -> memref<1x80x64xf32, #tpu.memory_space<vmem>>
    %dma_start3A_345 = tpu.memref_squeeze %dma_start3A_344 : memref<1x80x64xf32, #tpu.memory_space<vmem>> -> memref<80x64xf32, #tpu.memory_space<vmem>>
    %dma_start3A_346 = arith.constant 0 : i32
    %dma_start3A_347 = tpu.memref_slice %arg11[%add3A_340, %dma_start3A_346] : memref<10240x64xf32, #tpu.memory_space<vmem_shared>> -> memref<80x64xf32, #tpu.memory_space<vmem_shared>>
    %dma_start3A_348 = arith.constant 0 : i32
    %dma_start3A_349 = arith.constant 0 : i32
    %dma_start3A_350 = tpu.memref_slice %arg9[%dma_start3A_341, %dma_start3A_348, %dma_start3A_349] : memref<10x80x64xf32, #tpu.memory_space<vmem>> -> memref<1x80x64xf32, #tpu.memory_space<vmem>>
    %dma_start3A_351 = tpu.memref_squeeze %dma_start3A_350 : memref<1x80x64xf32, #tpu.memory_space<vmem>> -> memref<80x64xf32, #tpu.memory_space<vmem>>
    %dma_start3A_352 = arith.constant 0 : i32
    %dma_start3A_353 = tpu.memref_slice %arg11[%add3A_340, %dma_start3A_352] : memref<10240x64xf32, #tpu.memory_space<vmem_shared>> -> memref<80x64xf32, #tpu.memory_space<vmem_shared>>
    tpu.enqueue_dma source(%dma_start3A_353 : memref<80x64xf32, #tpu.memory_space<vmem_shared>>) target(%dma_start3A_351 : memref<80x64xf32, #tpu.memory_space<vmem>>) target_semaphore(%arg12 : memref<!tpu.dma_semaphore, #tpu.memory_space<semaphore_mem>>)
    %mul3A_354 = arith.constant 640 : i32
    %mul3A_355 = arith.muli %arg1, %mul3A_354 : i32
    %add3A_356 = arith.constant 480 : i32
    %add3A_357 = arith.addi %mul3A_355, %add3A_356 : i32
    %dma_start3A_358 = arith.constant 6 : i32
    %dma_start3A_359 = arith.constant 0 : i32
    %dma_start3A_360 = arith.constant 0 : i32
    %dma_start3A_361 = tpu.memref_slice %arg9[%dma_start3A_358, %dma_start3A_359, %dma_start3A_360] : memref<10x80x64xf32, #tpu.memory_space<vmem>> -> memref<1x80x64xf32, #tpu.memory_space<vmem>>
    %dma_start3A_362 = tpu.memref_squeeze %dma_start3A_361 : memref<1x80x64xf32, #tpu.memory_space<vmem>> -> memref<80x64xf32, #tpu.memory_space<vmem>>
    %dma_start3A_363 = arith.constant 0 : i32
    %dma_start3A_364 = tpu.memref_slice %arg11[%add3A_357, %dma_start3A_363] : memref<10240x64xf32, #tpu.memory_space<vmem_shared>> -> memref<80x64xf32, #tpu.memory_space<vmem_shared>>
    %dma_start3A_365 = arith.constant 0 : i32
    %dma_start3A_366 = arith.constant 0 : i32
    %dma_start3A_367 = tpu.memref_slice %arg9[%dma_start3A_358, %dma_start3A_365, %dma_start3A_366] : memref<10x80x64xf32, #tpu.memory_space<vmem>> -> memref<1x80x64xf32, #tpu.memory_space<vmem>>
    %dma_start3A_368 = tpu.memref_squeeze %dma_start3A_367 : memref<1x80x64xf32, #tpu.memory_space<vmem>> -> memref<80x64xf32, #tpu.memory_space<vmem>>
    %dma_start3A_369 = arith.constant 0 : i32
    %dma_start3A_370 = tpu.memref_slice %arg11[%add3A_357, %dma_start3A_369] : memref<10240x64xf32, #tpu.memory_space<vmem_shared>> -> memref<80x64xf32, #tpu.memory_space<vmem_shared>>
    tpu.enqueue_dma source(%dma_start3A_370 : memref<80x64xf32, #tpu.memory_space<vmem_shared>>) target(%dma_start3A_368 : memref<80x64xf32, #tpu.memory_space<vmem>>) target_semaphore(%arg12 : memref<!tpu.dma_semaphore, #tpu.memory_space<semaphore_mem>>)
    %mul3A_371 = arith.constant 640 : i32
    %mul3A_372 = arith.muli %arg1, %mul3A_371 : i32
    %add3A_373 = arith.constant 560 : i32
    %add3A_374 = arith.addi %mul3A_372, %add3A_373 : i32
    %dma_start3A_375 = arith.constant 7 : i32
    %dma_start3A_376 = arith.constant 0 : i32
    %dma_start3A_377 = arith.constant 0 : i32
    %dma_start3A_378 = tpu.memref_slice %arg9[%dma_start3A_375, %dma_start3A_376, %dma_start3A_377] : memref<10x80x64xf32, #tpu.memory_space<vmem>> -> memref<1x80x64xf32, #tpu.memory_space<vmem>>
    %dma_start3A_379 = tpu.memref_squeeze %dma_start3A_378 : memref<1x80x64xf32, #tpu.memory_space<vmem>> -> memref<80x64xf32, #tpu.memory_space<vmem>>
    %dma_start3A_380 = arith.constant 0 : i32
    %dma_start3A_381 = tpu.memref_slice %arg11[%add3A_374, %dma_start3A_380] : memref<10240x64xf32, #tpu.memory_space<vmem_shared>> -> memref<80x64xf32, #tpu.memory_space<vmem_shared>>
    %dma_start3A_382 = arith.constant 0 : i32
    %dma_start3A_383 = arith.constant 0 : i32
    %dma_start3A_384 = tpu.memref_slice %arg9[%dma_start3A_375, %dma_start3A_382, %dma_start3A_383] : memref<10x80x64xf32, #tpu.memory_space<vmem>> -> memref<1x80x64xf32, #tpu.memory_space<vmem>>
    %dma_start3A_385 = tpu.memref_squeeze %dma_start3A_384 : memref<1x80x64xf32, #tpu.memory_space<vmem>> -> memref<80x64xf32, #tpu.memory_space<vmem>>
    %dma_start3A_386 = arith.constant 0 : i32
    %dma_start3A_387 = tpu.memref_slice %arg11[%add3A_374, %dma_start3A_386] : memref<10240x64xf32, #tpu.memory_space<vmem_shared>> -> memref<80x64xf32, #tpu.memory_space<vmem_shared>>
    tpu.enqueue_dma source(%dma_start3A_387 : memref<80x64xf32, #tpu.memory_space<vmem_shared>>) target(%dma_start3A_385 : memref<80x64xf32, #tpu.memory_space<vmem>>) target_semaphore(%arg12 : memref<!tpu.dma_semaphore, #tpu.memory_space<semaphore_mem>>)
    %dma_wait3A_388 = arith.constant 0 : i32
    %dma_wait3A_389 = arith.constant 0 : i32
    %dma_wait3A_390 = arith.constant 0 : i32
    %dma_wait3A_391 = tpu.memref_slice %arg9[%dma_wait3A_388, %dma_wait3A_389, %dma_wait3A_390] : memref<10x80x64xf32, #tpu.memory_space<vmem>> -> memref<1x80x64xf32, #tpu.memory_space<vmem>>
    %dma_wait3A_392 = tpu.memref_squeeze %dma_wait3A_391 : memref<1x80x64xf32, #tpu.memory_space<vmem>> -> memref<80x64xf32, #tpu.memory_space<vmem>>
    %dma_wait3A_393 = arith.constant 0 : i32
    %dma_wait3A_394 = tpu.memref_slice %arg11[%add3A_255, %dma_wait3A_393] : memref<10240x64xf32, #tpu.memory_space<vmem_shared>> -> memref<80x64xf32, #tpu.memory_space<vmem_shared>>
    %dma_wait3A_395 = arith.constant 0 : i32
    %dma_wait3A_396 = arith.constant 0 : i32
    %dma_wait3A_397 = tpu.memref_slice %arg9[%dma_wait3A_388, %dma_wait3A_395, %dma_wait3A_396] : memref<10x80x64xf32, #tpu.memory_space<vmem>> -> memref<1x80x64xf32, #tpu.memory_space<vmem>>
    %dma_wait3A_398 = tpu.memref_squeeze %dma_wait3A_397 : memref<1x80x64xf32, #tpu.memory_space<vmem>> -> memref<80x64xf32, #tpu.memory_space<vmem>>
    %dma_wait3A_399 = arith.constant 0 : i32
    %dma_wait3A_400 = tpu.memref_slice %arg11[%add3A_255, %dma_wait3A_399] : memref<10240x64xf32, #tpu.memory_space<vmem_shared>> -> memref<80x64xf32, #tpu.memory_space<vmem_shared>>
    tpu.wait_dma2 semaphore(%arg12 : memref<!tpu.dma_semaphore, #tpu.memory_space<semaphore_mem>>) src(%dma_wait3A_400 : memref<80x64xf32, #tpu.memory_space<vmem_shared>>) dst(%dma_wait3A_398 : memref<80x64xf32, #tpu.memory_space<vmem>>)
    %mul3A_401 = arith.constant 640 : i32
    %mul3A_402 = arith.muli %arg1, %mul3A_401 : i32
    %add3A_403 = arith.constant 0 : i32
    %add3A_404 = arith.addi %mul3A_402, %add3A_403 : i32
    %dma_start3A_405 = arith.constant 0 : i32
    %dma_start3A_406 = arith.constant 0 : i32
    %dma_start3A_407 = arith.constant 0 : i32
    %dma_start3A_408 = tpu.memref_slice %arg9[%dma_start3A_405, %dma_start3A_406, %dma_start3A_407] : memref<10x80x64xf32, #tpu.memory_space<vmem>> -> memref<1x80x64xf32, #tpu.memory_space<vmem>>
    %dma_start3A_409 = tpu.memref_squeeze %dma_start3A_408 : memref<1x80x64xf32, #tpu.memory_space<vmem>> -> memref<80x64xf32, #tpu.memory_space<vmem>>
    %dma_start3A_410 = arith.constant 0 : i32
    %dma_start3A_411 = tpu.memref_slice %arg6[%arg0, %add3A_404, %dma_start3A_410] : memref<2x10240x64xf32, #tpu.memory_space<hbm>> -> memref<1x80x64xf32, #tpu.memory_space<hbm>>
    %dma_start3A_412 = tpu.memref_squeeze %dma_start3A_411 : memref<1x80x64xf32, #tpu.memory_space<hbm>> -> memref<80x64xf32, #tpu.memory_space<hbm>>
    %dma_start3A_413 = arith.constant 0 : i32
    %dma_start3A_414 = tpu.memref_slice %arg6[%arg0, %add3A_404, %dma_start3A_413] : memref<2x10240x64xf32, #tpu.memory_space<hbm>> -> memref<1x80x64xf32, #tpu.memory_space<hbm>>
    %dma_start3A_415 = tpu.memref_squeeze %dma_start3A_414 : memref<1x80x64xf32, #tpu.memory_space<hbm>> -> memref<80x64xf32, #tpu.memory_space<hbm>>
    %dma_start3A_416 = arith.constant 0 : i32
    %dma_start3A_417 = arith.constant 0 : i32
    %dma_start3A_418 = tpu.memref_slice %arg9[%dma_start3A_405, %dma_start3A_416, %dma_start3A_417] : memref<10x80x64xf32, #tpu.memory_space<vmem>> -> memref<1x80x64xf32, #tpu.memory_space<vmem>>
    %dma_start3A_419 = tpu.memref_squeeze %dma_start3A_418 : memref<1x80x64xf32, #tpu.memory_space<vmem>> -> memref<80x64xf32, #tpu.memory_space<vmem>>
    tpu.enqueue_dma source(%dma_start3A_419 : memref<80x64xf32, #tpu.memory_space<vmem>>) target(%dma_start3A_415 : memref<80x64xf32, #tpu.memory_space<hbm>>) target_semaphore(%arg13 : memref<!tpu.dma_semaphore, #tpu.memory_space<semaphore_mem>>)
    %dma_wait3A_420 = arith.constant 1 : i32
    %dma_wait3A_421 = arith.constant 0 : i32
    %dma_wait3A_422 = arith.constant 0 : i32
    %dma_wait3A_423 = tpu.memref_slice %arg9[%dma_wait3A_420, %dma_wait3A_421, %dma_wait3A_422] : memref<10x80x64xf32, #tpu.memory_space<vmem>> -> memref<1x80x64xf32, #tpu.memory_space<vmem>>
    %dma_wait3A_424 = tpu.memref_squeeze %dma_wait3A_423 : memref<1x80x64xf32, #tpu.memory_space<vmem>> -> memref<80x64xf32, #tpu.memory_space<vmem>>
    %dma_wait3A_425 = arith.constant 0 : i32
    %dma_wait3A_426 = tpu.memref_slice %arg11[%add3A_272, %dma_wait3A_425] : memref<10240x64xf32, #tpu.memory_space<vmem_shared>> -> memref<80x64xf32, #tpu.memory_space<vmem_shared>>
    %dma_wait3A_427 = arith.constant 0 : i32
    %dma_wait3A_428 = arith.constant 0 : i32
    %dma_wait3A_429 = tpu.memref_slice %arg9[%dma_wait3A_420, %dma_wait3A_427, %dma_wait3A_428] : memref<10x80x64xf32, #tpu.memory_space<vmem>> -> memref<1x80x64xf32, #tpu.memory_space<vmem>>
    %dma_wait3A_430 = tpu.memref_squeeze %dma_wait3A_429 : memref<1x80x64xf32, #tpu.memory_space<vmem>> -> memref<80x64xf32, #tpu.memory_space<vmem>>
    %dma_wait3A_431 = arith.constant 0 : i32
    %dma_wait3A_432 = tpu.memref_slice %arg11[%add3A_272, %dma_wait3A_431] : memref<10240x64xf32, #tpu.memory_space<vmem_shared>> -> memref<80x64xf32, #tpu.memory_space<vmem_shared>>
    tpu.wait_dma2 semaphore(%arg12 : memref<!tpu.dma_semaphore, #tpu.memory_space<semaphore_mem>>) src(%dma_wait3A_432 : memref<80x64xf32, #tpu.memory_space<vmem_shared>>) dst(%dma_wait3A_430 : memref<80x64xf32, #tpu.memory_space<vmem>>)
    %mul3A_433 = arith.constant 640 : i32
    %mul3A_434 = arith.muli %arg1, %mul3A_433 : i32
    %add3A_435 = arith.constant 80 : i32
    %add3A_436 = arith.addi %mul3A_434, %add3A_435 : i32
    %dma_start3A_437 = arith.constant 1 : i32
    %dma_start3A_438 = arith.constant 0 : i32
    %dma_start3A_439 = arith.constant 0 : i32
    %dma_start3A_440 = tpu.memref_slice %arg9[%dma_start3A_437, %dma_start3A_438, %dma_start3A_439] : memref<10x80x64xf32, #tpu.memory_space<vmem>> -> memref<1x80x64xf32, #tpu.memory_space<vmem>>
    %dma_start3A_441 = tpu.memref_squeeze %dma_start3A_440 : memref<1x80x64xf32, #tpu.memory_space<vmem>> -> memref<80x64xf32, #tpu.memory_space<vmem>>
    %dma_start3A_442 = arith.constant 0 : i32
    %dma_start3A_443 = tpu.memref_slice %arg6[%arg0, %add3A_436, %dma_start3A_442] : memref<2x10240x64xf32, #tpu.memory_space<hbm>> -> memref<1x80x64xf32, #tpu.memory_space<hbm>>
    %dma_start3A_444 = tpu.memref_squeeze %dma_start3A_443 : memref<1x80x64xf32, #tpu.memory_space<hbm>> -> memref<80x64xf32, #tpu.memory_space<hbm>>
    %dma_start3A_445 = arith.constant 0 : i32
    %dma_start3A_446 = tpu.memref_slice %arg6[%arg0, %add3A_436, %dma_start3A_445] : memref<2x10240x64xf32, #tpu.memory_space<hbm>> -> memref<1x80x64xf32, #tpu.memory_space<hbm>>
    %dma_start3A_447 = tpu.memref_squeeze %dma_start3A_446 : memref<1x80x64xf32, #tpu.memory_space<hbm>> -> memref<80x64xf32, #tpu.memory_space<hbm>>
    %dma_start3A_448 = arith.constant 0 : i32
    %dma_start3A_449 = arith.constant 0 : i32
    %dma_start3A_450 = tpu.memref_slice %arg9[%dma_start3A_437, %dma_start3A_448, %dma_start3A_449] : memref<10x80x64xf32, #tpu.memory_space<vmem>> -> memref<1x80x64xf32, #tpu.memory_space<vmem>>
    %dma_start3A_451 = tpu.memref_squeeze %dma_start3A_450 : memref<1x80x64xf32, #tpu.memory_space<vmem>> -> memref<80x64xf32, #tpu.memory_space<vmem>>
    tpu.enqueue_dma source(%dma_start3A_451 : memref<80x64xf32, #tpu.memory_space<vmem>>) target(%dma_start3A_447 : memref<80x64xf32, #tpu.memory_space<hbm>>) target_semaphore(%arg13 : memref<!tpu.dma_semaphore, #tpu.memory_space<semaphore_mem>>)
    %dma_wait3A_452 = arith.constant 2 : i32
    %dma_wait3A_453 = arith.constant 0 : i32
    %dma_wait3A_454 = arith.constant 0 : i32
    %dma_wait3A_455 = tpu.memref_slice %arg9[%dma_wait3A_452, %dma_wait3A_453, %dma_wait3A_454] : memref<10x80x64xf32, #tpu.memory_space<vmem>> -> memref<1x80x64xf32, #tpu.memory_space<vmem>>
    %dma_wait3A_456 = tpu.memref_squeeze %dma_wait3A_455 : memref<1x80x64xf32, #tpu.memory_space<vmem>> -> memref<80x64xf32, #tpu.memory_space<vmem>>
    %dma_wait3A_457 = arith.constant 0 : i32
    %dma_wait3A_458 = tpu.memref_slice %arg11[%add3A_289, %dma_wait3A_457] : memref<10240x64xf32, #tpu.memory_space<vmem_shared>> -> memref<80x64xf32, #tpu.memory_space<vmem_shared>>
    %dma_wait3A_459 = arith.constant 0 : i32
    %dma_wait3A_460 = arith.constant 0 : i32
    %dma_wait3A_461 = tpu.memref_slice %arg9[%dma_wait3A_452, %dma_wait3A_459, %dma_wait3A_460] : memref<10x80x64xf32, #tpu.memory_space<vmem>> -> memref<1x80x64xf32, #tpu.memory_space<vmem>>
    %dma_wait3A_462 = tpu.memref_squeeze %dma_wait3A_461 : memref<1x80x64xf32, #tpu.memory_space<vmem>> -> memref<80x64xf32, #tpu.memory_space<vmem>>
    %dma_wait3A_463 = arith.constant 0 : i32
    %dma_wait3A_464 = tpu.memref_slice %arg11[%add3A_289, %dma_wait3A_463] : memref<10240x64xf32, #tpu.memory_space<vmem_shared>> -> memref<80x64xf32, #tpu.memory_space<vmem_shared>>
    tpu.wait_dma2 semaphore(%arg12 : memref<!tpu.dma_semaphore, #tpu.memory_space<semaphore_mem>>) src(%dma_wait3A_464 : memref<80x64xf32, #tpu.memory_space<vmem_shared>>) dst(%dma_wait3A_462 : memref<80x64xf32, #tpu.memory_space<vmem>>)
    %mul3A_465 = arith.constant 640 : i32
    %mul3A_466 = arith.muli %arg1, %mul3A_465 : i32
    %add3A_467 = arith.constant 160 : i32
    %add3A_468 = arith.addi %mul3A_466, %add3A_467 : i32
    %dma_start3A_469 = arith.constant 2 : i32
    %dma_start3A_470 = arith.constant 0 : i32
    %dma_start3A_471 = arith.constant 0 : i32
    %dma_start3A_472 = tpu.memref_slice %arg9[%dma_start3A_469, %dma_start3A_470, %dma_start3A_471] : memref<10x80x64xf32, #tpu.memory_space<vmem>> -> memref<1x80x64xf32, #tpu.memory_space<vmem>>
    %dma_start3A_473 = tpu.memref_squeeze %dma_start3A_472 : memref<1x80x64xf32, #tpu.memory_space<vmem>> -> memref<80x64xf32, #tpu.memory_space<vmem>>
    %dma_start3A_474 = arith.constant 0 : i32
    %dma_start3A_475 = tpu.memref_slice %arg6[%arg0, %add3A_468, %dma_start3A_474] : memref<2x10240x64xf32, #tpu.memory_space<hbm>> -> memref<1x80x64xf32, #tpu.memory_space<hbm>>
    %dma_start3A_476 = tpu.memref_squeeze %dma_start3A_475 : memref<1x80x64xf32, #tpu.memory_space<hbm>> -> memref<80x64xf32, #tpu.memory_space<hbm>>
    %dma_start3A_477 = arith.constant 0 : i32
    %dma_start3A_478 = tpu.memref_slice %arg6[%arg0, %add3A_468, %dma_start3A_477] : memref<2x10240x64xf32, #tpu.memory_space<hbm>> -> memref<1x80x64xf32, #tpu.memory_space<hbm>>
    %dma_start3A_479 = tpu.memref_squeeze %dma_start3A_478 : memref<1x80x64xf32, #tpu.memory_space<hbm>> -> memref<80x64xf32, #tpu.memory_space<hbm>>
    %dma_start3A_480 = arith.constant 0 : i32
    %dma_start3A_481 = arith.constant 0 : i32
    %dma_start3A_482 = tpu.memref_slice %arg9[%dma_start3A_469, %dma_start3A_480, %dma_start3A_481] : memref<10x80x64xf32, #tpu.memory_space<vmem>> -> memref<1x80x64xf32, #tpu.memory_space<vmem>>
    %dma_start3A_483 = tpu.memref_squeeze %dma_start3A_482 : memref<1x80x64xf32, #tpu.memory_space<vmem>> -> memref<80x64xf32, #tpu.memory_space<vmem>>
    tpu.enqueue_dma source(%dma_start3A_483 : memref<80x64xf32, #tpu.memory_space<vmem>>) target(%dma_start3A_479 : memref<80x64xf32, #tpu.memory_space<hbm>>) target_semaphore(%arg13 : memref<!tpu.dma_semaphore, #tpu.memory_space<semaphore_mem>>)
    %dma_wait3A_484 = arith.constant 3 : i32
    %dma_wait3A_485 = arith.constant 0 : i32
    %dma_wait3A_486 = arith.constant 0 : i32
    %dma_wait3A_487 = tpu.memref_slice %arg9[%dma_wait3A_484, %dma_wait3A_485, %dma_wait3A_486] : memref<10x80x64xf32, #tpu.memory_space<vmem>> -> memref<1x80x64xf32, #tpu.memory_space<vmem>>
    %dma_wait3A_488 = tpu.memref_squeeze %dma_wait3A_487 : memref<1x80x64xf32, #tpu.memory_space<vmem>> -> memref<80x64xf32, #tpu.memory_space<vmem>>
    %dma_wait3A_489 = arith.constant 0 : i32
    %dma_wait3A_490 = tpu.memref_slice %arg11[%add3A_306, %dma_wait3A_489] : memref<10240x64xf32, #tpu.memory_space<vmem_shared>> -> memref<80x64xf32, #tpu.memory_space<vmem_shared>>
    %dma_wait3A_491 = arith.constant 0 : i32
    %dma_wait3A_492 = arith.constant 0 : i32
    %dma_wait3A_493 = tpu.memref_slice %arg9[%dma_wait3A_484, %dma_wait3A_491, %dma_wait3A_492] : memref<10x80x64xf32, #tpu.memory_space<vmem>> -> memref<1x80x64xf32, #tpu.memory_space<vmem>>
    %dma_wait3A_494 = tpu.memref_squeeze %dma_wait3A_493 : memref<1x80x64xf32, #tpu.memory_space<vmem>> -> memref<80x64xf32, #tpu.memory_space<vmem>>
    %dma_wait3A_495 = arith.constant 0 : i32
    %dma_wait3A_496 = tpu.memref_slice %arg11[%add3A_306, %dma_wait3A_495] : memref<10240x64xf32, #tpu.memory_space<vmem_shared>> -> memref<80x64xf32, #tpu.memory_space<vmem_shared>>
    tpu.wait_dma2 semaphore(%arg12 : memref<!tpu.dma_semaphore, #tpu.memory_space<semaphore_mem>>) src(%dma_wait3A_496 : memref<80x64xf32, #tpu.memory_space<vmem_shared>>) dst(%dma_wait3A_494 : memref<80x64xf32, #tpu.memory_space<vmem>>)
    %mul3A_497 = arith.constant 640 : i32
    %mul3A_498 = arith.muli %arg1, %mul3A_497 : i32
    %add3A_499 = arith.constant 240 : i32
    %add3A_500 = arith.addi %mul3A_498, %add3A_499 : i32
    %dma_start3A_501 = arith.constant 3 : i32
    %dma_start3A_502 = arith.constant 0 : i32
    %dma_start3A_503 = arith.constant 0 : i32
    %dma_start3A_504 = tpu.memref_slice %arg9[%dma_start3A_501, %dma_start3A_502, %dma_start3A_503] : memref<10x80x64xf32, #tpu.memory_space<vmem>> -> memref<1x80x64xf32, #tpu.memory_space<vmem>>
    %dma_start3A_505 = tpu.memref_squeeze %dma_start3A_504 : memref<1x80x64xf32, #tpu.memory_space<vmem>> -> memref<80x64xf32, #tpu.memory_space<vmem>>
    %dma_start3A_506 = arith.constant 0 : i32
    %dma_start3A_507 = tpu.memref_slice %arg6[%arg0, %add3A_500, %dma_start3A_506] : memref<2x10240x64xf32, #tpu.memory_space<hbm>> -> memref<1x80x64xf32, #tpu.memory_space<hbm>>
    %dma_start3A_508 = tpu.memref_squeeze %dma_start3A_507 : memref<1x80x64xf32, #tpu.memory_space<hbm>> -> memref<80x64xf32, #tpu.memory_space<hbm>>
    %dma_start3A_509 = arith.constant 0 : i32
    %dma_start3A_510 = tpu.memref_slice %arg6[%arg0, %add3A_500, %dma_start3A_509] : memref<2x10240x64xf32, #tpu.memory_space<hbm>> -> memref<1x80x64xf32, #tpu.memory_space<hbm>>
    %dma_start3A_511 = tpu.memref_squeeze %dma_start3A_510 : memref<1x80x64xf32, #tpu.memory_space<hbm>> -> memref<80x64xf32, #tpu.memory_space<hbm>>
    %dma_start3A_512 = arith.constant 0 : i32
    %dma_start3A_513 = arith.constant 0 : i32
    %dma_start3A_514 = tpu.memref_slice %arg9[%dma_start3A_501, %dma_start3A_512, %dma_start3A_513] : memref<10x80x64xf32, #tpu.memory_space<vmem>> -> memref<1x80x64xf32, #tpu.memory_space<vmem>>
    %dma_start3A_515 = tpu.memref_squeeze %dma_start3A_514 : memref<1x80x64xf32, #tpu.memory_space<vmem>> -> memref<80x64xf32, #tpu.memory_space<vmem>>
    tpu.enqueue_dma source(%dma_start3A_515 : memref<80x64xf32, #tpu.memory_space<vmem>>) target(%dma_start3A_511 : memref<80x64xf32, #tpu.memory_space<hbm>>) target_semaphore(%arg13 : memref<!tpu.dma_semaphore, #tpu.memory_space<semaphore_mem>>)
    %dma_wait3A_516 = arith.constant 4 : i32
    %dma_wait3A_517 = arith.constant 0 : i32
    %dma_wait3A_518 = arith.constant 0 : i32
    %dma_wait3A_519 = tpu.memref_slice %arg9[%dma_wait3A_516, %dma_wait3A_517, %dma_wait3A_518] : memref<10x80x64xf32, #tpu.memory_space<vmem>> -> memref<1x80x64xf32, #tpu.memory_space<vmem>>
    %dma_wait3A_520 = tpu.memref_squeeze %dma_wait3A_519 : memref<1x80x64xf32, #tpu.memory_space<vmem>> -> memref<80x64xf32, #tpu.memory_space<vmem>>
    %dma_wait3A_521 = arith.constant 0 : i32
    %dma_wait3A_522 = tpu.memref_slice %arg11[%add3A_323, %dma_wait3A_521] : memref<10240x64xf32, #tpu.memory_space<vmem_shared>> -> memref<80x64xf32, #tpu.memory_space<vmem_shared>>
    %dma_wait3A_523 = arith.constant 0 : i32
    %dma_wait3A_524 = arith.constant 0 : i32
    %dma_wait3A_525 = tpu.memref_slice %arg9[%dma_wait3A_516, %dma_wait3A_523, %dma_wait3A_524] : memref<10x80x64xf32, #tpu.memory_space<vmem>> -> memref<1x80x64xf32, #tpu.memory_space<vmem>>
    %dma_wait3A_526 = tpu.memref_squeeze %dma_wait3A_525 : memref<1x80x64xf32, #tpu.memory_space<vmem>> -> memref<80x64xf32, #tpu.memory_space<vmem>>
    %dma_wait3A_527 = arith.constant 0 : i32
    %dma_wait3A_528 = tpu.memref_slice %arg11[%add3A_323, %dma_wait3A_527] : memref<10240x64xf32, #tpu.memory_space<vmem_shared>> -> memref<80x64xf32, #tpu.memory_space<vmem_shared>>
    tpu.wait_dma2 semaphore(%arg12 : memref<!tpu.dma_semaphore, #tpu.memory_space<semaphore_mem>>) src(%dma_wait3A_528 : memref<80x64xf32, #tpu.memory_space<vmem_shared>>) dst(%dma_wait3A_526 : memref<80x64xf32, #tpu.memory_space<vmem>>)
    %mul3A_529 = arith.constant 640 : i32
    %mul3A_530 = arith.muli %arg1, %mul3A_529 : i32
    %add3A_531 = arith.constant 320 : i32
    %add3A_532 = arith.addi %mul3A_530, %add3A_531 : i32
    %dma_start3A_533 = arith.constant 4 : i32
    %dma_start3A_534 = arith.constant 0 : i32
    %dma_start3A_535 = arith.constant 0 : i32
    %dma_start3A_536 = tpu.memref_slice %arg9[%dma_start3A_533, %dma_start3A_534, %dma_start3A_535] : memref<10x80x64xf32, #tpu.memory_space<vmem>> -> memref<1x80x64xf32, #tpu.memory_space<vmem>>
    %dma_start3A_537 = tpu.memref_squeeze %dma_start3A_536 : memref<1x80x64xf32, #tpu.memory_space<vmem>> -> memref<80x64xf32, #tpu.memory_space<vmem>>
    %dma_start3A_538 = arith.constant 0 : i32
    %dma_start3A_539 = tpu.memref_slice %arg6[%arg0, %add3A_532, %dma_start3A_538] : memref<2x10240x64xf32, #tpu.memory_space<hbm>> -> memref<1x80x64xf32, #tpu.memory_space<hbm>>
    %dma_start3A_540 = tpu.memref_squeeze %dma_start3A_539 : memref<1x80x64xf32, #tpu.memory_space<hbm>> -> memref<80x64xf32, #tpu.memory_space<hbm>>
    %dma_start3A_541 = arith.constant 0 : i32
    %dma_start3A_542 = tpu.memref_slice %arg6[%arg0, %add3A_532, %dma_start3A_541] : memref<2x10240x64xf32, #tpu.memory_space<hbm>> -> memref<1x80x64xf32, #tpu.memory_space<hbm>>
    %dma_start3A_543 = tpu.memref_squeeze %dma_start3A_542 : memref<1x80x64xf32, #tpu.memory_space<hbm>> -> memref<80x64xf32, #tpu.memory_space<hbm>>
    %dma_start3A_544 = arith.constant 0 : i32
    %dma_start3A_545 = arith.constant 0 : i32
    %dma_start3A_546 = tpu.memref_slice %arg9[%dma_start3A_533, %dma_start3A_544, %dma_start3A_545] : memref<10x80x64xf32, #tpu.memory_space<vmem>> -> memref<1x80x64xf32, #tpu.memory_space<vmem>>
    %dma_start3A_547 = tpu.memref_squeeze %dma_start3A_546 : memref<1x80x64xf32, #tpu.memory_space<vmem>> -> memref<80x64xf32, #tpu.memory_space<vmem>>
    tpu.enqueue_dma source(%dma_start3A_547 : memref<80x64xf32, #tpu.memory_space<vmem>>) target(%dma_start3A_543 : memref<80x64xf32, #tpu.memory_space<hbm>>) target_semaphore(%arg13 : memref<!tpu.dma_semaphore, #tpu.memory_space<semaphore_mem>>)
    %dma_wait3A_548 = arith.constant 5 : i32
    %dma_wait3A_549 = arith.constant 0 : i32
    %dma_wait3A_550 = arith.constant 0 : i32
    %dma_wait3A_551 = tpu.memref_slice %arg9[%dma_wait3A_548, %dma_wait3A_549, %dma_wait3A_550] : memref<10x80x64xf32, #tpu.memory_space<vmem>> -> memref<1x80x64xf32, #tpu.memory_space<vmem>>
    %dma_wait3A_552 = tpu.memref_squeeze %dma_wait3A_551 : memref<1x80x64xf32, #tpu.memory_space<vmem>> -> memref<80x64xf32, #tpu.memory_space<vmem>>
    %dma_wait3A_553 = arith.constant 0 : i32
    %dma_wait3A_554 = tpu.memref_slice %arg11[%add3A_340, %dma_wait3A_553] : memref<10240x64xf32, #tpu.memory_space<vmem_shared>> -> memref<80x64xf32, #tpu.memory_space<vmem_shared>>
    %dma_wait3A_555 = arith.constant 0 : i32
    %dma_wait3A_556 = arith.constant 0 : i32
    %dma_wait3A_557 = tpu.memref_slice %arg9[%dma_wait3A_548, %dma_wait3A_555, %dma_wait3A_556] : memref<10x80x64xf32, #tpu.memory_space<vmem>> -> memref<1x80x64xf32, #tpu.memory_space<vmem>>
    %dma_wait3A_558 = tpu.memref_squeeze %dma_wait3A_557 : memref<1x80x64xf32, #tpu.memory_space<vmem>> -> memref<80x64xf32, #tpu.memory_space<vmem>>
    %dma_wait3A_559 = arith.constant 0 : i32
    %dma_wait3A_560 = tpu.memref_slice %arg11[%add3A_340, %dma_wait3A_559] : memref<10240x64xf32, #tpu.memory_space<vmem_shared>> -> memref<80x64xf32, #tpu.memory_space<vmem_shared>>
    tpu.wait_dma2 semaphore(%arg12 : memref<!tpu.dma_semaphore, #tpu.memory_space<semaphore_mem>>) src(%dma_wait3A_560 : memref<80x64xf32, #tpu.memory_space<vmem_shared>>) dst(%dma_wait3A_558 : memref<80x64xf32, #tpu.memory_space<vmem>>)
    %mul3A_561 = arith.constant 640 : i32
    %mul3A_562 = arith.muli %arg1, %mul3A_561 : i32
    %add3A_563 = arith.constant 400 : i32
    %add3A_564 = arith.addi %mul3A_562, %add3A_563 : i32
    %dma_start3A_565 = arith.constant 5 : i32
    %dma_start3A_566 = arith.constant 0 : i32
    %dma_start3A_567 = arith.constant 0 : i32
    %dma_start3A_568 = tpu.memref_slice %arg9[%dma_start3A_565, %dma_start3A_566, %dma_start3A_567] : memref<10x80x64xf32, #tpu.memory_space<vmem>> -> memref<1x80x64xf32, #tpu.memory_space<vmem>>
    %dma_start3A_569 = tpu.memref_squeeze %dma_start3A_568 : memref<1x80x64xf32, #tpu.memory_space<vmem>> -> memref<80x64xf32, #tpu.memory_space<vmem>>
    %dma_start3A_570 = arith.constant 0 : i32
    %dma_start3A_571 = tpu.memref_slice %arg6[%arg0, %add3A_564, %dma_start3A_570] : memref<2x10240x64xf32, #tpu.memory_space<hbm>> -> memref<1x80x64xf32, #tpu.memory_space<hbm>>
    %dma_start3A_572 = tpu.memref_squeeze %dma_start3A_571 : memref<1x80x64xf32, #tpu.memory_space<hbm>> -> memref<80x64xf32, #tpu.memory_space<hbm>>
    %dma_start3A_573 = arith.constant 0 : i32
    %dma_start3A_574 = tpu.memref_slice %arg6[%arg0, %add3A_564, %dma_start3A_573] : memref<2x10240x64xf32, #tpu.memory_space<hbm>> -> memref<1x80x64xf32, #tpu.memory_space<hbm>>
    %dma_start3A_575 = tpu.memref_squeeze %dma_start3A_574 : memref<1x80x64xf32, #tpu.memory_space<hbm>> -> memref<80x64xf32, #tpu.memory_space<hbm>>
    %dma_start3A_576 = arith.constant 0 : i32
    %dma_start3A_577 = arith.constant 0 : i32
    %dma_start3A_578 = tpu.memref_slice %arg9[%dma_start3A_565, %dma_start3A_576, %dma_start3A_577] : memref<10x80x64xf32, #tpu.memory_space<vmem>> -> memref<1x80x64xf32, #tpu.memory_space<vmem>>
    %dma_start3A_579 = tpu.memref_squeeze %dma_start3A_578 : memref<1x80x64xf32, #tpu.memory_space<vmem>> -> memref<80x64xf32, #tpu.memory_space<vmem>>
    tpu.enqueue_dma source(%dma_start3A_579 : memref<80x64xf32, #tpu.memory_space<vmem>>) target(%dma_start3A_575 : memref<80x64xf32, #tpu.memory_space<hbm>>) target_semaphore(%arg13 : memref<!tpu.dma_semaphore, #tpu.memory_space<semaphore_mem>>)
    %dma_wait3A_580 = arith.constant 6 : i32
    %dma_wait3A_581 = arith.constant 0 : i32
    %dma_wait3A_582 = arith.constant 0 : i32
    %dma_wait3A_583 = tpu.memref_slice %arg9[%dma_wait3A_580, %dma_wait3A_581, %dma_wait3A_582] : memref<10x80x64xf32, #tpu.memory_space<vmem>> -> memref<1x80x64xf32, #tpu.memory_space<vmem>>
    %dma_wait3A_584 = tpu.memref_squeeze %dma_wait3A_583 : memref<1x80x64xf32, #tpu.memory_space<vmem>> -> memref<80x64xf32, #tpu.memory_space<vmem>>
    %dma_wait3A_585 = arith.constant 0 : i32
    %dma_wait3A_586 = tpu.memref_slice %arg11[%add3A_357, %dma_wait3A_585] : memref<10240x64xf32, #tpu.memory_space<vmem_shared>> -> memref<80x64xf32, #tpu.memory_space<vmem_shared>>
    %dma_wait3A_587 = arith.constant 0 : i32
    %dma_wait3A_588 = arith.constant 0 : i32
    %dma_wait3A_589 = tpu.memref_slice %arg9[%dma_wait3A_580, %dma_wait3A_587, %dma_wait3A_588] : memref<10x80x64xf32, #tpu.memory_space<vmem>> -> memref<1x80x64xf32, #tpu.memory_space<vmem>>
    %dma_wait3A_590 = tpu.memref_squeeze %dma_wait3A_589 : memref<1x80x64xf32, #tpu.memory_space<vmem>> -> memref<80x64xf32, #tpu.memory_space<vmem>>
    %dma_wait3A_591 = arith.constant 0 : i32
    %dma_wait3A_592 = tpu.memref_slice %arg11[%add3A_357, %dma_wait3A_591] : memref<10240x64xf32, #tpu.memory_space<vmem_shared>> -> memref<80x64xf32, #tpu.memory_space<vmem_shared>>
    tpu.wait_dma2 semaphore(%arg12 : memref<!tpu.dma_semaphore, #tpu.memory_space<semaphore_mem>>) src(%dma_wait3A_592 : memref<80x64xf32, #tpu.memory_space<vmem_shared>>) dst(%dma_wait3A_590 : memref<80x64xf32, #tpu.memory_space<vmem>>)
    %mul3A_593 = arith.constant 640 : i32
    %mul3A_594 = arith.muli %arg1, %mul3A_593 : i32
    %add3A_595 = arith.constant 480 : i32
    %add3A_596 = arith.addi %mul3A_594, %add3A_595 : i32
    %dma_start3A_597 = arith.constant 6 : i32
    %dma_start3A_598 = arith.constant 0 : i32
    %dma_start3A_599 = arith.constant 0 : i32
    %dma_start3A_600 = tpu.memref_slice %arg9[%dma_start3A_597, %dma_start3A_598, %dma_start3A_599] : memref<10x80x64xf32, #tpu.memory_space<vmem>> -> memref<1x80x64xf32, #tpu.memory_space<vmem>>
    %dma_start3A_601 = tpu.memref_squeeze %dma_start3A_600 : memref<1x80x64xf32, #tpu.memory_space<vmem>> -> memref<80x64xf32, #tpu.memory_space<vmem>>
    %dma_start3A_602 = arith.constant 0 : i32
    %dma_start3A_603 = tpu.memref_slice %arg6[%arg0, %add3A_596, %dma_start3A_602] : memref<2x10240x64xf32, #tpu.memory_space<hbm>> -> memref<1x80x64xf32, #tpu.memory_space<hbm>>
    %dma_start3A_604 = tpu.memref_squeeze %dma_start3A_603 : memref<1x80x64xf32, #tpu.memory_space<hbm>> -> memref<80x64xf32, #tpu.memory_space<hbm>>
    %dma_start3A_605 = arith.constant 0 : i32
    %dma_start3A_606 = tpu.memref_slice %arg6[%arg0, %add3A_596, %dma_start3A_605] : memref<2x10240x64xf32, #tpu.memory_space<hbm>> -> memref<1x80x64xf32, #tpu.memory_space<hbm>>
    %dma_start3A_607 = tpu.memref_squeeze %dma_start3A_606 : memref<1x80x64xf32, #tpu.memory_space<hbm>> -> memref<80x64xf32, #tpu.memory_space<hbm>>
    %dma_start3A_608 = arith.constant 0 : i32
    %dma_start3A_609 = arith.constant 0 : i32
    %dma_start3A_610 = tpu.memref_slice %arg9[%dma_start3A_597, %dma_start3A_608, %dma_start3A_609] : memref<10x80x64xf32, #tpu.memory_space<vmem>> -> memref<1x80x64xf32, #tpu.memory_space<vmem>>
    %dma_start3A_611 = tpu.memref_squeeze %dma_start3A_610 : memref<1x80x64xf32, #tpu.memory_space<vmem>> -> memref<80x64xf32, #tpu.memory_space<vmem>>
    tpu.enqueue_dma source(%dma_start3A_611 : memref<80x64xf32, #tpu.memory_space<vmem>>) target(%dma_start3A_607 : memref<80x64xf32, #tpu.memory_space<hbm>>) target_semaphore(%arg13 : memref<!tpu.dma_semaphore, #tpu.memory_space<semaphore_mem>>)
    %dma_wait3A_612 = arith.constant 7 : i32
    %dma_wait3A_613 = arith.constant 0 : i32
    %dma_wait3A_614 = arith.constant 0 : i32
    %dma_wait3A_615 = tpu.memref_slice %arg9[%dma_wait3A_612, %dma_wait3A_613, %dma_wait3A_614] : memref<10x80x64xf32, #tpu.memory_space<vmem>> -> memref<1x80x64xf32, #tpu.memory_space<vmem>>
    %dma_wait3A_616 = tpu.memref_squeeze %dma_wait3A_615 : memref<1x80x64xf32, #tpu.memory_space<vmem>> -> memref<80x64xf32, #tpu.memory_space<vmem>>
    %dma_wait3A_617 = arith.constant 0 : i32
    %dma_wait3A_618 = tpu.memref_slice %arg11[%add3A_374, %dma_wait3A_617] : memref<10240x64xf32, #tpu.memory_space<vmem_shared>> -> memref<80x64xf32, #tpu.memory_space<vmem_shared>>
    %dma_wait3A_619 = arith.constant 0 : i32
    %dma_wait3A_620 = arith.constant 0 : i32
    %dma_wait3A_621 = tpu.memref_slice %arg9[%dma_wait3A_612, %dma_wait3A_619, %dma_wait3A_620] : memref<10x80x64xf32, #tpu.memory_space<vmem>> -> memref<1x80x64xf32, #tpu.memory_space<vmem>>
    %dma_wait3A_622 = tpu.memref_squeeze %dma_wait3A_621 : memref<1x80x64xf32, #tpu.memory_space<vmem>> -> memref<80x64xf32, #tpu.memory_space<vmem>>
    %dma_wait3A_623 = arith.constant 0 : i32
    %dma_wait3A_624 = tpu.memref_slice %arg11[%add3A_374, %dma_wait3A_623] : memref<10240x64xf32, #tpu.memory_space<vmem_shared>> -> memref<80x64xf32, #tpu.memory_space<vmem_shared>>
    tpu.wait_dma2 semaphore(%arg12 : memref<!tpu.dma_semaphore, #tpu.memory_space<semaphore_mem>>) src(%dma_wait3A_624 : memref<80x64xf32, #tpu.memory_space<vmem_shared>>) dst(%dma_wait3A_622 : memref<80x64xf32, #tpu.memory_space<vmem>>)
    %mul3A_625 = arith.constant 640 : i32
    %mul3A_626 = arith.muli %arg1, %mul3A_625 : i32
    %add3A_627 = arith.constant 560 : i32
    %add3A_628 = arith.addi %mul3A_626, %add3A_627 : i32
    %dma_start3A_629 = arith.constant 7 : i32
    %dma_start3A_630 = arith.constant 0 : i32
    %dma_start3A_631 = arith.constant 0 : i32
    %dma_start3A_632 = tpu.memref_slice %arg9[%dma_start3A_629, %dma_start3A_630, %dma_start3A_631] : memref<10x80x64xf32, #tpu.memory_space<vmem>> -> memref<1x80x64xf32, #tpu.memory_space<vmem>>
    %dma_start3A_633 = tpu.memref_squeeze %dma_start3A_632 : memref<1x80x64xf32, #tpu.memory_space<vmem>> -> memref<80x64xf32, #tpu.memory_space<vmem>>
    %dma_start3A_634 = arith.constant 0 : i32
    %dma_start3A_635 = tpu.memref_slice %arg6[%arg0, %add3A_628, %dma_start3A_634] : memref<2x10240x64xf32, #tpu.memory_space<hbm>> -> memref<1x80x64xf32, #tpu.memory_space<hbm>>
    %dma_start3A_636 = tpu.memref_squeeze %dma_start3A_635 : memref<1x80x64xf32, #tpu.memory_space<hbm>> -> memref<80x64xf32, #tpu.memory_space<hbm>>
    %dma_start3A_637 = arith.constant 0 : i32
    %dma_start3A_638 = tpu.memref_slice %arg6[%arg0, %add3A_628, %dma_start3A_637] : memref<2x10240x64xf32, #tpu.memory_space<hbm>> -> memref<1x80x64xf32, #tpu.memory_space<hbm>>
    %dma_start3A_639 = tpu.memref_squeeze %dma_start3A_638 : memref<1x80x64xf32, #tpu.memory_space<hbm>> -> memref<80x64xf32, #tpu.memory_space<hbm>>
    %dma_start3A_640 = arith.constant 0 : i32
    %dma_start3A_641 = arith.constant 0 : i32
    %dma_start3A_642 = tpu.memref_slice %arg9[%dma_start3A_629, %dma_start3A_640, %dma_start3A_641] : memref<10x80x64xf32, #tpu.memory_space<vmem>> -> memref<1x80x64xf32, #tpu.memory_space<vmem>>
    %dma_start3A_643 = tpu.memref_squeeze %dma_start3A_642 : memref<1x80x64xf32, #tpu.memory_space<vmem>> -> memref<80x64xf32, #tpu.memory_space<vmem>>
    tpu.enqueue_dma source(%dma_start3A_643 : memref<80x64xf32, #tpu.memory_space<vmem>>) target(%dma_start3A_639 : memref<80x64xf32, #tpu.memory_space<hbm>>) target_semaphore(%arg13 : memref<!tpu.dma_semaphore, #tpu.memory_space<semaphore_mem>>)
    %dma_wait3A_644 = arith.constant 0 : i32
    %dma_wait3A_645 = arith.constant 0 : i32
    %dma_wait3A_646 = arith.constant 0 : i32
    %dma_wait3A_647 = tpu.memref_slice %arg9[%dma_wait3A_644, %dma_wait3A_645, %dma_wait3A_646] : memref<10x80x64xf32, #tpu.memory_space<vmem>> -> memref<1x80x64xf32, #tpu.memory_space<vmem>>
    %dma_wait3A_648 = tpu.memref_squeeze %dma_wait3A_647 : memref<1x80x64xf32, #tpu.memory_space<vmem>> -> memref<80x64xf32, #tpu.memory_space<vmem>>
    %dma_wait3A_649 = arith.constant 0 : i32
    %dma_wait3A_650 = tpu.memref_slice %arg6[%arg0, %add3A_404, %dma_wait3A_649] : memref<2x10240x64xf32, #tpu.memory_space<hbm>> -> memref<1x80x64xf32, #tpu.memory_space<hbm>>
    %dma_wait3A_651 = tpu.memref_squeeze %dma_wait3A_650 : memref<1x80x64xf32, #tpu.memory_space<hbm>> -> memref<80x64xf32, #tpu.memory_space<hbm>>
    %dma_wait3A_652 = arith.constant 0 : i32
    %dma_wait3A_653 = tpu.memref_slice %arg6[%arg0, %add3A_404, %dma_wait3A_652] : memref<2x10240x64xf32, #tpu.memory_space<hbm>> -> memref<1x80x64xf32, #tpu.memory_space<hbm>>
    %dma_wait3A_654 = tpu.memref_squeeze %dma_wait3A_653 : memref<1x80x64xf32, #tpu.memory_space<hbm>> -> memref<80x64xf32, #tpu.memory_space<hbm>>
    %dma_wait3A_655 = arith.constant 0 : i32
    %dma_wait3A_656 = arith.constant 0 : i32
    %dma_wait3A_657 = tpu.memref_slice %arg9[%dma_wait3A_644, %dma_wait3A_655, %dma_wait3A_656] : memref<10x80x64xf32, #tpu.memory_space<vmem>> -> memref<1x80x64xf32, #tpu.memory_space<vmem>>
    %dma_wait3A_658 = tpu.memref_squeeze %dma_wait3A_657 : memref<1x80x64xf32, #tpu.memory_space<vmem>> -> memref<80x64xf32, #tpu.memory_space<vmem>>
    tpu.wait_dma2 semaphore(%arg13 : memref<!tpu.dma_semaphore, #tpu.memory_space<semaphore_mem>>) src(%dma_wait3A_658 : memref<80x64xf32, #tpu.memory_space<vmem>>) dst(%dma_wait3A_654 : memref<80x64xf32, #tpu.memory_space<hbm>>)
    %dma_wait3A_659 = arith.constant 1 : i32
    %dma_wait3A_660 = arith.constant 0 : i32
    %dma_wait3A_661 = arith.constant 0 : i32
    %dma_wait3A_662 = tpu.memref_slice %arg9[%dma_wait3A_659, %dma_wait3A_660, %dma_wait3A_661] : memref<10x80x64xf32, #tpu.memory_space<vmem>> -> memref<1x80x64xf32, #tpu.memory_space<vmem>>
    %dma_wait3A_663 = tpu.memref_squeeze %dma_wait3A_662 : memref<1x80x64xf32, #tpu.memory_space<vmem>> -> memref<80x64xf32, #tpu.memory_space<vmem>>
    %dma_wait3A_664 = arith.constant 0 : i32
    %dma_wait3A_665 = tpu.memref_slice %arg6[%arg0, %add3A_436, %dma_wait3A_664] : memref<2x10240x64xf32, #tpu.memory_space<hbm>> -> memref<1x80x64xf32, #tpu.memory_space<hbm>>
    %dma_wait3A_666 = tpu.memref_squeeze %dma_wait3A_665 : memref<1x80x64xf32, #tpu.memory_space<hbm>> -> memref<80x64xf32, #tpu.memory_space<hbm>>
    %dma_wait3A_667 = arith.constant 0 : i32
    %dma_wait3A_668 = tpu.memref_slice %arg6[%arg0, %add3A_436, %dma_wait3A_667] : memref<2x10240x64xf32, #tpu.memory_space<hbm>> -> memref<1x80x64xf32, #tpu.memory_space<hbm>>
    %dma_wait3A_669 = tpu.memref_squeeze %dma_wait3A_668 : memref<1x80x64xf32, #tpu.memory_space<hbm>> -> memref<80x64xf32, #tpu.memory_space<hbm>>
    %dma_wait3A_670 = arith.constant 0 : i32
    %dma_wait3A_671 = arith.constant 0 : i32
    %dma_wait3A_672 = tpu.memref_slice %arg9[%dma_wait3A_659, %dma_wait3A_670, %dma_wait3A_671] : memref<10x80x64xf32, #tpu.memory_space<vmem>> -> memref<1x80x64xf32, #tpu.memory_space<vmem>>
    %dma_wait3A_673 = tpu.memref_squeeze %dma_wait3A_672 : memref<1x80x64xf32, #tpu.memory_space<vmem>> -> memref<80x64xf32, #tpu.memory_space<vmem>>
    tpu.wait_dma2 semaphore(%arg13 : memref<!tpu.dma_semaphore, #tpu.memory_space<semaphore_mem>>) src(%dma_wait3A_673 : memref<80x64xf32, #tpu.memory_space<vmem>>) dst(%dma_wait3A_669 : memref<80x64xf32, #tpu.memory_space<hbm>>)
    %dma_wait3A_674 = arith.constant 2 : i32
    %dma_wait3A_675 = arith.constant 0 : i32
    %dma_wait3A_676 = arith.constant 0 : i32
    %dma_wait3A_677 = tpu.memref_slice %arg9[%dma_wait3A_674, %dma_wait3A_675, %dma_wait3A_676] : memref<10x80x64xf32, #tpu.memory_space<vmem>> -> memref<1x80x64xf32, #tpu.memory_space<vmem>>
    %dma_wait3A_678 = tpu.memref_squeeze %dma_wait3A_677 : memref<1x80x64xf32, #tpu.memory_space<vmem>> -> memref<80x64xf32, #tpu.memory_space<vmem>>
    %dma_wait3A_679 = arith.constant 0 : i32
    %dma_wait3A_680 = tpu.memref_slice %arg6[%arg0, %add3A_468, %dma_wait3A_679] : memref<2x10240x64xf32, #tpu.memory_space<hbm>> -> memref<1x80x64xf32, #tpu.memory_space<hbm>>
    %dma_wait3A_681 = tpu.memref_squeeze %dma_wait3A_680 : memref<1x80x64xf32, #tpu.memory_space<hbm>> -> memref<80x64xf32, #tpu.memory_space<hbm>>
    %dma_wait3A_682 = arith.constant 0 : i32
    %dma_wait3A_683 = tpu.memref_slice %arg6[%arg0, %add3A_468, %dma_wait3A_682] : memref<2x10240x64xf32, #tpu.memory_space<hbm>> -> memref<1x80x64xf32, #tpu.memory_space<hbm>>
    %dma_wait3A_684 = tpu.memref_squeeze %dma_wait3A_683 : memref<1x80x64xf32, #tpu.memory_space<hbm>> -> memref<80x64xf32, #tpu.memory_space<hbm>>
    %dma_wait3A_685 = arith.constant 0 : i32
    %dma_wait3A_686 = arith.constant 0 : i32
    %dma_wait3A_687 = tpu.memref_slice %arg9[%dma_wait3A_674, %dma_wait3A_685, %dma_wait3A_686] : memref<10x80x64xf32, #tpu.memory_space<vmem>> -> memref<1x80x64xf32, #tpu.memory_space<vmem>>
    %dma_wait3A_688 = tpu.memref_squeeze %dma_wait3A_687 : memref<1x80x64xf32, #tpu.memory_space<vmem>> -> memref<80x64xf32, #tpu.memory_space<vmem>>
    tpu.wait_dma2 semaphore(%arg13 : memref<!tpu.dma_semaphore, #tpu.memory_space<semaphore_mem>>) src(%dma_wait3A_688 : memref<80x64xf32, #tpu.memory_space<vmem>>) dst(%dma_wait3A_684 : memref<80x64xf32, #tpu.memory_space<hbm>>)
    %dma_wait3A_689 = arith.constant 3 : i32
    %dma_wait3A_690 = arith.constant 0 : i32
    %dma_wait3A_691 = arith.constant 0 : i32
    %dma_wait3A_692 = tpu.memref_slice %arg9[%dma_wait3A_689, %dma_wait3A_690, %dma_wait3A_691] : memref<10x80x64xf32, #tpu.memory_space<vmem>> -> memref<1x80x64xf32, #tpu.memory_space<vmem>>
    %dma_wait3A_693 = tpu.memref_squeeze %dma_wait3A_692 : memref<1x80x64xf32, #tpu.memory_space<vmem>> -> memref<80x64xf32, #tpu.memory_space<vmem>>
    %dma_wait3A_694 = arith.constant 0 : i32
    %dma_wait3A_695 = tpu.memref_slice %arg6[%arg0, %add3A_500, %dma_wait3A_694] : memref<2x10240x64xf32, #tpu.memory_space<hbm>> -> memref<1x80x64xf32, #tpu.memory_space<hbm>>
    %dma_wait3A_696 = tpu.memref_squeeze %dma_wait3A_695 : memref<1x80x64xf32, #tpu.memory_space<hbm>> -> memref<80x64xf32, #tpu.memory_space<hbm>>
    %dma_wait3A_697 = arith.constant 0 : i32
    %dma_wait3A_698 = tpu.memref_slice %arg6[%arg0, %add3A_500, %dma_wait3A_697] : memref<2x10240x64xf32, #tpu.memory_space<hbm>> -> memref<1x80x64xf32, #tpu.memory_space<hbm>>
    %dma_wait3A_699 = tpu.memref_squeeze %dma_wait3A_698 : memref<1x80x64xf32, #tpu.memory_space<hbm>> -> memref<80x64xf32, #tpu.memory_space<hbm>>
    %dma_wait3A_700 = arith.constant 0 : i32
    %dma_wait3A_701 = arith.constant 0 : i32
    %dma_wait3A_702 = tpu.memref_slice %arg9[%dma_wait3A_689, %dma_wait3A_700, %dma_wait3A_701] : memref<10x80x64xf32, #tpu.memory_space<vmem>> -> memref<1x80x64xf32, #tpu.memory_space<vmem>>
    %dma_wait3A_703 = tpu.memref_squeeze %dma_wait3A_702 : memref<1x80x64xf32, #tpu.memory_space<vmem>> -> memref<80x64xf32, #tpu.memory_space<vmem>>
    tpu.wait_dma2 semaphore(%arg13 : memref<!tpu.dma_semaphore, #tpu.memory_space<semaphore_mem>>) src(%dma_wait3A_703 : memref<80x64xf32, #tpu.memory_space<vmem>>) dst(%dma_wait3A_699 : memref<80x64xf32, #tpu.memory_space<hbm>>)
    %dma_wait3A_704 = arith.constant 4 : i32
    %dma_wait3A_705 = arith.constant 0 : i32
    %dma_wait3A_706 = arith.constant 0 : i32
    %dma_wait3A_707 = tpu.memref_slice %arg9[%dma_wait3A_704, %dma_wait3A_705, %dma_wait3A_706] : memref<10x80x64xf32, #tpu.memory_space<vmem>> -> memref<1x80x64xf32, #tpu.memory_space<vmem>>
    %dma_wait3A_708 = tpu.memref_squeeze %dma_wait3A_707 : memref<1x80x64xf32, #tpu.memory_space<vmem>> -> memref<80x64xf32, #tpu.memory_space<vmem>>
    %dma_wait3A_709 = arith.constant 0 : i32
    %dma_wait3A_710 = tpu.memref_slice %arg6[%arg0, %add3A_532, %dma_wait3A_709] : memref<2x10240x64xf32, #tpu.memory_space<hbm>> -> memref<1x80x64xf32, #tpu.memory_space<hbm>>
    %dma_wait3A_711 = tpu.memref_squeeze %dma_wait3A_710 : memref<1x80x64xf32, #tpu.memory_space<hbm>> -> memref<80x64xf32, #tpu.memory_space<hbm>>
    %dma_wait3A_712 = arith.constant 0 : i32
    %dma_wait3A_713 = tpu.memref_slice %arg6[%arg0, %add3A_532, %dma_wait3A_712] : memref<2x10240x64xf32, #tpu.memory_space<hbm>> -> memref<1x80x64xf32, #tpu.memory_space<hbm>>
    %dma_wait3A_714 = tpu.memref_squeeze %dma_wait3A_713 : memref<1x80x64xf32, #tpu.memory_space<hbm>> -> memref<80x64xf32, #tpu.memory_space<hbm>>
    %dma_wait3A_715 = arith.constant 0 : i32
    %dma_wait3A_716 = arith.constant 0 : i32
    %dma_wait3A_717 = tpu.memref_slice %arg9[%dma_wait3A_704, %dma_wait3A_715, %dma_wait3A_716] : memref<10x80x64xf32, #tpu.memory_space<vmem>> -> memref<1x80x64xf32, #tpu.memory_space<vmem>>
    %dma_wait3A_718 = tpu.memref_squeeze %dma_wait3A_717 : memref<1x80x64xf32, #tpu.memory_space<vmem>> -> memref<80x64xf32, #tpu.memory_space<vmem>>
    tpu.wait_dma2 semaphore(%arg13 : memref<!tpu.dma_semaphore, #tpu.memory_space<semaphore_mem>>) src(%dma_wait3A_718 : memref<80x64xf32, #tpu.memory_space<vmem>>) dst(%dma_wait3A_714 : memref<80x64xf32, #tpu.memory_space<hbm>>)
    %dma_wait3A_719 = arith.constant 5 : i32
    %dma_wait3A_720 = arith.constant 0 : i32
    %dma_wait3A_721 = arith.constant 0 : i32
    %dma_wait3A_722 = tpu.memref_slice %arg9[%dma_wait3A_719, %dma_wait3A_720, %dma_wait3A_721] : memref<10x80x64xf32, #tpu.memory_space<vmem>> -> memref<1x80x64xf32, #tpu.memory_space<vmem>>
    %dma_wait3A_723 = tpu.memref_squeeze %dma_wait3A_722 : memref<1x80x64xf32, #tpu.memory_space<vmem>> -> memref<80x64xf32, #tpu.memory_space<vmem>>
    %dma_wait3A_724 = arith.constant 0 : i32
    %dma_wait3A_725 = tpu.memref_slice %arg6[%arg0, %add3A_564, %dma_wait3A_724] : memref<2x10240x64xf32, #tpu.memory_space<hbm>> -> memref<1x80x64xf32, #tpu.memory_space<hbm>>
    %dma_wait3A_726 = tpu.memref_squeeze %dma_wait3A_725 : memref<1x80x64xf32, #tpu.memory_space<hbm>> -> memref<80x64xf32, #tpu.memory_space<hbm>>
    %dma_wait3A_727 = arith.constant 0 : i32
    %dma_wait3A_728 = tpu.memref_slice %arg6[%arg0, %add3A_564, %dma_wait3A_727] : memref<2x10240x64xf32, #tpu.memory_space<hbm>> -> memref<1x80x64xf32, #tpu.memory_space<hbm>>
    %dma_wait3A_729 = tpu.memref_squeeze %dma_wait3A_728 : memref<1x80x64xf32, #tpu.memory_space<hbm>> -> memref<80x64xf32, #tpu.memory_space<hbm>>
    %dma_wait3A_730 = arith.constant 0 : i32
    %dma_wait3A_731 = arith.constant 0 : i32
    %dma_wait3A_732 = tpu.memref_slice %arg9[%dma_wait3A_719, %dma_wait3A_730, %dma_wait3A_731] : memref<10x80x64xf32, #tpu.memory_space<vmem>> -> memref<1x80x64xf32, #tpu.memory_space<vmem>>
    %dma_wait3A_733 = tpu.memref_squeeze %dma_wait3A_732 : memref<1x80x64xf32, #tpu.memory_space<vmem>> -> memref<80x64xf32, #tpu.memory_space<vmem>>
    tpu.wait_dma2 semaphore(%arg13 : memref<!tpu.dma_semaphore, #tpu.memory_space<semaphore_mem>>) src(%dma_wait3A_733 : memref<80x64xf32, #tpu.memory_space<vmem>>) dst(%dma_wait3A_729 : memref<80x64xf32, #tpu.memory_space<hbm>>)
    %dma_wait3A_734 = arith.constant 6 : i32
    %dma_wait3A_735 = arith.constant 0 : i32
    %dma_wait3A_736 = arith.constant 0 : i32
    %dma_wait3A_737 = tpu.memref_slice %arg9[%dma_wait3A_734, %dma_wait3A_735, %dma_wait3A_736] : memref<10x80x64xf32, #tpu.memory_space<vmem>> -> memref<1x80x64xf32, #tpu.memory_space<vmem>>
    %dma_wait3A_738 = tpu.memref_squeeze %dma_wait3A_737 : memref<1x80x64xf32, #tpu.memory_space<vmem>> -> memref<80x64xf32, #tpu.memory_space<vmem>>
    %dma_wait3A_739 = arith.constant 0 : i32
    %dma_wait3A_740 = tpu.memref_slice %arg6[%arg0, %add3A_596, %dma_wait3A_739] : memref<2x10240x64xf32, #tpu.memory_space<hbm>> -> memref<1x80x64xf32, #tpu.memory_space<hbm>>
    %dma_wait3A_741 = tpu.memref_squeeze %dma_wait3A_740 : memref<1x80x64xf32, #tpu.memory_space<hbm>> -> memref<80x64xf32, #tpu.memory_space<hbm>>
    %dma_wait3A_742 = arith.constant 0 : i32
    %dma_wait3A_743 = tpu.memref_slice %arg6[%arg0, %add3A_596, %dma_wait3A_742] : memref<2x10240x64xf32, #tpu.memory_space<hbm>> -> memref<1x80x64xf32, #tpu.memory_space<hbm>>
    %dma_wait3A_744 = tpu.memref_squeeze %dma_wait3A_743 : memref<1x80x64xf32, #tpu.memory_space<hbm>> -> memref<80x64xf32, #tpu.memory_space<hbm>>
    %dma_wait3A_745 = arith.constant 0 : i32
    %dma_wait3A_746 = arith.constant 0 : i32
    %dma_wait3A_747 = tpu.memref_slice %arg9[%dma_wait3A_734, %dma_wait3A_745, %dma_wait3A_746] : memref<10x80x64xf32, #tpu.memory_space<vmem>> -> memref<1x80x64xf32, #tpu.memory_space<vmem>>
    %dma_wait3A_748 = tpu.memref_squeeze %dma_wait3A_747 : memref<1x80x64xf32, #tpu.memory_space<vmem>> -> memref<80x64xf32, #tpu.memory_space<vmem>>
    tpu.wait_dma2 semaphore(%arg13 : memref<!tpu.dma_semaphore, #tpu.memory_space<semaphore_mem>>) src(%dma_wait3A_748 : memref<80x64xf32, #tpu.memory_space<vmem>>) dst(%dma_wait3A_744 : memref<80x64xf32, #tpu.memory_space<hbm>>)
    %dma_wait3A_749 = arith.constant 7 : i32
    %dma_wait3A_750 = arith.constant 0 : i32
    %dma_wait3A_751 = arith.constant 0 : i32
    %dma_wait3A_752 = tpu.memref_slice %arg9[%dma_wait3A_749, %dma_wait3A_750, %dma_wait3A_751] : memref<10x80x64xf32, #tpu.memory_space<vmem>> -> memref<1x80x64xf32, #tpu.memory_space<vmem>>
    %dma_wait3A_753 = tpu.memref_squeeze %dma_wait3A_752 : memref<1x80x64xf32, #tpu.memory_space<vmem>> -> memref<80x64xf32, #tpu.memory_space<vmem>>
    %dma_wait3A_754 = arith.constant 0 : i32
    %dma_wait3A_755 = tpu.memref_slice %arg6[%arg0, %add3A_628, %dma_wait3A_754] : memref<2x10240x64xf32, #tpu.memory_space<hbm>> -> memref<1x80x64xf32, #tpu.memory_space<hbm>>
    %dma_wait3A_756 = tpu.memref_squeeze %dma_wait3A_755 : memref<1x80x64xf32, #tpu.memory_space<hbm>> -> memref<80x64xf32, #tpu.memory_space<hbm>>
    %dma_wait3A_757 = arith.constant 0 : i32
    %dma_wait3A_758 = tpu.memref_slice %arg6[%arg0, %add3A_628, %dma_wait3A_757] : memref<2x10240x64xf32, #tpu.memory_space<hbm>> -> memref<1x80x64xf32, #tpu.memory_space<hbm>>
    %dma_wait3A_759 = tpu.memref_squeeze %dma_wait3A_758 : memref<1x80x64xf32, #tpu.memory_space<hbm>> -> memref<80x64xf32, #tpu.memory_space<hbm>>
    %dma_wait3A_760 = arith.constant 0 : i32
    %dma_wait3A_761 = arith.constant 0 : i32
    %dma_wait3A_762 = tpu.memref_slice %arg9[%dma_wait3A_749, %dma_wait3A_760, %dma_wait3A_761] : memref<10x80x64xf32, #tpu.memory_space<vmem>> -> memref<1x80x64xf32, #tpu.memory_space<vmem>>
    %dma_wait3A_763 = tpu.memref_squeeze %dma_wait3A_762 : memref<1x80x64xf32, #tpu.memory_space<vmem>> -> memref<80x64xf32, #tpu.memory_space<vmem>>
    tpu.wait_dma2 semaphore(%arg13 : memref<!tpu.dma_semaphore, #tpu.memory_space<semaphore_mem>>) src(%dma_wait3A_763 : memref<80x64xf32, #tpu.memory_space<vmem>>) dst(%dma_wait3A_759 : memref<80x64xf32, #tpu.memory_space<hbm>>)
    return
  }
}

module attributes {stable_mosaic.version = 14 : i64} {
  func.func @_layer1_body(%arg0: i32, %arg1: memref<2048x128xf32, #tpu.memory_space<vmem>>, %arg2: memref<128x64xf32, #tpu.memory_space<vmem>>, %arg3: memref<1x64xf32, #tpu.memory_space<vmem>>, %arg4: memref<128x64xf32, #tpu.memory_space<vmem>>, %arg5: memref<1x64xf32, #tpu.memory_space<vmem>>, %arg6: memref<128x64xf32, #tpu.memory_space<vmem>>, %arg7: memref<1x64xf32, #tpu.memory_space<vmem>>, %arg8: memref<128x64xf32, #tpu.memory_space<vmem>>, %arg9: memref<2048x64xf32, #tpu.memory_space<vmem>>, %arg10: memref<2048x64xf32, #tpu.memory_space<vmem>>) attributes {dimension_semantics = [#tpu.dimension_semantics<arbitrary>], iteration_bounds = array<i64: 5>, scalar_prefetch = 0 : i64, scratch_operands = 0 : i64, tpu.core_type = #tpu.core_type<tc>, window_params = [{transform_indices = @transform_0, window_bounds = array<i64: 2048, 128>}, {pipeline_mode = #tpu.pipeline_mode<synchronous>, transform_indices = @transform_1, window_bounds = array<i64: 128, 64>}, {pipeline_mode = #tpu.pipeline_mode<synchronous>, transform_indices = @transform_2, window_bounds = array<i64: 1, 64>}, {pipeline_mode = #tpu.pipeline_mode<synchronous>, transform_indices = @transform_3, window_bounds = array<i64: 128, 64>}, {pipeline_mode = #tpu.pipeline_mode<synchronous>, transform_indices = @transform_4, window_bounds = array<i64: 1, 64>}, {pipeline_mode = #tpu.pipeline_mode<synchronous>, transform_indices = @transform_5, window_bounds = array<i64: 128, 64>}, {pipeline_mode = #tpu.pipeline_mode<synchronous>, transform_indices = @transform_6, window_bounds = array<i64: 1, 64>}, {pipeline_mode = #tpu.pipeline_mode<synchronous>, transform_indices = @transform_7, window_bounds = array<i64: 128, 64>}, {transform_indices = @transform_8, window_bounds = array<i64: 2048, 64>}, {transform_indices = @transform_9, window_bounds = array<i64: 2048, 64>}]} {
    %get3A = arith.constant 0 : index
    %get3A_0 = arith.constant 0 : index
    %get3A_1 = vector.load %arg1[%get3A, %get3A_0] : memref<2048x128xf32, #tpu.memory_space<vmem>>, vector<2048x128xf32>
    %get3A_2 = arith.constant 0 : index
    %get3A_3 = arith.constant 0 : index
    %get3A_4 = vector.load %arg2[%get3A_2, %get3A_3] : memref<128x64xf32, #tpu.memory_space<vmem>>, vector<128x64xf32>
    %dot_general3A = arith.constant dense<0.000000e+00> : vector<2048x64xf32>
    %dot_general3A_5 = tpu.matmul %get3A_1, %get3A_4, %dot_general3A {dimension_numbers = #tpu.dot_dimension_numbers<[1], [0], [0], [1], [0, 0, 1, 1], [], []>, transpose_lhs_hint = false} : vector<2048x128xf32>, vector<128x64xf32>, vector<2048x64xf32> -> vector<2048x64xf32>
    %get3A_6 = arith.constant 0 : index
    %get3A_7 = arith.constant 0 : index
    %get3A_8 = vector.load %arg3[%get3A_6, %get3A_7] : memref<1x64xf32, #tpu.memory_space<vmem>>, vector<1x64xf32>
    %add3A = vector.broadcast %get3A_8 : vector<1x64xf32> to vector<2048x64xf32>
    %add3A_9 = arith.addf %dot_general3A_5, %add3A : vector<2048x64xf32>
    %get3A_10 = arith.constant 0 : index
    %get3A_11 = arith.constant 0 : index
    %get3A_12 = vector.load %arg4[%get3A_10, %get3A_11] : memref<128x64xf32, #tpu.memory_space<vmem>>, vector<128x64xf32>
    %dot_general3A_13 = arith.constant dense<0.000000e+00> : vector<2048x64xf32>
    %dot_general3A_14 = tpu.matmul %get3A_1, %get3A_12, %dot_general3A_13 {dimension_numbers = #tpu.dot_dimension_numbers<[1], [0], [0], [1], [0, 0, 1, 1], [], []>, transpose_lhs_hint = false} : vector<2048x128xf32>, vector<128x64xf32>, vector<2048x64xf32> -> vector<2048x64xf32>
    %get3A_15 = arith.constant 0 : index
    %get3A_16 = arith.constant 0 : index
    %get3A_17 = vector.load %arg5[%get3A_15, %get3A_16] : memref<1x64xf32, #tpu.memory_space<vmem>>, vector<1x64xf32>
    %add3A_18 = vector.broadcast %get3A_17 : vector<1x64xf32> to vector<2048x64xf32>
    %add3A_19 = arith.addf %dot_general3A_14, %add3A_18 : vector<2048x64xf32>
    %get3A_20 = arith.constant 0 : index
    %get3A_21 = arith.constant 0 : index
    %get3A_22 = vector.load %arg6[%get3A_20, %get3A_21] : memref<128x64xf32, #tpu.memory_space<vmem>>, vector<128x64xf32>
    %dot_general3A_23 = arith.constant dense<0.000000e+00> : vector<2048x64xf32>
    %dot_general3A_24 = tpu.matmul %get3A_1, %get3A_22, %dot_general3A_23 {dimension_numbers = #tpu.dot_dimension_numbers<[1], [0], [0], [1], [0, 0, 1, 1], [], []>, transpose_lhs_hint = false} : vector<2048x128xf32>, vector<128x64xf32>, vector<2048x64xf32> -> vector<2048x64xf32>
    %get3A_25 = arith.constant 0 : index
    %get3A_26 = arith.constant 0 : index
    %get3A_27 = vector.load %arg7[%get3A_25, %get3A_26] : memref<1x64xf32, #tpu.memory_space<vmem>>, vector<1x64xf32>
    %add3A_28 = vector.broadcast %get3A_27 : vector<1x64xf32> to vector<2048x64xf32>
    %add3A_29 = arith.addf %dot_general3A_24, %add3A_28 : vector<2048x64xf32>
    %mul3A = arith.mulf %add3A_19, %add3A_29 : vector<2048x64xf32>
    %add3A_30 = arith.addf %add3A_9, %mul3A : vector<2048x64xf32>
    %swap3A = arith.constant 0 : index
    %swap3A_31 = arith.constant 0 : index
    %swap3A_32 = vector.load %arg9[%swap3A, %swap3A_31] : memref<2048x64xf32, #tpu.memory_space<vmem>>, vector<2048x64xf32>
    tpu.vector_store %arg9[%swap3A, %swap3A_31], %add3A_30 {strides = array<i32>} : memref<2048x64xf32, #tpu.memory_space<vmem>>, vector<2048x64xf32>,
    %get3A_33 = arith.constant 0 : index
    %get3A_34 = arith.constant 0 : index
    %get3A_35 = vector.load %arg8[%get3A_33, %get3A_34] : memref<128x64xf32, #tpu.memory_space<vmem>>, vector<128x64xf32>
    %dot_general3A_36 = arith.constant dense<0.000000e+00> : vector<2048x64xf32>
    %dot_general3A_37 = tpu.matmul %get3A_1, %get3A_35, %dot_general3A_36 {dimension_numbers = #tpu.dot_dimension_numbers<[1], [0], [0], [1], [0, 0, 1, 1], [], []>, transpose_lhs_hint = false} : vector<2048x128xf32>, vector<128x64xf32>, vector<2048x64xf32> -> vector<2048x64xf32>
    %swap3A_38 = arith.constant 0 : index
    %swap3A_39 = arith.constant 0 : index
    %swap3A_40 = vector.load %arg10[%swap3A_38, %swap3A_39] : memref<2048x64xf32, #tpu.memory_space<vmem>>, vector<2048x64xf32>
    tpu.vector_store %arg10[%swap3A_38, %swap3A_39], %dot_general3A_37 {strides = array<i32>} : memref<2048x64xf32, #tpu.memory_space<vmem>>, vector<2048x64xf32>,
    return
  }
  func.func @transform_0(%arg0: i32) -> (i32, i32) {
    %c0_i32 = arith.constant 0 : i32
    %c0_i32_0 = arith.constant 0 : i32
    return %arg0, %c0_i32 : i32, i32
  }
  func.func @transform_1(%arg0: i32) -> (i32, i32) {
    %c0_i32 = arith.constant 0 : i32
    %c0_i32_0 = arith.constant 0 : i32
    %c0_i32_1 = arith.constant 0 : i32
    return %c0_i32, %c0_i32_0 : i32, i32
  }
  func.func @transform_2(%arg0: i32) -> (i32, i32) {
    %c0_i32 = arith.constant 0 : i32
    %c0_i32_0 = arith.constant 0 : i32
    %c0_i32_1 = arith.constant 0 : i32
    return %c0_i32, %c0_i32_0 : i32, i32
  }
  func.func @transform_3(%arg0: i32) -> (i32, i32) {
    %c0_i32 = arith.constant 0 : i32
    %c0_i32_0 = arith.constant 0 : i32
    %c0_i32_1 = arith.constant 0 : i32
    return %c0_i32, %c0_i32_0 : i32, i32
  }
  func.func @transform_4(%arg0: i32) -> (i32, i32) {
    %c0_i32 = arith.constant 0 : i32
    %c0_i32_0 = arith.constant 0 : i32
    %c0_i32_1 = arith.constant 0 : i32
    return %c0_i32, %c0_i32_0 : i32, i32
  }
  func.func @transform_5(%arg0: i32) -> (i32, i32) {
    %c0_i32 = arith.constant 0 : i32
    %c0_i32_0 = arith.constant 0 : i32
    %c0_i32_1 = arith.constant 0 : i32
    return %c0_i32, %c0_i32_0 : i32, i32
  }
  func.func @transform_6(%arg0: i32) -> (i32, i32) {
    %c0_i32 = arith.constant 0 : i32
    %c0_i32_0 = arith.constant 0 : i32
    %c0_i32_1 = arith.constant 0 : i32
    return %c0_i32, %c0_i32_0 : i32, i32
  }
  func.func @transform_7(%arg0: i32) -> (i32, i32) {
    %c0_i32 = arith.constant 0 : i32
    %c0_i32_0 = arith.constant 0 : i32
    %c0_i32_1 = arith.constant 0 : i32
    return %c0_i32, %c0_i32_0 : i32, i32
  }
  func.func @transform_8(%arg0: i32) -> (i32, i32) {
    %c0_i32 = arith.constant 0 : i32
    %c0_i32_0 = arith.constant 0 : i32
    return %arg0, %c0_i32 : i32, i32
  }
  func.func @transform_9(%arg0: i32) -> (i32, i32) {
    %c0_i32 = arith.constant 0 : i32
    %c0_i32_0 = arith.constant 0 : i32
    return %arg0, %c0_i32 : i32, i32
  }
}

module attributes {stable_mosaic.version = 14 : i64} {
  func.func @_mid_body(%arg0: i32, %arg1: memref<2048x64xf32, #tpu.memory_space<vmem>>, %arg2: memref<2x2048x64xf32, #tpu.memory_space<vmem>>, %arg3: memref<64x64xf32, #tpu.memory_space<vmem>>, %arg4: memref<1x64xf32, #tpu.memory_space<vmem>>, %arg5: memref<64x64xf32, #tpu.memory_space<vmem>>, %arg6: memref<1x64xf32, #tpu.memory_space<vmem>>, %arg7: memref<64x64xf32, #tpu.memory_space<vmem>>, %arg8: memref<1x64xf32, #tpu.memory_space<vmem>>, %arg9: memref<64x64xf32, #tpu.memory_space<vmem>>, %arg10: memref<2048x64xf32, #tpu.memory_space<vmem>>, %arg11: memref<2048x64xf32, #tpu.memory_space<vmem>>) attributes {dimension_semantics = [#tpu.dimension_semantics<arbitrary>], iteration_bounds = array<i64: 5>, scalar_prefetch = 0 : i64, scratch_operands = 0 : i64, tpu.core_type = #tpu.core_type<tc>, window_params = [{transform_indices = @transform_0, window_bounds = array<i64: 2048, 64>}, {transform_indices = @transform_1, window_bounds = array<i64: 2, 2048, 64>}, {pipeline_mode = #tpu.pipeline_mode<synchronous>, transform_indices = @transform_2, window_bounds = array<i64: 64, 64>}, {pipeline_mode = #tpu.pipeline_mode<synchronous>, transform_indices = @transform_3, window_bounds = array<i64: 1, 64>}, {pipeline_mode = #tpu.pipeline_mode<synchronous>, transform_indices = @transform_4, window_bounds = array<i64: 64, 64>}, {pipeline_mode = #tpu.pipeline_mode<synchronous>, transform_indices = @transform_5, window_bounds = array<i64: 1, 64>}, {pipeline_mode = #tpu.pipeline_mode<synchronous>, transform_indices = @transform_6, window_bounds = array<i64: 64, 64>}, {pipeline_mode = #tpu.pipeline_mode<synchronous>, transform_indices = @transform_7, window_bounds = array<i64: 1, 64>}, {pipeline_mode = #tpu.pipeline_mode<synchronous>, transform_indices = @transform_8, window_bounds = array<i64: 64, 64>}, {transform_indices = @transform_9, window_bounds = array<i64: 2048, 64>}, {transform_indices = @transform_10, window_bounds = array<i64: 2048, 64>}]} {
    %get3A = arith.constant 0 : index
    %get3A_0 = arith.constant 0 : index
    %get3A_1 = vector.load %arg1[%get3A, %get3A_0] : memref<2048x64xf32, #tpu.memory_space<vmem>>, vector<2048x64xf32>
    %get3A_2 = arith.constant 0 : index
    %get3A_3 = arith.constant 0 : index
    %get3A_4 = arith.constant 0 : index
    %get3A_5 = vector.load %arg2[%get3A_2, %get3A_3, %get3A_4] : memref<2x2048x64xf32, #tpu.memory_space<vmem>>, vector<1x2048x64xf32>
    %get3A_6 = vector.shape_cast %get3A_5 : vector<1x2048x64xf32> to vector<2048x64xf32>
    %add3A = arith.addf %get3A_1, %get3A_6 : vector<2048x64xf32>
    %get3A_7 = arith.constant 1 : index
    %get3A_8 = arith.constant 0 : index
    %get3A_9 = arith.constant 0 : index
    %get3A_10 = vector.load %arg2[%get3A_7, %get3A_8, %get3A_9] : memref<2x2048x64xf32, #tpu.memory_space<vmem>>, vector<1x2048x64xf32>
    %get3A_11 = vector.shape_cast %get3A_10 : vector<1x2048x64xf32> to vector<2048x64xf32>
    %add3A_12 = arith.addf %add3A, %get3A_11 : vector<2048x64xf32>
    %tanh3A = math.tanh %add3A_12 : vector<2048x64xf32>
    %get3A_13 = arith.constant 0 : index
    %get3A_14 = arith.constant 0 : index
    %get3A_15 = vector.load %arg3[%get3A_13, %get3A_14] : memref<64x64xf32, #tpu.memory_space<vmem>>, vector<64x64xf32>
    %dot_general3A = arith.constant dense<0.000000e+00> : vector<2048x64xf32>
    %dot_general3A_16 = tpu.matmul %tanh3A, %get3A_15, %dot_general3A {dimension_numbers = #tpu.dot_dimension_numbers<[1], [0], [0], [1], [0, 0, 1, 1], [], []>, transpose_lhs_hint = false} : vector<2048x64xf32>, vector<64x64xf32>, vector<2048x64xf32> -> vector<2048x64xf32>
    %get3A_17 = arith.constant 0 : index
    %get3A_18 = arith.constant 0 : index
    %get3A_19 = vector.load %arg4[%get3A_17, %get3A_18] : memref<1x64xf32, #tpu.memory_space<vmem>>, vector<1x64xf32>
    %add3A_20 = vector.broadcast %get3A_19 : vector<1x64xf32> to vector<2048x64xf32>
    %add3A_21 = arith.addf %dot_general3A_16, %add3A_20 : vector<2048x64xf32>
    %get3A_22 = arith.constant 0 : index
    %get3A_23 = arith.constant 0 : index
    %get3A_24 = vector.load %arg5[%get3A_22, %get3A_23] : memref<64x64xf32, #tpu.memory_space<vmem>>, vector<64x64xf32>
    %dot_general3A_25 = arith.constant dense<0.000000e+00> : vector<2048x64xf32>
    %dot_general3A_26 = tpu.matmul %tanh3A, %get3A_24, %dot_general3A_25 {dimension_numbers = #tpu.dot_dimension_numbers<[1], [0], [0], [1], [0, 0, 1, 1], [], []>, transpose_lhs_hint = false} : vector<2048x64xf32>, vector<64x64xf32>, vector<2048x64xf32> -> vector<2048x64xf32>
    %get3A_27 = arith.constant 0 : index
    %get3A_28 = arith.constant 0 : index
    %get3A_29 = vector.load %arg6[%get3A_27, %get3A_28] : memref<1x64xf32, #tpu.memory_space<vmem>>, vector<1x64xf32>
    %add3A_30 = vector.broadcast %get3A_29 : vector<1x64xf32> to vector<2048x64xf32>
    %add3A_31 = arith.addf %dot_general3A_26, %add3A_30 : vector<2048x64xf32>
    %get3A_32 = arith.constant 0 : index
    %get3A_33 = arith.constant 0 : index
    %get3A_34 = vector.load %arg7[%get3A_32, %get3A_33] : memref<64x64xf32, #tpu.memory_space<vmem>>, vector<64x64xf32>
    %dot_general3A_35 = arith.constant dense<0.000000e+00> : vector<2048x64xf32>
    %dot_general3A_36 = tpu.matmul %tanh3A, %get3A_34, %dot_general3A_35 {dimension_numbers = #tpu.dot_dimension_numbers<[1], [0], [0], [1], [0, 0, 1, 1], [], []>, transpose_lhs_hint = false} : vector<2048x64xf32>, vector<64x64xf32>, vector<2048x64xf32> -> vector<2048x64xf32>
    %get3A_37 = arith.constant 0 : index
    %get3A_38 = arith.constant 0 : index
    %get3A_39 = vector.load %arg8[%get3A_37, %get3A_38] : memref<1x64xf32, #tpu.memory_space<vmem>>, vector<1x64xf32>
    %add3A_40 = vector.broadcast %get3A_39 : vector<1x64xf32> to vector<2048x64xf32>
    %add3A_41 = arith.addf %dot_general3A_36, %add3A_40 : vector<2048x64xf32>
    %mul3A = arith.mulf %add3A_31, %add3A_41 : vector<2048x64xf32>
    %add3A_42 = arith.addf %add3A_21, %mul3A : vector<2048x64xf32>
    %swap3A = arith.constant 0 : index
    %swap3A_43 = arith.constant 0 : index
    %swap3A_44 = vector.load %arg10[%swap3A, %swap3A_43] : memref<2048x64xf32, #tpu.memory_space<vmem>>, vector<2048x64xf32>
    tpu.vector_store %arg10[%swap3A, %swap3A_43], %add3A_42 {strides = array<i32>} : memref<2048x64xf32, #tpu.memory_space<vmem>>, vector<2048x64xf32>,
    %get3A_45 = arith.constant 0 : index
    %get3A_46 = arith.constant 0 : index
    %get3A_47 = vector.load %arg9[%get3A_45, %get3A_46] : memref<64x64xf32, #tpu.memory_space<vmem>>, vector<64x64xf32>
    %dot_general3A_48 = arith.constant dense<0.000000e+00> : vector<2048x64xf32>
    %dot_general3A_49 = tpu.matmul %tanh3A, %get3A_47, %dot_general3A_48 {dimension_numbers = #tpu.dot_dimension_numbers<[1], [0], [0], [1], [0, 0, 1, 1], [], []>, transpose_lhs_hint = false} : vector<2048x64xf32>, vector<64x64xf32>, vector<2048x64xf32> -> vector<2048x64xf32>
    %swap3A_50 = arith.constant 0 : index
    %swap3A_51 = arith.constant 0 : index
    %swap3A_52 = vector.load %arg11[%swap3A_50, %swap3A_51] : memref<2048x64xf32, #tpu.memory_space<vmem>>, vector<2048x64xf32>
    tpu.vector_store %arg11[%swap3A_50, %swap3A_51], %dot_general3A_49 {strides = array<i32>} : memref<2048x64xf32, #tpu.memory_space<vmem>>, vector<2048x64xf32>,
    return
  }
  func.func @transform_0(%arg0: i32) -> (i32, i32) {
    %c0_i32 = arith.constant 0 : i32
    %c0_i32_0 = arith.constant 0 : i32
    return %arg0, %c0_i32 : i32, i32
  }
  func.func @transform_1(%arg0: i32) -> (i32, i32, i32) {
    %c0_i32 = arith.constant 0 : i32
    %c0_i32_0 = arith.constant 0 : i32
    %c0_i32_1 = arith.constant 0 : i32
    return %c0_i32, %arg0, %c0_i32_0 : i32, i32, i32
  }
  func.func @transform_2(%arg0: i32) -> (i32, i32) {
    %c0_i32 = arith.constant 0 : i32
    %c0_i32_0 = arith.constant 0 : i32
    %c0_i32_1 = arith.constant 0 : i32
    return %c0_i32, %c0_i32_0 : i32, i32
  }
  func.func @transform_3(%arg0: i32) -> (i32, i32) {
    %c0_i32 = arith.constant 0 : i32
    %c0_i32_0 = arith.constant 0 : i32
    %c0_i32_1 = arith.constant 0 : i32
    return %c0_i32, %c0_i32_0 : i32, i32
  }
  func.func @transform_4(%arg0: i32) -> (i32, i32) {
    %c0_i32 = arith.constant 0 : i32
    %c0_i32_0 = arith.constant 0 : i32
    %c0_i32_1 = arith.constant 0 : i32
    return %c0_i32, %c0_i32_0 : i32, i32
  }
  func.func @transform_5(%arg0: i32) -> (i32, i32) {
    %c0_i32 = arith.constant 0 : i32
    %c0_i32_0 = arith.constant 0 : i32
    %c0_i32_1 = arith.constant 0 : i32
    return %c0_i32, %c0_i32_0 : i32, i32
  }
  func.func @transform_6(%arg0: i32) -> (i32, i32) {
    %c0_i32 = arith.constant 0 : i32
    %c0_i32_0 = arith.constant 0 : i32
    %c0_i32_1 = arith.constant 0 : i32
    return %c0_i32, %c0_i32_0 : i32, i32
  }
  func.func @transform_7(%arg0: i32) -> (i32, i32) {
    %c0_i32 = arith.constant 0 : i32
    %c0_i32_0 = arith.constant 0 : i32
    %c0_i32_1 = arith.constant 0 : i32
    return %c0_i32, %c0_i32_0 : i32, i32
  }
  func.func @transform_8(%arg0: i32) -> (i32, i32) {
    %c0_i32 = arith.constant 0 : i32
    %c0_i32_0 = arith.constant 0 : i32
    %c0_i32_1 = arith.constant 0 : i32
    return %c0_i32, %c0_i32_0 : i32, i32
  }
  func.func @transform_9(%arg0: i32) -> (i32, i32) {
    %c0_i32 = arith.constant 0 : i32
    %c0_i32_0 = arith.constant 0 : i32
    return %arg0, %c0_i32 : i32, i32
  }
  func.func @transform_10(%arg0: i32) -> (i32, i32) {
    %c0_i32 = arith.constant 0 : i32
    %c0_i32_0 = arith.constant 0 : i32
    return %arg0, %c0_i32 : i32, i32
  }
}

module attributes {stable_mosaic.version = 14 : i64} {
  func.func @_pool_body(%arg0: i32, %arg1: memref<2000x64xf32, #tpu.memory_space<vmem>>, %arg2: memref<2x2000x64xf32, #tpu.memory_space<vmem>>, %arg3: memref<2000x1xi32, #tpu.memory_space<vmem>>, %arg4: memref<64x10xf32, #tpu.memory_space<vmem>>, %arg5: memref<1x10xf32, #tpu.memory_space<vmem>>, %arg6: memref<128x10xf32, #tpu.memory_space<vmem>>, %arg7: memref<128x64xf32, #tpu.memory_space<vmem>>) attributes {dimension_semantics = [#tpu.dimension_semantics<arbitrary>], iteration_bounds = array<i64: 5>, scalar_prefetch = 0 : i64, scratch_operands = 1 : i64, tpu.core_type = #tpu.core_type<tc>, window_params = [{transform_indices = @transform_0, window_bounds = array<i64: 2000, 64>}, {transform_indices = @transform_1, window_bounds = array<i64: 2, 2000, 64>}, {transform_indices = @transform_2, window_bounds = array<i64: 2000, 1>}, {pipeline_mode = #tpu.pipeline_mode<synchronous>, transform_indices = @transform_3, window_bounds = array<i64: 64, 10>}, {pipeline_mode = #tpu.pipeline_mode<synchronous>, transform_indices = @transform_4, window_bounds = array<i64: 1, 10>}, {pipeline_mode = #tpu.pipeline_mode<synchronous>, transform_indices = @transform_5, window_bounds = array<i64: 128, 10>}]} {
    %get3A = arith.constant 0 : index
    %get3A_0 = arith.constant 0 : index
    %get3A_1 = vector.load %arg1[%get3A, %get3A_0] : memref<2000x64xf32, #tpu.memory_space<vmem>>, vector<2000x64xf32>
    %get3A_2 = arith.constant 0 : index
    %get3A_3 = arith.constant 0 : index
    %get3A_4 = arith.constant 0 : index
    %get3A_5 = vector.load %arg2[%get3A_2, %get3A_3, %get3A_4] : memref<2x2000x64xf32, #tpu.memory_space<vmem>>, vector<1x2000x64xf32>
    %get3A_6 = vector.shape_cast %get3A_5 : vector<1x2000x64xf32> to vector<2000x64xf32>
    %add3A = arith.addf %get3A_1, %get3A_6 : vector<2000x64xf32>
    %get3A_7 = arith.constant 1 : index
    %get3A_8 = arith.constant 0 : index
    %get3A_9 = arith.constant 0 : index
    %get3A_10 = vector.load %arg2[%get3A_7, %get3A_8, %get3A_9] : memref<2x2000x64xf32, #tpu.memory_space<vmem>>, vector<1x2000x64xf32>
    %get3A_11 = vector.shape_cast %get3A_10 : vector<1x2000x64xf32> to vector<2000x64xf32>
    %add3A_12 = arith.addf %add3A, %get3A_11 : vector<2000x64xf32>
    %tanh3A = math.tanh %add3A_12 : vector<2000x64xf32>
    %get3A_13 = arith.constant 0 : index
    %get3A_14 = arith.constant 0 : index
    %get3A_15 = vector.load %arg3[%get3A_13, %get3A_14] : memref<2000x1xi32, #tpu.memory_space<vmem>>, vector<2000x1xi32>
    %iota3A = tpu.iota {dimensions = array<i32: 1>} : vector<1x128xi32>
    %eq3A = vector.broadcast %get3A_15 : vector<2000x1xi32> to vector<2000x128xi32>
    %eq3A_16 = vector.broadcast %iota3A : vector<1x128xi32> to vector<2000x128xi32>
    %eq3A_17 = arith.cmpi eq, %eq3A, %eq3A_16 : vector<2000x128xi32>
    %convert_element_type3A = arith.extui %eq3A_17 : vector<2000x128xi1> to vector<2000x128xi32>
    %convert_element_type3A_18 = arith.sitofp %convert_element_type3A : vector<2000x128xi32> to vector<2000x128xf32>
    %dot_general3A = arith.constant dense<0.000000e+00> : vector<128x64xf32>
    %dot_general3A_19 = tpu.matmul %convert_element_type3A_18, %tanh3A, %dot_general3A {dimension_numbers = #tpu.dot_dimension_numbers<[0], [0], [1], [1], [0, 1, 1, 1], [], []>, transpose_lhs_hint = false} : vector<2000x128xf32>, vector<2000x64xf32>, vector<128x64xf32> -> vector<128x64xf32>
    %eq3A_20 = arith.constant 0 : i32
    %eq3A_21 = arith.cmpi eq, %arg0, %eq3A_20 : i32
    %convert_element_type3A_22 = arith.extui %eq3A_21 : i1 to i32
    %cond3A = arith.constant 0 : i32
    %cond3A_23 = arith.cmpi ne, %convert_element_type3A_22, %cond3A : i32
    scf.if %cond3A_23 {
      %swap3A = arith.constant 0 : index
      %swap3A_33 = arith.constant 0 : index
      %swap3A_34 = vector.load %arg7[%swap3A, %swap3A_33] : memref<128x64xf32, #tpu.memory_space<vmem>>, vector<128x64xf32>
      tpu.vector_store %arg7[%swap3A, %swap3A_33], %dot_general3A_19 {strides = array<i32>} : memref<128x64xf32, #tpu.memory_space<vmem>>, vector<128x64xf32>,
    } else {
    }
    %gt3A = arith.constant 0 : i32
    %gt3A_24 = arith.cmpi sgt, %arg0, %gt3A : i32
    %convert_element_type3A_25 = arith.extui %gt3A_24 : i1 to i32
    %cond3A_26 = arith.constant 0 : i32
    %cond3A_27 = arith.cmpi ne, %convert_element_type3A_25, %cond3A_26 : i32
    scf.if %cond3A_27 {
      %get3A_33 = arith.constant 0 : index
      %get3A_34 = arith.constant 0 : index
      %get3A_35 = vector.load %arg7[%get3A_33, %get3A_34] : memref<128x64xf32, #tpu.memory_space<vmem>>, vector<128x64xf32>
      %add3A_36 = arith.addf %get3A_35, %dot_general3A_19 : vector<128x64xf32>
      %swap3A = arith.constant 0 : index
      %swap3A_37 = arith.constant 0 : index
      %swap3A_38 = vector.load %arg7[%swap3A, %swap3A_37] : memref<128x64xf32, #tpu.memory_space<vmem>>, vector<128x64xf32>
      tpu.vector_store %arg7[%swap3A, %swap3A_37], %add3A_36 {strides = array<i32>} : memref<128x64xf32, #tpu.memory_space<vmem>>, vector<128x64xf32>,
    } else {
    }
    %eq3A_28 = arith.constant 4 : i32
    %eq3A_29 = arith.cmpi eq, %arg0, %eq3A_28 : i32
    %convert_element_type3A_30 = arith.extui %eq3A_29 : i1 to i32
    %cond3A_31 = arith.constant 0 : i32
    %cond3A_32 = arith.cmpi ne, %convert_element_type3A_30, %cond3A_31 : i32
    scf.if %cond3A_32 {
      %get3A_33 = arith.constant 0 : index
      %get3A_34 = arith.constant 0 : index
      %get3A_35 = vector.load %arg7[%get3A_33, %get3A_34] : memref<128x64xf32, #tpu.memory_space<vmem>>, vector<128x64xf32>
      %get3A_36 = arith.constant 0 : index
      %get3A_37 = arith.constant 0 : index
      %get3A_38 = vector.load %arg4[%get3A_36, %get3A_37] : memref<64x10xf32, #tpu.memory_space<vmem>>, vector<64x10xf32>
      %dot_general3A_39 = arith.constant dense<0.000000e+00> : vector<128x10xf32>
      %dot_general3A_40 = tpu.matmul %get3A_35, %get3A_38, %dot_general3A_39 {dimension_numbers = #tpu.dot_dimension_numbers<[1], [0], [0], [1], [0, 0, 1, 1], [], []>, transpose_lhs_hint = false} : vector<128x64xf32>, vector<64x10xf32>, vector<128x10xf32> -> vector<128x10xf32>
      %get3A_41 = arith.constant 0 : index
      %get3A_42 = arith.constant 0 : index
      %get3A_43 = vector.load %arg5[%get3A_41, %get3A_42] : memref<1x10xf32, #tpu.memory_space<vmem>>, vector<1x10xf32>
      %add3A_44 = vector.broadcast %get3A_43 : vector<1x10xf32> to vector<128x10xf32>
      %add3A_45 = arith.addf %dot_general3A_40, %add3A_44 : vector<128x10xf32>
      %swap3A = arith.constant 0 : index
      %swap3A_46 = arith.constant 0 : index
      %swap3A_47 = vector.load %arg6[%swap3A, %swap3A_46] : memref<128x10xf32, #tpu.memory_space<vmem>>, vector<128x10xf32>
      tpu.vector_store %arg6[%swap3A, %swap3A_46], %add3A_45 {strides = array<i32>} : memref<128x10xf32, #tpu.memory_space<vmem>>, vector<128x10xf32>,
    } else {
    }
    return
  }
  func.func @transform_0(%arg0: i32) -> (i32, i32) {
    %c0_i32 = arith.constant 0 : i32
    %c0_i32_0 = arith.constant 0 : i32
    return %arg0, %c0_i32 : i32, i32
  }
  func.func @transform_1(%arg0: i32) -> (i32, i32, i32) {
    %c0_i32 = arith.constant 0 : i32
    %c0_i32_0 = arith.constant 0 : i32
    %c0_i32_1 = arith.constant 0 : i32
    return %c0_i32, %arg0, %c0_i32_0 : i32, i32, i32
  }
  func.func @transform_2(%arg0: i32) -> (i32, i32) {
    %c0_i32 = arith.constant 0 : i32
    %c0_i32_0 = arith.constant 0 : i32
    return %arg0, %c0_i32 : i32, i32
  }
  func.func @transform_3(%arg0: i32) -> (i32, i32) {
    %c0_i32 = arith.constant 0 : i32
    %c0_i32_0 = arith.constant 0 : i32
    %c0_i32_1 = arith.constant 0 : i32
    return %c0_i32, %c0_i32_0 : i32, i32
  }
  func.func @transform_4(%arg0: i32) -> (i32, i32) {
    %c0_i32 = arith.constant 0 : i32
    %c0_i32_0 = arith.constant 0 : i32
    %c0_i32_1 = arith.constant 0 : i32
    return %c0_i32, %c0_i32_0 : i32, i32
  }
  func.func @transform_5(%arg0: i32) -> (i32, i32) {
    %c0_i32 = arith.constant 0 : i32
    %c0_i32_0 = arith.constant 0 : i32
    %c0_i32_1 = arith.constant 0 : i32
    return %c0_i32, %c0_i32_0 : i32, i32
  }
}

</mosaic_0001>

<sc_bundles>
// kernel: kernel.12.cloned.1.call-start
scs
__scs_entry_jumppad:
0x0: {  	(pc) =	sbr.rel $0x88, $3  }
0x1: {  	(tag) =	ssettag $0x0;
	lr =	simm.s32 $0x1  }
0x2: {  	[smem:$0x3F87] =	sst lr;
	_ =	strace $0xD0000000  }
0x3: {  	_ = 	snop  }
0x4: {  	_ = 	snop  }
0x5: {  	_ = 	snop  }
0x6: {  	_ = 	snop  }
0x7: {  	_ = 	snop  }
__scs_overlays_trampoline_lowered:
0x8: {  	[smem:$0x3F96] =	sst s0  }
0x9: {  	[smem:$0x3F97] =	sst s1  }
0xa: {  	[smem:$0x3F98] =	sst s2  }
0xb: {  	[smem:$0x3F99] =	sst s3  }
0xc: {  	[smem:$0x3F9A] =	sst s4  }
0xd: {  	[smem:$0x3F9B] =	sst s5  }
0xe: {  	[smem:$0x3F9C] =	sst s6  }
0xf: {  	[smem:$0x3F9D] =	sst s7  }
0x10: {  	[smem:$0x3F9E] =	sst s8  }
0x11: {  	[smem:$0x3F9F] =	sst s9;
	s0 =	simm.s32 @!p0 $0x0  }
0x12: {  	s1 =	sld [smem:$0x3F85];
	s0 =	simm.s32 @p0 $0x1  }
0x13: {  	[smem:$0x3FA0] =	sst s0;
	s0 =	simm.s32 @!p1 $0x0  }
0x14: {  	s2 =	sld [smem:$0x3F84];
	s0 =	simm.s32 @p1 $0x1  }
0x15: {  	[smem:$0x3FA1] =	sst s0;
	s0 =	simm.s32 @!p2 $0x0  }
0x16: {  	s3 =	sld [smem:$0x3FDB];
	s0 =	simm.s32 @p2 $0x1  }
0x17: {  	s4 =	simm.s32 $0x1BF5;
	[smem:$0x3FA3] =	sst s0  }
0x18: {  	s0 =	sld [smem:$0x3F86];
	_ =	swait.ge [sflag:s4], $0x0  }
0x19: {  	s7 =	sld [smem:$0x3F87]  }
0x1a: {  	s8 =	sadd.s32 $0xFFFFE003, lr  }
0x1b: {  	s9 =	sadd.s32 $0xFFFFFEF7, lr;
	s5 =	simm.s32 $0xFFFFFFFF;
	p2 =	slt.u32 s8, $0xFFFFF086  }
0x1c: {  	p1 =	slt.u32 s9, $0xF7A;
	s5 =	simm.s32 @!p2 $0x0  }
0x1d: {  	s5 =	simm.s32 @p1 $0x1;
	p0 =	seq.s32 s7, s2  }
0x1e: {  	s7 =	smul.u32 @!p0 $0xF7A, s2;
	p2 =	seq.s32 @!p0 s5, $0x0  }
0x1f: {  	s9 =	smul.u32 $0xF7A, s1;
	s8 =	simm.s32 @!p0 $0x1BF5;
	p2 =	por !p2, p0  }
0x20: {  	[sflag:s8] =	ssyncset.s32 @!p0 $0xFFFFF086;
	s6 =	sadd.s32 @!p0 s3, s7;
	s7 =	simm.s32 @!p0 $0x108  }
0x21: {  	s3 =	sadd.s32 s3, s9;
	s6 =	sadd.s32 @!p0 $0x88, s6;
	s7 =	simm.s32 @p2 $0x1082  }
0x22: {  	[simem:s7], [sflag:s8] =	dma.local @!p0 [hbm:s6], $0xF7A  }
0x23: {  	s9 =	sor.u32 $0xD0000000, s2;
	s6 =	simm.s32 $0x108;
	_ =	swait.ge @!p0 [sflag:s8], $0x0  }
0x24: {  	s3 =	sadd.s32 $0x88, s3;
	s6 =	simm.s32 @!p1 $0x1082;
	[sflag:s4] =	ssyncset.s32 $0xFFFFF086  }
0x25: {  	[simem:s6], [sflag:s4] =	dma.local [hbm:s3], $0xF7A  }
0x26: {  	[smem:$0x3F87] =	sst s1;
	(tag) =	ssettag s2;
	_ =	strace s9  }
0x27: {  	s1 =	sld [smem:$0x3F97]  }
0x28: {  	s2 =	sld [smem:$0x3F98]  }
0x29: {  	s4 =	sld [smem:$0x3F9A]  }
0x2a: {  	p0 =	seq.s32 s5, $0x0;
	s5 =	sld [smem:$0x3F9B]  }
0x2b: {  	s6 =	sld [smem:$0x3F9C]  }
0x2c: {  	s7 =	sld [smem:$0x3F9D]  }
0x2d: {  	s3 =	simm.s32 $0x108;
	s8 =	sld [smem:$0x3F9E]  }
0x2e: {  	s3 =	simm.s32 @!p0 $0x1082;
	s9 =	sld [smem:$0x3F9F]  }
0x2f: {  	lr =	sadd.s32 s0, s3;
	s0 =	sld [smem:$0x3F96]  }
0x30: {  	s3 =	sld [smem:$0x3F99]  }
0x31: {  	[smem:$0x3FA2] =	sst s10  }
0x32: {  	s10 =	sld [smem:$0x3FA0];
	_ =	sdelay $0x3  }
0x33: {  	p0 =	seq.s32 s10, $0x1;
	s10 =	sld [smem:$0x3FA2];
	_ =	sdelay $0x3  }
0x34: {  	[smem:$0x3FA2] =	sst s10  }
0x35: {  	s10 =	sld [smem:$0x3FA1];
	_ =	sdelay $0x3  }
0x36: {  	p1 =	seq.s32 s10, $0x1;
	s10 =	sld [smem:$0x3FA2];
	_ =	sdelay $0x3  }
0x37: {  	[smem:$0x3FA2] =	sst s10  }
0x38: {  	s10 =	sld [smem:$0x3FA3]  }
0x39: {  	_ = 	snop;
	(pc) =	sbr.ind lr, $3  }
0x3a: {  	_ = 	snop  }
0x3b: {  	_ = 	snop  }
0x3c: {  	p2 =	seq.s32 s10, $0x1;
	s10 =	sld [smem:$0x3FA2]  }
0x3d: {  	_ =	shalt  }
0x3e: {  	_ =	shalt  }
0x3f: {  	_ =	shalt  }
0x40: {  	_ =	shalt  }
0x41: {  	_ =	shalt  }
0x42: {  	_ =	shalt  }
0x43: {  	_ =	shalt  }
0x44: {  	_ =	shalt  }
0x45: {  	_ =	shalt  }
0x46: {  	_ =	shalt  }
0x47: {  	_ =	shalt  }
0x48: {  	_ =	shalt  }
0x49: {  	_ =	shalt  }
0x4a: {  	_ =	shalt  }
0x4b: {  	_ =	shalt  }
0x4c: {  	_ =	shalt  }
0x4d: {  	_ =	shalt  }
0x4e: {  	_ =	shalt  }
0x4f: {  	_ =	shalt  }
0x50: {  	_ =	shalt  }
0x51: {  	_ =	shalt  }
0x52: {  	_ =	shalt  }
0x53: {  	_ =	shalt  }
0x54: {  	_ =	shalt  }
0x55: {  	_ =	shalt  }
0x56: {  	_ =	shalt  }
0x57: {  	_ =	shalt  }
0x58: {  	_ =	shalt  }
0x59: {  	_ =	shalt  }
0x5a: {  	_ =	shalt  }
0x5b: {  	_ =	shalt  }
0x5c: {  	_ =	shalt  }
0x5d: {  	_ =	shalt  }
0x5e: {  	_ =	shalt  }
0x5f: {  	_ =	shalt  }
0x60: {  	_ =	shalt  }
0x61: {  	_ =	shalt  }
0x62: {  	_ =	shalt  }
0x63: {  	_ =	shalt  }
0x64: {  	_ =	shalt  }
0x65: {  	_ =	shalt  }
0x66: {  	_ =	shalt  }
0x67: {  	_ =	shalt  }
0x68: {  	_ =	shalt  }
0x69: {  	_ =	shalt  }
0x6a: {  	_ =	shalt  }
0x6b: {  	_ =	shalt  }
0x6c: {  	_ =	shalt  }
0x6d: {  	_ =	shalt  }
0x6e: {  	_ =	shalt  }
0x6f: {  	_ =	shalt  }
0x70: {  	_ =	shalt  }
0x71: {  	_ =	shalt  }
0x72: {  	_ =	shalt  }
0x73: {  	_ =	shalt  }
0x74: {  	_ =	shalt  }
0x75: {  	_ =	shalt  }
0x76: {  	_ =	shalt  }
0x77: {  	_ =	shalt  }
0x78: {  	_ =	shalt  }
0x79: {  	_ =	shalt  }
0x7a: {  	_ =	shalt  }
0x7b: {  	_ =	shalt  }
0x7c: {  	_ =	shalt  }
0x7d: {  	_ =	shalt  }
0x7e: {  	_ =	shalt  }
0x7f: {  	_ =	shalt  }
0x80: {  	_ =	shalt  }
0x81: {  	_ =	shalt  }
0x82: {  	_ =	shalt  }
0x83: {  	_ =	shalt  }
0x84: {  	_ =	shalt  }
0x85: {  	_ =	shalt  }
0x86: {  	_ =	shalt  }
0x87: {  	_ =	shalt  }
.Lfunc_end0:
.L_simem_size_0:
called_computation.1_lowered:
.L_overlay_start_0:
0x88: {  	s2 =	sld [smem:$0x3FD9]  }
0x89: {  	s3 =	sld [smem:$0x3FFE];
	_ =	sdelay $0x1  }
0x8a: {  	s1 =	srdreg.scid  }
0x8b: {  	s0 =	sand.u32 $0x1, s1  }
0x8c: {  	s16 =	sshll.u32 s0, $0xA;
	s2 =	sadd.s32 s3, s2  }
0x8d: {  	s2 =	sadd.s32 s2, s16  }
0x8e: {  	[smem:$0x3FAE] =	sst s2  }
0x8f: {  	_ = 	snop  }
0x90: {  	(tm) =	ssettm $0x1  }
0x91: {  	s17 =	sld [smem:$0x3FFB];
	_ =	sdelay $0x3  }
0x92: {  	_ =	strace s17  }
0x93: {  	s2 =	sld [smem:$0x3FFC];
	_ =	sdelay $0x3  }
0x94: {  	_ =	strace s2  }
0x95: {  	s2 =	sld [smem:$0x3FFD];
	_ =	sdelay $0x3  }
0x96: {  	_ =	strace s2  }
0x97: {  	_ =	strace $0x8FFFFFFF  }
0x98: {  	s18 =	sld [smem:$0x3FDB];
	_ =	sdelay $0x1  }
0x99: {  	s19 =	simm.s32 $_scs_section_size  }
0x9a: {  	s4 =	simm.s32 $_size__tile_overlayer_lowered;
	s5 =	simm.s32 $_tile_overlayer_lowered  }
0x9b: {  	s22 =	simm.s32 $0x1BFF;
	s21 =	sshll.u32 s5, $0x1;
	s2 =	sadd.s32 s19, s18  }
0x9c: {  	s6 =	simm.s32 $0x0;
	s20 =	sshll.u32 s4, $0x1;
	s4 =	sadd.s32 s21, s2  }
0x9d: {  	[timem:s6], [sflag:s22] =	dma.local [hbm:s4], s20  }
0x9e: {  	_ =	swait.ge [sflag:s22], s20  }
0x9f: {  	s3 =	ssub.s32 $0x0, s20;
	[sflag:s22] =	ssyncset.done $0x0  }
0xa0: {  	[sflag:s22] =	ssyncadd.s32 s3;
	_ =	sdelay $0x1  }
0xa1: {  	s23 =	simm.s32 $0x1B8B  }
0xa2: {  	_ =	swait.ge [sflag:s23], $0x1  }
0xa3: {  	[sflag:s23] =	ssyncset.done $0x0  }
0xa4: {  	s25 =	simm.s32 $0x1B8E;
	s24 =	sld [smem:$0x3FFE];
	[sflag:s23] =	ssyncadd.s32 $0xFFFFFFFF  }
0xa5: {  	s26 =	simm.s32 $execute0_lowered;
	[smem:$0x3FD2] =	sst s25  }
0xa6: {  	s4 =	sshll.u32 s26, $0x1;
	_ =	strace $0x80000049;
	[dreg:$0x1] =	wrdreg $0xFFFFFFFF  }
0xa7: {  	s28 =	simm.s32 $_size_execute0_lowered;
	s2 =	sadd.s32 s2, s4;
	[dreg:$0x0] =	wrdreg $0x0  }
0xa8: {  	s4 =	sshll.u32 s28, $0x1;
	[dreg:$0x2] =	wrdreg s2  }
0xa9: {  	[dreg:$0x3] =	wrdreg s4  }
0xaa: {  	[dreg:$0x4] =	wrdreg $0xC0  }
0xab: {  	_ =	task [dreg:s6], $0x5FFFF  }
0xac: {  	[dreg:$0x1] =	wrdreg $0xFFFFFFFF  }
0xad: {  	[dreg:$0x0] =	wrdreg $0x60  }
0xae: {  	[dreg:$0x2] =	wrdreg s24  }
0xaf: {  	[dreg:$0x3] =	wrdreg $0x12A200  }
0xb0: {  	[dreg:$0x4] =	wrdreg $0x9  }
0xb1: {  	_ =	task.clear_ibuf [dreg:s6], $0x5FFFF;
	_ =	strace $0x90000049  }
0xb2: {  	s29 =	simm.s32 $0x9;
	_ =	strace $0x8000004B  }
0xb3: {  	_ =	swait.ge [sflag:s29], $0x1  }
0xb4: {  	[sflag:s29] =	ssyncadd.s32 $0xFFFFFFFF  }
0xb5: {  	_ =	strace $0x9000004B  }
0xb6: {  	_ =	sfence  }
0xb7: {  	s30 =	sld [smem:$0x0];
	_ =	sdelay $0x2  }
0xb8: {  	s31 =	sshll.u32 s1, $0xD;
	s1 =	sshrl.u32 s1, $0x2  }
0xb9: {  	s3 =	sand.u32 $0x4000, s31;
	s1 =	sadd.s32 s1, s30  }
0xba: {  	s0 =	sor.u32 s3, s0;
	s1 =	sshll.u32 s1, $0x11  }
0xbb: {  	s0 =	sor.u32 s1, s0  }
0xbc: {  	s0 =	sadd.s32 $0x8F2B, s0  }
0xbd: {  	[sflag:s0] =	ssyncadd.remote.s32 $0x1  }
0xbe: {  	_ =	sfence.sel $0xFFFF  }
0xbf: {  	[dreg:$0x0] =	wrdreg $0xFFFFFFFF;
	(pc) =	sbr.abs _section_cstart, $3  }
0xc0: {  	[dreg:$0x1] =	wrdreg $0xFFFFFFFF  }
0xc1: {  	_ =	task.clear_ibuf [dreg:s6], $0x2FFFF;
	_ =	strace $0x9FFFFFFF  }
0xc2: {  	(tm) =	ssettm $0x7FFFFFFF  }
0xc3: {  	_ =	shalt  }
tec
execute0_lowered:
.L_overlay_start_1:
0x0: {  	(tag) =	ssettag $0x1  }
0x1: {  	s0 =	rddreg [dreg:$0x0]  }
0x2: {  	s1 =	srdreg.scid;
	s8 =	stileid.u32  }
0x3: {  	s2 =	rddreg [dreg:$0x1];
	s3 =	simm.s32 $0x0;
	s28 =	simm.s32 $0x2  }
0x4: {  	s29 =	simm.s32 $0x1;
	s30 =	simm.s32 $0x50;
	s1 =	sand.u32 $0x1, s1  }
0x5: {  	s4 =	sshll.u32 s8, $0x1;
	[smem:$0x7FF] =	sst s3;
	s15 =	smul.u32 $0xA000, s8  }
0x6: {  	s24 =	sadd.s32 $0x2B600, s0;
	s4 =	sor.u32 s1, s4;
	_ =	strace $0x8000004A  }
0x7: {  	s6 =	ssub.s32 $0x2, s1;
	[dreg:$0x3] =	wrdreg s24;
	s1 =	smul.u32 $0xA0000, s1  }
0x8: {  	s5 =	smul.u32 $0x4E2, s4;
	s4 =	sadd.s32 $0x17600, s0;
	s7 =	sshrl.u32 s6, $0x1  }
0x9: {  	s8 =	sadd.s32 s15, s2;
	s26 =	sor.u32 $0x1400, s15;
	s31 =	sadd.s32 $0x2800, s15  }
0xa: {  	s16 =	sadd.s32 $0x3C00, s15;
	s17 =	sadd.s32 $0x5000, s15;
	s18 =	sadd.s32 $0x6400, s15  }
0xb: {  	s19 =	sadd.s32 $0x7800, s15;
	s6 =	ssub.s32 s6, s7;
	s9 =	sadd.s32 s26, s2  }
0xc: {  	s10 =	sadd.s32 s31, s2;
	s11 =	sadd.s32 s16, s2;
	s12 =	sadd.s32 s17, s2  }
0xd: {  	s13 =	sadd.s32 s18, s2;
	s14 =	sadd.s32 s19, s2;
	s20 =	sadd.s32 s15, s1  }
0xe: {  	s15 =	sadd.s32 $0x8C00, s15;
	s7 =	sadd.s32 s1, s31;
	s16 =	sadd.s32 s1, s16  }
0xf: {  	s17 =	sadd.s32 s1, s17;
	s18 =	sadd.s32 s1, s18;
	s19 =	sadd.s32 s1, s19  }
0x10: {  	s5 =	sadd.s32 s5, s0;
	s0 =	sadd.s32 $0x2BA00, s0;
	s20 =	sshrl.u32 s20, $0x3  }
0x11: {  	s7 =	sshrl.u32 s7, $0x3;
	s21 =	sshrl.u32 s17, $0x3;
	s24 =	sshrl.u32 s18, $0x3  }
0x12: {  	s31 =	smax.u32 s6, $0x1;
	s6 =	simm.s32 $0x9E20;
	s18 =	simm.s32 $0x0  }
0x13: {  	s25 =	sadd.s32 $0xD800, s5;
	s5 =	sadd.s32 $0x3A00, s5;
	[dreg:$0xe] =	wrdreg s31  }
0x14: {  	s20 =	sadd.s32 s0, s20;
	s23 =	sadd.s32 s0, s21;
	[dreg:$0x4] =	wrdreg s25  }
0x15: {  	[dreg:$0x5] =	wrdreg s5;
	s5 =	sadd.s32 s1, s26;
	s1 =	sadd.s32 s1, s15  }
0x16: {  	s15 =	sadd.s32 s15, s2;
	[dreg:$0x6] =	wrdreg s20;
	s20 =	sshrl.u32 s16, $0x3  }
0x17: {  	[dreg:$0xa] =	wrdreg s23;
	s25 =	sshrl.u32 s19, $0x3;
	s22 =	sadd.s32 s0, s20  }
0x18: {  	s5 =	sshrl.u32 s5, $0x3;
	s26 =	sadd.s32 s0, s25;
	[dreg:$0x9] =	wrdreg s22  }
0x19: {  	s16 =	simm.s32 $0x7620;
	s5 =	sadd.s32 s0, s5;
	[dreg:$0xc] =	wrdreg s26  }
0x1a: {  	s1 =	sshrl.u32 s1, $0x3;
	[dreg:$0x7] =	wrdreg s5;
	s5 =	sadd.s32 s0, s7  }
0x1b: {  	s25 =	simm.s32 $0x11620;
	[dreg:$0x8] =	wrdreg s5;
	s5 =	sadd.s32 s0, s24  }
0x1c: {  	s7 =	simm.s32 $0x6220;
	s0 =	sadd.s32 s0, s1;
	[dreg:$0xb] =	wrdreg s5  }
0x1d: {  	s1 =	simm.s32 $0x4E20;
	[dreg:$0xd] =	wrdreg s0;
	s5 =	simm.s32 $0x8A20  }
.LBB2_1:
0x1e: {  	s0 =	rddreg [dreg:$0x4]  }
0x1f: {  	[tilespmem:s3], [sflag:$0x2] =	stream.linear.gather [hbm4b:s0+s3], $0x2710, $0x38;
	[tilespmem:$0x1CA20] =	vst v63  }
0x20: {  	s20 =	simm.s32 $0x2710;
	s19 =	rddreg [dreg:$0x5]  }
0x21: {  	[tilespmem:s20], [sflag:$0x2] =	stream.linear.gather [hbm4b:s19+s3], $0x2710, $0x38;
	[tilespmem:$0x1CA20] =	vst v63  }
0x22: {  	s21 =	rddreg [dreg:$0x3];
	s22 =	simm.s32 $0x3  }
0x23: {  	[tilespmem:s25], [sflag:$0x3] =	stream.linear.gather [hbm4b:s21+s3], $0x1400, $0x38;
	[tilespmem:$0x1CA20] =	vst v63  }
0x24: {  	_ =	swait.ge [sflag:s22], $0x1400  }
0x25: {  	[sflag:s22] =	ssyncset.done $0x0  }
0x26: {  	[sflag:s22] =	ssyncadd.s32 $0xFFFFEC00  }
0x27: {  	[spmem:s8] =	stream.linear.scatter [tilespmem:s25], [sflag:$0x1], $0x1400, $0x38;
	[tilespmem:$0x1CA20] =	vst v63  }
0x28: {  	_ = 	snop  }
0x29: {  	[spmem:s9] =	stream.linear.scatter [tilespmem:s25], [sflag:$0x1], $0x1400, $0x38;
	[tilespmem:$0x1CA20] =	vst v63  }
0x2a: {  	_ = 	snop  }
0x2b: {  	[spmem:s10] =	stream.linear.scatter [tilespmem:s25], [sflag:$0x1], $0x1400, $0x38;
	[tilespmem:$0x1CA20] =	vst v63  }
0x2c: {  	_ = 	snop  }
0x2d: {  	[spmem:s11] =	stream.linear.scatter [tilespmem:s25], [sflag:$0x1], $0x1400, $0x38;
	[tilespmem:$0x1CA20] =	vst v63  }
0x2e: {  	_ = 	snop  }
0x2f: {  	[spmem:s12] =	stream.linear.scatter [tilespmem:s25], [sflag:$0x1], $0x1400, $0x38;
	[tilespmem:$0x1CA20] =	vst v63  }
0x30: {  	_ = 	snop  }
0x31: {  	[spmem:s13] =	stream.linear.scatter [tilespmem:s25], [sflag:$0x1], $0x1400, $0x38;
	[tilespmem:$0x1CA20] =	vst v63  }
0x32: {  	_ = 	snop  }
0x33: {  	[spmem:s14] =	stream.linear.scatter [tilespmem:s25], [sflag:$0x1], $0x1400, $0x38;
	[tilespmem:$0x1CA20] =	vst v63  }
0x34: {  	_ = 	snop  }
0x35: {  	[spmem:s15] =	stream.linear.scatter [tilespmem:s25], [sflag:$0x1], $0x1400, $0x38;
	[tilespmem:$0x1CA20] =	vst v63  }
0x36: {  	_ =	swait.ge [sflag:s28], $0x2710  }
0x37: {  	[sflag:s28] =	ssyncset.done $0x0  }
0x38: {  	[sflag:s28] =	ssyncadd.s32 $0xFFFFD8F0  }
0x39: {  	_ =	swait.ge [sflag:s28], $0x2710  }
0x3a: {  	[sflag:s28] =	ssyncset.done $0x0  }
0x3b: {  	[sflag:s28] =	ssyncadd.s32 $0xFFFFD8F0  }
0x3c: {  	_ =	swait.ge [sflag:s29], $0x1400  }
0x3d: {  	[sflag:s29] =	ssyncset.done $0x0  }
0x3e: {  	[sflag:s29] =	ssyncadd.s32 $0xFFFFEC00  }
0x3f: {  	_ =	swait.ge [sflag:s29], $0x1400  }
0x40: {  	[sflag:s29] =	ssyncset.done $0x0  }
0x41: {  	[sflag:s29] =	ssyncadd.s32 $0xFFFFEC00  }
0x42: {  	_ =	swait.ge [sflag:s29], $0x1400  }
0x43: {  	[sflag:s29] =	ssyncset.done $0x0  }
0x44: {  	[sflag:s29] =	ssyncadd.s32 $0xFFFFEC00  }
0x45: {  	_ =	swait.ge [sflag:s29], $0x1400  }
0x46: {  	[sflag:s29] =	ssyncset.done $0x0  }
0x47: {  	[sflag:s29] =	ssyncadd.s32 $0xFFFFEC00  }
0x48: {  	_ =	swait.ge [sflag:s29], $0x1400  }
0x49: {  	[sflag:s29] =	ssyncset.done $0x0  }
0x4a: {  	[sflag:s29] =	ssyncadd.s32 $0xFFFFEC00  }
0x4b: {  	_ =	swait.ge [sflag:s29], $0x1400  }
0x4c: {  	[sflag:s29] =	ssyncset.done $0x0  }
0x4d: {  	[sflag:s29] =	ssyncadd.s32 $0xFFFFEC00  }
0x4e: {  	_ =	swait.ge [sflag:s29], $0x1400  }
0x4f: {  	[sflag:s29] =	ssyncset.done $0x0  }
0x50: {  	p0 =	por $0x0, $0x0;
	[sflag:s29] =	ssyncadd.s32 $0xFFFFEC00  }
0x51: {  	s17 =	simm.s32 @!p0 $0x6;
	_ =	swait.ge [sflag:s29], $0x1400  }
0x52: {  	s17 =	smul.u32 @!p0 $0xCD, s17;
	[sflag:s29] =	ssyncset.done $0x0  }
0x53: {  	s23 =	simm.s32 $0xA0;
	[sflag:s29] =	ssyncadd.s32 $0xFFFFEC00  }
0x54: {  	p1 =	por $0x0, $0x0;
	s17 =	sshrl.u32 @!p0 s17, $0xB;
	[bflag:$0x0] =	sbarrier.arrive $0xFFFF  }
0x55: {  	[tilespmem:s1], [sflag:$0x1] =	stream.indirect.gather [hbm4b:s4+s30], $0x40, s3, s30, $0xb8;
	[tilespmem:$0x1CA20] =	vst v63  }
0x56: {  	s24 =	simm.s32 $0xF0;
	s31 =	smul.u32 $0xCD, s3;
	s17 =	sand.u32 @!p0 $0x1F, s17  }
0x57: {  	[tilespmem:s7], [sflag:$0x1] =	stream.indirect.gather [hbm4b:s4+s30], $0x40, s30, s30, $0xb8;
	[tilespmem:$0x1CA20] =	vst v63  }
0x58: {  	s26 =	simm.s32 $0x140;
	p2 =	por $0x1, $0x1;
	s17 =	smul.u32 @!p0 $0xA, s17  }
0x59: {  	[tilespmem:s16], [sflag:$0x1] =	stream.indirect.gather [hbm4b:s4+s30], $0x40, s23, s30, $0xb8;
	[tilespmem:$0x1CA20] =	vst v63  }
0x5a: {  	s19 =	simm.s32 $0x1;
	s7 =	simm.s32 @!p1 $0x5;
	s16 =	sshrl.u32 s31, $0xB  }
0x5b: {  	s17 =	ssub.s32 @!p0 $0x6, s17;
	s7 =	smul.u32 @!p1 $0xCD, s7;
	s16 =	sand.u32 $0x1F, s16  }
0x5c: {  	[tilespmem:s5], [sflag:$0x1] =	stream.indirect.gather [hbm4b:s4+s30], $0x40, s24, s30, $0xb8;
	[tilespmem:$0x1CA20] =	vst v63  }
0x5d: {  	s17 =	sand.u32 @!p0 $0xFF, s17;
	s7 =	sshrl.u32 @!p1 s7, $0xB;
	s16 =	smul.u32 $0xA, s16  }
0x5e: {  	s21 =	simm.s32 @!p2 $0x2;
	s7 =	sand.u32 @!p1 $0x1F, s7;
	s24 =	smul.u32 @!p0 $0x5000, s17  }
0x5f: {  	s22 =	simm.s32 $0x2;
	s23 =	simm.s32 $0x190;
	s7 =	smul.u32 @!p1 $0xA, s7  }
0x60: {  	[tilespmem:s6], [sflag:$0x1] =	stream.indirect.gather [hbm4b:s4+s30], $0x40, s26, s30, $0xb8;
	[tilespmem:$0x1CA20] =	vst v63  }
0x61: {  	s17 =	smul.u32 $0xCD, s19;
	s16 =	ssub.s32 $0x0, s16;
	s24 =	sshrl.u32 @!p0 s24, $0x2  }
0x62: {  	s7 =	ssub.s32 @!p1 $0x5, s7;
	_ =	swait.ge @!p2 [sflag:s21], $0x1400;
	s16 =	sand.u32 $0xFF, s16  }
0x63: {  	s7 =	sand.u32 @!p1 $0xFF, s7;
	[sflag:s21] =	ssyncset.done @!p2 $0x0;
	s16 =	smul.u32 $0x5000, s16  }
0x64: {  	s7 =	smul.u32 @!p1 $0x5000, s7;
	[sflag:s21] =	ssyncadd.s32 @!p2 $0xFFFFEC00;
	s21 =	simm.s32 $0x2760  }
0x65: {  	p2 =	por $0x1, $0x1;
	_ =	swait.ge [sflag:s29], $0x1400;
	s16 =	sshrl.u32 s16, $0x2  }
0x66: {  	s7 =	sshrl.u32 @!p1 s7, $0x2;
	p1 =	por p1, p1;
	[sflag:s29] =	ssyncset.done $0x0  }
0x67: {  	s16 =	sadd.s32 $0x4E20, s16;
	p1 =	por p1, p1;
	[sflag:s29] =	ssyncadd.s32 $0xFFFFEC00  }
0x68: {  	[spmem:s2] =	stream.indirect.scatter.add.f32 [tilespmem:s16], [sflag:$0x2], $0x40, s20, s30, $0xb8;
	[tilespmem:$0x1CA20] =	vst v63  }
0x69: {  	s20 =	simm.s32 $0x1E0;
	s7 =	sadd.s32 @!p1 $0x4E20, s7;
	s16 =	simm.s32 @!p1 $0x50  }
.LBB2_2:
0x6a: {  	s26 =	simm.s32 @!p2 $0x2  }
0x6b: {  	s31 =	smov.u32 s19;
	s19 =	smov.u32 s22;
	s1 =	smov.u32 s21  }
0x6c: {  	p4 =	por p0, p0;
	p0 =	sgt.u32 s22, $0x77;
	s22 =	sadd.s32 $0x1, s22  }
0x6d: {  	[tilespmem:s7], [sflag:$0x1] =	stream.indirect.gather @!p1 [hbm4b:s4+s16], $0x40, s23, s16, $0xb8;
	[tilespmem:$0x1CA20] =	vst v63  }
0x6e: {  	s0 =	sadd.s32 @!p0 $0x5, s19;
	s7 =	sshrl.u32 s17, $0xB;
	_ =	swait.ge @!p2 [sflag:s26], $0x1400  }
0x6f: {  	s16 =	smul.u32 @!p0 $0xCD, s0;
	s7 =	sand.u32 $0x1F, s7;
	[sflag:s26] =	ssyncset.done @!p2 $0x0  }
0x70: {  	p3 =	sne.s32 s22, $0x7D;
	s7 =	smul.u32 $0xA, s7;
	[sflag:s26] =	ssyncadd.s32 @!p2 $0xFFFFEC00  }
0x71: {  	s23 =	smov.u32 s20;
	p1 =	por p4, p4;
	s16 =	sshrl.u32 @!p0 s16, $0xB  }
0x72: {  	s21 =	sadd.s32 $0x50, s21;
	s16 =	sand.u32 @!p0 $0x1F, s16;
	s7 =	ssub.s32 s31, s7  }
0x73: {  	s20 =	sadd.s32 $0x50, s20;
	s17 =	smul.u32 @!p0 $0xA, s16;
	s7 =	sand.u32 $0xFF, s7  }
0x74: {  	s16 =	simm.s32 @!p1 $0x50;
	s26 =	smul.u32 $0x5000, s7;
	s7 =	sadd.s32 @!p1 $0x4E20, s24  }
.Ltmp0:
0x75: {  	s0 =	ssub.s32 @!p0 s0, s17;
	_ =	swait.ge [sflag:s29], $0x1400;
	(pc) =	sbr.rel @p3 .LBB2_2-.Ltmp0, $4  }
0x76: {  	s0 =	sand.u32 @!p0 $0xFF, s0;
	s17 =	sshrl.u32 s26, $0x2;
	[sflag:s29] =	ssyncset.done $0x0  }
0x77: {  	s0 =	smul.u32 @!p0 $0x5000, s0;
	s17 =	sadd.s32 $0x4E20, s17;
	[sflag:s29] =	ssyncadd.s32 $0xFFFFEC00  }
0x78: {  	[spmem:s2] =	stream.indirect.scatter.add.f32 [tilespmem:s17], [sflag:$0x2], $0x40, s1, s30, $0xb8;
	[tilespmem:$0x1CA20] =	vst v63  }
0x79: {  	p2 =	slt.u32 s19, $0x5;
	s17 =	smul.u32 $0xCD, s19;
	s24 =	sshrl.u32 @!p0 s0, $0x2  }
0x7a: {  	[tilespmem:s7], [sflag:$0x1] =	stream.indirect.gather @!p1 [hbm4b:s4+s16], $0x40, s23, s16, $0xb8;
	[tilespmem:$0x1CA20] =	vst v63  }
0x7b: {  	s0 =	sshrl.u32 s17, $0xB  }
0x7c: {  	s0 =	sand.u32 $0x1F, s0  }
0x7d: {  	s0 =	smul.u32 $0xA, s0  }
0x7e: {  	s1 =	simm.s32 @!p2 $0x2  }
0x7f: {  	_ =	swait.ge @!p2 [sflag:s1], $0x1400;
	s0 =	ssub.s32 s19, s0  }
0x80: {  	[sflag:s1] =	ssyncset.done @!p2 $0x0;
	s0 =	sand.u32 $0xFF, s0  }
0x81: {  	[sflag:s1] =	ssyncadd.s32 @!p2 $0xFFFFEC00;
	s0 =	smul.u32 $0x5000, s0  }
0x82: {  	_ =	swait.ge [sflag:s29], $0x1400  }
0x83: {  	p0 =	por p0, p0;
	[sflag:s29] =	ssyncset.done $0x0;
	s0 =	sshrl.u32 s0, $0x2  }
0x84: {  	p0 =	por p0, p0;
	[sflag:s29] =	ssyncadd.s32 $0xFFFFEC00;
	s0 =	sadd.s32 $0x4E20, s0  }
0x85: {  	[spmem:s2] =	stream.indirect.scatter.add.f32 [tilespmem:s0], [sflag:$0x2], $0x40, s21, s30, $0xb8;
	[tilespmem:$0x1CA20] =	vst v63  }
0x86: {  	s1 =	simm.s32 @!p0 $0x50;
	s0 =	sadd.s32 @!p0 $0x4E20, s24  }
0x87: {  	[tilespmem:s0], [sflag:$0x1] =	stream.indirect.gather @!p0 [hbm4b:s4+s1], $0x40, s20, s1, $0xb8;
	[tilespmem:$0x1CA20] =	vst v63  }
0x88: {  	_ =	swait.ge [sflag:s28], $0x1400  }
0x89: {  	[sflag:s28] =	ssyncset.done $0x0  }
0x8a: {  	[sflag:s28] =	ssyncadd.s32 $0xFFFFEC00  }
0x8b: {  	_ =	swait.ge [sflag:s28], $0x1400  }
0x8c: {  	[sflag:s28] =	ssyncset.done $0x0  }
0x8d: {  	[sflag:s28] =	ssyncadd.s32 $0xFFFFEC00  }
0x8e: {  	_ =	swait.ge [sflag:s28], $0x1400  }
0x8f: {  	[sflag:s28] =	ssyncset.done $0x0  }
0x90: {  	[sflag:s28] =	ssyncadd.s32 $0xFFFFEC00  }
0x91: {  	_ =	swait.ge [sflag:s28], $0x1400  }
0x92: {  	[sflag:s28] =	ssyncset.done $0x0  }
0x93: {  	[sflag:s28] =	ssyncadd.s32 $0xFFFFEC00  }
0x94: {  	_ =	swait.ge [sflag:s28], $0x1400  }
0x95: {  	[sflag:s28] =	ssyncset.done $0x0  }
0x96: {  	[sflag:s28] =	ssyncadd.s32 $0xFFFFEC00  }
0x97: {  	s1 =	simm.s32 $0x4E20;
	[bflag:$0x0] =	sbarrier.arrive $0xFFFF  }
0x98: {  	[tilespmem:s1], [sflag:$0x1] =	stream.linear.gather [spmem:s8], $0x1400, $0x38;
	[tilespmem:$0x1CA20] =	vst v63  }
0x99: {  	s7 =	simm.s32 $0x6220  }
0x9a: {  	[tilespmem:s7], [sflag:$0x1] =	stream.linear.gather [spmem:s9], $0x1400, $0x38;
	[tilespmem:$0x1CA20] =	vst v63  }
0x9b: {  	s16 =	simm.s32 $0x7620  }
0x9c: {  	[tilespmem:s16], [sflag:$0x1] =	stream.linear.gather [spmem:s10], $0x1400, $0x38;
	[tilespmem:$0x1CA20] =	vst v63  }
0x9d: {  	_ = 	snop  }
0x9e: {  	[tilespmem:s5], [sflag:$0x1] =	stream.linear.gather [spmem:s11], $0x1400, $0x38;
	[tilespmem:$0x1CA20] =	vst v63  }
0x9f: {  	_ = 	snop  }
0xa0: {  	[tilespmem:s6], [sflag:$0x1] =	stream.linear.gather [spmem:s12], $0x1400, $0x38;
	[tilespmem:$0x1CA20] =	vst v63  }
0xa1: {  	s17 =	simm.s32 $0xB220  }
0xa2: {  	[tilespmem:s17], [sflag:$0x1] =	stream.linear.gather [spmem:s13], $0x1400, $0x38;
	[tilespmem:$0x1CA20] =	vst v63  }
0xa3: {  	s19 =	simm.s32 $0xC620  }
0xa4: {  	[tilespmem:s19], [sflag:$0x1] =	stream.linear.gather [spmem:s14], $0x1400, $0x38;
	[tilespmem:$0x1CA20] =	vst v63  }
0xa5: {  	s20 =	simm.s32 $0xDA20  }
0xa6: {  	[tilespmem:s20], [sflag:$0x1] =	stream.linear.gather [spmem:s15], $0x1400, $0x38;
	[tilespmem:$0x1CA20] =	vst v63  }
0xa7: {  	_ =	swait.ge [sflag:s29], $0x1400  }
0xa8: {  	[sflag:s29] =	ssyncset.done $0x0  }
0xa9: {  	s24 =	rddreg [dreg:$0x6];
	[sflag:s29] =	ssyncadd.s32 $0xFFFFEC00  }
0xaa: {  	[hbm4b:s24+s3] =	stream.linear.scatter [tilespmem:s1], [sflag:$0x2], $0x1400, $0x38;
	[tilespmem:$0x1CA20] =	vst v63  }
0xab: {  	_ =	swait.ge [sflag:s29], $0x1400  }
0xac: {  	[sflag:s29] =	ssyncset.done $0x0  }
0xad: {  	s26 =	rddreg [dreg:$0x7];
	[sflag:s29] =	ssyncadd.s32 $0xFFFFEC00  }
0xae: {  	[hbm4b:s26+s3] =	stream.linear.scatter [tilespmem:s7], [sflag:$0x2], $0x1400, $0x38;
	[tilespmem:$0x1CA20] =	vst v63  }
0xaf: {  	_ =	swait.ge [sflag:s29], $0x1400  }
0xb0: {  	[sflag:s29] =	ssyncset.done $0x0  }
0xb1: {  	s31 =	rddreg [dreg:$0x8];
	[sflag:s29] =	ssyncadd.s32 $0xFFFFEC00  }
0xb2: {  	[hbm4b:s31+s3] =	stream.linear.scatter [tilespmem:s16], [sflag:$0x2], $0x1400, $0x38;
	[tilespmem:$0x1CA20] =	vst v63  }
0xb3: {  	_ =	swait.ge [sflag:s29], $0x1400  }
0xb4: {  	[sflag:s29] =	ssyncset.done $0x0  }
0xb5: {  	s21 =	rddreg [dreg:$0x9];
	[sflag:s29] =	ssyncadd.s32 $0xFFFFEC00  }
0xb6: {  	[hbm4b:s21+s3] =	stream.linear.scatter [tilespmem:s5], [sflag:$0x2], $0x1400, $0x38;
	[tilespmem:$0x1CA20] =	vst v63  }
0xb7: {  	_ =	swait.ge [sflag:s29], $0x1400  }
0xb8: {  	[sflag:s29] =	ssyncset.done $0x0  }
0xb9: {  	s22 =	rddreg [dreg:$0xa];
	[sflag:s29] =	ssyncadd.s32 $0xFFFFEC00  }
0xba: {  	[hbm4b:s22+s3] =	stream.linear.scatter [tilespmem:s6], [sflag:$0x2], $0x1400, $0x38;
	[tilespmem:$0x1CA20] =	vst v63  }
0xbb: {  	_ =	swait.ge [sflag:s29], $0x1400  }
0xbc: {  	[sflag:s29] =	ssyncset.done $0x0  }
0xbd: {  	s23 =	rddreg [dreg:$0xb];
	[sflag:s29] =	ssyncadd.s32 $0xFFFFEC00  }
0xbe: {  	[hbm4b:s23+s3] =	stream.linear.scatter [tilespmem:s17], [sflag:$0x2], $0x1400, $0x38;
	[tilespmem:$0x1CA20] =	vst v63  }
0xbf: {  	_ =	swait.ge [sflag:s29], $0x1400  }
0xc0: {  	[sflag:s29] =	ssyncset.done $0x0  }
0xc1: {  	s24 =	rddreg [dreg:$0xc];
	[sflag:s29] =	ssyncadd.s32 $0xFFFFEC00  }
0xc2: {  	[hbm4b:s24+s3] =	stream.linear.scatter [tilespmem:s19], [sflag:$0x2], $0x1400, $0x38;
	[tilespmem:$0x1CA20] =	vst v63  }
0xc3: {  	_ =	swait.ge [sflag:s29], $0x1400  }
0xc4: {  	[sflag:s29] =	ssyncset.done $0x0  }
0xc5: {  	s26 =	rddreg [dreg:$0xd];
	[sflag:s29] =	ssyncadd.s32 $0xFFFFEC00  }
0xc6: {  	[hbm4b:s26+s3] =	stream.linear.scatter [tilespmem:s20], [sflag:$0x2], $0x1400, $0x38;
	[tilespmem:$0x1CA20] =	vst v63  }
0xc7: {  	_ =	swait.ge [sflag:s28], $0x1400  }
0xc8: {  	[sflag:s28] =	ssyncset.done $0x0  }
0xc9: {  	[sflag:s28] =	ssyncadd.s32 $0xFFFFEC00  }
0xca: {  	_ =	swait.ge [sflag:s28], $0x1400  }
0xcb: {  	[sflag:s28] =	ssyncset.done $0x0  }
0xcc: {  	[sflag:s28] =	ssyncadd.s32 $0xFFFFEC00  }
0xcd: {  	_ =	swait.ge [sflag:s28], $0x1400  }
0xce: {  	[sflag:s28] =	ssyncset.done $0x0  }
0xcf: {  	[sflag:s28] =	ssyncadd.s32 $0xFFFFEC00  }
0xd0: {  	_ =	swait.ge [sflag:s28], $0x1400  }
0xd1: {  	[sflag:s28] =	ssyncset.done $0x0  }
0xd2: {  	[sflag:s28] =	ssyncadd.s32 $0xFFFFEC00  }
0xd3: {  	_ =	swait.ge [sflag:s28], $0x1400  }
0xd4: {  	[sflag:s28] =	ssyncset.done $0x0  }
0xd5: {  	[sflag:s28] =	ssyncadd.s32 $0xFFFFEC00  }
0xd6: {  	_ =	swait.ge [sflag:s28], $0x1400  }
0xd7: {  	[sflag:s28] =	ssyncset.done $0x0  }
0xd8: {  	[sflag:s28] =	ssyncadd.s32 $0xFFFFEC00  }
0xd9: {  	_ =	swait.ge [sflag:s28], $0x1400  }
0xda: {  	[sflag:s28] =	ssyncset.done $0x0  }
0xdb: {  	[sflag:s28] =	ssyncadd.s32 $0xFFFFEC00  }
0xdc: {  	_ =	swait.ge [sflag:s28], $0x1400  }
0xdd: {  	s18 =	sadd.s32 $0x1, s18;
	s31 =	rddreg [dreg:$0xe]  }
0xde: {  	p0 =	sne.s32 s18, s31  }
.Ltmp1:
0xdf: {  	_ = 	snop;
	(pc) =	sbr.rel @p0 .LBB2_1-.Ltmp1, $3  }
0xe0: {  	_ =	sdelay $0x1  }
0xe1: {  	[sflag:s28] =	ssyncset.done $0x0  }
0xe2: {  	[sflag:s28] =	ssyncadd.s32 $0xFFFFEC00  }
0xe3: {  	_ =	sfence.sel $0x180000  }
0xe4: {  	[bflag:$0x0] =	sbarrier.arrive $0xFFFF  }
0xe5: {  	_ =	strace $0x9000004A  }
0xe6: {  	s0 =	stileid.u32;
	[bflag:$0x2] =	sbarrier.arrive $0xFFFF  }
0xe7: {  	p0 =	sne.s32 s0, $0x0;
	s0 =	rddreg [dreg:$0x2]  }
0xe8: {  	s0 =	sadd.s32 @!p0 $0x100000, s0  }
0xe9: {  	[sflag:s0] =	ssyncadd.tile.s32 @!p0 $0x1;
	_ =	shalt  }
.Lfunc_end2:
_tile_overlayer_lowered:
.L_overlay_start_2:
0xea: {  	(tag) =	ssettag $0x2  }
0xeb: {  	s0 =	rddreg [dreg:$0x0];
	s2 =	stileid.u32  }
0xec: {  	s1 =	rddreg [dreg:$0x1];
	p0 =	sne.s32 s2, $0x0  }
0xed: {  	s3 =	rddreg [dreg:$0x2];
	[bflag:$0x3] =	sbarrier.arrive $0xFFFF;
	s2 =	simm.s32 @!p0 $0x1C03  }
0xee: {  	[timem:s3], [sflag:s2] =	dma.local @!p0 [hbm:s0], s1  }
0xef: {  	s0 =	simm.s32 @!p0 $0x3  }
0xf0: {  	_ =	swait.ge @!p0 [sflag:s0], s1  }
0xf1: {  	s1 =	ssub.s32 @!p0 $0x0, s1;
	[sflag:s0] =	ssyncset.done @!p0 $0x0  }
0xf2: {  	[sflag:s0] =	ssyncadd.s32 @!p0 s1  }
0xf3: {  	[bflag:$0x3] =	sbarrier.arrive $0xFFFF  }
0xf4: {  	_ =	shalt  }

// kernel: kernel.15.cloned.1.call-start
scs
__scs_entry_jumppad:
0x0: {  	(pc) =	sbr.rel $0x88, $3  }
0x1: {  	(tag) =	ssettag $0x0;
	lr =	simm.s32 $0x1  }
0x2: {  	[smem:$0x3F87] =	sst lr;
	_ =	strace $0xD0000000  }
0x3: {  	_ = 	snop  }
0x4: {  	_ = 	snop  }
0x5: {  	_ = 	snop  }
0x6: {  	_ = 	snop  }
0x7: {  	_ = 	snop  }
__scs_overlays_trampoline_lowered:
0x8: {  	[smem:$0x3F96] =	sst s0  }
0x9: {  	[smem:$0x3F97] =	sst s1  }
0xa: {  	[smem:$0x3F98] =	sst s2  }
0xb: {  	[smem:$0x3F99] =	sst s3  }
0xc: {  	[smem:$0x3F9A] =	sst s4  }
0xd: {  	[smem:$0x3F9B] =	sst s5  }
0xe: {  	[smem:$0x3F9C] =	sst s6  }
0xf: {  	[smem:$0x3F9D] =	sst s7  }
0x10: {  	[smem:$0x3F9E] =	sst s8  }
0x11: {  	[smem:$0x3F9F] =	sst s9;
	s0 =	simm.s32 @!p0 $0x0  }
0x12: {  	s1 =	sld [smem:$0x3F85];
	s0 =	simm.s32 @p0 $0x1  }
0x13: {  	[smem:$0x3FA0] =	sst s0;
	s0 =	simm.s32 @!p1 $0x0  }
0x14: {  	s2 =	sld [smem:$0x3F84];
	s0 =	simm.s32 @p1 $0x1  }
0x15: {  	[smem:$0x3FA1] =	sst s0;
	s0 =	simm.s32 @!p2 $0x0  }
0x16: {  	s3 =	sld [smem:$0x3FDB];
	s0 =	simm.s32 @p2 $0x1  }
0x17: {  	s4 =	simm.s32 $0x1BF5;
	[smem:$0x3FA3] =	sst s0  }
0x18: {  	s0 =	sld [smem:$0x3F86];
	_ =	swait.ge [sflag:s4], $0x0  }
0x19: {  	s7 =	sld [smem:$0x3F87]  }
0x1a: {  	s8 =	sadd.s32 $0xFFFFE003, lr  }
0x1b: {  	s9 =	sadd.s32 $0xFFFFFEF7, lr;
	s5 =	simm.s32 $0xFFFFFFFF;
	p2 =	slt.u32 s8, $0xFFFFF086  }
0x1c: {  	p1 =	slt.u32 s9, $0xF7A;
	s5 =	simm.s32 @!p2 $0x0  }
0x1d: {  	s5 =	simm.s32 @p1 $0x1;
	p0 =	seq.s32 s7, s2  }
0x1e: {  	s7 =	smul.u32 @!p0 $0xF7A, s2;
	p2 =	seq.s32 @!p0 s5, $0x0  }
0x1f: {  	s9 =	smul.u32 $0xF7A, s1;
	s8 =	simm.s32 @!p0 $0x1BF5;
	p2 =	por !p2, p0  }
0x20: {  	[sflag:s8] =	ssyncset.s32 @!p0 $0xFFFFF086;
	s6 =	sadd.s32 @!p0 s3, s7;
	s7 =	simm.s32 @!p0 $0x108  }
0x21: {  	s3 =	sadd.s32 s3, s9;
	s6 =	sadd.s32 @!p0 $0x88, s6;
	s7 =	simm.s32 @p2 $0x1082  }
0x22: {  	[simem:s7], [sflag:s8] =	dma.local @!p0 [hbm:s6], $0xF7A  }
0x23: {  	s9 =	sor.u32 $0xD0000000, s2;
	s6 =	simm.s32 $0x108;
	_ =	swait.ge @!p0 [sflag:s8], $0x0  }
0x24: {  	s3 =	sadd.s32 $0x88, s3;
	s6 =	simm.s32 @!p1 $0x1082;
	[sflag:s4] =	ssyncset.s32 $0xFFFFF086  }
0x25: {  	[simem:s6], [sflag:s4] =	dma.local [hbm:s3], $0xF7A  }
0x26: {  	[smem:$0x3F87] =	sst s1;
	(tag) =	ssettag s2;
	_ =	strace s9  }
0x27: {  	s1 =	sld [smem:$0x3F97]  }
0x28: {  	s2 =	sld [smem:$0x3F98]  }
0x29: {  	s4 =	sld [smem:$0x3F9A]  }
0x2a: {  	p0 =	seq.s32 s5, $0x0;
	s5 =	sld [smem:$0x3F9B]  }
0x2b: {  	s6 =	sld [smem:$0x3F9C]  }
0x2c: {  	s7 =	sld [smem:$0x3F9D]  }
0x2d: {  	s3 =	simm.s32 $0x108;
	s8 =	sld [smem:$0x3F9E]  }
0x2e: {  	s3 =	simm.s32 @!p0 $0x1082;
	s9 =	sld [smem:$0x3F9F]  }
0x2f: {  	lr =	sadd.s32 s0, s3;
	s0 =	sld [smem:$0x3F96]  }
0x30: {  	s3 =	sld [smem:$0x3F99]  }
0x31: {  	[smem:$0x3FA2] =	sst s10  }
0x32: {  	s10 =	sld [smem:$0x3FA0];
	_ =	sdelay $0x3  }
0x33: {  	p0 =	seq.s32 s10, $0x1;
	s10 =	sld [smem:$0x3FA2];
	_ =	sdelay $0x3  }
0x34: {  	[smem:$0x3FA2] =	sst s10  }
0x35: {  	s10 =	sld [smem:$0x3FA1];
	_ =	sdelay $0x3  }
0x36: {  	p1 =	seq.s32 s10, $0x1;
	s10 =	sld [smem:$0x3FA2];
	_ =	sdelay $0x3  }
0x37: {  	[smem:$0x3FA2] =	sst s10  }
0x38: {  	s10 =	sld [smem:$0x3FA3]  }
0x39: {  	_ = 	snop;
	(pc) =	sbr.ind lr, $3  }
0x3a: {  	_ = 	snop  }
0x3b: {  	_ = 	snop  }
0x3c: {  	p2 =	seq.s32 s10, $0x1;
	s10 =	sld [smem:$0x3FA2]  }
0x3d: {  	_ =	shalt  }
0x3e: {  	_ =	shalt  }
0x3f: {  	_ =	shalt  }
0x40: {  	_ =	shalt  }
0x41: {  	_ =	shalt  }
0x42: {  	_ =	shalt  }
0x43: {  	_ =	shalt  }
0x44: {  	_ =	shalt  }
0x45: {  	_ =	shalt  }
0x46: {  	_ =	shalt  }
0x47: {  	_ =	shalt  }
0x48: {  	_ =	shalt  }
0x49: {  	_ =	shalt  }
0x4a: {  	_ =	shalt  }
0x4b: {  	_ =	shalt  }
0x4c: {  	_ =	shalt  }
0x4d: {  	_ =	shalt  }
0x4e: {  	_ =	shalt  }
0x4f: {  	_ =	shalt  }
0x50: {  	_ =	shalt  }
0x51: {  	_ =	shalt  }
0x52: {  	_ =	shalt  }
0x53: {  	_ =	shalt  }
0x54: {  	_ =	shalt  }
0x55: {  	_ =	shalt  }
0x56: {  	_ =	shalt  }
0x57: {  	_ =	shalt  }
0x58: {  	_ =	shalt  }
0x59: {  	_ =	shalt  }
0x5a: {  	_ =	shalt  }
0x5b: {  	_ =	shalt  }
0x5c: {  	_ =	shalt  }
0x5d: {  	_ =	shalt  }
0x5e: {  	_ =	shalt  }
0x5f: {  	_ =	shalt  }
0x60: {  	_ =	shalt  }
0x61: {  	_ =	shalt  }
0x62: {  	_ =	shalt  }
0x63: {  	_ =	shalt  }
0x64: {  	_ =	shalt  }
0x65: {  	_ =	shalt  }
0x66: {  	_ =	shalt  }
0x67: {  	_ =	shalt  }
0x68: {  	_ =	shalt  }
0x69: {  	_ =	shalt  }
0x6a: {  	_ =	shalt  }
0x6b: {  	_ =	shalt  }
0x6c: {  	_ =	shalt  }
0x6d: {  	_ =	shalt  }
0x6e: {  	_ =	shalt  }
0x6f: {  	_ =	shalt  }
0x70: {  	_ =	shalt  }
0x71: {  	_ =	shalt  }
0x72: {  	_ =	shalt  }
0x73: {  	_ =	shalt  }
0x74: {  	_ =	shalt  }
0x75: {  	_ =	shalt  }
0x76: {  	_ =	shalt  }
0x77: {  	_ =	shalt  }
0x78: {  	_ =	shalt  }
0x79: {  	_ =	shalt  }
0x7a: {  	_ =	shalt  }
0x7b: {  	_ =	shalt  }
0x7c: {  	_ =	shalt  }
0x7d: {  	_ =	shalt  }
0x7e: {  	_ =	shalt  }
0x7f: {  	_ =	shalt  }
0x80: {  	_ =	shalt  }
0x81: {  	_ =	shalt  }
0x82: {  	_ =	shalt  }
0x83: {  	_ =	shalt  }
0x84: {  	_ =	shalt  }
0x85: {  	_ =	shalt  }
0x86: {  	_ =	shalt  }
0x87: {  	_ =	shalt  }
.Lfunc_end0:
.L_simem_size_0:
called_computation.2_lowered:
.L_overlay_start_0:
0x88: {  	s2 =	sld [smem:$0x3FD9]  }
0x89: {  	s3 =	sld [smem:$0x3FFE];
	_ =	sdelay $0x1  }
0x8a: {  	s1 =	srdreg.scid  }
0x8b: {  	s0 =	sand.u32 $0x1, s1  }
0x8c: {  	s16 =	sshll.u32 s0, $0xA;
	s2 =	sadd.s32 s3, s2  }
0x8d: {  	s2 =	sadd.s32 s2, s16  }
0x8e: {  	[smem:$0x3FAE] =	sst s2  }
0x8f: {  	_ = 	snop  }
0x90: {  	(tm) =	ssettm $0x1  }
0x91: {  	s17 =	sld [smem:$0x3FFB];
	_ =	sdelay $0x3  }
0x92: {  	_ =	strace s17  }
0x93: {  	s2 =	sld [smem:$0x3FFC];
	_ =	sdelay $0x3  }
0x94: {  	_ =	strace s2  }
0x95: {  	s2 =	sld [smem:$0x3FFD];
	_ =	sdelay $0x3  }
0x96: {  	_ =	strace s2  }
0x97: {  	_ =	strace $0x8FFFFFFF  }
0x98: {  	s18 =	sld [smem:$0x3FDB];
	_ =	sdelay $0x1  }
0x99: {  	s19 =	simm.s32 $_scs_section_size  }
0x9a: {  	s4 =	simm.s32 $_size__tile_overlayer_lowered;
	s5 =	simm.s32 $_tile_overlayer_lowered  }
0x9b: {  	s22 =	simm.s32 $0x1BFF;
	s21 =	sshll.u32 s5, $0x1;
	s2 =	sadd.s32 s19, s18  }
0x9c: {  	s6 =	simm.s32 $0x0;
	s20 =	sshll.u32 s4, $0x1;
	s4 =	sadd.s32 s21, s2  }
0x9d: {  	[timem:s6], [sflag:s22] =	dma.local [hbm:s4], s20  }
0x9e: {  	_ =	swait.ge [sflag:s22], s20  }
0x9f: {  	s3 =	ssub.s32 $0x0, s20;
	[sflag:s22] =	ssyncset.done $0x0  }
0xa0: {  	[sflag:s22] =	ssyncadd.s32 s3;
	_ =	sdelay $0x1  }
0xa1: {  	s23 =	simm.s32 $0x1B8B  }
0xa2: {  	_ =	swait.ge [sflag:s23], $0x1  }
0xa3: {  	[sflag:s23] =	ssyncset.done $0x0  }
0xa4: {  	s25 =	simm.s32 $0x1B8E;
	s24 =	sld [smem:$0x3FFE];
	[sflag:s23] =	ssyncadd.s32 $0xFFFFFFFF  }
0xa5: {  	s26 =	simm.s32 $execute0_lowered;
	[smem:$0x3FD2] =	sst s25  }
0xa6: {  	s4 =	sshll.u32 s26, $0x1;
	_ =	strace $0x8000004C;
	[dreg:$0x1] =	wrdreg $0xFFFFFFFF  }
0xa7: {  	s28 =	simm.s32 $_size_execute0_lowered;
	s2 =	sadd.s32 s2, s4;
	[dreg:$0x0] =	wrdreg $0x0  }
0xa8: {  	s4 =	sshll.u32 s28, $0x1;
	[dreg:$0x2] =	wrdreg s2  }
0xa9: {  	[dreg:$0x3] =	wrdreg s4  }
0xaa: {  	[dreg:$0x4] =	wrdreg $0xC0  }
0xab: {  	_ =	task [dreg:s6], $0x5FFFF  }
0xac: {  	[dreg:$0x1] =	wrdreg $0xFFFFFFFF  }
0xad: {  	[dreg:$0x0] =	wrdreg $0x60  }
0xae: {  	[dreg:$0x2] =	wrdreg s24  }
0xaf: {  	[dreg:$0x3] =	wrdreg $0x12A200  }
0xb0: {  	[dreg:$0x4] =	wrdreg $0x9  }
0xb1: {  	_ =	task.clear_ibuf [dreg:s6], $0x5FFFF;
	_ =	strace $0x9000004C  }
0xb2: {  	s29 =	simm.s32 $0x9;
	_ =	strace $0x8000004E  }
0xb3: {  	_ =	swait.ge [sflag:s29], $0x1  }
0xb4: {  	[sflag:s29] =	ssyncadd.s32 $0xFFFFFFFF  }
0xb5: {  	_ =	strace $0x9000004E  }
0xb6: {  	_ =	sfence  }
0xb7: {  	s30 =	sld [smem:$0x0];
	_ =	sdelay $0x2  }
0xb8: {  	s31 =	sshll.u32 s1, $0xD;
	s1 =	sshrl.u32 s1, $0x2  }
0xb9: {  	s3 =	sand.u32 $0x4000, s31;
	s1 =	sadd.s32 s1, s30  }
0xba: {  	s0 =	sor.u32 s3, s0;
	s1 =	sshll.u32 s1, $0x11  }
0xbb: {  	s0 =	sor.u32 s1, s0  }
0xbc: {  	s0 =	sadd.s32 $0x8F2B, s0  }
0xbd: {  	[sflag:s0] =	ssyncadd.remote.s32 $0x1  }
0xbe: {  	_ =	sfence.sel $0xFFFF  }
0xbf: {  	[dreg:$0x0] =	wrdreg $0xFFFFFFFF;
	(pc) =	sbr.abs _section_cstart, $3  }
0xc0: {  	[dreg:$0x1] =	wrdreg $0xFFFFFFFF  }
0xc1: {  	_ =	task.clear_ibuf [dreg:s6], $0x2FFFF;
	_ =	strace $0x9FFFFFFF  }
0xc2: {  	(tm) =	ssettm $0x7FFFFFFF  }
0xc3: {  	_ =	shalt  }
tec
execute0_lowered:
.L_overlay_start_1:
0x0: {  	(tag) =	ssettag $0x1  }
0x1: {  	s0 =	rddreg [dreg:$0x0]  }
0x2: {  	s1 =	srdreg.scid;
	s8 =	stileid.u32  }
0x3: {  	s2 =	rddreg [dreg:$0x1];
	s3 =	simm.s32 $0x0;
	s28 =	simm.s32 $0x2  }
0x4: {  	s29 =	simm.s32 $0x1;
	s30 =	simm.s32 $0x50;
	s1 =	sand.u32 $0x1, s1  }
0x5: {  	s4 =	sshll.u32 s8, $0x1;
	[smem:$0x7FF] =	sst s3;
	s15 =	smul.u32 $0xA000, s8  }
0x6: {  	s24 =	sadd.s32 $0x2B600, s0;
	s4 =	sor.u32 s1, s4;
	_ =	strace $0x8000004D  }
0x7: {  	s6 =	ssub.s32 $0x2, s1;
	[dreg:$0x3] =	wrdreg s24;
	s1 =	smul.u32 $0xA0000, s1  }
0x8: {  	s5 =	smul.u32 $0x4E2, s4;
	s4 =	sadd.s32 $0x17600, s0;
	s7 =	sshrl.u32 s6, $0x1  }
0x9: {  	s8 =	sadd.s32 s15, s2;
	s26 =	sor.u32 $0x1400, s15;
	s31 =	sadd.s32 $0x2800, s15  }
0xa: {  	s16 =	sadd.s32 $0x3C00, s15;
	s17 =	sadd.s32 $0x5000, s15;
	s18 =	sadd.s32 $0x6400, s15  }
0xb: {  	s19 =	sadd.s32 $0x7800, s15;
	s6 =	ssub.s32 s6, s7;
	s9 =	sadd.s32 s26, s2  }
0xc: {  	s10 =	sadd.s32 s31, s2;
	s11 =	sadd.s32 s16, s2;
	s12 =	sadd.s32 s17, s2  }
0xd: {  	s13 =	sadd.s32 s18, s2;
	s14 =	sadd.s32 s19, s2;
	s20 =	sadd.s32 s15, s1  }
0xe: {  	s15 =	sadd.s32 $0x8C00, s15;
	s7 =	sadd.s32 s1, s31;
	s16 =	sadd.s32 s1, s16  }
0xf: {  	s17 =	sadd.s32 s1, s17;
	s18 =	sadd.s32 s1, s18;
	s19 =	sadd.s32 s1, s19  }
0x10: {  	s5 =	sadd.s32 s5, s0;
	s0 =	sadd.s32 $0x2BA00, s0;
	s20 =	sshrl.u32 s20, $0x3  }
0x11: {  	s7 =	sshrl.u32 s7, $0x3;
	s21 =	sshrl.u32 s17, $0x3;
	s24 =	sshrl.u32 s18, $0x3  }
0x12: {  	s31 =	smax.u32 s6, $0x1;
	s6 =	simm.s32 $0x9E20;
	s18 =	simm.s32 $0x0  }
0x13: {  	s25 =	sadd.s32 $0xD800, s5;
	s5 =	sadd.s32 $0x3A00, s5;
	[dreg:$0xe] =	wrdreg s31  }
0x14: {  	s20 =	sadd.s32 s0, s20;
	s23 =	sadd.s32 s0, s21;
	[dreg:$0x4] =	wrdreg s25  }
0x15: {  	[dreg:$0x5] =	wrdreg s5;
	s5 =	sadd.s32 s1, s26;
	s1 =	sadd.s32 s1, s15  }
0x16: {  	s15 =	sadd.s32 s15, s2;
	[dreg:$0x6] =	wrdreg s20;
	s20 =	sshrl.u32 s16, $0x3  }
0x17: {  	[dreg:$0xa] =	wrdreg s23;
	s25 =	sshrl.u32 s19, $0x3;
	s22 =	sadd.s32 s0, s20  }
0x18: {  	s5 =	sshrl.u32 s5, $0x3;
	s26 =	sadd.s32 s0, s25;
	[dreg:$0x9] =	wrdreg s22  }
0x19: {  	s16 =	simm.s32 $0x7620;
	s5 =	sadd.s32 s0, s5;
	[dreg:$0xc] =	wrdreg s26  }
0x1a: {  	s1 =	sshrl.u32 s1, $0x3;
	[dreg:$0x7] =	wrdreg s5;
	s5 =	sadd.s32 s0, s7  }
0x1b: {  	s25 =	simm.s32 $0x11620;
	[dreg:$0x8] =	wrdreg s5;
	s5 =	sadd.s32 s0, s24  }
0x1c: {  	s7 =	simm.s32 $0x6220;
	s0 =	sadd.s32 s0, s1;
	[dreg:$0xb] =	wrdreg s5  }
0x1d: {  	s1 =	simm.s32 $0x4E20;
	[dreg:$0xd] =	wrdreg s0;
	s5 =	simm.s32 $0x8A20  }
.LBB2_1:
0x1e: {  	s0 =	rddreg [dreg:$0x4]  }
0x1f: {  	[tilespmem:s3], [sflag:$0x2] =	stream.linear.gather [hbm4b:s0+s3], $0x2710, $0x38;
	[tilespmem:$0x1CA20] =	vst v63  }
0x20: {  	s20 =	simm.s32 $0x2710;
	s19 =	rddreg [dreg:$0x5]  }
0x21: {  	[tilespmem:s20], [sflag:$0x2] =	stream.linear.gather [hbm4b:s19+s3], $0x2710, $0x38;
	[tilespmem:$0x1CA20] =	vst v63  }
0x22: {  	s21 =	rddreg [dreg:$0x3];
	s22 =	simm.s32 $0x3  }
0x23: {  	[tilespmem:s25], [sflag:$0x3] =	stream.linear.gather [hbm4b:s21+s3], $0x1400, $0x38;
	[tilespmem:$0x1CA20] =	vst v63  }
0x24: {  	_ =	swait.ge [sflag:s22], $0x1400  }
0x25: {  	[sflag:s22] =	ssyncset.done $0x0  }
0x26: {  	[sflag:s22] =	ssyncadd.s32 $0xFFFFEC00  }
0x27: {  	[spmem:s8] =	stream.linear.scatter [tilespmem:s25], [sflag:$0x1], $0x1400, $0x38;
	[tilespmem:$0x1CA20] =	vst v63  }
0x28: {  	_ = 	snop  }
0x29: {  	[spmem:s9] =	stream.linear.scatter [tilespmem:s25], [sflag:$0x1], $0x1400, $0x38;
	[tilespmem:$0x1CA20] =	vst v63  }
0x2a: {  	_ = 	snop  }
0x2b: {  	[spmem:s10] =	stream.linear.scatter [tilespmem:s25], [sflag:$0x1], $0x1400, $0x38;
	[tilespmem:$0x1CA20] =	vst v63  }
0x2c: {  	_ = 	snop  }
0x2d: {  	[spmem:s11] =	stream.linear.scatter [tilespmem:s25], [sflag:$0x1], $0x1400, $0x38;
	[tilespmem:$0x1CA20] =	vst v63  }
0x2e: {  	_ = 	snop  }
0x2f: {  	[spmem:s12] =	stream.linear.scatter [tilespmem:s25], [sflag:$0x1], $0x1400, $0x38;
	[tilespmem:$0x1CA20] =	vst v63  }
0x30: {  	_ = 	snop  }
0x31: {  	[spmem:s13] =	stream.linear.scatter [tilespmem:s25], [sflag:$0x1], $0x1400, $0x38;
	[tilespmem:$0x1CA20] =	vst v63  }
0x32: {  	_ = 	snop  }
0x33: {  	[spmem:s14] =	stream.linear.scatter [tilespmem:s25], [sflag:$0x1], $0x1400, $0x38;
	[tilespmem:$0x1CA20] =	vst v63  }
0x34: {  	_ = 	snop  }
0x35: {  	[spmem:s15] =	stream.linear.scatter [tilespmem:s25], [sflag:$0x1], $0x1400, $0x38;
	[tilespmem:$0x1CA20] =	vst v63  }
0x36: {  	_ =	swait.ge [sflag:s28], $0x2710  }
0x37: {  	[sflag:s28] =	ssyncset.done $0x0  }
0x38: {  	[sflag:s28] =	ssyncadd.s32 $0xFFFFD8F0  }
0x39: {  	_ =	swait.ge [sflag:s28], $0x2710  }
0x3a: {  	[sflag:s28] =	ssyncset.done $0x0  }
0x3b: {  	[sflag:s28] =	ssyncadd.s32 $0xFFFFD8F0  }
0x3c: {  	_ =	swait.ge [sflag:s29], $0x1400  }
0x3d: {  	[sflag:s29] =	ssyncset.done $0x0  }
0x3e: {  	[sflag:s29] =	ssyncadd.s32 $0xFFFFEC00  }
0x3f: {  	_ =	swait.ge [sflag:s29], $0x1400  }
0x40: {  	[sflag:s29] =	ssyncset.done $0x0  }
0x41: {  	[sflag:s29] =	ssyncadd.s32 $0xFFFFEC00  }
0x42: {  	_ =	swait.ge [sflag:s29], $0x1400  }
0x43: {  	[sflag:s29] =	ssyncset.done $0x0  }
0x44: {  	[sflag:s29] =	ssyncadd.s32 $0xFFFFEC00  }
0x45: {  	_ =	swait.ge [sflag:s29], $0x1400  }
0x46: {  	[sflag:s29] =	ssyncset.done $0x0  }
0x47: {  	[sflag:s29] =	ssyncadd.s32 $0xFFFFEC00  }
0x48: {  	_ =	swait.ge [sflag:s29], $0x1400  }
0x49: {  	[sflag:s29] =	ssyncset.done $0x0  }
0x4a: {  	[sflag:s29] =	ssyncadd.s32 $0xFFFFEC00  }
0x4b: {  	_ =	swait.ge [sflag:s29], $0x1400  }
0x4c: {  	[sflag:s29] =	ssyncset.done $0x0  }
0x4d: {  	[sflag:s29] =	ssyncadd.s32 $0xFFFFEC00  }
0x4e: {  	_ =	swait.ge [sflag:s29], $0x1400  }
0x4f: {  	[sflag:s29] =	ssyncset.done $0x0  }
0x50: {  	p0 =	por $0x0, $0x0;
	[sflag:s29] =	ssyncadd.s32 $0xFFFFEC00  }
0x51: {  	s17 =	simm.s32 @!p0 $0x6;
	_ =	swait.ge [sflag:s29], $0x1400  }
0x52: {  	s17 =	smul.u32 @!p0 $0xCD, s17;
	[sflag:s29] =	ssyncset.done $0x0  }
0x53: {  	s23 =	simm.s32 $0xA0;
	[sflag:s29] =	ssyncadd.s32 $0xFFFFEC00  }
0x54: {  	p1 =	por $0x0, $0x0;
	s17 =	sshrl.u32 @!p0 s17, $0xB;
	[bflag:$0x0] =	sbarrier.arrive $0xFFFF  }
0x55: {  	[tilespmem:s1], [sflag:$0x1] =	stream.indirect.gather [hbm4b:s4+s30], $0x40, s3, s30, $0xb8;
	[tilespmem:$0x1CA20] =	vst v63  }
0x56: {  	s24 =	simm.s32 $0xF0;
	s31 =	smul.u32 $0xCD, s3;
	s17 =	sand.u32 @!p0 $0x1F, s17  }
0x57: {  	[tilespmem:s7], [sflag:$0x1] =	stream.indirect.gather [hbm4b:s4+s30], $0x40, s30, s30, $0xb8;
	[tilespmem:$0x1CA20] =	vst v63  }
0x58: {  	s26 =	simm.s32 $0x140;
	p2 =	por $0x1, $0x1;
	s17 =	smul.u32 @!p0 $0xA, s17  }
0x59: {  	[tilespmem:s16], [sflag:$0x1] =	stream.indirect.gather [hbm4b:s4+s30], $0x40, s23, s30, $0xb8;
	[tilespmem:$0x1CA20] =	vst v63  }
0x5a: {  	s19 =	simm.s32 $0x1;
	s7 =	simm.s32 @!p1 $0x5;
	s16 =	sshrl.u32 s31, $0xB  }
0x5b: {  	s17 =	ssub.s32 @!p0 $0x6, s17;
	s7 =	smul.u32 @!p1 $0xCD, s7;
	s16 =	sand.u32 $0x1F, s16  }
0x5c: {  	[tilespmem:s5], [sflag:$0x1] =	stream.indirect.gather [hbm4b:s4+s30], $0x40, s24, s30, $0xb8;
	[tilespmem:$0x1CA20] =	vst v63  }
0x5d: {  	s17 =	sand.u32 @!p0 $0xFF, s17;
	s7 =	sshrl.u32 @!p1 s7, $0xB;
	s16 =	smul.u32 $0xA, s16  }
0x5e: {  	s21 =	simm.s32 @!p2 $0x2;
	s7 =	sand.u32 @!p1 $0x1F, s7;
	s24 =	smul.u32 @!p0 $0x5000, s17  }
0x5f: {  	s22 =	simm.s32 $0x2;
	s23 =	simm.s32 $0x190;
	s7 =	smul.u32 @!p1 $0xA, s7  }
0x60: {  	[tilespmem:s6], [sflag:$0x1] =	stream.indirect.gather [hbm4b:s4+s30], $0x40, s26, s30, $0xb8;
	[tilespmem:$0x1CA20] =	vst v63  }
0x61: {  	s17 =	smul.u32 $0xCD, s19;
	s16 =	ssub.s32 $0x0, s16;
	s24 =	sshrl.u32 @!p0 s24, $0x2  }
0x62: {  	s7 =	ssub.s32 @!p1 $0x5, s7;
	_ =	swait.ge @!p2 [sflag:s21], $0x1400;
	s16 =	sand.u32 $0xFF, s16  }
0x63: {  	s7 =	sand.u32 @!p1 $0xFF, s7;
	[sflag:s21] =	ssyncset.done @!p2 $0x0;
	s16 =	smul.u32 $0x5000, s16  }
0x64: {  	s7 =	smul.u32 @!p1 $0x5000, s7;
	[sflag:s21] =	ssyncadd.s32 @!p2 $0xFFFFEC00;
	s21 =	simm.s32 $0x2760  }
0x65: {  	p2 =	por $0x1, $0x1;
	_ =	swait.ge [sflag:s29], $0x1400;
	s16 =	sshrl.u32 s16, $0x2  }
0x66: {  	s7 =	sshrl.u32 @!p1 s7, $0x2;
	p1 =	por p1, p1;
	[sflag:s29] =	ssyncset.done $0x0  }
0x67: {  	s16 =	sadd.s32 $0x4E20, s16;
	p1 =	por p1, p1;
	[sflag:s29] =	ssyncadd.s32 $0xFFFFEC00  }
0x68: {  	[spmem:s2] =	stream.indirect.scatter.add.f32 [tilespmem:s16], [sflag:$0x2], $0x40, s20, s30, $0xb8;
	[tilespmem:$0x1CA20] =	vst v63  }
0x69: {  	s20 =	simm.s32 $0x1E0;
	s7 =	sadd.s32 @!p1 $0x4E20, s7;
	s16 =	simm.s32 @!p1 $0x50  }
.LBB2_2:
0x6a: {  	s26 =	simm.s32 @!p2 $0x2  }
0x6b: {  	s31 =	smov.u32 s19;
	s19 =	smov.u32 s22;
	s1 =	smov.u32 s21  }
0x6c: {  	p4 =	por p0, p0;
	p0 =	sgt.u32 s22, $0x77;
	s22 =	sadd.s32 $0x1, s22  }
0x6d: {  	[tilespmem:s7], [sflag:$0x1] =	stream.indirect.gather @!p1 [hbm4b:s4+s16], $0x40, s23, s16, $0xb8;
	[tilespmem:$0x1CA20] =	vst v63  }
0x6e: {  	s0 =	sadd.s32 @!p0 $0x5, s19;
	s7 =	sshrl.u32 s17, $0xB;
	_ =	swait.ge @!p2 [sflag:s26], $0x1400  }
0x6f: {  	s16 =	smul.u32 @!p0 $0xCD, s0;
	s7 =	sand.u32 $0x1F, s7;
	[sflag:s26] =	ssyncset.done @!p2 $0x0  }
0x70: {  	p3 =	sne.s32 s22, $0x7D;
	s7 =	smul.u32 $0xA, s7;
	[sflag:s26] =	ssyncadd.s32 @!p2 $0xFFFFEC00  }
0x71: {  	s23 =	smov.u32 s20;
	p1 =	por p4, p4;
	s16 =	sshrl.u32 @!p0 s16, $0xB  }
0x72: {  	s21 =	sadd.s32 $0x50, s21;
	s16 =	sand.u32 @!p0 $0x1F, s16;
	s7 =	ssub.s32 s31, s7  }
0x73: {  	s20 =	sadd.s32 $0x50, s20;
	s17 =	smul.u32 @!p0 $0xA, s16;
	s7 =	sand.u32 $0xFF, s7  }
0x74: {  	s16 =	simm.s32 @!p1 $0x50;
	s26 =	smul.u32 $0x5000, s7;
	s7 =	sadd.s32 @!p1 $0x4E20, s24  }
.Ltmp0:
0x75: {  	s0 =	ssub.s32 @!p0 s0, s17;
	_ =	swait.ge [sflag:s29], $0x1400;
	(pc) =	sbr.rel @p3 .LBB2_2-.Ltmp0, $4  }
0x76: {  	s0 =	sand.u32 @!p0 $0xFF, s0;
	s17 =	sshrl.u32 s26, $0x2;
	[sflag:s29] =	ssyncset.done $0x0  }
0x77: {  	s0 =	smul.u32 @!p0 $0x5000, s0;
	s17 =	sadd.s32 $0x4E20, s17;
	[sflag:s29] =	ssyncadd.s32 $0xFFFFEC00  }
0x78: {  	[spmem:s2] =	stream.indirect.scatter.add.f32 [tilespmem:s17], [sflag:$0x2], $0x40, s1, s30, $0xb8;
	[tilespmem:$0x1CA20] =	vst v63  }
0x79: {  	p2 =	slt.u32 s19, $0x5;
	s17 =	smul.u32 $0xCD, s19;
	s24 =	sshrl.u32 @!p0 s0, $0x2  }
0x7a: {  	[tilespmem:s7], [sflag:$0x1] =	stream.indirect.gather @!p1 [hbm4b:s4+s16], $0x40, s23, s16, $0xb8;
	[tilespmem:$0x1CA20] =	vst v63  }
0x7b: {  	s0 =	sshrl.u32 s17, $0xB  }
0x7c: {  	s0 =	sand.u32 $0x1F, s0  }
0x7d: {  	s0 =	smul.u32 $0xA, s0  }
0x7e: {  	s1 =	simm.s32 @!p2 $0x2  }
0x7f: {  	_ =	swait.ge @!p2 [sflag:s1], $0x1400;
	s0 =	ssub.s32 s19, s0  }
0x80: {  	[sflag:s1] =	ssyncset.done @!p2 $0x0;
	s0 =	sand.u32 $0xFF, s0  }
0x81: {  	[sflag:s1] =	ssyncadd.s32 @!p2 $0xFFFFEC00;
	s0 =	smul.u32 $0x5000, s0  }
0x82: {  	_ =	swait.ge [sflag:s29], $0x1400  }
0x83: {  	p0 =	por p0, p0;
	[sflag:s29] =	ssyncset.done $0x0;
	s0 =	sshrl.u32 s0, $0x2  }
0x84: {  	p0 =	por p0, p0;
	[sflag:s29] =	ssyncadd.s32 $0xFFFFEC00;
	s0 =	sadd.s32 $0x4E20, s0  }
0x85: {  	[spmem:s2] =	stream.indirect.scatter.add.f32 [tilespmem:s0], [sflag:$0x2], $0x40, s21, s30, $0xb8;
	[tilespmem:$0x1CA20] =	vst v63  }
0x86: {  	s1 =	simm.s32 @!p0 $0x50;
	s0 =	sadd.s32 @!p0 $0x4E20, s24  }
0x87: {  	[tilespmem:s0], [sflag:$0x1] =	stream.indirect.gather @!p0 [hbm4b:s4+s1], $0x40, s20, s1, $0xb8;
	[tilespmem:$0x1CA20] =	vst v63  }
0x88: {  	_ =	swait.ge [sflag:s28], $0x1400  }
0x89: {  	[sflag:s28] =	ssyncset.done $0x0  }
0x8a: {  	[sflag:s28] =	ssyncadd.s32 $0xFFFFEC00  }
0x8b: {  	_ =	swait.ge [sflag:s28], $0x1400  }
0x8c: {  	[sflag:s28] =	ssyncset.done $0x0  }
0x8d: {  	[sflag:s28] =	ssyncadd.s32 $0xFFFFEC00  }
0x8e: {  	_ =	swait.ge [sflag:s28], $0x1400  }
0x8f: {  	[sflag:s28] =	ssyncset.done $0x0  }
0x90: {  	[sflag:s28] =	ssyncadd.s32 $0xFFFFEC00  }
0x91: {  	_ =	swait.ge [sflag:s28], $0x1400  }
0x92: {  	[sflag:s28] =	ssyncset.done $0x0  }
0x93: {  	[sflag:s28] =	ssyncadd.s32 $0xFFFFEC00  }
0x94: {  	_ =	swait.ge [sflag:s28], $0x1400  }
0x95: {  	[sflag:s28] =	ssyncset.done $0x0  }
0x96: {  	[sflag:s28] =	ssyncadd.s32 $0xFFFFEC00  }
0x97: {  	s1 =	simm.s32 $0x4E20;
	[bflag:$0x0] =	sbarrier.arrive $0xFFFF  }
0x98: {  	[tilespmem:s1], [sflag:$0x1] =	stream.linear.gather [spmem:s8], $0x1400, $0x38;
	[tilespmem:$0x1CA20] =	vst v63  }
0x99: {  	s7 =	simm.s32 $0x6220  }
0x9a: {  	[tilespmem:s7], [sflag:$0x1] =	stream.linear.gather [spmem:s9], $0x1400, $0x38;
	[tilespmem:$0x1CA20] =	vst v63  }
0x9b: {  	s16 =	simm.s32 $0x7620  }
0x9c: {  	[tilespmem:s16], [sflag:$0x1] =	stream.linear.gather [spmem:s10], $0x1400, $0x38;
	[tilespmem:$0x1CA20] =	vst v63  }
0x9d: {  	_ = 	snop  }
0x9e: {  	[tilespmem:s5], [sflag:$0x1] =	stream.linear.gather [spmem:s11], $0x1400, $0x38;
	[tilespmem:$0x1CA20] =	vst v63  }
0x9f: {  	_ = 	snop  }
0xa0: {  	[tilespmem:s6], [sflag:$0x1] =	stream.linear.gather [spmem:s12], $0x1400, $0x38;
	[tilespmem:$0x1CA20] =	vst v63  }
0xa1: {  	s17 =	simm.s32 $0xB220  }
0xa2: {  	[tilespmem:s17], [sflag:$0x1] =	stream.linear.gather [spmem:s13], $0x1400, $0x38;
	[tilespmem:$0x1CA20] =	vst v63  }
0xa3: {  	s19 =	simm.s32 $0xC620  }
0xa4: {  	[tilespmem:s19], [sflag:$0x1] =	stream.linear.gather [spmem:s14], $0x1400, $0x38;
	[tilespmem:$0x1CA20] =	vst v63  }
0xa5: {  	s20 =	simm.s32 $0xDA20  }
0xa6: {  	[tilespmem:s20], [sflag:$0x1] =	stream.linear.gather [spmem:s15], $0x1400, $0x38;
	[tilespmem:$0x1CA20] =	vst v63  }
0xa7: {  	_ =	swait.ge [sflag:s29], $0x1400  }
0xa8: {  	[sflag:s29] =	ssyncset.done $0x0  }
0xa9: {  	s24 =	rddreg [dreg:$0x6];
	[sflag:s29] =	ssyncadd.s32 $0xFFFFEC00  }
0xaa: {  	[hbm4b:s24+s3] =	stream.linear.scatter [tilespmem:s1], [sflag:$0x2], $0x1400, $0x38;
	[tilespmem:$0x1CA20] =	vst v63  }
0xab: {  	_ =	swait.ge [sflag:s29], $0x1400  }
0xac: {  	[sflag:s29] =	ssyncset.done $0x0  }
0xad: {  	s26 =	rddreg [dreg:$0x7];
	[sflag:s29] =	ssyncadd.s32 $0xFFFFEC00  }
0xae: {  	[hbm4b:s26+s3] =	stream.linear.scatter [tilespmem:s7], [sflag:$0x2], $0x1400, $0x38;
	[tilespmem:$0x1CA20] =	vst v63  }
0xaf: {  	_ =	swait.ge [sflag:s29], $0x1400  }
0xb0: {  	[sflag:s29] =	ssyncset.done $0x0  }
0xb1: {  	s31 =	rddreg [dreg:$0x8];
	[sflag:s29] =	ssyncadd.s32 $0xFFFFEC00  }
0xb2: {  	[hbm4b:s31+s3] =	stream.linear.scatter [tilespmem:s16], [sflag:$0x2], $0x1400, $0x38;
	[tilespmem:$0x1CA20] =	vst v63  }
0xb3: {  	_ =	swait.ge [sflag:s29], $0x1400  }
0xb4: {  	[sflag:s29] =	ssyncset.done $0x0  }
0xb5: {  	s21 =	rddreg [dreg:$0x9];
	[sflag:s29] =	ssyncadd.s32 $0xFFFFEC00  }
0xb6: {  	[hbm4b:s21+s3] =	stream.linear.scatter [tilespmem:s5], [sflag:$0x2], $0x1400, $0x38;
	[tilespmem:$0x1CA20] =	vst v63  }
0xb7: {  	_ =	swait.ge [sflag:s29], $0x1400  }
0xb8: {  	[sflag:s29] =	ssyncset.done $0x0  }
0xb9: {  	s22 =	rddreg [dreg:$0xa];
	[sflag:s29] =	ssyncadd.s32 $0xFFFFEC00  }
0xba: {  	[hbm4b:s22+s3] =	stream.linear.scatter [tilespmem:s6], [sflag:$0x2], $0x1400, $0x38;
	[tilespmem:$0x1CA20] =	vst v63  }
0xbb: {  	_ =	swait.ge [sflag:s29], $0x1400  }
0xbc: {  	[sflag:s29] =	ssyncset.done $0x0  }
0xbd: {  	s23 =	rddreg [dreg:$0xb];
	[sflag:s29] =	ssyncadd.s32 $0xFFFFEC00  }
0xbe: {  	[hbm4b:s23+s3] =	stream.linear.scatter [tilespmem:s17], [sflag:$0x2], $0x1400, $0x38;
	[tilespmem:$0x1CA20] =	vst v63  }
0xbf: {  	_ =	swait.ge [sflag:s29], $0x1400  }
0xc0: {  	[sflag:s29] =	ssyncset.done $0x0  }
0xc1: {  	s24 =	rddreg [dreg:$0xc];
	[sflag:s29] =	ssyncadd.s32 $0xFFFFEC00  }
0xc2: {  	[hbm4b:s24+s3] =	stream.linear.scatter [tilespmem:s19], [sflag:$0x2], $0x1400, $0x38;
	[tilespmem:$0x1CA20] =	vst v63  }
0xc3: {  	_ =	swait.ge [sflag:s29], $0x1400  }
0xc4: {  	[sflag:s29] =	ssyncset.done $0x0  }
0xc5: {  	s26 =	rddreg [dreg:$0xd];
	[sflag:s29] =	ssyncadd.s32 $0xFFFFEC00  }
0xc6: {  	[hbm4b:s26+s3] =	stream.linear.scatter [tilespmem:s20], [sflag:$0x2], $0x1400, $0x38;
	[tilespmem:$0x1CA20] =	vst v63  }
0xc7: {  	_ =	swait.ge [sflag:s28], $0x1400  }
0xc8: {  	[sflag:s28] =	ssyncset.done $0x0  }
0xc9: {  	[sflag:s28] =	ssyncadd.s32 $0xFFFFEC00  }
0xca: {  	_ =	swait.ge [sflag:s28], $0x1400  }
0xcb: {  	[sflag:s28] =	ssyncset.done $0x0  }
0xcc: {  	[sflag:s28] =	ssyncadd.s32 $0xFFFFEC00  }
0xcd: {  	_ =	swait.ge [sflag:s28], $0x1400  }
0xce: {  	[sflag:s28] =	ssyncset.done $0x0  }
0xcf: {  	[sflag:s28] =	ssyncadd.s32 $0xFFFFEC00  }
0xd0: {  	_ =	swait.ge [sflag:s28], $0x1400  }
0xd1: {  	[sflag:s28] =	ssyncset.done $0x0  }
0xd2: {  	[sflag:s28] =	ssyncadd.s32 $0xFFFFEC00  }
0xd3: {  	_ =	swait.ge [sflag:s28], $0x1400  }
0xd4: {  	[sflag:s28] =	ssyncset.done $0x0  }
0xd5: {  	[sflag:s28] =	ssyncadd.s32 $0xFFFFEC00  }
0xd6: {  	_ =	swait.ge [sflag:s28], $0x1400  }
0xd7: {  	[sflag:s28] =	ssyncset.done $0x0  }
0xd8: {  	[sflag:s28] =	ssyncadd.s32 $0xFFFFEC00  }
0xd9: {  	_ =	swait.ge [sflag:s28], $0x1400  }
0xda: {  	[sflag:s28] =	ssyncset.done $0x0  }
0xdb: {  	[sflag:s28] =	ssyncadd.s32 $0xFFFFEC00  }
0xdc: {  	_ =	swait.ge [sflag:s28], $0x1400  }
0xdd: {  	s18 =	sadd.s32 $0x1, s18;
	s31 =	rddreg [dreg:$0xe]  }
0xde: {  	p0 =	sne.s32 s18, s31  }
.Ltmp1:
0xdf: {  	_ = 	snop;
	(pc) =	sbr.rel @p0 .LBB2_1-.Ltmp1, $3  }
0xe0: {  	_ =	sdelay $0x1  }
0xe1: {  	[sflag:s28] =	ssyncset.done $0x0  }
0xe2: {  	[sflag:s28] =	ssyncadd.s32 $0xFFFFEC00  }
0xe3: {  	_ =	sfence.sel $0x180000  }
0xe4: {  	[bflag:$0x0] =	sbarrier.arrive $0xFFFF  }
0xe5: {  	_ =	strace $0x9000004D  }
0xe6: {  	s0 =	stileid.u32;
	[bflag:$0x2] =	sbarrier.arrive $0xFFFF  }
0xe7: {  	p0 =	sne.s32 s0, $0x0;
	s0 =	rddreg [dreg:$0x2]  }
0xe8: {  	s0 =	sadd.s32 @!p0 $0x100000, s0  }
0xe9: {  	[sflag:s0] =	ssyncadd.tile.s32 @!p0 $0x1;
	_ =	shalt  }
.Lfunc_end2:
_tile_overlayer_lowered:
.L_overlay_start_2:
0xea: {  	(tag) =	ssettag $0x2  }
0xeb: {  	s0 =	rddreg [dreg:$0x0];
	s2 =	stileid.u32  }
0xec: {  	s1 =	rddreg [dreg:$0x1];
	p0 =	sne.s32 s2, $0x0  }
0xed: {  	s3 =	rddreg [dreg:$0x2];
	[bflag:$0x3] =	sbarrier.arrive $0xFFFF;
	s2 =	simm.s32 @!p0 $0x1C03  }
0xee: {  	[timem:s3], [sflag:s2] =	dma.local @!p0 [hbm:s0], s1  }
0xef: {  	s0 =	simm.s32 @!p0 $0x3  }
0xf0: {  	_ =	swait.ge @!p0 [sflag:s0], s1  }
0xf1: {  	s1 =	ssub.s32 @!p0 $0x0, s1;
	[sflag:s0] =	ssyncset.done @!p0 $0x0  }
0xf2: {  	[sflag:s0] =	ssyncadd.s32 @!p0 s1  }
0xf3: {  	[bflag:$0x3] =	sbarrier.arrive $0xFFFF  }
0xf4: {  	_ =	shalt  }

// kernel: kernel.9.cloned.1.call-start
scs
__scs_entry_jumppad:
0x0: {  	(pc) =	sbr.rel $0x88, $3  }
0x1: {  	(tag) =	ssettag $0x0;
	lr =	simm.s32 $0x1  }
0x2: {  	[smem:$0x3F87] =	sst lr;
	_ =	strace $0xD0000000  }
0x3: {  	_ = 	snop  }
0x4: {  	_ = 	snop  }
0x5: {  	_ = 	snop  }
0x6: {  	_ = 	snop  }
0x7: {  	_ = 	snop  }
__scs_overlays_trampoline_lowered:
0x8: {  	[smem:$0x3F96] =	sst s0  }
0x9: {  	[smem:$0x3F97] =	sst s1  }
0xa: {  	[smem:$0x3F98] =	sst s2  }
0xb: {  	[smem:$0x3F99] =	sst s3  }
0xc: {  	[smem:$0x3F9A] =	sst s4  }
0xd: {  	[smem:$0x3F9B] =	sst s5  }
0xe: {  	[smem:$0x3F9C] =	sst s6  }
0xf: {  	[smem:$0x3F9D] =	sst s7  }
0x10: {  	[smem:$0x3F9E] =	sst s8  }
0x11: {  	[smem:$0x3F9F] =	sst s9;
	s0 =	simm.s32 @!p0 $0x0  }
0x12: {  	s1 =	sld [smem:$0x3F85];
	s0 =	simm.s32 @p0 $0x1  }
0x13: {  	[smem:$0x3FA0] =	sst s0;
	s0 =	simm.s32 @!p1 $0x0  }
0x14: {  	s2 =	sld [smem:$0x3F84];
	s0 =	simm.s32 @p1 $0x1  }
0x15: {  	[smem:$0x3FA1] =	sst s0;
	s0 =	simm.s32 @!p2 $0x0  }
0x16: {  	s3 =	sld [smem:$0x3FDB];
	s0 =	simm.s32 @p2 $0x1  }
0x17: {  	s4 =	simm.s32 $0x1BF5;
	[smem:$0x3FA3] =	sst s0  }
0x18: {  	s0 =	sld [smem:$0x3F86];
	_ =	swait.ge [sflag:s4], $0x0  }
0x19: {  	s7 =	sld [smem:$0x3F87]  }
0x1a: {  	s8 =	sadd.s32 $0xFFFFE003, lr  }
0x1b: {  	s9 =	sadd.s32 $0xFFFFFEF7, lr;
	s5 =	simm.s32 $0xFFFFFFFF;
	p2 =	slt.u32 s8, $0xFFFFF086  }
0x1c: {  	p1 =	slt.u32 s9, $0xF7A;
	s5 =	simm.s32 @!p2 $0x0  }
0x1d: {  	s5 =	simm.s32 @p1 $0x1;
	p0 =	seq.s32 s7, s2  }
0x1e: {  	s7 =	smul.u32 @!p0 $0xF7A, s2;
	p2 =	seq.s32 @!p0 s5, $0x0  }
0x1f: {  	s9 =	smul.u32 $0xF7A, s1;
	s8 =	simm.s32 @!p0 $0x1BF5;
	p2 =	por !p2, p0  }
0x20: {  	[sflag:s8] =	ssyncset.s32 @!p0 $0xFFFFF086;
	s6 =	sadd.s32 @!p0 s3, s7;
	s7 =	simm.s32 @!p0 $0x108  }
0x21: {  	s3 =	sadd.s32 s3, s9;
	s6 =	sadd.s32 @!p0 $0x88, s6;
	s7 =	simm.s32 @p2 $0x1082  }
0x22: {  	[simem:s7], [sflag:s8] =	dma.local @!p0 [hbm:s6], $0xF7A  }
0x23: {  	s9 =	sor.u32 $0xD0000000, s2;
	s6 =	simm.s32 $0x108;
	_ =	swait.ge @!p0 [sflag:s8], $0x0  }
0x24: {  	s3 =	sadd.s32 $0x88, s3;
	s6 =	simm.s32 @!p1 $0x1082;
	[sflag:s4] =	ssyncset.s32 $0xFFFFF086  }
0x25: {  	[simem:s6], [sflag:s4] =	dma.local [hbm:s3], $0xF7A  }
0x26: {  	[smem:$0x3F87] =	sst s1;
	(tag) =	ssettag s2;
	_ =	strace s9  }
0x27: {  	s1 =	sld [smem:$0x3F97]  }
0x28: {  	s2 =	sld [smem:$0x3F98]  }
0x29: {  	s4 =	sld [smem:$0x3F9A]  }
0x2a: {  	p0 =	seq.s32 s5, $0x0;
	s5 =	sld [smem:$0x3F9B]  }
0x2b: {  	s6 =	sld [smem:$0x3F9C]  }
0x2c: {  	s7 =	sld [smem:$0x3F9D]  }
0x2d: {  	s3 =	simm.s32 $0x108;
	s8 =	sld [smem:$0x3F9E]  }
0x2e: {  	s3 =	simm.s32 @!p0 $0x1082;
	s9 =	sld [smem:$0x3F9F]  }
0x2f: {  	lr =	sadd.s32 s0, s3;
	s0 =	sld [smem:$0x3F96]  }
0x30: {  	s3 =	sld [smem:$0x3F99]  }
0x31: {  	[smem:$0x3FA2] =	sst s10  }
0x32: {  	s10 =	sld [smem:$0x3FA0];
	_ =	sdelay $0x3  }
0x33: {  	p0 =	seq.s32 s10, $0x1;
	s10 =	sld [smem:$0x3FA2];
	_ =	sdelay $0x3  }
0x34: {  	[smem:$0x3FA2] =	sst s10  }
0x35: {  	s10 =	sld [smem:$0x3FA1];
	_ =	sdelay $0x3  }
0x36: {  	p1 =	seq.s32 s10, $0x1;
	s10 =	sld [smem:$0x3FA2];
	_ =	sdelay $0x3  }
0x37: {  	[smem:$0x3FA2] =	sst s10  }
0x38: {  	s10 =	sld [smem:$0x3FA3]  }
0x39: {  	_ = 	snop;
	(pc) =	sbr.ind lr, $3  }
0x3a: {  	_ = 	snop  }
0x3b: {  	_ = 	snop  }
0x3c: {  	p2 =	seq.s32 s10, $0x1;
	s10 =	sld [smem:$0x3FA2]  }
0x3d: {  	_ =	shalt  }
0x3e: {  	_ =	shalt  }
0x3f: {  	_ =	shalt  }
0x40: {  	_ =	shalt  }
0x41: {  	_ =	shalt  }
0x42: {  	_ =	shalt  }
0x43: {  	_ =	shalt  }
0x44: {  	_ =	shalt  }
0x45: {  	_ =	shalt  }
0x46: {  	_ =	shalt  }
0x47: {  	_ =	shalt  }
0x48: {  	_ =	shalt  }
0x49: {  	_ =	shalt  }
0x4a: {  	_ =	shalt  }
0x4b: {  	_ =	shalt  }
0x4c: {  	_ =	shalt  }
0x4d: {  	_ =	shalt  }
0x4e: {  	_ =	shalt  }
0x4f: {  	_ =	shalt  }
0x50: {  	_ =	shalt  }
0x51: {  	_ =	shalt  }
0x52: {  	_ =	shalt  }
0x53: {  	_ =	shalt  }
0x54: {  	_ =	shalt  }
0x55: {  	_ =	shalt  }
0x56: {  	_ =	shalt  }
0x57: {  	_ =	shalt  }
0x58: {  	_ =	shalt  }
0x59: {  	_ =	shalt  }
0x5a: {  	_ =	shalt  }
0x5b: {  	_ =	shalt  }
0x5c: {  	_ =	shalt  }
0x5d: {  	_ =	shalt  }
0x5e: {  	_ =	shalt  }
0x5f: {  	_ =	shalt  }
0x60: {  	_ =	shalt  }
0x61: {  	_ =	shalt  }
0x62: {  	_ =	shalt  }
0x63: {  	_ =	shalt  }
0x64: {  	_ =	shalt  }
0x65: {  	_ =	shalt  }
0x66: {  	_ =	shalt  }
0x67: {  	_ =	shalt  }
0x68: {  	_ =	shalt  }
0x69: {  	_ =	shalt  }
0x6a: {  	_ =	shalt  }
0x6b: {  	_ =	shalt  }
0x6c: {  	_ =	shalt  }
0x6d: {  	_ =	shalt  }
0x6e: {  	_ =	shalt  }
0x6f: {  	_ =	shalt  }
0x70: {  	_ =	shalt  }
0x71: {  	_ =	shalt  }
0x72: {  	_ =	shalt  }
0x73: {  	_ =	shalt  }
0x74: {  	_ =	shalt  }
0x75: {  	_ =	shalt  }
0x76: {  	_ =	shalt  }
0x77: {  	_ =	shalt  }
0x78: {  	_ =	shalt  }
0x79: {  	_ =	shalt  }
0x7a: {  	_ =	shalt  }
0x7b: {  	_ =	shalt  }
0x7c: {  	_ =	shalt  }
0x7d: {  	_ =	shalt  }
0x7e: {  	_ =	shalt  }
0x7f: {  	_ =	shalt  }
0x80: {  	_ =	shalt  }
0x81: {  	_ =	shalt  }
0x82: {  	_ =	shalt  }
0x83: {  	_ =	shalt  }
0x84: {  	_ =	shalt  }
0x85: {  	_ =	shalt  }
0x86: {  	_ =	shalt  }
0x87: {  	_ =	shalt  }
.Lfunc_end0:
.L_simem_size_0:
called_computation_lowered:
.L_overlay_start_0:
0x88: {  	s2 =	sld [smem:$0x3FD9]  }
0x89: {  	s3 =	sld [smem:$0x3FFE];
	_ =	sdelay $0x1  }
0x8a: {  	s1 =	srdreg.scid  }
0x8b: {  	s0 =	sand.u32 $0x1, s1  }
0x8c: {  	s16 =	sshll.u32 s0, $0xA;
	s2 =	sadd.s32 s3, s2  }
0x8d: {  	s2 =	sadd.s32 s2, s16  }
0x8e: {  	[smem:$0x3FAE] =	sst s2  }
0x8f: {  	_ = 	snop  }
0x90: {  	(tm) =	ssettm $0x1  }
0x91: {  	s17 =	sld [smem:$0x3FFB];
	_ =	sdelay $0x3  }
0x92: {  	_ =	strace s17  }
0x93: {  	s2 =	sld [smem:$0x3FFC];
	_ =	sdelay $0x3  }
0x94: {  	_ =	strace s2  }
0x95: {  	s2 =	sld [smem:$0x3FFD];
	_ =	sdelay $0x3  }
0x96: {  	_ =	strace s2  }
0x97: {  	_ =	strace $0x8FFFFFFF  }
0x98: {  	s18 =	sld [smem:$0x3FDB];
	_ =	sdelay $0x1  }
0x99: {  	s19 =	simm.s32 $_scs_section_size  }
0x9a: {  	s4 =	simm.s32 $_size__tile_overlayer_lowered;
	s5 =	simm.s32 $_tile_overlayer_lowered  }
0x9b: {  	s22 =	simm.s32 $0x1BFF;
	s21 =	sshll.u32 s5, $0x1;
	s2 =	sadd.s32 s19, s18  }
0x9c: {  	s6 =	simm.s32 $0x0;
	s20 =	sshll.u32 s4, $0x1;
	s4 =	sadd.s32 s21, s2  }
0x9d: {  	[timem:s6], [sflag:s22] =	dma.local [hbm:s4], s20  }
0x9e: {  	_ =	swait.ge [sflag:s22], s20  }
0x9f: {  	s3 =	ssub.s32 $0x0, s20;
	[sflag:s22] =	ssyncset.done $0x0  }
0xa0: {  	[sflag:s22] =	ssyncadd.s32 s3;
	_ =	sdelay $0x1  }
0xa1: {  	s23 =	simm.s32 $0x1B8B  }
0xa2: {  	_ =	swait.ge [sflag:s23], $0x1  }
0xa3: {  	[sflag:s23] =	ssyncset.done $0x0  }
0xa4: {  	s25 =	simm.s32 $0x1B8E;
	s24 =	sld [smem:$0x3FFE];
	[sflag:s23] =	ssyncadd.s32 $0xFFFFFFFF  }
0xa5: {  	s26 =	simm.s32 $execute0_lowered;
	[smem:$0x3FD2] =	sst s25  }
0xa6: {  	s4 =	sshll.u32 s26, $0x1;
	_ =	strace $0x80000046;
	[dreg:$0x1] =	wrdreg $0xFFFFFFFF  }
0xa7: {  	s28 =	simm.s32 $_size_execute0_lowered;
	s2 =	sadd.s32 s2, s4;
	[dreg:$0x0] =	wrdreg $0x0  }
0xa8: {  	s4 =	sshll.u32 s28, $0x1;
	[dreg:$0x2] =	wrdreg s2  }
0xa9: {  	[dreg:$0x3] =	wrdreg s4  }
0xaa: {  	[dreg:$0x4] =	wrdreg $0xC0  }
0xab: {  	_ =	task [dreg:s6], $0x5FFFF  }
0xac: {  	[dreg:$0x1] =	wrdreg $0xFFFFFFFF  }
0xad: {  	[dreg:$0x0] =	wrdreg $0x60  }
0xae: {  	[dreg:$0x2] =	wrdreg s24  }
0xaf: {  	[dreg:$0x3] =	wrdreg $0x12A200  }
0xb0: {  	[dreg:$0x4] =	wrdreg $0x9  }
0xb1: {  	_ =	task.clear_ibuf [dreg:s6], $0x5FFFF;
	_ =	strace $0x90000046  }
0xb2: {  	s29 =	simm.s32 $0x9;
	_ =	strace $0x80000048  }
0xb3: {  	_ =	swait.ge [sflag:s29], $0x1  }
0xb4: {  	[sflag:s29] =	ssyncadd.s32 $0xFFFFFFFF  }
0xb5: {  	_ =	strace $0x90000048  }
0xb6: {  	_ =	sfence  }
0xb7: {  	s30 =	sld [smem:$0x0];
	_ =	sdelay $0x2  }
0xb8: {  	s31 =	sshll.u32 s1, $0xD;
	s1 =	sshrl.u32 s1, $0x2  }
0xb9: {  	s3 =	sand.u32 $0x4000, s31;
	s1 =	sadd.s32 s1, s30  }
0xba: {  	s0 =	sor.u32 s3, s0;
	s1 =	sshll.u32 s1, $0x11  }
0xbb: {  	s0 =	sor.u32 s1, s0  }
0xbc: {  	s0 =	sadd.s32 $0x8F2B, s0  }
0xbd: {  	[sflag:s0] =	ssyncadd.remote.s32 $0x1  }
0xbe: {  	_ =	sfence.sel $0xFFFF  }
0xbf: {  	[dreg:$0x0] =	wrdreg $0xFFFFFFFF;
	(pc) =	sbr.abs _section_cstart, $3  }
0xc0: {  	[dreg:$0x1] =	wrdreg $0xFFFFFFFF  }
0xc1: {  	_ =	task.clear_ibuf [dreg:s6], $0x2FFFF;
	_ =	strace $0x9FFFFFFF  }
0xc2: {  	(tm) =	ssettm $0x7FFFFFFF  }
0xc3: {  	_ =	shalt  }
tec
execute0_lowered:
.L_overlay_start_1:
0x0: {  	(tag) =	ssettag $0x1  }
0x1: {  	s0 =	rddreg [dreg:$0x0]  }
0x2: {  	s1 =	srdreg.scid;
	s8 =	stileid.u32  }
0x3: {  	s2 =	rddreg [dreg:$0x1];
	s3 =	simm.s32 $0x0;
	s28 =	simm.s32 $0x2  }
0x4: {  	s29 =	simm.s32 $0x1;
	s30 =	simm.s32 $0x50;
	s1 =	sand.u32 $0x1, s1  }
0x5: {  	s4 =	sshll.u32 s8, $0x1;
	[smem:$0x7FF] =	sst s3;
	s15 =	smul.u32 $0xA000, s8  }
0x6: {  	s24 =	sadd.s32 $0x2B600, s0;
	s4 =	sor.u32 s1, s4;
	_ =	strace $0x80000047  }
0x7: {  	s6 =	ssub.s32 $0x2, s1;
	[dreg:$0x3] =	wrdreg s24;
	s1 =	smul.u32 $0xA0000, s1  }
0x8: {  	s5 =	smul.u32 $0x4E2, s4;
	s4 =	sadd.s32 $0x17600, s0;
	s7 =	sshrl.u32 s6, $0x1  }
0x9: {  	s8 =	sadd.s32 s15, s2;
	s26 =	sor.u32 $0x1400, s15;
	s31 =	sadd.s32 $0x2800, s15  }
0xa: {  	s16 =	sadd.s32 $0x3C00, s15;
	s17 =	sadd.s32 $0x5000, s15;
	s18 =	sadd.s32 $0x6400, s15  }
0xb: {  	s19 =	sadd.s32 $0x7800, s15;
	s6 =	ssub.s32 s6, s7;
	s9 =	sadd.s32 s26, s2  }
0xc: {  	s10 =	sadd.s32 s31, s2;
	s11 =	sadd.s32 s16, s2;
	s12 =	sadd.s32 s17, s2  }
0xd: {  	s13 =	sadd.s32 s18, s2;
	s14 =	sadd.s32 s19, s2;
	s20 =	sadd.s32 s15, s1  }
0xe: {  	s15 =	sadd.s32 $0x8C00, s15;
	s7 =	sadd.s32 s1, s31;
	s16 =	sadd.s32 s1, s16  }
0xf: {  	s17 =	sadd.s32 s1, s17;
	s18 =	sadd.s32 s1, s18;
	s19 =	sadd.s32 s1, s19  }
0x10: {  	s5 =	sadd.s32 s5, s0;
	s0 =	sadd.s32 $0x2BA00, s0;
	s20 =	sshrl.u32 s20, $0x3  }
0x11: {  	s7 =	sshrl.u32 s7, $0x3;
	s21 =	sshrl.u32 s17, $0x3;
	s24 =	sshrl.u32 s18, $0x3  }
0x12: {  	s31 =	smax.u32 s6, $0x1;
	s6 =	simm.s32 $0x9E20;
	s18 =	simm.s32 $0x0  }
0x13: {  	s25 =	sadd.s32 $0xD800, s5;
	s5 =	sadd.s32 $0x3A00, s5;
	[dreg:$0xe] =	wrdreg s31  }
0x14: {  	s20 =	sadd.s32 s0, s20;
	s23 =	sadd.s32 s0, s21;
	[dreg:$0x4] =	wrdreg s25  }
0x15: {  	[dreg:$0x5] =	wrdreg s5;
	s5 =	sadd.s32 s1, s26;
	s1 =	sadd.s32 s1, s15  }
0x16: {  	s15 =	sadd.s32 s15, s2;
	[dreg:$0x6] =	wrdreg s20;
	s20 =	sshrl.u32 s16, $0x3  }
0x17: {  	[dreg:$0xa] =	wrdreg s23;
	s25 =	sshrl.u32 s19, $0x3;
	s22 =	sadd.s32 s0, s20  }
0x18: {  	s5 =	sshrl.u32 s5, $0x3;
	s26 =	sadd.s32 s0, s25;
	[dreg:$0x9] =	wrdreg s22  }
0x19: {  	s16 =	simm.s32 $0x7620;
	s5 =	sadd.s32 s0, s5;
	[dreg:$0xc] =	wrdreg s26  }
0x1a: {  	s1 =	sshrl.u32 s1, $0x3;
	[dreg:$0x7] =	wrdreg s5;
	s5 =	sadd.s32 s0, s7  }
0x1b: {  	s25 =	simm.s32 $0x11620;
	[dreg:$0x8] =	wrdreg s5;
	s5 =	sadd.s32 s0, s24  }
0x1c: {  	s7 =	simm.s32 $0x6220;
	s0 =	sadd.s32 s0, s1;
	[dreg:$0xb] =	wrdreg s5  }
0x1d: {  	s1 =	simm.s32 $0x4E20;
	[dreg:$0xd] =	wrdreg s0;
	s5 =	simm.s32 $0x8A20  }
.LBB2_1:
0x1e: {  	s0 =	rddreg [dreg:$0x4]  }
0x1f: {  	[tilespmem:s3], [sflag:$0x2] =	stream.linear.gather [hbm4b:s0+s3], $0x2710, $0x38;
	[tilespmem:$0x1CA20] =	vst v63  }
0x20: {  	s20 =	simm.s32 $0x2710;
	s19 =	rddreg [dreg:$0x5]  }
0x21: {  	[tilespmem:s20], [sflag:$0x2] =	stream.linear.gather [hbm4b:s19+s3], $0x2710, $0x38;
	[tilespmem:$0x1CA20] =	vst v63  }
0x22: {  	s21 =	rddreg [dreg:$0x3];
	s22 =	simm.s32 $0x3  }
0x23: {  	[tilespmem:s25], [sflag:$0x3] =	stream.linear.gather [hbm4b:s21+s3], $0x1400, $0x38;
	[tilespmem:$0x1CA20] =	vst v63  }
0x24: {  	_ =	swait.ge [sflag:s22], $0x1400  }
0x25: {  	[sflag:s22] =	ssyncset.done $0x0  }
0x26: {  	[sflag:s22] =	ssyncadd.s32 $0xFFFFEC00  }
0x27: {  	[spmem:s8] =	stream.linear.scatter [tilespmem:s25], [sflag:$0x1], $0x1400, $0x38;
	[tilespmem:$0x1CA20] =	vst v63  }
0x28: {  	_ = 	snop  }
0x29: {  	[spmem:s9] =	stream.linear.scatter [tilespmem:s25], [sflag:$0x1], $0x1400, $0x38;
	[tilespmem:$0x1CA20] =	vst v63  }
0x2a: {  	_ = 	snop  }
0x2b: {  	[spmem:s10] =	stream.linear.scatter [tilespmem:s25], [sflag:$0x1], $0x1400, $0x38;
	[tilespmem:$0x1CA20] =	vst v63  }
0x2c: {  	_ = 	snop  }
0x2d: {  	[spmem:s11] =	stream.linear.scatter [tilespmem:s25], [sflag:$0x1], $0x1400, $0x38;
	[tilespmem:$0x1CA20] =	vst v63  }
0x2e: {  	_ = 	snop  }
0x2f: {  	[spmem:s12] =	stream.linear.scatter [tilespmem:s25], [sflag:$0x1], $0x1400, $0x38;
	[tilespmem:$0x1CA20] =	vst v63  }
0x30: {  	_ = 	snop  }
0x31: {  	[spmem:s13] =	stream.linear.scatter [tilespmem:s25], [sflag:$0x1], $0x1400, $0x38;
	[tilespmem:$0x1CA20] =	vst v63  }
0x32: {  	_ = 	snop  }
0x33: {  	[spmem:s14] =	stream.linear.scatter [tilespmem:s25], [sflag:$0x1], $0x1400, $0x38;
	[tilespmem:$0x1CA20] =	vst v63  }
0x34: {  	_ = 	snop  }
0x35: {  	[spmem:s15] =	stream.linear.scatter [tilespmem:s25], [sflag:$0x1], $0x1400, $0x38;
	[tilespmem:$0x1CA20] =	vst v63  }
0x36: {  	_ =	swait.ge [sflag:s28], $0x2710  }
0x37: {  	[sflag:s28] =	ssyncset.done $0x0  }
0x38: {  	[sflag:s28] =	ssyncadd.s32 $0xFFFFD8F0  }
0x39: {  	_ =	swait.ge [sflag:s28], $0x2710  }
0x3a: {  	[sflag:s28] =	ssyncset.done $0x0  }
0x3b: {  	[sflag:s28] =	ssyncadd.s32 $0xFFFFD8F0  }
0x3c: {  	_ =	swait.ge [sflag:s29], $0x1400  }
0x3d: {  	[sflag:s29] =	ssyncset.done $0x0  }
0x3e: {  	[sflag:s29] =	ssyncadd.s32 $0xFFFFEC00  }
0x3f: {  	_ =	swait.ge [sflag:s29], $0x1400  }
0x40: {  	[sflag:s29] =	ssyncset.done $0x0  }
0x41: {  	[sflag:s29] =	ssyncadd.s32 $0xFFFFEC00  }
0x42: {  	_ =	swait.ge [sflag:s29], $0x1400  }
0x43: {  	[sflag:s29] =	ssyncset.done $0x0  }
0x44: {  	[sflag:s29] =	ssyncadd.s32 $0xFFFFEC00  }
0x45: {  	_ =	swait.ge [sflag:s29], $0x1400  }
0x46: {  	[sflag:s29] =	ssyncset.done $0x0  }
0x47: {  	[sflag:s29] =	ssyncadd.s32 $0xFFFFEC00  }
0x48: {  	_ =	swait.ge [sflag:s29], $0x1400  }
0x49: {  	[sflag:s29] =	ssyncset.done $0x0  }
0x4a: {  	[sflag:s29] =	ssyncadd.s32 $0xFFFFEC00  }
0x4b: {  	_ =	swait.ge [sflag:s29], $0x1400  }
0x4c: {  	[sflag:s29] =	ssyncset.done $0x0  }
0x4d: {  	[sflag:s29] =	ssyncadd.s32 $0xFFFFEC00  }
0x4e: {  	_ =	swait.ge [sflag:s29], $0x1400  }
0x4f: {  	[sflag:s29] =	ssyncset.done $0x0  }
0x50: {  	p0 =	por $0x0, $0x0;
	[sflag:s29] =	ssyncadd.s32 $0xFFFFEC00  }
0x51: {  	s17 =	simm.s32 @!p0 $0x6;
	_ =	swait.ge [sflag:s29], $0x1400  }
0x52: {  	s17 =	smul.u32 @!p0 $0xCD, s17;
	[sflag:s29] =	ssyncset.done $0x0  }
0x53: {  	s23 =	simm.s32 $0xA0;
	[sflag:s29] =	ssyncadd.s32 $0xFFFFEC00  }
0x54: {  	p1 =	por $0x0, $0x0;
	s17 =	sshrl.u32 @!p0 s17, $0xB;
	[bflag:$0x0] =	sbarrier.arrive $0xFFFF  }
0x55: {  	[tilespmem:s1], [sflag:$0x1] =	stream.indirect.gather [hbm4b:s4+s30], $0x40, s3, s30, $0xb8;
	[tilespmem:$0x1CA20] =	vst v63  }
0x56: {  	s24 =	simm.s32 $0xF0;
	s31 =	smul.u32 $0xCD, s3;
	s17 =	sand.u32 @!p0 $0x1F, s17  }
0x57: {  	[tilespmem:s7], [sflag:$0x1] =	stream.indirect.gather [hbm4b:s4+s30], $0x40, s30, s30, $0xb8;
	[tilespmem:$0x1CA20] =	vst v63  }
0x58: {  	s26 =	simm.s32 $0x140;
	p2 =	por $0x1, $0x1;
	s17 =	smul.u32 @!p0 $0xA, s17  }
0x59: {  	[tilespmem:s16], [sflag:$0x1] =	stream.indirect.gather [hbm4b:s4+s30], $0x40, s23, s30, $0xb8;
	[tilespmem:$0x1CA20] =	vst v63  }
0x5a: {  	s19 =	simm.s32 $0x1;
	s7 =	simm.s32 @!p1 $0x5;
	s16 =	sshrl.u32 s31, $0xB  }
0x5b: {  	s17 =	ssub.s32 @!p0 $0x6, s17;
	s7 =	smul.u32 @!p1 $0xCD, s7;
	s16 =	sand.u32 $0x1F, s16  }
0x5c: {  	[tilespmem:s5], [sflag:$0x1] =	stream.indirect.gather [hbm4b:s4+s30], $0x40, s24, s30, $0xb8;
	[tilespmem:$0x1CA20] =	vst v63  }
0x5d: {  	s17 =	sand.u32 @!p0 $0xFF, s17;
	s7 =	sshrl.u32 @!p1 s7, $0xB;
	s16 =	smul.u32 $0xA, s16  }
0x5e: {  	s21 =	simm.s32 @!p2 $0x2;
	s7 =	sand.u32 @!p1 $0x1F, s7;
	s24 =	smul.u32 @!p0 $0x5000, s17  }
0x5f: {  	s22 =	simm.s32 $0x2;
	s23 =	simm.s32 $0x190;
	s7 =	smul.u32 @!p1 $0xA, s7  }
0x60: {  	[tilespmem:s6], [sflag:$0x1] =	stream.indirect.gather [hbm4b:s4+s30], $0x40, s26, s30, $0xb8;
	[tilespmem:$0x1CA20] =	vst v63  }
0x61: {  	s17 =	smul.u32 $0xCD, s19;
	s16 =	ssub.s32 $0x0, s16;
	s24 =	sshrl.u32 @!p0 s24, $0x2  }
0x62: {  	s7 =	ssub.s32 @!p1 $0x5, s7;
	_ =	swait.ge @!p2 [sflag:s21], $0x1400;
	s16 =	sand.u32 $0xFF, s16  }
0x63: {  	s7 =	sand.u32 @!p1 $0xFF, s7;
	[sflag:s21] =	ssyncset.done @!p2 $0x0;
	s16 =	smul.u32 $0x5000, s16  }
0x64: {  	s7 =	smul.u32 @!p1 $0x5000, s7;
	[sflag:s21] =	ssyncadd.s32 @!p2 $0xFFFFEC00;
	s21 =	simm.s32 $0x2760  }
0x65: {  	p2 =	por $0x1, $0x1;
	_ =	swait.ge [sflag:s29], $0x1400;
	s16 =	sshrl.u32 s16, $0x2  }
0x66: {  	s7 =	sshrl.u32 @!p1 s7, $0x2;
	p1 =	por p1, p1;
	[sflag:s29] =	ssyncset.done $0x0  }
0x67: {  	s16 =	sadd.s32 $0x4E20, s16;
	p1 =	por p1, p1;
	[sflag:s29] =	ssyncadd.s32 $0xFFFFEC00  }
0x68: {  	[spmem:s2] =	stream.indirect.scatter.add.f32 [tilespmem:s16], [sflag:$0x2], $0x40, s20, s30, $0xb8;
	[tilespmem:$0x1CA20] =	vst v63  }
0x69: {  	s20 =	simm.s32 $0x1E0;
	s7 =	sadd.s32 @!p1 $0x4E20, s7;
	s16 =	simm.s32 @!p1 $0x50  }
.LBB2_2:
0x6a: {  	s26 =	simm.s32 @!p2 $0x2  }
0x6b: {  	s31 =	smov.u32 s19;
	s19 =	smov.u32 s22;
	s1 =	smov.u32 s21  }
0x6c: {  	p4 =	por p0, p0;
	p0 =	sgt.u32 s22, $0x77;
	s22 =	sadd.s32 $0x1, s22  }
0x6d: {  	[tilespmem:s7], [sflag:$0x1] =	stream.indirect.gather @!p1 [hbm4b:s4+s16], $0x40, s23, s16, $0xb8;
	[tilespmem:$0x1CA20] =	vst v63  }
0x6e: {  	s0 =	sadd.s32 @!p0 $0x5, s19;
	s7 =	sshrl.u32 s17, $0xB;
	_ =	swait.ge @!p2 [sflag:s26], $0x1400  }
0x6f: {  	s16 =	smul.u32 @!p0 $0xCD, s0;
	s7 =	sand.u32 $0x1F, s7;
	[sflag:s26] =	ssyncset.done @!p2 $0x0  }
0x70: {  	p3 =	sne.s32 s22, $0x7D;
	s7 =	smul.u32 $0xA, s7;
	[sflag:s26] =	ssyncadd.s32 @!p2 $0xFFFFEC00  }
0x71: {  	s23 =	smov.u32 s20;
	p1 =	por p4, p4;
	s16 =	sshrl.u32 @!p0 s16, $0xB  }
0x72: {  	s21 =	sadd.s32 $0x50, s21;
	s16 =	sand.u32 @!p0 $0x1F, s16;
	s7 =	ssub.s32 s31, s7  }
0x73: {  	s20 =	sadd.s32 $0x50, s20;
	s17 =	smul.u32 @!p0 $0xA, s16;
	s7 =	sand.u32 $0xFF, s7  }
0x74: {  	s16 =	simm.s32 @!p1 $0x50;
	s26 =	smul.u32 $0x5000, s7;
	s7 =	sadd.s32 @!p1 $0x4E20, s24  }
.Ltmp0:
0x75: {  	s0 =	ssub.s32 @!p0 s0, s17;
	_ =	swait.ge [sflag:s29], $0x1400;
	(pc) =	sbr.rel @p3 .LBB2_2-.Ltmp0, $4  }
0x76: {  	s0 =	sand.u32 @!p0 $0xFF, s0;
	s17 =	sshrl.u32 s26, $0x2;
	[sflag:s29] =	ssyncset.done $0x0  }
0x77: {  	s0 =	smul.u32 @!p0 $0x5000, s0;
	s17 =	sadd.s32 $0x4E20, s17;
	[sflag:s29] =	ssyncadd.s32 $0xFFFFEC00  }
0x78: {  	[spmem:s2] =	stream.indirect.scatter.add.f32 [tilespmem:s17], [sflag:$0x2], $0x40, s1, s30, $0xb8;
	[tilespmem:$0x1CA20] =	vst v63  }
0x79: {  	p2 =	slt.u32 s19, $0x5;
	s17 =	smul.u32 $0xCD, s19;
	s24 =	sshrl.u32 @!p0 s0, $0x2  }
0x7a: {  	[tilespmem:s7], [sflag:$0x1] =	stream.indirect.gather @!p1 [hbm4b:s4+s16], $0x40, s23, s16, $0xb8;
	[tilespmem:$0x1CA20] =	vst v63  }
0x7b: {  	s0 =	sshrl.u32 s17, $0xB  }
0x7c: {  	s0 =	sand.u32 $0x1F, s0  }
0x7d: {  	s0 =	smul.u32 $0xA, s0  }
0x7e: {  	s1 =	simm.s32 @!p2 $0x2  }
0x7f: {  	_ =	swait.ge @!p2 [sflag:s1], $0x1400;
	s0 =	ssub.s32 s19, s0  }
0x80: {  	[sflag:s1] =	ssyncset.done @!p2 $0x0;
	s0 =	sand.u32 $0xFF, s0  }
0x81: {  	[sflag:s1] =	ssyncadd.s32 @!p2 $0xFFFFEC00;
	s0 =	smul.u32 $0x5000, s0  }
0x82: {  	_ =	swait.ge [sflag:s29], $0x1400  }
0x83: {  	p0 =	por p0, p0;
	[sflag:s29] =	ssyncset.done $0x0;
	s0 =	sshrl.u32 s0, $0x2  }
0x84: {  	p0 =	por p0, p0;
	[sflag:s29] =	ssyncadd.s32 $0xFFFFEC00;
	s0 =	sadd.s32 $0x4E20, s0  }
0x85: {  	[spmem:s2] =	stream.indirect.scatter.add.f32 [tilespmem:s0], [sflag:$0x2], $0x40, s21, s30, $0xb8;
	[tilespmem:$0x1CA20] =	vst v63  }
0x86: {  	s1 =	simm.s32 @!p0 $0x50;
	s0 =	sadd.s32 @!p0 $0x4E20, s24  }
0x87: {  	[tilespmem:s0], [sflag:$0x1] =	stream.indirect.gather @!p0 [hbm4b:s4+s1], $0x40, s20, s1, $0xb8;
	[tilespmem:$0x1CA20] =	vst v63  }
0x88: {  	_ =	swait.ge [sflag:s28], $0x1400  }
0x89: {  	[sflag:s28] =	ssyncset.done $0x0  }
0x8a: {  	[sflag:s28] =	ssyncadd.s32 $0xFFFFEC00  }
0x8b: {  	_ =	swait.ge [sflag:s28], $0x1400  }
0x8c: {  	[sflag:s28] =	ssyncset.done $0x0  }
0x8d: {  	[sflag:s28] =	ssyncadd.s32 $0xFFFFEC00  }
0x8e: {  	_ =	swait.ge [sflag:s28], $0x1400  }
0x8f: {  	[sflag:s28] =	ssyncset.done $0x0  }
0x90: {  	[sflag:s28] =	ssyncadd.s32 $0xFFFFEC00  }
0x91: {  	_ =	swait.ge [sflag:s28], $0x1400  }
0x92: {  	[sflag:s28] =	ssyncset.done $0x0  }
0x93: {  	[sflag:s28] =	ssyncadd.s32 $0xFFFFEC00  }
0x94: {  	_ =	swait.ge [sflag:s28], $0x1400  }
0x95: {  	[sflag:s28] =	ssyncset.done $0x0  }
0x96: {  	[sflag:s28] =	ssyncadd.s32 $0xFFFFEC00  }
0x97: {  	s1 =	simm.s32 $0x4E20;
	[bflag:$0x0] =	sbarrier.arrive $0xFFFF  }
0x98: {  	[tilespmem:s1], [sflag:$0x1] =	stream.linear.gather [spmem:s8], $0x1400, $0x38;
	[tilespmem:$0x1CA20] =	vst v63  }
0x99: {  	s7 =	simm.s32 $0x6220  }
0x9a: {  	[tilespmem:s7], [sflag:$0x1] =	stream.linear.gather [spmem:s9], $0x1400, $0x38;
	[tilespmem:$0x1CA20] =	vst v63  }
0x9b: {  	s16 =	simm.s32 $0x7620  }
0x9c: {  	[tilespmem:s16], [sflag:$0x1] =	stream.linear.gather [spmem:s10], $0x1400, $0x38;
	[tilespmem:$0x1CA20] =	vst v63  }
0x9d: {  	_ = 	snop  }
0x9e: {  	[tilespmem:s5], [sflag:$0x1] =	stream.linear.gather [spmem:s11], $0x1400, $0x38;
	[tilespmem:$0x1CA20] =	vst v63  }
0x9f: {  	_ = 	snop  }
0xa0: {  	[tilespmem:s6], [sflag:$0x1] =	stream.linear.gather [spmem:s12], $0x1400, $0x38;
	[tilespmem:$0x1CA20] =	vst v63  }
0xa1: {  	s17 =	simm.s32 $0xB220  }
0xa2: {  	[tilespmem:s17], [sflag:$0x1] =	stream.linear.gather [spmem:s13], $0x1400, $0x38;
	[tilespmem:$0x1CA20] =	vst v63  }
0xa3: {  	s19 =	simm.s32 $0xC620  }
0xa4: {  	[tilespmem:s19], [sflag:$0x1] =	stream.linear.gather [spmem:s14], $0x1400, $0x38;
	[tilespmem:$0x1CA20] =	vst v63  }
0xa5: {  	s20 =	simm.s32 $0xDA20  }
0xa6: {  	[tilespmem:s20], [sflag:$0x1] =	stream.linear.gather [spmem:s15], $0x1400, $0x38;
	[tilespmem:$0x1CA20] =	vst v63  }
0xa7: {  	_ =	swait.ge [sflag:s29], $0x1400  }
0xa8: {  	[sflag:s29] =	ssyncset.done $0x0  }
0xa9: {  	s24 =	rddreg [dreg:$0x6];
	[sflag:s29] =	ssyncadd.s32 $0xFFFFEC00  }
0xaa: {  	[hbm4b:s24+s3] =	stream.linear.scatter [tilespmem:s1], [sflag:$0x2], $0x1400, $0x38;
	[tilespmem:$0x1CA20] =	vst v63  }
0xab: {  	_ =	swait.ge [sflag:s29], $0x1400  }
0xac: {  	[sflag:s29] =	ssyncset.done $0x0  }
0xad: {  	s26 =	rddreg [dreg:$0x7];
	[sflag:s29] =	ssyncadd.s32 $0xFFFFEC00  }
0xae: {  	[hbm4b:s26+s3] =	stream.linear.scatter [tilespmem:s7], [sflag:$0x2], $0x1400, $0x38;
	[tilespmem:$0x1CA20] =	vst v63  }
0xaf: {  	_ =	swait.ge [sflag:s29], $0x1400  }
0xb0: {  	[sflag:s29] =	ssyncset.done $0x0  }
0xb1: {  	s31 =	rddreg [dreg:$0x8];
	[sflag:s29] =	ssyncadd.s32 $0xFFFFEC00  }
0xb2: {  	[hbm4b:s31+s3] =	stream.linear.scatter [tilespmem:s16], [sflag:$0x2], $0x1400, $0x38;
	[tilespmem:$0x1CA20] =	vst v63  }
0xb3: {  	_ =	swait.ge [sflag:s29], $0x1400  }
0xb4: {  	[sflag:s29] =	ssyncset.done $0x0  }
0xb5: {  	s21 =	rddreg [dreg:$0x9];
	[sflag:s29] =	ssyncadd.s32 $0xFFFFEC00  }
0xb6: {  	[hbm4b:s21+s3] =	stream.linear.scatter [tilespmem:s5], [sflag:$0x2], $0x1400, $0x38;
	[tilespmem:$0x1CA20] =	vst v63  }
0xb7: {  	_ =	swait.ge [sflag:s29], $0x1400  }
0xb8: {  	[sflag:s29] =	ssyncset.done $0x0  }
0xb9: {  	s22 =	rddreg [dreg:$0xa];
	[sflag:s29] =	ssyncadd.s32 $0xFFFFEC00  }
0xba: {  	[hbm4b:s22+s3] =	stream.linear.scatter [tilespmem:s6], [sflag:$0x2], $0x1400, $0x38;
	[tilespmem:$0x1CA20] =	vst v63  }
0xbb: {  	_ =	swait.ge [sflag:s29], $0x1400  }
0xbc: {  	[sflag:s29] =	ssyncset.done $0x0  }
0xbd: {  	s23 =	rddreg [dreg:$0xb];
	[sflag:s29] =	ssyncadd.s32 $0xFFFFEC00  }
0xbe: {  	[hbm4b:s23+s3] =	stream.linear.scatter [tilespmem:s17], [sflag:$0x2], $0x1400, $0x38;
	[tilespmem:$0x1CA20] =	vst v63  }
0xbf: {  	_ =	swait.ge [sflag:s29], $0x1400  }
0xc0: {  	[sflag:s29] =	ssyncset.done $0x0  }
0xc1: {  	s24 =	rddreg [dreg:$0xc];
	[sflag:s29] =	ssyncadd.s32 $0xFFFFEC00  }
0xc2: {  	[hbm4b:s24+s3] =	stream.linear.scatter [tilespmem:s19], [sflag:$0x2], $0x1400, $0x38;
	[tilespmem:$0x1CA20] =	vst v63  }
0xc3: {  	_ =	swait.ge [sflag:s29], $0x1400  }
0xc4: {  	[sflag:s29] =	ssyncset.done $0x0  }
0xc5: {  	s26 =	rddreg [dreg:$0xd];
	[sflag:s29] =	ssyncadd.s32 $0xFFFFEC00  }
0xc6: {  	[hbm4b:s26+s3] =	stream.linear.scatter [tilespmem:s20], [sflag:$0x2], $0x1400, $0x38;
	[tilespmem:$0x1CA20] =	vst v63  }
0xc7: {  	_ =	swait.ge [sflag:s28], $0x1400  }
0xc8: {  	[sflag:s28] =	ssyncset.done $0x0  }
0xc9: {  	[sflag:s28] =	ssyncadd.s32 $0xFFFFEC00  }
0xca: {  	_ =	swait.ge [sflag:s28], $0x1400  }
0xcb: {  	[sflag:s28] =	ssyncset.done $0x0  }
0xcc: {  	[sflag:s28] =	ssyncadd.s32 $0xFFFFEC00  }
0xcd: {  	_ =	swait.ge [sflag:s28], $0x1400  }
0xce: {  	[sflag:s28] =	ssyncset.done $0x0  }
0xcf: {  	[sflag:s28] =	ssyncadd.s32 $0xFFFFEC00  }
0xd0: {  	_ =	swait.ge [sflag:s28], $0x1400  }
0xd1: {  	[sflag:s28] =	ssyncset.done $0x0  }
0xd2: {  	[sflag:s28] =	ssyncadd.s32 $0xFFFFEC00  }
0xd3: {  	_ =	swait.ge [sflag:s28], $0x1400  }
0xd4: {  	[sflag:s28] =	ssyncset.done $0x0  }
0xd5: {  	[sflag:s28] =	ssyncadd.s32 $0xFFFFEC00  }
0xd6: {  	_ =	swait.ge [sflag:s28], $0x1400  }
0xd7: {  	[sflag:s28] =	ssyncset.done $0x0  }
0xd8: {  	[sflag:s28] =	ssyncadd.s32 $0xFFFFEC00  }
0xd9: {  	_ =	swait.ge [sflag:s28], $0x1400  }
0xda: {  	[sflag:s28] =	ssyncset.done $0x0  }
0xdb: {  	[sflag:s28] =	ssyncadd.s32 $0xFFFFEC00  }
0xdc: {  	_ =	swait.ge [sflag:s28], $0x1400  }
0xdd: {  	s18 =	sadd.s32 $0x1, s18;
	s31 =	rddreg [dreg:$0xe]  }
0xde: {  	p0 =	sne.s32 s18, s31  }
.Ltmp1:
0xdf: {  	_ = 	snop;
	(pc) =	sbr.rel @p0 .LBB2_1-.Ltmp1, $3  }
0xe0: {  	_ =	sdelay $0x1  }
0xe1: {  	[sflag:s28] =	ssyncset.done $0x0  }
0xe2: {  	[sflag:s28] =	ssyncadd.s32 $0xFFFFEC00  }
0xe3: {  	_ =	sfence.sel $0x180000  }
0xe4: {  	[bflag:$0x0] =	sbarrier.arrive $0xFFFF  }
0xe5: {  	_ =	strace $0x90000047  }
0xe6: {  	s0 =	stileid.u32;
	[bflag:$0x2] =	sbarrier.arrive $0xFFFF  }
0xe7: {  	p0 =	sne.s32 s0, $0x0;
	s0 =	rddreg [dreg:$0x2]  }
0xe8: {  	s0 =	sadd.s32 @!p0 $0x100000, s0  }
0xe9: {  	[sflag:s0] =	ssyncadd.tile.s32 @!p0 $0x1;
	_ =	shalt  }
.Lfunc_end2:
_tile_overlayer_lowered:
.L_overlay_start_2:
0xea: {  	(tag) =	ssettag $0x2  }
0xeb: {  	s0 =	rddreg [dreg:$0x0];
	s2 =	stileid.u32  }
0xec: {  	s1 =	rddreg [dreg:$0x1];
	p0 =	sne.s32 s2, $0x0  }
0xed: {  	s3 =	rddreg [dreg:$0x2];
	[bflag:$0x3] =	sbarrier.arrive $0xFFFF;
	s2 =	simm.s32 @!p0 $0x1C03  }
0xee: {  	[timem:s3], [sflag:s2] =	dma.local @!p0 [hbm:s0], s1  }
0xef: {  	s0 =	simm.s32 @!p0 $0x3  }
0xf0: {  	_ =	swait.ge @!p0 [sflag:s0], s1  }
0xf1: {  	s1 =	ssub.s32 @!p0 $0x0, s1;
	[sflag:s0] =	ssyncset.done @!p0 $0x0  }
0xf2: {  	[sflag:s0] =	ssyncadd.s32 @!p0 s1  }
0xf3: {  	[bflag:$0x3] =	sbarrier.arrive $0xFFFF  }
0xf4: {  	_ =	shalt  }

</sc_bundles>
